<compile_context>
chip_gen: v7x
topology: tpu7x:2x2x1
jax: 0.10.2.dev20260603
libtpu: 0.0.44.dev20260713+nightly
codegen_flags: <defaults>
</compile_context>

<pallas_src>
import functools

import jax
import jax.numpy as jnp
from jax import lax
from jax.experimental import pallas as pl
from jax.experimental.pallas import tpu as pltpu
from jax.experimental.pallas import tpu_sc as plsc

N = 10000
E = 320000
NPAD = 10240
NSUB = 16
BM = 1000
RZ = NPAD // NSUB
BE = 80
F32 = jnp.float32


def _sc_mesh():
    return plsc.VectorSubcoreMesh(core_axis_name="c", subcore_axis_name="s")


def _pipelined_blocks(nb, base, g_hbm, s_hbm, table, gvA, svA, rowsA, semA,
                      gvB, svB, rowsB, semB, acc):
    def _idx(b, gv, sv):
        off = pl.multiple_of(base + b * BE, 8)
        pltpu.sync_copy(g_hbm.at[pl.ds(off, BE)], gv)
        pltpu.sync_copy(s_hbm.at[pl.ds(off, BE)], sv)

    _idx(0, gvA, svA)
    pltpu.async_copy(table.at[gvA], rowsA, semA)

    def pair(kk2, carry):
        b0 = kk2 * 2
        b1 = b0 + 1

        @pl.when(b1 < nb)
        def _():
            _idx(b1, gvB, svB)
            pltpu.async_copy(table.at[gvB], rowsB, semB)

        pltpu.make_async_copy(table.at[gvA], rowsA, semA).wait()
        pltpu.sync_copy(rowsA, acc.at[svA], add=True)

        @pl.when(b0 + 2 < nb)
        def _():
            _idx(b0 + 2, gvA, svA)
            pltpu.async_copy(table.at[gvA], rowsA, semA)

        @pl.when(b1 < nb)
        def _():
            pltpu.make_async_copy(table.at[gvB], rowsB, semB).wait()
            pltpu.sync_copy(rowsB, acc.at[svB], add=True)

        return carry

    lax.fori_loop(0, (nb + 1) // 2, pair, 0)


def _sc_prop_edge(gidx, sidx, table, zeros):

    @functools.partial(
        pl.kernel, mesh=_sc_mesh(),
        out_type=jax.ShapeDtypeStruct((2, NPAD, 128), F32),
        scratch_types=[pltpu.VMEM((BE,), jnp.int32),
                       pltpu.VMEM((BE,), jnp.int32),
                       pltpu.VMEM((BE, 128), F32),
                       pltpu.VMEM((BE,), jnp.int32),
                       pltpu.VMEM((BE,), jnp.int32),
                       pltpu.VMEM((BE, 128), F32),
                       pltpu.VMEM_SHARED((NPAD, 128), F32),
                       pltpu.SemaphoreType.DMA,
                       pltpu.SemaphoreType.DMA],
    )
    def k(g_hbm, s_hbm, table_hbm, zeros_hbm, out_hbm,
          gvA, svA, rowsA, gvB, svB, rowsB, acc, semA, semB):
        core = lax.axis_index("c")
        sub = lax.axis_index("s")
        wid = sub * 2 + core
        pltpu.sync_copy(zeros_hbm, acc.at[pl.ds(sub * RZ, RZ)])
        plsc.subcore_barrier()
        eper = E // 32
        _pipelined_blocks(eper // BE, wid * eper, g_hbm, s_hbm, table_hbm,
                          gvA, svA, rowsA, semA, gvB, svB, rowsB, semB, acc)
        plsc.subcore_barrier()
        pltpu.sync_copy(acc.at[pl.ds(sub * RZ, RZ)],
                        out_hbm.at[core].at[pl.ds(sub * RZ, RZ)])

    return k(gidx, sidx, table, zeros)


def _sc_deg_pass(dst, ones_rows, zeros):

    @functools.partial(
        pl.kernel, mesh=_sc_mesh(),
        out_type=jax.ShapeDtypeStruct((2, NPAD, 128), F32),
        scratch_types=[pltpu.VMEM((BE,), jnp.int32),
                       pltpu.VMEM((BE,), jnp.int32),
                       pltpu.VMEM((BE, 128), F32),
                       pltpu.VMEM_SHARED((NPAD, 128), F32)],
    )
    def k(s_hbm, ones_hbm, zeros_hbm, out_hbm, svA, svB, ones_v, acc):
        core = lax.axis_index("c")
        sub = lax.axis_index("s")
        wid = sub * 2 + core
        pltpu.sync_copy(zeros_hbm, acc.at[pl.ds(sub * RZ, RZ)])
        pltpu.sync_copy(ones_hbm, ones_v)
        plsc.subcore_barrier()
        eper = E // 32
        base = wid * eper
        nb = eper // BE

        def pair(kk2, carry):
            b0 = kk2 * 2
            b1 = b0 + 1
            off0 = pl.multiple_of(base + b0 * BE, 8)
            pltpu.sync_copy(s_hbm.at[pl.ds(off0, BE)], svA)

            @pl.when(b1 < nb)
            def _():
                off1 = pl.multiple_of(base + b1 * BE, 8)
                pltpu.sync_copy(s_hbm.at[pl.ds(off1, BE)], svB)

            pltpu.sync_copy(ones_v, acc.at[svA], add=True)

            @pl.when(b1 < nb)
            def _():
                pltpu.sync_copy(ones_v, acc.at[svB], add=True)

            return carry

        lax.fori_loop(0, (nb + 1) // 2, pair, 0)
        plsc.subcore_barrier()
        pltpu.sync_copy(acc.at[pl.ds(sub * RZ, RZ)],
                        out_hbm.at[core].at[pl.ds(sub * RZ, RZ)])

    return k(dst, ones_rows, zeros)


def _sc_prop_chunk(src, dst, table, zeros):
    C = table.shape[0]
    C2 = C // 2

    @functools.partial(
        pl.kernel, mesh=_sc_mesh(),
        out_type=jax.ShapeDtypeStruct((C, NPAD, 128), F32),
        scratch_types=[pltpu.VMEM((BE,), jnp.int32),
                       pltpu.VMEM((BE,), jnp.int32),
                       pltpu.VMEM((BE, 128), F32),
                       pltpu.VMEM((BE,), jnp.int32),
                       pltpu.VMEM((BE,), jnp.int32),
                       pltpu.VMEM((BE, 128), F32),
                       pltpu.VMEM_SHARED((NPAD, 128), F32),
                       pltpu.SemaphoreType.DMA,
                       pltpu.SemaphoreType.DMA],
    )
    def k(src_hbm, dst_hbm, table_hbm, zeros_hbm, out_hbm,
          gvA, svA, rowsA, gvB, svB, rowsB, acc, semA, semB):
        core = lax.axis_index("c")
        sub = lax.axis_index("s")
        eper = E // NSUB
        base = sub * eper
        pltpu.sync_copy(zeros_hbm, acc.at[pl.ds(sub * RZ, RZ)])
        plsc.subcore_barrier()
        for ci in range(C2):
            c = core * C2 + ci
            _pipelined_blocks(eper // BE, base, src_hbm, dst_hbm,
                              table_hbm.at[c], gvA, svA, rowsA, semA,
                              gvB, svB, rowsB, semB, acc)
            plsc.subcore_barrier()
            pltpu.sync_copy(acc.at[pl.ds(sub * RZ, RZ)],
                            out_hbm.at[c].at[pl.ds(sub * RZ, RZ)])
            if ci + 1 < C2:
                pltpu.sync_copy(zeros_hbm, acc.at[pl.ds(sub * RZ, RZ)])
            plsc.subcore_barrier()

    return k(src, dst, table, zeros)


def _tc_pre(degt, x):
    def body(deg_ref, x_ref, dinv_ref, dinvb_ref, xp_ref):
        d = deg_ref[0][:, 0:1] + deg_ref[1][:, 0:1] + 1.0
        dinv = lax.rsqrt(d)
        dinv_ref[...] = dinv
        dinvb_ref[...] = jnp.broadcast_to(dinv, dinvb_ref.shape)
        xp_ref[...] = x_ref[...] * dinv

    return pl.pallas_call(
        body,
        grid=(N // BM,),
        in_specs=[pl.BlockSpec((2, BM, 128), lambda i: (0, i, 0)),
                  pl.BlockSpec((BM, 128), lambda i: (i, 0))],
        out_specs=[pl.BlockSpec((BM, 1), lambda i: (i, 0)),
                   pl.BlockSpec((BM, 128), lambda i: (i, 0)),
                   pl.BlockSpec((BM, 128), lambda i: (i, 0))],
        out_shape=[jax.ShapeDtypeStruct((N, 1), F32),
                   jax.ShapeDtypeStruct((N, 128), F32),
                   jax.ShapeDtypeStruct((N, 128), F32)],
    )(degt, x)


def _tc_mm1(t1, xp, dinv, W1, b1r):
    BN = 512

    def body(t_ref, xp_ref, dinv_ref, w_ref, b_ref, o_ref):
        a = dinv_ref[...] * (t_ref[0] + t_ref[1] + xp_ref[...])
        h = jnp.dot(a, w_ref[...], preferred_element_type=F32)
        o_ref[...] = jnp.maximum(h + b_ref[...], 0.0)

    return pl.pallas_call(
        body,
        grid=(N // BM, 4096 // BN),
        in_specs=[pl.BlockSpec((2, BM, 128), lambda i, j: (0, i, 0)),
                  pl.BlockSpec((BM, 128), lambda i, j: (i, 0)),
                  pl.BlockSpec((BM, 1), lambda i, j: (i, 0)),
                  pl.BlockSpec((128, BN), lambda i, j: (0, j)),
                  pl.BlockSpec((1, BN), lambda i, j: (0, j))],
        out_specs=pl.BlockSpec((BM, BN), lambda i, j: (i, j)),
        out_shape=jax.ShapeDtypeStruct((N, 4096), F32),
    )(t1, xp, dinv, W1, b1r)


def _tc_mm2(h1, W2h, dinv):
    BK, BN = 512, 512
    KG = 4096 // BK

    def body(h_ref, w_ref, dinv_ref, o_ref, acc):
        kk = pl.program_id(2)

        @pl.when(kk == 0)
        def _():
            acc[...] = jnp.zeros_like(acc)

        acc[...] += jnp.dot(h_ref[...], w_ref[...], preferred_element_type=F32)

        @pl.when(kk == KG - 1)
        def _():
            y = dinv_ref[...] * acc[...]
            for cc in range(BN // 128):
                o_ref[cc] = y[:, cc * 128:(cc + 1) * 128]

    return pl.pallas_call(
        body,
        grid=(N // BM, 1, KG),
        in_specs=[pl.BlockSpec((BM, BK), lambda i, j, k: (i, k)),
                  pl.BlockSpec((BK, BN), lambda i, j, k: (k, j)),
                  pl.BlockSpec((BM, 1), lambda i, j, k: (i, 0))],
        out_specs=pl.BlockSpec((BN // 128, BM, 128), lambda i, j, k: (j, i, 0)),
        out_shape=jax.ShapeDtypeStruct((4, N, 128), F32),
        scratch_shapes=[pltpu.VMEM((BM, BN), F32)],
    )(h1, W2h, dinv)


def _tc_mm3(t2a, y2a, t2b, y2b, b2r, dinv, W3):
    KG = 8

    def body(ta_ref, ya_ref, tb_ref, yb_ref, b_ref, dinv_ref, w_ref,
             o_ref, acc):
        kk = pl.program_id(1)

        @pl.when(kk == 0)
        def _():
            acc[...] = jnp.zeros_like(acc)

        sel = kk < 4
        t = jnp.where(sel, ta_ref[0], tb_ref[0])
        y = jnp.where(sel, ya_ref[0], yb_ref[0])
        a = jnp.maximum(dinv_ref[...] * (t + y) + b_ref[0], 0.0)
        acc[...] += jnp.dot(a, w_ref[...], preferred_element_type=F32)

        @pl.when(kk == KG - 1)
        def _():
            y3 = dinv_ref[...] * acc[...]
            o_ref[0] = y3[:, 0:128]
            o_ref[1] = y3[:, 128:256]

    return pl.pallas_call(
        body,
        grid=(N // BM, KG),
        in_specs=[pl.BlockSpec((1, BM, 128),
                               lambda i, k: (jnp.minimum(k, 3), i, 0)),
                  pl.BlockSpec((1, BM, 128),
                               lambda i, k: (jnp.minimum(k, 3), i, 0)),
                  pl.BlockSpec((1, BM, 128),
                               lambda i, k: (jnp.maximum(k - 4, 0), i, 0)),
                  pl.BlockSpec((1, BM, 128),
                               lambda i, k: (jnp.maximum(k - 4, 0), i, 0)),
                  pl.BlockSpec((1, 1, 128), lambda i, k: (k, 0, 0)),
                  pl.BlockSpec((BM, 1), lambda i, k: (i, 0)),
                  pl.BlockSpec((128, 256), lambda i, k: (k, 0))],
        out_specs=pl.BlockSpec((2, BM, 128), lambda i, k: (0, i, 0)),
        out_shape=jax.ShapeDtypeStruct((2, N, 128), F32),
        scratch_shapes=[pltpu.VMEM((BM, 256), F32)],
    )(t2a, y2a, t2b, y2b, b2r, dinv, W3)


def _tc_mm4(t3, y3, b3r, dinv, W4p):
    KG = 2

    def body(t_ref, y_ref, b_ref, dinv_ref, w_ref, o_ref, acc):
        kk = pl.program_id(1)

        @pl.when(kk == 0)
        def _():
            acc[...] = jnp.zeros_like(acc)

        a = jnp.maximum(dinv_ref[...] * (t_ref[0] + y_ref[0]) + b_ref[0], 0.0)
        acc[...] += jnp.dot(a, w_ref[...], preferred_element_type=F32)

        @pl.when(kk == KG - 1)
        def _():
            o_ref[...] = dinv_ref[...] * acc[...]

    return pl.pallas_call(
        body,
        grid=(N // BM, KG),
        in_specs=[pl.BlockSpec((1, BM, 128), lambda i, k: (k, i, 0)),
                  pl.BlockSpec((1, BM, 128), lambda i, k: (k, i, 0)),
                  pl.BlockSpec((1, 1, 128), lambda i, k: (k, 0, 0)),
                  pl.BlockSpec((BM, 1), lambda i, k: (i, 0)),
                  pl.BlockSpec((128, 128), lambda i, k: (k, 0))],
        out_specs=pl.BlockSpec((BM, 128), lambda i, k: (i, 0)),
        out_shape=jax.ShapeDtypeStruct((N, 128), F32),
        scratch_shapes=[pltpu.VMEM((BM, 128), F32)],
    )(t3, y3, b3r, dinv, W4p)


def _tc_final(t4, y4, dinv, gt, b4p, W5p, b5r, Wl, blr):
    MG = N // BM

    def body(t_ref, y_ref, dinv_ref, g_ref, b4_ref, w5_ref, b5_ref,
             wl_ref, bl_ref, o_ref, acc):
        i = pl.program_id(0)

        @pl.when(i == 0)
        def _():
            acc[...] = jnp.zeros_like(acc)

        dv = dinv_ref[...]
        a5 = jnp.maximum(
            dv * (t_ref[0] + t_ref[1] + y_ref[...]) + b4_ref[...], 0.0)
        s = dv * (g_ref[0][:, 0:1] + g_ref[1][:, 0:1] + dv)
        acc[...] += jnp.sum(s * a5, axis=0, keepdims=True)

        @pl.when(i == MG - 1)
        def _():
            pooled = jnp.dot(acc[...] / float(N), w5_ref[...],
                             preferred_element_type=F32) + b5_ref[...]
            o_ref[...] = jnp.dot(pooled, wl_ref[...],
                                 preferred_element_type=F32) + bl_ref[...]

    return pl.pallas_call(
        body,
        grid=(MG,),
        in_specs=[pl.BlockSpec((2, BM, 128), lambda i: (0, i, 0)),
                  pl.BlockSpec((BM, 128), lambda i: (i, 0)),
                  pl.BlockSpec((BM, 1), lambda i: (i, 0)),
                  pl.BlockSpec((2, BM, 128), lambda i: (0, i, 0)),
                  pl.BlockSpec((1, 128), lambda i: (0, 0)),
                  pl.BlockSpec((128, 32), lambda i: (0, 0)),
                  pl.BlockSpec((1, 32), lambda i: (0, 0)),
                  pl.BlockSpec((32, 3), lambda i: (0, 0)),
                  pl.BlockSpec((1, 3), lambda i: (0, 0))],
        out_specs=pl.BlockSpec((1, 3), lambda i: (0, 0)),
        out_shape=jax.ShapeDtypeStruct((1, 3), F32),
        scratch_shapes=[pltpu.VMEM((1, 128), F32)],
    )(t4, y4, dinv, gt, b4p, W5p, b5r, Wl, blr)


def kernel(x, edge_index, W1, b1, W2, b2, W3, b3, W4, b4, W5, b5, Wl, bl):
    src = edge_index[0]
    dst = edge_index[1]
    z128 = jnp.zeros((RZ, 128), F32)
    ones_be = jnp.ones((BE, 128), F32)
    W4p = jnp.concatenate([W4, jnp.zeros((256, 64), F32)], axis=1)
    W5p = jnp.concatenate([W5, jnp.zeros((64, 32), F32)], axis=0)
    b4p = jnp.concatenate([b4, jnp.zeros((64,), F32)]).reshape(1, 128)

    degt = _sc_deg_pass(dst, ones_be, z128)
    dinv, dinvb, xp = _tc_pre(degt, x)
    gp = _sc_prop_edge(dst, src, dinvb, z128)

    t1 = _sc_prop_edge(src, dst, xp, z128)
    h1 = _tc_mm1(t1, xp, dinv, W1, b1.reshape(1, -1))
    y2a = _tc_mm2(h1, W2[:, 0:512], dinv)
    t2a = _sc_prop_chunk(src, dst, y2a, z128)
    y2b = _tc_mm2(h1, W2[:, 512:1024], dinv)
    t2b = _sc_prop_chunk(src, dst, y2b, z128)
    y3 = _tc_mm3(t2a, y2a, t2b, y2b,
                 b2.reshape(8, 1, 128), dinv, W3)
    t3 = _sc_prop_chunk(src, dst, y3, z128)
    y4 = _tc_mm4(t3, y3, b3.reshape(2, 1, 128), dinv, W4p)
    t4 = _sc_prop_edge(src, dst, y4, z128)
    out = _tc_final(t4, y4, dinv, gp, b4p,
                    W5p, b5.reshape(1, -1), Wl, bl.reshape(1, -1))
    return out

# --- scband reference (transcript-rebuilt; emitter-appended) ---
"""Pipeline reference for scband-basic-model-norm-extra-large-12300786336359 (READ-ONLY COPY).

The authoritative reference and input builder live on the scoring server;
editing this copy changes nothing except your own understanding.
"""

import jax, jax.numpy as jnp
import numpy as np

N = 10000
E = 320000
D_IN = 128
NUM_CLASSES = 32


def gcn_conv(x, edge_index, W, b):
    # PyG GCNConv: x' = D^{-1/2} (A + I) D^{-1/2} x W + b
    n = x.shape[0]
    loop = jnp.arange(n, dtype=edge_index.dtype)
    src = jnp.concatenate([edge_index[0], loop])
    dst = jnp.concatenate([edge_index[1], loop])
    deg = jnp.zeros((n,), x.dtype).at[dst].add(1.0)
    dinv = jnp.where(deg > 0, 1.0 / jnp.sqrt(deg), 0.0)
    norm = dinv[src] * dinv[dst]
    h = x @ W
    msg = h[src] * norm[:, None]
    out = jax.ops.segment_sum(msg, dst, num_segments=n)
    return out + b


def setup_inputs(seed: int = 0) -> dict:
    key = jax.random.key(seed)
    ks = jax.random.split(key, 16)
    x = jax.random.normal(ks[0], (N, D_IN), dtype=jnp.float32)
    edge_index = jax.random.randint(ks[1], (2, E), 0, N, dtype=jnp.int32)
    dims = [(D_IN, 4096), (4096, 1024), (1024, 256), (256, 64), (64, NUM_CLASSES)]
    inp = {"x": x, "edge_index": edge_index}
    for i, (din, dout) in enumerate(dims):
        inp[f"W{i+1}"] = jax.random.normal(ks[2 + 2 * i], (din, dout), dtype=jnp.float32) * 0.05
        inp[f"b{i+1}"] = jnp.zeros((dout,), dtype=jnp.float32)
    inp["Wl"] = jax.random.normal(ks[12], (NUM_CLASSES, 3), dtype=jnp.float32) * 0.05
    inp["bl"] = jnp.zeros((3,), dtype=jnp.float32)
    return inp


def reference(x, edge_index, W1, b1, W2, b2, W3, b3, W4, b4, W5, b5, Wl, bl):
    # eval mode: F.dropout(training=False) is identity
    h = jax.nn.relu(gcn_conv(x, edge_index, W1, b1))
    h = jax.nn.relu(gcn_conv(h, edge_index, W2, b2))
    h = jax.nn.relu(gcn_conv(h, edge_index, W3, b3))
    h = jax.nn.relu(gcn_conv(h, edge_index, W4, b4))
    h = gcn_conv(h, edge_index, W5, b5)
    # scatter_mean(x, tensor([0]), dim=0): index broadcasts -> global mean over nodes
    pooled = jnp.mean(h, axis=0, keepdims=True)
    return pooled @ Wl + bl

if __name__ == "__main__":
    import jax
    _d = setup_inputs()
    print(jax.jit(kernel)(*tuple(_d.values())))

</pallas_src>

<mosaic_0001>
#map = affine_map<(d0, d1) -> (0)>
#map1 = affine_map<(d0, d1) -> (0, 0)>
#map2 = affine_map<(d0, d1) -> (0, 0, 0)>
module attributes {stable_mosaic.version = 14 : i64} {
  func.func @k(%arg0: i32, %arg1: i32, %arg2: memref<320000xi32, #tpu.memory_space<hbm>>, %arg3: memref<320000xi32, #tpu.memory_space<hbm>>, %arg4: memref<10000x128xf32, #tpu.memory_space<hbm>>, %arg5: memref<640x128xf32, #tpu.memory_space<hbm>>, %arg6: memref<2x10240x128xf32, #tpu.memory_space<hbm>>, %arg7: memref<80xi32, #tpu.memory_space<vmem>>, %arg8: memref<80xi32, #tpu.memory_space<vmem>>, %arg9: memref<80x128xf32, #tpu.memory_space<vmem>>, %arg10: memref<80xi32, #tpu.memory_space<vmem>>, %arg11: memref<80xi32, #tpu.memory_space<vmem>>, %arg12: memref<80x128xf32, #tpu.memory_space<vmem>>, %arg13: memref<10240x128xf32, #tpu.memory_space<vmem_shared>>, %arg14: memref<!tpu.dma_semaphore, #tpu.memory_space<semaphore_mem>>, %arg15: memref<!tpu.dma_semaphore, #tpu.memory_space<semaphore_mem>>) attributes {dimension_semantics = [#tpu.dimension_semantics<core_parallel>, #tpu.dimension_semantics<subcore_parallel>], iteration_bounds = array<i64: 2, 16>, scalar_prefetch = 0 : i64, scratch_operands = 9 : i64, tpu.core_type = #tpu.core_type<sc_vector_subcore>, window_params = [{transform_indices = #map}, {transform_indices = #map}, {transform_indices = #map1}, {transform_indices = #map1}, {transform_indices = #map2}]} {
    %mul3A = arith.constant 2 : i32
    %mul3A_0 = arith.muli %arg1, %mul3A : i32
    %add3A = arith.addi %mul3A_0, %arg0 : i32
    %mul3A_1 = arith.constant 640 : i32
    %mul3A_2 = arith.muli %arg1, %mul3A_1 : i32
    "tpu.region"() ({
      %run_scoped3A = tpu.sem_alloc : memref<!tpu.dma_semaphore, #tpu.memory_space<semaphore_mem>>
      %dma_start3A_19 = arith.constant 0 : i32
      %dma_start3A_20 = tpu.memref_slice %arg13[%mul3A_2, %dma_start3A_19] : memref<10240x128xf32, #tpu.memory_space<vmem_shared>> -> memref<640x128xf32, #tpu.memory_space<vmem_shared>>
      tpu.enqueue_dma source(%arg5 : memref<640x128xf32, #tpu.memory_space<hbm>>) target(%dma_start3A_20 : memref<640x128xf32, #tpu.memory_space<vmem_shared>>) target_semaphore(%run_scoped3A : memref<!tpu.dma_semaphore, #tpu.memory_space<semaphore_mem>>)
      %dma_wait3A = arith.constant 0 : i32
      %dma_wait3A_21 = tpu.memref_slice %arg13[%mul3A_2, %dma_wait3A] : memref<10240x128xf32, #tpu.memory_space<vmem_shared>> -> memref<640x128xf32, #tpu.memory_space<vmem_shared>>
      tpu.wait_dma2 semaphore(%run_scoped3A : memref<!tpu.dma_semaphore, #tpu.memory_space<semaphore_mem>>) src(%arg5 : memref<640x128xf32, #tpu.memory_space<hbm>>) dst(%dma_wait3A_21 : memref<640x128xf32, #tpu.memory_space<vmem_shared>>)
      tpu.yield
    }) : () -> ()
    %barrier3A = arith.constant 0 : index
    tpu.barrier barrier_id(%barrier3A)
    %mul3A_3 = arith.constant 10000 : i32
    %mul3A_4 = arith.muli %add3A, %mul3A_3 : i32
    %add3A_5 = arith.constant 0 : i32
    %add3A_6 = arith.addi %mul3A_4, %add3A_5 : i32
    %multiple_of3A = tpu.assume_multiple %add3A_6, 8 : i32
    "tpu.region"() ({
      %run_scoped3A = tpu.sem_alloc : memref<!tpu.dma_semaphore, #tpu.memory_space<semaphore_mem>>
      %dma_start3A_19 = tpu.memref_slice %arg2[%multiple_of3A] : memref<320000xi32, #tpu.memory_space<hbm>> -> memref<80xi32, #tpu.memory_space<hbm>>
      %dma_start3A_20 = tpu.memref_slice %arg2[%multiple_of3A] : memref<320000xi32, #tpu.memory_space<hbm>> -> memref<80xi32, #tpu.memory_space<hbm>>
      tpu.enqueue_dma source(%dma_start3A_20 : memref<80xi32, #tpu.memory_space<hbm>>) target(%arg7 : memref<80xi32, #tpu.memory_space<vmem>>) target_semaphore(%run_scoped3A : memref<!tpu.dma_semaphore, #tpu.memory_space<semaphore_mem>>)
      %dma_wait3A = tpu.memref_slice %arg2[%multiple_of3A] : memref<320000xi32, #tpu.memory_space<hbm>> -> memref<80xi32, #tpu.memory_space<hbm>>
      %dma_wait3A_21 = tpu.memref_slice %arg2[%multiple_of3A] : memref<320000xi32, #tpu.memory_space<hbm>> -> memref<80xi32, #tpu.memory_space<hbm>>
      tpu.wait_dma2 semaphore(%run_scoped3A : memref<!tpu.dma_semaphore, #tpu.memory_space<semaphore_mem>>) src(%dma_wait3A_21 : memref<80xi32, #tpu.memory_space<hbm>>) dst(%arg7 : memref<80xi32, #tpu.memory_space<vmem>>)
      tpu.yield
    }) : () -> ()
    "tpu.region"() ({
      %run_scoped3A = tpu.sem_alloc : memref<!tpu.dma_semaphore, #tpu.memory_space<semaphore_mem>>
      %dma_start3A_19 = tpu.memref_slice %arg3[%multiple_of3A] : memref<320000xi32, #tpu.memory_space<hbm>> -> memref<80xi32, #tpu.memory_space<hbm>>
      %dma_start3A_20 = tpu.memref_slice %arg3[%multiple_of3A] : memref<320000xi32, #tpu.memory_space<hbm>> -> memref<80xi32, #tpu.memory_space<hbm>>
      tpu.enqueue_dma source(%dma_start3A_20 : memref<80xi32, #tpu.memory_space<hbm>>) target(%arg8 : memref<80xi32, #tpu.memory_space<vmem>>) target_semaphore(%run_scoped3A : memref<!tpu.dma_semaphore, #tpu.memory_space<semaphore_mem>>)
      %dma_wait3A = tpu.memref_slice %arg3[%multiple_of3A] : memref<320000xi32, #tpu.memory_space<hbm>> -> memref<80xi32, #tpu.memory_space<hbm>>
      %dma_wait3A_21 = tpu.memref_slice %arg3[%multiple_of3A] : memref<320000xi32, #tpu.memory_space<hbm>> -> memref<80xi32, #tpu.memory_space<hbm>>
      tpu.wait_dma2 semaphore(%run_scoped3A : memref<!tpu.dma_semaphore, #tpu.memory_space<semaphore_mem>>) src(%dma_wait3A_21 : memref<80xi32, #tpu.memory_space<hbm>>) dst(%arg8 : memref<80xi32, #tpu.memory_space<vmem>>)
      tpu.yield
    }) : () -> ()
    %dma_start3A = arith.constant 0 : i32
    %dma_start3A_7 = arith.constant 0 : i32
    %dma_start3A_8 = tpu.memref_slice %arg4[%dma_start3A, %dma_start3A_7] : memref<10000x128xf32, #tpu.memory_space<hbm>> -> memref<10000x128xf32, #tpu.memory_space<hbm>>
    tpu.enqueue_indirect_dma source(%dma_start3A_8 : memref<10000x128xf32, #tpu.memory_space<hbm>>) target(%arg9 : memref<80x128xf32, #tpu.memory_space<vmem>>) offsets(%arg7 : memref<80xi32, #tpu.memory_space<vmem>>) semaphore(%arg14 : memref<!tpu.dma_semaphore, #tpu.memory_space<semaphore_mem>>)
    %scan3A = arith.constant 0 : i32
    %scan3A_9 = arith.constant 0 : i32
    %scan3A_10 = arith.constant 63 : i32
    %scan3A_11 = arith.addi %scan3A_9, %scan3A_10 : i32
    %scan3A_12 = arith.constant 1 : i32
    scf.for %scan3A_19 = %scan3A_9 to %scan3A_11 step %scan3A_12  : i32 {
      %mul3A_20 = arith.constant 2 : i32
      %mul3A_21 = arith.muli %scan3A_19, %mul3A_20 : i32
      %add3A_22 = arith.constant 1 : i32
      %add3A_23 = arith.addi %mul3A_21, %add3A_22 : i32
      %lt3A = arith.constant 125 : i32
      %lt3A_24 = arith.cmpi slt, %add3A_23, %lt3A : i32
      %convert_element_type3A = arith.extui %lt3A_24 : i1 to i32
      %cond3A = arith.constant 0 : i32
      %cond3A_25 = arith.cmpi ne, %convert_element_type3A, %cond3A : i32
      scf.if %cond3A_25 {
        %mul3A_40 = arith.constant 80 : i32
        %mul3A_41 = arith.muli %add3A_23, %mul3A_40 : i32
        %add3A_42 = arith.addi %mul3A_4, %mul3A_41 : i32
        %multiple_of3A_43 = tpu.assume_multiple %add3A_42, 8 : i32
        "tpu.region"() ({
          %run_scoped3A = tpu.sem_alloc : memref<!tpu.dma_semaphore, #tpu.memory_space<semaphore_mem>>
          %dma_start3A_47 = tpu.memref_slice %arg2[%multiple_of3A_43] : memref<320000xi32, #tpu.memory_space<hbm>> -> memref<80xi32, #tpu.memory_space<hbm>>
          %dma_start3A_48 = tpu.memref_slice %arg2[%multiple_of3A_43] : memref<320000xi32, #tpu.memory_space<hbm>> -> memref<80xi32, #tpu.memory_space<hbm>>
          tpu.enqueue_dma source(%dma_start3A_48 : memref<80xi32, #tpu.memory_space<hbm>>) target(%arg10 : memref<80xi32, #tpu.memory_space<vmem>>) target_semaphore(%run_scoped3A : memref<!tpu.dma_semaphore, #tpu.memory_space<semaphore_mem>>)
          %dma_wait3A_49 = tpu.memref_slice %arg2[%multiple_of3A_43] : memref<320000xi32, #tpu.memory_space<hbm>> -> memref<80xi32, #tpu.memory_space<hbm>>
          %dma_wait3A_50 = tpu.memref_slice %arg2[%multiple_of3A_43] : memref<320000xi32, #tpu.memory_space<hbm>> -> memref<80xi32, #tpu.memory_space<hbm>>
          tpu.wait_dma2 semaphore(%run_scoped3A : memref<!tpu.dma_semaphore, #tpu.memory_space<semaphore_mem>>) src(%dma_wait3A_50 : memref<80xi32, #tpu.memory_space<hbm>>) dst(%arg10 : memref<80xi32, #tpu.memory_space<vmem>>)
          tpu.yield
        }) : () -> ()
        "tpu.region"() ({
          %run_scoped3A = tpu.sem_alloc : memref<!tpu.dma_semaphore, #tpu.memory_space<semaphore_mem>>
          %dma_start3A_47 = tpu.memref_slice %arg3[%multiple_of3A_43] : memref<320000xi32, #tpu.memory_space<hbm>> -> memref<80xi32, #tpu.memory_space<hbm>>
          %dma_start3A_48 = tpu.memref_slice %arg3[%multiple_of3A_43] : memref<320000xi32, #tpu.memory_space<hbm>> -> memref<80xi32, #tpu.memory_space<hbm>>
          tpu.enqueue_dma source(%dma_start3A_48 : memref<80xi32, #tpu.memory_space<hbm>>) target(%arg11 : memref<80xi32, #tpu.memory_space<vmem>>) target_semaphore(%run_scoped3A : memref<!tpu.dma_semaphore, #tpu.memory_space<semaphore_mem>>)
          %dma_wait3A_49 = tpu.memref_slice %arg3[%multiple_of3A_43] : memref<320000xi32, #tpu.memory_space<hbm>> -> memref<80xi32, #tpu.memory_space<hbm>>
          %dma_wait3A_50 = tpu.memref_slice %arg3[%multiple_of3A_43] : memref<320000xi32, #tpu.memory_space<hbm>> -> memref<80xi32, #tpu.memory_space<hbm>>
          tpu.wait_dma2 semaphore(%run_scoped3A : memref<!tpu.dma_semaphore, #tpu.memory_space<semaphore_mem>>) src(%dma_wait3A_50 : memref<80xi32, #tpu.memory_space<hbm>>) dst(%arg11 : memref<80xi32, #tpu.memory_space<vmem>>)
          tpu.yield
        }) : () -> ()
        %dma_start3A_44 = arith.constant 0 : i32
        %dma_start3A_45 = arith.constant 0 : i32
        %dma_start3A_46 = tpu.memref_slice %arg4[%dma_start3A_44, %dma_start3A_45] : memref<10000x128xf32, #tpu.memory_space<hbm>> -> memref<10000x128xf32, #tpu.memory_space<hbm>>
        tpu.enqueue_indirect_dma source(%dma_start3A_46 : memref<10000x128xf32, #tpu.memory_space<hbm>>) target(%arg12 : memref<80x128xf32, #tpu.memory_space<vmem>>) offsets(%arg10 : memref<80xi32, #tpu.memory_space<vmem>>) semaphore(%arg15 : memref<!tpu.dma_semaphore, #tpu.memory_space<semaphore_mem>>)
      } else {
      }
      %dma_wait3A = arith.constant 0 : i32
      %dma_wait3A_26 = arith.constant 0 : i32
      %dma_wait3A_27 = tpu.memref_slice %arg4[%dma_wait3A, %dma_wait3A_26] : memref<10000x128xf32, #tpu.memory_space<hbm>> -> memref<10000x128xf32, #tpu.memory_space<hbm>>
      tpu.wait_indirect_dma semaphore(%arg14 : memref<!tpu.dma_semaphore, #tpu.memory_space<semaphore_mem>>) src(%dma_wait3A_27 : memref<10000x128xf32, #tpu.memory_space<hbm>>) dst(%arg9 : memref<80x128xf32, #tpu.memory_space<vmem>>)
      "tpu.region"() ({
        %run_scoped3A = tpu.sem_alloc : memref<!tpu.dma_semaphore, #tpu.memory_space<semaphore_mem>>
        %dma_start3A_40 = arith.constant 0 : i32
        %dma_start3A_41 = arith.constant 0 : i32
        %dma_start3A_42 = tpu.memref_slice %arg13[%dma_start3A_40, %dma_start3A_41] : memref<10240x128xf32, #tpu.memory_space<vmem_shared>> -> memref<10240x128xf32, #tpu.memory_space<vmem_shared>>
        tpu.enqueue_indirect_dma source(%arg9 : memref<80x128xf32, #tpu.memory_space<vmem>>) target(%dma_start3A_42 : memref<10240x128xf32, #tpu.memory_space<vmem_shared>>) offsets(%arg8 : memref<80xi32, #tpu.memory_space<vmem>>) semaphore(%run_scoped3A : memref<!tpu.dma_semaphore, #tpu.memory_space<semaphore_mem>>) {add = true}
        %dma_wait3A_43 = arith.constant 0 : i32
        %dma_wait3A_44 = arith.constant 0 : i32
        %dma_wait3A_45 = tpu.memref_slice %arg13[%dma_wait3A_43, %dma_wait3A_44] : memref<10240x128xf32, #tpu.memory_space<vmem_shared>> -> memref<10240x128xf32, #tpu.memory_space<vmem_shared>>
        tpu.wait_indirect_dma semaphore(%run_scoped3A : memref<!tpu.dma_semaphore, #tpu.memory_space<semaphore_mem>>) src(%arg9 : memref<80x128xf32, #tpu.memory_space<vmem>>) dst(%dma_wait3A_45 : memref<10240x128xf32, #tpu.memory_space<vmem_shared>>)
        tpu.yield
      }) : () -> ()
      %add3A_28 = arith.constant 2 : i32
      %add3A_29 = arith.addi %mul3A_21, %add3A_28 : i32
      %lt3A_30 = arith.constant 125 : i32
      %lt3A_31 = arith.cmpi slt, %add3A_29, %lt3A_30 : i32
      %convert_element_type3A_32 = arith.extui %lt3A_31 : i1 to i32
      %cond3A_33 = arith.constant 0 : i32
      %cond3A_34 = arith.cmpi ne, %convert_element_type3A_32, %cond3A_33 : i32
      scf.if %cond3A_34 {
        %add3A_40 = arith.constant 2 : i32
        %add3A_41 = arith.addi %mul3A_21, %add3A_40 : i32
        %mul3A_42 = arith.constant 80 : i32
        %mul3A_43 = arith.muli %add3A_41, %mul3A_42 : i32
        %add3A_44 = arith.addi %mul3A_4, %mul3A_43 : i32
        %multiple_of3A_45 = tpu.assume_multiple %add3A_44, 8 : i32
        "tpu.region"() ({
          %run_scoped3A = tpu.sem_alloc : memref<!tpu.dma_semaphore, #tpu.memory_space<semaphore_mem>>
          %dma_start3A_49 = tpu.memref_slice %arg2[%multiple_of3A_45] : memref<320000xi32, #tpu.memory_space<hbm>> -> memref<80xi32, #tpu.memory_space<hbm>>
          %dma_start3A_50 = tpu.memref_slice %arg2[%multiple_of3A_45] : memref<320000xi32, #tpu.memory_space<hbm>> -> memref<80xi32, #tpu.memory_space<hbm>>
          tpu.enqueue_dma source(%dma_start3A_50 : memref<80xi32, #tpu.memory_space<hbm>>) target(%arg7 : memref<80xi32, #tpu.memory_space<vmem>>) target_semaphore(%run_scoped3A : memref<!tpu.dma_semaphore, #tpu.memory_space<semaphore_mem>>)
          %dma_wait3A_51 = tpu.memref_slice %arg2[%multiple_of3A_45] : memref<320000xi32, #tpu.memory_space<hbm>> -> memref<80xi32, #tpu.memory_space<hbm>>
          %dma_wait3A_52 = tpu.memref_slice %arg2[%multiple_of3A_45] : memref<320000xi32, #tpu.memory_space<hbm>> -> memref<80xi32, #tpu.memory_space<hbm>>
          tpu.wait_dma2 semaphore(%run_scoped3A : memref<!tpu.dma_semaphore, #tpu.memory_space<semaphore_mem>>) src(%dma_wait3A_52 : memref<80xi32, #tpu.memory_space<hbm>>) dst(%arg7 : memref<80xi32, #tpu.memory_space<vmem>>)
          tpu.yield
        }) : () -> ()
        "tpu.region"() ({
          %run_scoped3A = tpu.sem_alloc : memref<!tpu.dma_semaphore, #tpu.memory_space<semaphore_mem>>
          %dma_start3A_49 = tpu.memref_slice %arg3[%multiple_of3A_45] : memref<320000xi32, #tpu.memory_space<hbm>> -> memref<80xi32, #tpu.memory_space<hbm>>
          %dma_start3A_50 = tpu.memref_slice %arg3[%multiple_of3A_45] : memref<320000xi32, #tpu.memory_space<hbm>> -> memref<80xi32, #tpu.memory_space<hbm>>
          tpu.enqueue_dma source(%dma_start3A_50 : memref<80xi32, #tpu.memory_space<hbm>>) target(%arg8 : memref<80xi32, #tpu.memory_space<vmem>>) target_semaphore(%run_scoped3A : memref<!tpu.dma_semaphore, #tpu.memory_space<semaphore_mem>>)
          %dma_wait3A_51 = tpu.memref_slice %arg3[%multiple_of3A_45] : memref<320000xi32, #tpu.memory_space<hbm>> -> memref<80xi32, #tpu.memory_space<hbm>>
          %dma_wait3A_52 = tpu.memref_slice %arg3[%multiple_of3A_45] : memref<320000xi32, #tpu.memory_space<hbm>> -> memref<80xi32, #tpu.memory_space<hbm>>
          tpu.wait_dma2 semaphore(%run_scoped3A : memref<!tpu.dma_semaphore, #tpu.memory_space<semaphore_mem>>) src(%dma_wait3A_52 : memref<80xi32, #tpu.memory_space<hbm>>) dst(%arg8 : memref<80xi32, #tpu.memory_space<vmem>>)
          tpu.yield
        }) : () -> ()
        %dma_start3A_46 = arith.constant 0 : i32
        %dma_start3A_47 = arith.constant 0 : i32
        %dma_start3A_48 = tpu.memref_slice %arg4[%dma_start3A_46, %dma_start3A_47] : memref<10000x128xf32, #tpu.memory_space<hbm>> -> memref<10000x128xf32, #tpu.memory_space<hbm>>
        tpu.enqueue_indirect_dma source(%dma_start3A_48 : memref<10000x128xf32, #tpu.memory_space<hbm>>) target(%arg9 : memref<80x128xf32, #tpu.memory_space<vmem>>) offsets(%arg7 : memref<80xi32, #tpu.memory_space<vmem>>) semaphore(%arg14 : memref<!tpu.dma_semaphore, #tpu.memory_space<semaphore_mem>>)
      } else {
      }
      %lt3A_35 = arith.constant 125 : i32
      %lt3A_36 = arith.cmpi slt, %add3A_23, %lt3A_35 : i32
      %convert_element_type3A_37 = arith.extui %lt3A_36 : i1 to i32
      %cond3A_38 = arith.constant 0 : i32
      %cond3A_39 = arith.cmpi ne, %convert_element_type3A_37, %cond3A_38 : i32
      scf.if %cond3A_39 {
        %dma_wait3A_40 = arith.constant 0 : i32
        %dma_wait3A_41 = arith.constant 0 : i32
        %dma_wait3A_42 = tpu.memref_slice %arg4[%dma_wait3A_40, %dma_wait3A_41] : memref<10000x128xf32, #tpu.memory_space<hbm>> -> memref<10000x128xf32, #tpu.memory_space<hbm>>
        tpu.wait_indirect_dma semaphore(%arg15 : memref<!tpu.dma_semaphore, #tpu.memory_space<semaphore_mem>>) src(%dma_wait3A_42 : memref<10000x128xf32, #tpu.memory_space<hbm>>) dst(%arg12 : memref<80x128xf32, #tpu.memory_space<vmem>>)
        "tpu.region"() ({
          %run_scoped3A = tpu.sem_alloc : memref<!tpu.dma_semaphore, #tpu.memory_space<semaphore_mem>>
          %dma_start3A_43 = arith.constant 0 : i32
          %dma_start3A_44 = arith.constant 0 : i32
          %dma_start3A_45 = tpu.memref_slice %arg13[%dma_start3A_43, %dma_start3A_44] : memref<10240x128xf32, #tpu.memory_space<vmem_shared>> -> memref<10240x128xf32, #tpu.memory_space<vmem_shared>>
          tpu.enqueue_indirect_dma source(%arg12 : memref<80x128xf32, #tpu.memory_space<vmem>>) target(%dma_start3A_45 : memref<10240x128xf32, #tpu.memory_space<vmem_shared>>) offsets(%arg11 : memref<80xi32, #tpu.memory_space<vmem>>) semaphore(%run_scoped3A : memref<!tpu.dma_semaphore, #tpu.memory_space<semaphore_mem>>) {add = true}
          %dma_wait3A_46 = arith.constant 0 : i32
          %dma_wait3A_47 = arith.constant 0 : i32
          %dma_wait3A_48 = tpu.memref_slice %arg13[%dma_wait3A_46, %dma_wait3A_47] : memref<10240x128xf32, #tpu.memory_space<vmem_shared>> -> memref<10240x128xf32, #tpu.memory_space<vmem_shared>>
          tpu.wait_indirect_dma semaphore(%run_scoped3A : memref<!tpu.dma_semaphore, #tpu.memory_space<semaphore_mem>>) src(%arg12 : memref<80x128xf32, #tpu.memory_space<vmem>>) dst(%dma_wait3A_48 : memref<10240x128xf32, #tpu.memory_space<vmem_shared>>)
          tpu.yield
        }) : () -> ()
      } else {
      }
    }
    %scan3A_13 = arith.constant 63 : i32
    %barrier3A_14 = arith.constant 0 : index
    tpu.barrier barrier_id(%barrier3A_14)
    %mul3A_15 = arith.constant 640 : i32
    %mul3A_16 = arith.muli %arg1, %mul3A_15 : i32
    %mul3A_17 = arith.constant 640 : i32
    %mul3A_18 = arith.muli %arg1, %mul3A_17 : i32
    "tpu.region"() ({
      %run_scoped3A = tpu.sem_alloc : memref<!tpu.dma_semaphore, #tpu.memory_space<semaphore_mem>>
      %dma_start3A_19 = arith.constant 0 : i32
      %dma_start3A_20 = arith.constant 0 : i32
      %dma_start3A_21 = tpu.memref_slice %arg6[%arg0, %dma_start3A_19, %dma_start3A_20] : memref<2x10240x128xf32, #tpu.memory_space<hbm>> -> memref<1x10240x128xf32, #tpu.memory_space<hbm>>
      %dma_start3A_22 = tpu.memref_squeeze %dma_start3A_21 : memref<1x10240x128xf32, #tpu.memory_space<hbm>> -> memref<10240x128xf32, #tpu.memory_space<hbm>>
      %dma_start3A_23 = arith.constant 0 : i32
      %dma_start3A_24 = tpu.memref_slice %dma_start3A_22[%mul3A_18, %dma_start3A_23] : memref<10240x128xf32, #tpu.memory_space<hbm>> -> memref<640x128xf32, #tpu.memory_space<hbm>>
      %dma_start3A_25 = arith.constant 0 : i32
      %dma_start3A_26 = tpu.memref_slice %arg13[%mul3A_16, %dma_start3A_25] : memref<10240x128xf32, #tpu.memory_space<vmem_shared>> -> memref<640x128xf32, #tpu.memory_space<vmem_shared>>
      tpu.enqueue_dma source(%dma_start3A_26 : memref<640x128xf32, #tpu.memory_space<vmem_shared>>) target(%dma_start3A_24 : memref<640x128xf32, #tpu.memory_space<hbm>>) target_semaphore(%run_scoped3A : memref<!tpu.dma_semaphore, #tpu.memory_space<semaphore_mem>>)
      %dma_wait3A = arith.constant 0 : i32
      %dma_wait3A_27 = arith.constant 0 : i32
      %dma_wait3A_28 = tpu.memref_slice %arg6[%arg0, %dma_wait3A, %dma_wait3A_27] : memref<2x10240x128xf32, #tpu.memory_space<hbm>> -> memref<1x10240x128xf32, #tpu.memory_space<hbm>>
      %dma_wait3A_29 = tpu.memref_squeeze %dma_wait3A_28 : memref<1x10240x128xf32, #tpu.memory_space<hbm>> -> memref<10240x128xf32, #tpu.memory_space<hbm>>
      %dma_wait3A_30 = arith.constant 0 : i32
      %dma_wait3A_31 = tpu.memref_slice %dma_wait3A_29[%mul3A_18, %dma_wait3A_30] : memref<10240x128xf32, #tpu.memory_space<hbm>> -> memref<640x128xf32, #tpu.memory_space<hbm>>
      %dma_wait3A_32 = arith.constant 0 : i32
      %dma_wait3A_33 = tpu.memref_slice %arg13[%mul3A_16, %dma_wait3A_32] : memref<10240x128xf32, #tpu.memory_space<vmem_shared>> -> memref<640x128xf32, #tpu.memory_space<vmem_shared>>
      tpu.wait_dma2 semaphore(%run_scoped3A : memref<!tpu.dma_semaphore, #tpu.memory_space<semaphore_mem>>) src(%dma_wait3A_33 : memref<640x128xf32, #tpu.memory_space<vmem_shared>>) dst(%dma_wait3A_31 : memref<640x128xf32, #tpu.memory_space<hbm>>)
      tpu.yield
    }) : () -> ()
    return
  }
}

#map = affine_map<(d0, d1) -> (0)>
#map1 = affine_map<(d0, d1) -> (0, 0)>
#map2 = affine_map<(d0, d1) -> (0, 0, 0)>
module attributes {stable_mosaic.version = 14 : i64} {
  func.func @k(%arg0: i32, %arg1: i32, %arg2: memref<320000xi32, #tpu.memory_space<hbm>>, %arg3: memref<80x128xf32, #tpu.memory_space<hbm>>, %arg4: memref<640x128xf32, #tpu.memory_space<hbm>>, %arg5: memref<2x10240x128xf32, #tpu.memory_space<hbm>>, %arg6: memref<80xi32, #tpu.memory_space<vmem>>, %arg7: memref<80xi32, #tpu.memory_space<vmem>>, %arg8: memref<80x128xf32, #tpu.memory_space<vmem>>, %arg9: memref<10240x128xf32, #tpu.memory_space<vmem_shared>>) attributes {dimension_semantics = [#tpu.dimension_semantics<core_parallel>, #tpu.dimension_semantics<subcore_parallel>], iteration_bounds = array<i64: 2, 16>, scalar_prefetch = 0 : i64, scratch_operands = 4 : i64, tpu.core_type = #tpu.core_type<sc_vector_subcore>, window_params = [{transform_indices = #map}, {transform_indices = #map1}, {transform_indices = #map1}, {transform_indices = #map2}]} {
    %mul3A = arith.constant 2 : i32
    %mul3A_0 = arith.muli %arg1, %mul3A : i32
    %add3A = arith.addi %mul3A_0, %arg0 : i32
    %mul3A_1 = arith.constant 640 : i32
    %mul3A_2 = arith.muli %arg1, %mul3A_1 : i32
    "tpu.region"() ({
      %run_scoped3A = tpu.sem_alloc : memref<!tpu.dma_semaphore, #tpu.memory_space<semaphore_mem>>
      %dma_start3A = arith.constant 0 : i32
      %dma_start3A_15 = tpu.memref_slice %arg9[%mul3A_2, %dma_start3A] : memref<10240x128xf32, #tpu.memory_space<vmem_shared>> -> memref<640x128xf32, #tpu.memory_space<vmem_shared>>
      tpu.enqueue_dma source(%arg4 : memref<640x128xf32, #tpu.memory_space<hbm>>) target(%dma_start3A_15 : memref<640x128xf32, #tpu.memory_space<vmem_shared>>) target_semaphore(%run_scoped3A : memref<!tpu.dma_semaphore, #tpu.memory_space<semaphore_mem>>)
      %dma_wait3A = arith.constant 0 : i32
      %dma_wait3A_16 = tpu.memref_slice %arg9[%mul3A_2, %dma_wait3A] : memref<10240x128xf32, #tpu.memory_space<vmem_shared>> -> memref<640x128xf32, #tpu.memory_space<vmem_shared>>
      tpu.wait_dma2 semaphore(%run_scoped3A : memref<!tpu.dma_semaphore, #tpu.memory_space<semaphore_mem>>) src(%arg4 : memref<640x128xf32, #tpu.memory_space<hbm>>) dst(%dma_wait3A_16 : memref<640x128xf32, #tpu.memory_space<vmem_shared>>)
      tpu.yield
    }) : () -> ()
    "tpu.region"() ({
      %run_scoped3A = tpu.sem_alloc : memref<!tpu.dma_semaphore, #tpu.memory_space<semaphore_mem>>
      tpu.enqueue_dma source(%arg3 : memref<80x128xf32, #tpu.memory_space<hbm>>) target(%arg8 : memref<80x128xf32, #tpu.memory_space<vmem>>) target_semaphore(%run_scoped3A : memref<!tpu.dma_semaphore, #tpu.memory_space<semaphore_mem>>)
      tpu.wait_dma2 semaphore(%run_scoped3A : memref<!tpu.dma_semaphore, #tpu.memory_space<semaphore_mem>>) src(%arg3 : memref<80x128xf32, #tpu.memory_space<hbm>>) dst(%arg8 : memref<80x128xf32, #tpu.memory_space<vmem>>)
      tpu.yield
    }) : () -> ()
    %barrier3A = arith.constant 0 : index
    tpu.barrier barrier_id(%barrier3A)
    %mul3A_3 = arith.constant 10000 : i32
    %mul3A_4 = arith.muli %add3A, %mul3A_3 : i32
    %scan3A = arith.constant 0 : i32
    %scan3A_5 = arith.constant 0 : i32
    %scan3A_6 = arith.constant 63 : i32
    %scan3A_7 = arith.addi %scan3A_5, %scan3A_6 : i32
    %scan3A_8 = arith.constant 1 : i32
    scf.for %scan3A_15 = %scan3A_5 to %scan3A_7 step %scan3A_8  : i32 {
      %mul3A_16 = arith.constant 2 : i32
      %mul3A_17 = arith.muli %scan3A_15, %mul3A_16 : i32
      %add3A_18 = arith.constant 1 : i32
      %add3A_19 = arith.addi %mul3A_17, %add3A_18 : i32
      %mul3A_20 = arith.constant 80 : i32
      %mul3A_21 = arith.muli %mul3A_17, %mul3A_20 : i32
      %add3A_22 = arith.addi %mul3A_4, %mul3A_21 : i32
      %multiple_of3A = tpu.assume_multiple %add3A_22, 8 : i32
      "tpu.region"() ({
        %run_scoped3A = tpu.sem_alloc : memref<!tpu.dma_semaphore, #tpu.memory_space<semaphore_mem>>
        %dma_start3A = tpu.memref_slice %arg2[%multiple_of3A] : memref<320000xi32, #tpu.memory_space<hbm>> -> memref<80xi32, #tpu.memory_space<hbm>>
        %dma_start3A_30 = tpu.memref_slice %arg2[%multiple_of3A] : memref<320000xi32, #tpu.memory_space<hbm>> -> memref<80xi32, #tpu.memory_space<hbm>>
        tpu.enqueue_dma source(%dma_start3A_30 : memref<80xi32, #tpu.memory_space<hbm>>) target(%arg6 : memref<80xi32, #tpu.memory_space<vmem>>) target_semaphore(%run_scoped3A : memref<!tpu.dma_semaphore, #tpu.memory_space<semaphore_mem>>)
        %dma_wait3A = tpu.memref_slice %arg2[%multiple_of3A] : memref<320000xi32, #tpu.memory_space<hbm>> -> memref<80xi32, #tpu.memory_space<hbm>>
        %dma_wait3A_31 = tpu.memref_slice %arg2[%multiple_of3A] : memref<320000xi32, #tpu.memory_space<hbm>> -> memref<80xi32, #tpu.memory_space<hbm>>
        tpu.wait_dma2 semaphore(%run_scoped3A : memref<!tpu.dma_semaphore, #tpu.memory_space<semaphore_mem>>) src(%dma_wait3A_31 : memref<80xi32, #tpu.memory_space<hbm>>) dst(%arg6 : memref<80xi32, #tpu.memory_space<vmem>>)
        tpu.yield
      }) : () -> ()
      %lt3A = arith.constant 125 : i32
      %lt3A_23 = arith.cmpi slt, %add3A_19, %lt3A : i32
      %convert_element_type3A = arith.extui %lt3A_23 : i1 to i32
      %cond3A = arith.constant 0 : i32
      %cond3A_24 = arith.cmpi ne, %convert_element_type3A, %cond3A : i32
      scf.if %cond3A_24 {
        %mul3A_30 = arith.constant 80 : i32
        %mul3A_31 = arith.muli %add3A_19, %mul3A_30 : i32
        %add3A_32 = arith.addi %mul3A_4, %mul3A_31 : i32
        %multiple_of3A_33 = tpu.assume_multiple %add3A_32, 8 : i32
        "tpu.region"() ({
          %run_scoped3A = tpu.sem_alloc : memref<!tpu.dma_semaphore, #tpu.memory_space<semaphore_mem>>
          %dma_start3A = tpu.memref_slice %arg2[%multiple_of3A_33] : memref<320000xi32, #tpu.memory_space<hbm>> -> memref<80xi32, #tpu.memory_space<hbm>>
          %dma_start3A_34 = tpu.memref_slice %arg2[%multiple_of3A_33] : memref<320000xi32, #tpu.memory_space<hbm>> -> memref<80xi32, #tpu.memory_space<hbm>>
          tpu.enqueue_dma source(%dma_start3A_34 : memref<80xi32, #tpu.memory_space<hbm>>) target(%arg7 : memref<80xi32, #tpu.memory_space<vmem>>) target_semaphore(%run_scoped3A : memref<!tpu.dma_semaphore, #tpu.memory_space<semaphore_mem>>)
          %dma_wait3A = tpu.memref_slice %arg2[%multiple_of3A_33] : memref<320000xi32, #tpu.memory_space<hbm>> -> memref<80xi32, #tpu.memory_space<hbm>>
          %dma_wait3A_35 = tpu.memref_slice %arg2[%multiple_of3A_33] : memref<320000xi32, #tpu.memory_space<hbm>> -> memref<80xi32, #tpu.memory_space<hbm>>
          tpu.wait_dma2 semaphore(%run_scoped3A : memref<!tpu.dma_semaphore, #tpu.memory_space<semaphore_mem>>) src(%dma_wait3A_35 : memref<80xi32, #tpu.memory_space<hbm>>) dst(%arg7 : memref<80xi32, #tpu.memory_space<vmem>>)
          tpu.yield
        }) : () -> ()
      } else {
      }
      "tpu.region"() ({
        %run_scoped3A = tpu.sem_alloc : memref<!tpu.dma_semaphore, #tpu.memory_space<semaphore_mem>>
        %dma_start3A = arith.constant 0 : i32
        %dma_start3A_30 = arith.constant 0 : i32
        %dma_start3A_31 = tpu.memref_slice %arg9[%dma_start3A, %dma_start3A_30] : memref<10240x128xf32, #tpu.memory_space<vmem_shared>> -> memref<10240x128xf32, #tpu.memory_space<vmem_shared>>
        tpu.enqueue_indirect_dma source(%arg8 : memref<80x128xf32, #tpu.memory_space<vmem>>) target(%dma_start3A_31 : memref<10240x128xf32, #tpu.memory_space<vmem_shared>>) offsets(%arg6 : memref<80xi32, #tpu.memory_space<vmem>>) semaphore(%run_scoped3A : memref<!tpu.dma_semaphore, #tpu.memory_space<semaphore_mem>>) {add = true}
        %dma_wait3A = arith.constant 0 : i32
        %dma_wait3A_32 = arith.constant 0 : i32
        %dma_wait3A_33 = tpu.memref_slice %arg9[%dma_wait3A, %dma_wait3A_32] : memref<10240x128xf32, #tpu.memory_space<vmem_shared>> -> memref<10240x128xf32, #tpu.memory_space<vmem_shared>>
        tpu.wait_indirect_dma semaphore(%run_scoped3A : memref<!tpu.dma_semaphore, #tpu.memory_space<semaphore_mem>>) src(%arg8 : memref<80x128xf32, #tpu.memory_space<vmem>>) dst(%dma_wait3A_33 : memref<10240x128xf32, #tpu.memory_space<vmem_shared>>)
        tpu.yield
      }) : () -> ()
      %lt3A_25 = arith.constant 125 : i32
      %lt3A_26 = arith.cmpi slt, %add3A_19, %lt3A_25 : i32
      %convert_element_type3A_27 = arith.extui %lt3A_26 : i1 to i32
      %cond3A_28 = arith.constant 0 : i32
      %cond3A_29 = arith.cmpi ne, %convert_element_type3A_27, %cond3A_28 : i32
      scf.if %cond3A_29 {
        "tpu.region"() ({
          %run_scoped3A = tpu.sem_alloc : memref<!tpu.dma_semaphore, #tpu.memory_space<semaphore_mem>>
          %dma_start3A = arith.constant 0 : i32
          %dma_start3A_30 = arith.constant 0 : i32
          %dma_start3A_31 = tpu.memref_slice %arg9[%dma_start3A, %dma_start3A_30] : memref<10240x128xf32, #tpu.memory_space<vmem_shared>> -> memref<10240x128xf32, #tpu.memory_space<vmem_shared>>
          tpu.enqueue_indirect_dma source(%arg8 : memref<80x128xf32, #tpu.memory_space<vmem>>) target(%dma_start3A_31 : memref<10240x128xf32, #tpu.memory_space<vmem_shared>>) offsets(%arg7 : memref<80xi32, #tpu.memory_space<vmem>>) semaphore(%run_scoped3A : memref<!tpu.dma_semaphore, #tpu.memory_space<semaphore_mem>>) {add = true}
          %dma_wait3A = arith.constant 0 : i32
          %dma_wait3A_32 = arith.constant 0 : i32
          %dma_wait3A_33 = tpu.memref_slice %arg9[%dma_wait3A, %dma_wait3A_32] : memref<10240x128xf32, #tpu.memory_space<vmem_shared>> -> memref<10240x128xf32, #tpu.memory_space<vmem_shared>>
          tpu.wait_indirect_dma semaphore(%run_scoped3A : memref<!tpu.dma_semaphore, #tpu.memory_space<semaphore_mem>>) src(%arg8 : memref<80x128xf32, #tpu.memory_space<vmem>>) dst(%dma_wait3A_33 : memref<10240x128xf32, #tpu.memory_space<vmem_shared>>)
          tpu.yield
        }) : () -> ()
      } else {
      }
    }
    %scan3A_9 = arith.constant 63 : i32
    %barrier3A_10 = arith.constant 0 : index
    tpu.barrier barrier_id(%barrier3A_10)
    %mul3A_11 = arith.constant 640 : i32
    %mul3A_12 = arith.muli %arg1, %mul3A_11 : i32
    %mul3A_13 = arith.constant 640 : i32
    %mul3A_14 = arith.muli %arg1, %mul3A_13 : i32
    "tpu.region"() ({
      %run_scoped3A = tpu.sem_alloc : memref<!tpu.dma_semaphore, #tpu.memory_space<semaphore_mem>>
      %dma_start3A = arith.constant 0 : i32
      %dma_start3A_15 = arith.constant 0 : i32
      %dma_start3A_16 = tpu.memref_slice %arg5[%arg0, %dma_start3A, %dma_start3A_15] : memref<2x10240x128xf32, #tpu.memory_space<hbm>> -> memref<1x10240x128xf32, #tpu.memory_space<hbm>>
      %dma_start3A_17 = tpu.memref_squeeze %dma_start3A_16 : memref<1x10240x128xf32, #tpu.memory_space<hbm>> -> memref<10240x128xf32, #tpu.memory_space<hbm>>
      %dma_start3A_18 = arith.constant 0 : i32
      %dma_start3A_19 = tpu.memref_slice %dma_start3A_17[%mul3A_14, %dma_start3A_18] : memref<10240x128xf32, #tpu.memory_space<hbm>> -> memref<640x128xf32, #tpu.memory_space<hbm>>
      %dma_start3A_20 = arith.constant 0 : i32
      %dma_start3A_21 = tpu.memref_slice %arg9[%mul3A_12, %dma_start3A_20] : memref<10240x128xf32, #tpu.memory_space<vmem_shared>> -> memref<640x128xf32, #tpu.memory_space<vmem_shared>>
      tpu.enqueue_dma source(%dma_start3A_21 : memref<640x128xf32, #tpu.memory_space<vmem_shared>>) target(%dma_start3A_19 : memref<640x128xf32, #tpu.memory_space<hbm>>) target_semaphore(%run_scoped3A : memref<!tpu.dma_semaphore, #tpu.memory_space<semaphore_mem>>)
      %dma_wait3A = arith.constant 0 : i32
      %dma_wait3A_22 = arith.constant 0 : i32
      %dma_wait3A_23 = tpu.memref_slice %arg5[%arg0, %dma_wait3A, %dma_wait3A_22] : memref<2x10240x128xf32, #tpu.memory_space<hbm>> -> memref<1x10240x128xf32, #tpu.memory_space<hbm>>
      %dma_wait3A_24 = tpu.memref_squeeze %dma_wait3A_23 : memref<1x10240x128xf32, #tpu.memory_space<hbm>> -> memref<10240x128xf32, #tpu.memory_space<hbm>>
      %dma_wait3A_25 = arith.constant 0 : i32
      %dma_wait3A_26 = tpu.memref_slice %dma_wait3A_24[%mul3A_14, %dma_wait3A_25] : memref<10240x128xf32, #tpu.memory_space<hbm>> -> memref<640x128xf32, #tpu.memory_space<hbm>>
      %dma_wait3A_27 = arith.constant 0 : i32
      %dma_wait3A_28 = tpu.memref_slice %arg9[%mul3A_12, %dma_wait3A_27] : memref<10240x128xf32, #tpu.memory_space<vmem_shared>> -> memref<640x128xf32, #tpu.memory_space<vmem_shared>>
      tpu.wait_dma2 semaphore(%run_scoped3A : memref<!tpu.dma_semaphore, #tpu.memory_space<semaphore_mem>>) src(%dma_wait3A_28 : memref<640x128xf32, #tpu.memory_space<vmem_shared>>) dst(%dma_wait3A_26 : memref<640x128xf32, #tpu.memory_space<hbm>>)
      tpu.yield
    }) : () -> ()
    return
  }
}

#map = affine_map<(d0, d1) -> (0)>
#map1 = affine_map<(d0, d1) -> (0, 0, 0)>
#map2 = affine_map<(d0, d1) -> (0, 0)>
module attributes {stable_mosaic.version = 14 : i64} {
  func.func @k(%arg0: i32, %arg1: i32, %arg2: memref<320000xi32, #tpu.memory_space<hbm>>, %arg3: memref<320000xi32, #tpu.memory_space<hbm>>, %arg4: memref<4x10000x128xf32, #tpu.memory_space<hbm>>, %arg5: memref<640x128xf32, #tpu.memory_space<hbm>>, %arg6: memref<4x10240x128xf32, #tpu.memory_space<hbm>>, %arg7: memref<80xi32, #tpu.memory_space<vmem>>, %arg8: memref<80xi32, #tpu.memory_space<vmem>>, %arg9: memref<80x128xf32, #tpu.memory_space<vmem>>, %arg10: memref<80xi32, #tpu.memory_space<vmem>>, %arg11: memref<80xi32, #tpu.memory_space<vmem>>, %arg12: memref<80x128xf32, #tpu.memory_space<vmem>>, %arg13: memref<10240x128xf32, #tpu.memory_space<vmem_shared>>, %arg14: memref<!tpu.dma_semaphore, #tpu.memory_space<semaphore_mem>>, %arg15: memref<!tpu.dma_semaphore, #tpu.memory_space<semaphore_mem>>) attributes {dimension_semantics = [#tpu.dimension_semantics<core_parallel>, #tpu.dimension_semantics<subcore_parallel>], iteration_bounds = array<i64: 2, 16>, scalar_prefetch = 0 : i64, scratch_operands = 9 : i64, tpu.core_type = #tpu.core_type<sc_vector_subcore>, window_params = [{transform_indices = #map}, {transform_indices = #map}, {transform_indices = #map1}, {transform_indices = #map2}, {transform_indices = #map1}]} {
    %mul3A = arith.constant 20000 : i32
    %mul3A_0 = arith.muli %arg1, %mul3A : i32
    %mul3A_1 = arith.constant 640 : i32
    %mul3A_2 = arith.muli %arg1, %mul3A_1 : i32
    "tpu.region"() ({
      %run_scoped3A = tpu.sem_alloc : memref<!tpu.dma_semaphore, #tpu.memory_space<semaphore_mem>>
      %dma_start3A_53 = arith.constant 0 : i32
      %dma_start3A_54 = tpu.memref_slice %arg13[%mul3A_2, %dma_start3A_53] : memref<10240x128xf32, #tpu.memory_space<vmem_shared>> -> memref<640x128xf32, #tpu.memory_space<vmem_shared>>
      tpu.enqueue_dma source(%arg5 : memref<640x128xf32, #tpu.memory_space<hbm>>) target(%dma_start3A_54 : memref<640x128xf32, #tpu.memory_space<vmem_shared>>) target_semaphore(%run_scoped3A : memref<!tpu.dma_semaphore, #tpu.memory_space<semaphore_mem>>)
      %dma_wait3A = arith.constant 0 : i32
      %dma_wait3A_55 = tpu.memref_slice %arg13[%mul3A_2, %dma_wait3A] : memref<10240x128xf32, #tpu.memory_space<vmem_shared>> -> memref<640x128xf32, #tpu.memory_space<vmem_shared>>
      tpu.wait_dma2 semaphore(%run_scoped3A : memref<!tpu.dma_semaphore, #tpu.memory_space<semaphore_mem>>) src(%arg5 : memref<640x128xf32, #tpu.memory_space<hbm>>) dst(%dma_wait3A_55 : memref<640x128xf32, #tpu.memory_space<vmem_shared>>)
      tpu.yield
    }) : () -> ()
    %barrier3A = arith.constant 0 : index
    tpu.barrier barrier_id(%barrier3A)
    %mul3A_3 = arith.constant 2 : i32
    %mul3A_4 = arith.muli %arg0, %mul3A_3 : i32
    %add3A = arith.constant 0 : i32
    %add3A_5 = arith.addi %mul3A_4, %add3A : i32
    %add3A_6 = arith.constant 0 : i32
    %add3A_7 = arith.addi %mul3A_0, %add3A_6 : i32
    %multiple_of3A = tpu.assume_multiple %add3A_7, 8 : i32
    "tpu.region"() ({
      %run_scoped3A = tpu.sem_alloc : memref<!tpu.dma_semaphore, #tpu.memory_space<semaphore_mem>>
      %dma_start3A_53 = tpu.memref_slice %arg2[%multiple_of3A] : memref<320000xi32, #tpu.memory_space<hbm>> -> memref<80xi32, #tpu.memory_space<hbm>>
      %dma_start3A_54 = tpu.memref_slice %arg2[%multiple_of3A] : memref<320000xi32, #tpu.memory_space<hbm>> -> memref<80xi32, #tpu.memory_space<hbm>>
      tpu.enqueue_dma source(%dma_start3A_54 : memref<80xi32, #tpu.memory_space<hbm>>) target(%arg7 : memref<80xi32, #tpu.memory_space<vmem>>) target_semaphore(%run_scoped3A : memref<!tpu.dma_semaphore, #tpu.memory_space<semaphore_mem>>)
      %dma_wait3A = tpu.memref_slice %arg2[%multiple_of3A] : memref<320000xi32, #tpu.memory_space<hbm>> -> memref<80xi32, #tpu.memory_space<hbm>>
      %dma_wait3A_55 = tpu.memref_slice %arg2[%multiple_of3A] : memref<320000xi32, #tpu.memory_space<hbm>> -> memref<80xi32, #tpu.memory_space<hbm>>
      tpu.wait_dma2 semaphore(%run_scoped3A : memref<!tpu.dma_semaphore, #tpu.memory_space<semaphore_mem>>) src(%dma_wait3A_55 : memref<80xi32, #tpu.memory_space<hbm>>) dst(%arg7 : memref<80xi32, #tpu.memory_space<vmem>>)
      tpu.yield
    }) : () -> ()
    "tpu.region"() ({
      %run_scoped3A = tpu.sem_alloc : memref<!tpu.dma_semaphore, #tpu.memory_space<semaphore_mem>>
      %dma_start3A_53 = tpu.memref_slice %arg3[%multiple_of3A] : memref<320000xi32, #tpu.memory_space<hbm>> -> memref<80xi32, #tpu.memory_space<hbm>>
      %dma_start3A_54 = tpu.memref_slice %arg3[%multiple_of3A] : memref<320000xi32, #tpu.memory_space<hbm>> -> memref<80xi32, #tpu.memory_space<hbm>>
      tpu.enqueue_dma source(%dma_start3A_54 : memref<80xi32, #tpu.memory_space<hbm>>) target(%arg8 : memref<80xi32, #tpu.memory_space<vmem>>) target_semaphore(%run_scoped3A : memref<!tpu.dma_semaphore, #tpu.memory_space<semaphore_mem>>)
      %dma_wait3A = tpu.memref_slice %arg3[%multiple_of3A] : memref<320000xi32, #tpu.memory_space<hbm>> -> memref<80xi32, #tpu.memory_space<hbm>>
      %dma_wait3A_55 = tpu.memref_slice %arg3[%multiple_of3A] : memref<320000xi32, #tpu.memory_space<hbm>> -> memref<80xi32, #tpu.memory_space<hbm>>
      tpu.wait_dma2 semaphore(%run_scoped3A : memref<!tpu.dma_semaphore, #tpu.memory_space<semaphore_mem>>) src(%dma_wait3A_55 : memref<80xi32, #tpu.memory_space<hbm>>) dst(%arg8 : memref<80xi32, #tpu.memory_space<vmem>>)
      tpu.yield
    }) : () -> ()
    %dma_start3A = arith.constant 0 : i32
    %dma_start3A_8 = arith.constant 0 : i32
    %dma_start3A_9 = tpu.memref_slice %arg4[%add3A_5, %dma_start3A, %dma_start3A_8] : memref<4x10000x128xf32, #tpu.memory_space<hbm>> -> memref<1x10000x128xf32, #tpu.memory_space<hbm>>
    %dma_start3A_10 = tpu.memref_squeeze %dma_start3A_9 : memref<1x10000x128xf32, #tpu.memory_space<hbm>> -> memref<10000x128xf32, #tpu.memory_space<hbm>>
    %dma_start3A_11 = arith.constant 0 : i32
    %dma_start3A_12 = arith.constant 0 : i32
    %dma_start3A_13 = tpu.memref_slice %dma_start3A_10[%dma_start3A_11, %dma_start3A_12] : memref<10000x128xf32, #tpu.memory_space<hbm>> -> memref<10000x128xf32, #tpu.memory_space<hbm>>
    tpu.enqueue_indirect_dma source(%dma_start3A_13 : memref<10000x128xf32, #tpu.memory_space<hbm>>) target(%arg9 : memref<80x128xf32, #tpu.memory_space<vmem>>) offsets(%arg7 : memref<80xi32, #tpu.memory_space<vmem>>) semaphore(%arg14 : memref<!tpu.dma_semaphore, #tpu.memory_space<semaphore_mem>>)
    %scan3A = arith.constant 0 : i32
    %scan3A_14 = arith.constant 0 : i32
    %scan3A_15 = arith.constant 125 : i32
    %scan3A_16 = arith.addi %scan3A_14, %scan3A_15 : i32
    %scan3A_17 = arith.constant 1 : i32
    scf.for %scan3A_53 = %scan3A_14 to %scan3A_16 step %scan3A_17  : i32 {
      %mul3A_54 = arith.constant 2 : i32
      %mul3A_55 = arith.muli %scan3A_53, %mul3A_54 : i32
      %add3A_56 = arith.constant 1 : i32
      %add3A_57 = arith.addi %mul3A_55, %add3A_56 : i32
      %lt3A = arith.constant 250 : i32
      %lt3A_58 = arith.cmpi slt, %add3A_57, %lt3A : i32
      %convert_element_type3A = arith.extui %lt3A_58 : i1 to i32
      %cond3A = arith.constant 0 : i32
      %cond3A_59 = arith.cmpi ne, %convert_element_type3A, %cond3A : i32
      scf.if %cond3A_59 {
        %mul3A_78 = arith.constant 80 : i32
        %mul3A_79 = arith.muli %add3A_57, %mul3A_78 : i32
        %add3A_80 = arith.addi %mul3A_0, %mul3A_79 : i32
        %multiple_of3A_81 = tpu.assume_multiple %add3A_80, 8 : i32
        "tpu.region"() ({
          %run_scoped3A = tpu.sem_alloc : memref<!tpu.dma_semaphore, #tpu.memory_space<semaphore_mem>>
          %dma_start3A_89 = tpu.memref_slice %arg2[%multiple_of3A_81] : memref<320000xi32, #tpu.memory_space<hbm>> -> memref<80xi32, #tpu.memory_space<hbm>>
          %dma_start3A_90 = tpu.memref_slice %arg2[%multiple_of3A_81] : memref<320000xi32, #tpu.memory_space<hbm>> -> memref<80xi32, #tpu.memory_space<hbm>>
          tpu.enqueue_dma source(%dma_start3A_90 : memref<80xi32, #tpu.memory_space<hbm>>) target(%arg10 : memref<80xi32, #tpu.memory_space<vmem>>) target_semaphore(%run_scoped3A : memref<!tpu.dma_semaphore, #tpu.memory_space<semaphore_mem>>)
          %dma_wait3A_91 = tpu.memref_slice %arg2[%multiple_of3A_81] : memref<320000xi32, #tpu.memory_space<hbm>> -> memref<80xi32, #tpu.memory_space<hbm>>
          %dma_wait3A_92 = tpu.memref_slice %arg2[%multiple_of3A_81] : memref<320000xi32, #tpu.memory_space<hbm>> -> memref<80xi32, #tpu.memory_space<hbm>>
          tpu.wait_dma2 semaphore(%run_scoped3A : memref<!tpu.dma_semaphore, #tpu.memory_space<semaphore_mem>>) src(%dma_wait3A_92 : memref<80xi32, #tpu.memory_space<hbm>>) dst(%arg10 : memref<80xi32, #tpu.memory_space<vmem>>)
          tpu.yield
        }) : () -> ()
        "tpu.region"() ({
          %run_scoped3A = tpu.sem_alloc : memref<!tpu.dma_semaphore, #tpu.memory_space<semaphore_mem>>
          %dma_start3A_89 = tpu.memref_slice %arg3[%multiple_of3A_81] : memref<320000xi32, #tpu.memory_space<hbm>> -> memref<80xi32, #tpu.memory_space<hbm>>
          %dma_start3A_90 = tpu.memref_slice %arg3[%multiple_of3A_81] : memref<320000xi32, #tpu.memory_space<hbm>> -> memref<80xi32, #tpu.memory_space<hbm>>
          tpu.enqueue_dma source(%dma_start3A_90 : memref<80xi32, #tpu.memory_space<hbm>>) target(%arg11 : memref<80xi32, #tpu.memory_space<vmem>>) target_semaphore(%run_scoped3A : memref<!tpu.dma_semaphore, #tpu.memory_space<semaphore_mem>>)
          %dma_wait3A_91 = tpu.memref_slice %arg3[%multiple_of3A_81] : memref<320000xi32, #tpu.memory_space<hbm>> -> memref<80xi32, #tpu.memory_space<hbm>>
          %dma_wait3A_92 = tpu.memref_slice %arg3[%multiple_of3A_81] : memref<320000xi32, #tpu.memory_space<hbm>> -> memref<80xi32, #tpu.memory_space<hbm>>
          tpu.wait_dma2 semaphore(%run_scoped3A : memref<!tpu.dma_semaphore, #tpu.memory_space<semaphore_mem>>) src(%dma_wait3A_92 : memref<80xi32, #tpu.memory_space<hbm>>) dst(%arg11 : memref<80xi32, #tpu.memory_space<vmem>>)
          tpu.yield
        }) : () -> ()
        %dma_start3A_82 = arith.constant 0 : i32
        %dma_start3A_83 = arith.constant 0 : i32
        %dma_start3A_84 = tpu.memref_slice %arg4[%add3A_5, %dma_start3A_82, %dma_start3A_83] : memref<4x10000x128xf32, #tpu.memory_space<hbm>> -> memref<1x10000x128xf32, #tpu.memory_space<hbm>>
        %dma_start3A_85 = tpu.memref_squeeze %dma_start3A_84 : memref<1x10000x128xf32, #tpu.memory_space<hbm>> -> memref<10000x128xf32, #tpu.memory_space<hbm>>
        %dma_start3A_86 = arith.constant 0 : i32
        %dma_start3A_87 = arith.constant 0 : i32
        %dma_start3A_88 = tpu.memref_slice %dma_start3A_85[%dma_start3A_86, %dma_start3A_87] : memref<10000x128xf32, #tpu.memory_space<hbm>> -> memref<10000x128xf32, #tpu.memory_space<hbm>>
        tpu.enqueue_indirect_dma source(%dma_start3A_88 : memref<10000x128xf32, #tpu.memory_space<hbm>>) target(%arg12 : memref<80x128xf32, #tpu.memory_space<vmem>>) offsets(%arg10 : memref<80xi32, #tpu.memory_space<vmem>>) semaphore(%arg15 : memref<!tpu.dma_semaphore, #tpu.memory_space<semaphore_mem>>)
      } else {
      }
      %dma_wait3A = arith.constant 0 : i32
      %dma_wait3A_60 = arith.constant 0 : i32
      %dma_wait3A_61 = tpu.memref_slice %arg4[%add3A_5, %dma_wait3A, %dma_wait3A_60] : memref<4x10000x128xf32, #tpu.memory_space<hbm>> -> memref<1x10000x128xf32, #tpu.memory_space<hbm>>
      %dma_wait3A_62 = tpu.memref_squeeze %dma_wait3A_61 : memref<1x10000x128xf32, #tpu.memory_space<hbm>> -> memref<10000x128xf32, #tpu.memory_space<hbm>>
      %dma_wait3A_63 = arith.constant 0 : i32
      %dma_wait3A_64 = arith.constant 0 : i32
      %dma_wait3A_65 = tpu.memref_slice %dma_wait3A_62[%dma_wait3A_63, %dma_wait3A_64] : memref<10000x128xf32, #tpu.memory_space<hbm>> -> memref<10000x128xf32, #tpu.memory_space<hbm>>
      tpu.wait_indirect_dma semaphore(%arg14 : memref<!tpu.dma_semaphore, #tpu.memory_space<semaphore_mem>>) src(%dma_wait3A_65 : memref<10000x128xf32, #tpu.memory_space<hbm>>) dst(%arg9 : memref<80x128xf32, #tpu.memory_space<vmem>>)
      "tpu.region"() ({
        %run_scoped3A = tpu.sem_alloc : memref<!tpu.dma_semaphore, #tpu.memory_space<semaphore_mem>>
        %dma_start3A_78 = arith.constant 0 : i32
        %dma_start3A_79 = arith.constant 0 : i32
        %dma_start3A_80 = tpu.memref_slice %arg13[%dma_start3A_78, %dma_start3A_79] : memref<10240x128xf32, #tpu.memory_space<vmem_shared>> -> memref<10240x128xf32, #tpu.memory_space<vmem_shared>>
        tpu.enqueue_indirect_dma source(%arg9 : memref<80x128xf32, #tpu.memory_space<vmem>>) target(%dma_start3A_80 : memref<10240x128xf32, #tpu.memory_space<vmem_shared>>) offsets(%arg8 : memref<80xi32, #tpu.memory_space<vmem>>) semaphore(%run_scoped3A : memref<!tpu.dma_semaphore, #tpu.memory_space<semaphore_mem>>) {add = true}
        %dma_wait3A_81 = arith.constant 0 : i32
        %dma_wait3A_82 = arith.constant 0 : i32
        %dma_wait3A_83 = tpu.memref_slice %arg13[%dma_wait3A_81, %dma_wait3A_82] : memref<10240x128xf32, #tpu.memory_space<vmem_shared>> -> memref<10240x128xf32, #tpu.memory_space<vmem_shared>>
        tpu.wait_indirect_dma semaphore(%run_scoped3A : memref<!tpu.dma_semaphore, #tpu.memory_space<semaphore_mem>>) src(%arg9 : memref<80x128xf32, #tpu.memory_space<vmem>>) dst(%dma_wait3A_83 : memref<10240x128xf32, #tpu.memory_space<vmem_shared>>)
        tpu.yield
      }) : () -> ()
      %add3A_66 = arith.constant 2 : i32
      %add3A_67 = arith.addi %mul3A_55, %add3A_66 : i32
      %lt3A_68 = arith.constant 250 : i32
      %lt3A_69 = arith.cmpi slt, %add3A_67, %lt3A_68 : i32
      %convert_element_type3A_70 = arith.extui %lt3A_69 : i1 to i32
      %cond3A_71 = arith.constant 0 : i32
      %cond3A_72 = arith.cmpi ne, %convert_element_type3A_70, %cond3A_71 : i32
      scf.if %cond3A_72 {
        %add3A_78 = arith.constant 2 : i32
        %add3A_79 = arith.addi %mul3A_55, %add3A_78 : i32
        %mul3A_80 = arith.constant 80 : i32
        %mul3A_81 = arith.muli %add3A_79, %mul3A_80 : i32
        %add3A_82 = arith.addi %mul3A_0, %mul3A_81 : i32
        %multiple_of3A_83 = tpu.assume_multiple %add3A_82, 8 : i32
        "tpu.region"() ({
          %run_scoped3A = tpu.sem_alloc : memref<!tpu.dma_semaphore, #tpu.memory_space<semaphore_mem>>
          %dma_start3A_91 = tpu.memref_slice %arg2[%multiple_of3A_83] : memref<320000xi32, #tpu.memory_space<hbm>> -> memref<80xi32, #tpu.memory_space<hbm>>
          %dma_start3A_92 = tpu.memref_slice %arg2[%multiple_of3A_83] : memref<320000xi32, #tpu.memory_space<hbm>> -> memref<80xi32, #tpu.memory_space<hbm>>
          tpu.enqueue_dma source(%dma_start3A_92 : memref<80xi32, #tpu.memory_space<hbm>>) target(%arg7 : memref<80xi32, #tpu.memory_space<vmem>>) target_semaphore(%run_scoped3A : memref<!tpu.dma_semaphore, #tpu.memory_space<semaphore_mem>>)
          %dma_wait3A_93 = tpu.memref_slice %arg2[%multiple_of3A_83] : memref<320000xi32, #tpu.memory_space<hbm>> -> memref<80xi32, #tpu.memory_space<hbm>>
          %dma_wait3A_94 = tpu.memref_slice %arg2[%multiple_of3A_83] : memref<320000xi32, #tpu.memory_space<hbm>> -> memref<80xi32, #tpu.memory_space<hbm>>
          tpu.wait_dma2 semaphore(%run_scoped3A : memref<!tpu.dma_semaphore, #tpu.memory_space<semaphore_mem>>) src(%dma_wait3A_94 : memref<80xi32, #tpu.memory_space<hbm>>) dst(%arg7 : memref<80xi32, #tpu.memory_space<vmem>>)
          tpu.yield
        }) : () -> ()
        "tpu.region"() ({
          %run_scoped3A = tpu.sem_alloc : memref<!tpu.dma_semaphore, #tpu.memory_space<semaphore_mem>>
          %dma_start3A_91 = tpu.memref_slice %arg3[%multiple_of3A_83] : memref<320000xi32, #tpu.memory_space<hbm>> -> memref<80xi32, #tpu.memory_space<hbm>>
          %dma_start3A_92 = tpu.memref_slice %arg3[%multiple_of3A_83] : memref<320000xi32, #tpu.memory_space<hbm>> -> memref<80xi32, #tpu.memory_space<hbm>>
          tpu.enqueue_dma source(%dma_start3A_92 : memref<80xi32, #tpu.memory_space<hbm>>) target(%arg8 : memref<80xi32, #tpu.memory_space<vmem>>) target_semaphore(%run_scoped3A : memref<!tpu.dma_semaphore, #tpu.memory_space<semaphore_mem>>)
          %dma_wait3A_93 = tpu.memref_slice %arg3[%multiple_of3A_83] : memref<320000xi32, #tpu.memory_space<hbm>> -> memref<80xi32, #tpu.memory_space<hbm>>
          %dma_wait3A_94 = tpu.memref_slice %arg3[%multiple_of3A_83] : memref<320000xi32, #tpu.memory_space<hbm>> -> memref<80xi32, #tpu.memory_space<hbm>>
          tpu.wait_dma2 semaphore(%run_scoped3A : memref<!tpu.dma_semaphore, #tpu.memory_space<semaphore_mem>>) src(%dma_wait3A_94 : memref<80xi32, #tpu.memory_space<hbm>>) dst(%arg8 : memref<80xi32, #tpu.memory_space<vmem>>)
          tpu.yield
        }) : () -> ()
        %dma_start3A_84 = arith.constant 0 : i32
        %dma_start3A_85 = arith.constant 0 : i32
        %dma_start3A_86 = tpu.memref_slice %arg4[%add3A_5, %dma_start3A_84, %dma_start3A_85] : memref<4x10000x128xf32, #tpu.memory_space<hbm>> -> memref<1x10000x128xf32, #tpu.memory_space<hbm>>
        %dma_start3A_87 = tpu.memref_squeeze %dma_start3A_86 : memref<1x10000x128xf32, #tpu.memory_space<hbm>> -> memref<10000x128xf32, #tpu.memory_space<hbm>>
        %dma_start3A_88 = arith.constant 0 : i32
        %dma_start3A_89 = arith.constant 0 : i32
        %dma_start3A_90 = tpu.memref_slice %dma_start3A_87[%dma_start3A_88, %dma_start3A_89] : memref<10000x128xf32, #tpu.memory_space<hbm>> -> memref<10000x128xf32, #tpu.memory_space<hbm>>
        tpu.enqueue_indirect_dma source(%dma_start3A_90 : memref<10000x128xf32, #tpu.memory_space<hbm>>) target(%arg9 : memref<80x128xf32, #tpu.memory_space<vmem>>) offsets(%arg7 : memref<80xi32, #tpu.memory_space<vmem>>) semaphore(%arg14 : memref<!tpu.dma_semaphore, #tpu.memory_space<semaphore_mem>>)
      } else {
      }
      %lt3A_73 = arith.constant 250 : i32
      %lt3A_74 = arith.cmpi slt, %add3A_57, %lt3A_73 : i32
      %convert_element_type3A_75 = arith.extui %lt3A_74 : i1 to i32
      %cond3A_76 = arith.constant 0 : i32
      %cond3A_77 = arith.cmpi ne, %convert_element_type3A_75, %cond3A_76 : i32
      scf.if %cond3A_77 {
        %dma_wait3A_78 = arith.constant 0 : i32
        %dma_wait3A_79 = arith.constant 0 : i32
        %dma_wait3A_80 = tpu.memref_slice %arg4[%add3A_5, %dma_wait3A_78, %dma_wait3A_79] : memref<4x10000x128xf32, #tpu.memory_space<hbm>> -> memref<1x10000x128xf32, #tpu.memory_space<hbm>>
        %dma_wait3A_81 = tpu.memref_squeeze %dma_wait3A_80 : memref<1x10000x128xf32, #tpu.memory_space<hbm>> -> memref<10000x128xf32, #tpu.memory_space<hbm>>
        %dma_wait3A_82 = arith.constant 0 : i32
        %dma_wait3A_83 = arith.constant 0 : i32
        %dma_wait3A_84 = tpu.memref_slice %dma_wait3A_81[%dma_wait3A_82, %dma_wait3A_83] : memref<10000x128xf32, #tpu.memory_space<hbm>> -> memref<10000x128xf32, #tpu.memory_space<hbm>>
        tpu.wait_indirect_dma semaphore(%arg15 : memref<!tpu.dma_semaphore, #tpu.memory_space<semaphore_mem>>) src(%dma_wait3A_84 : memref<10000x128xf32, #tpu.memory_space<hbm>>) dst(%arg12 : memref<80x128xf32, #tpu.memory_space<vmem>>)
        "tpu.region"() ({
          %run_scoped3A = tpu.sem_alloc : memref<!tpu.dma_semaphore, #tpu.memory_space<semaphore_mem>>
          %dma_start3A_85 = arith.constant 0 : i32
          %dma_start3A_86 = arith.constant 0 : i32
          %dma_start3A_87 = tpu.memref_slice %arg13[%dma_start3A_85, %dma_start3A_86] : memref<10240x128xf32, #tpu.memory_space<vmem_shared>> -> memref<10240x128xf32, #tpu.memory_space<vmem_shared>>
          tpu.enqueue_indirect_dma source(%arg12 : memref<80x128xf32, #tpu.memory_space<vmem>>) target(%dma_start3A_87 : memref<10240x128xf32, #tpu.memory_space<vmem_shared>>) offsets(%arg11 : memref<80xi32, #tpu.memory_space<vmem>>) semaphore(%run_scoped3A : memref<!tpu.dma_semaphore, #tpu.memory_space<semaphore_mem>>) {add = true}
          %dma_wait3A_88 = arith.constant 0 : i32
          %dma_wait3A_89 = arith.constant 0 : i32
          %dma_wait3A_90 = tpu.memref_slice %arg13[%dma_wait3A_88, %dma_wait3A_89] : memref<10240x128xf32, #tpu.memory_space<vmem_shared>> -> memref<10240x128xf32, #tpu.memory_space<vmem_shared>>
          tpu.wait_indirect_dma semaphore(%run_scoped3A : memref<!tpu.dma_semaphore, #tpu.memory_space<semaphore_mem>>) src(%arg12 : memref<80x128xf32, #tpu.memory_space<vmem>>) dst(%dma_wait3A_90 : memref<10240x128xf32, #tpu.memory_space<vmem_shared>>)
          tpu.yield
        }) : () -> ()
      } else {
      }
    }
    %scan3A_18 = arith.constant 125 : i32
    %barrier3A_19 = arith.constant 0 : index
    tpu.barrier barrier_id(%barrier3A_19)
    %mul3A_20 = arith.constant 640 : i32
    %mul3A_21 = arith.muli %arg1, %mul3A_20 : i32
    %mul3A_22 = arith.constant 640 : i32
    %mul3A_23 = arith.muli %arg1, %mul3A_22 : i32
    "tpu.region"() ({
      %run_scoped3A = tpu.sem_alloc : memref<!tpu.dma_semaphore, #tpu.memory_space<semaphore_mem>>
      %dma_start3A_53 = arith.constant 0 : i32
      %dma_start3A_54 = arith.constant 0 : i32
      %dma_start3A_55 = tpu.memref_slice %arg6[%add3A_5, %dma_start3A_53, %dma_start3A_54] : memref<4x10240x128xf32, #tpu.memory_space<hbm>> -> memref<1x10240x128xf32, #tpu.memory_space<hbm>>
      %dma_start3A_56 = tpu.memref_squeeze %dma_start3A_55 : memref<1x10240x128xf32, #tpu.memory_space<hbm>> -> memref<10240x128xf32, #tpu.memory_space<hbm>>
      %dma_start3A_57 = arith.constant 0 : i32
      %dma_start3A_58 = tpu.memref_slice %dma_start3A_56[%mul3A_23, %dma_start3A_57] : memref<10240x128xf32, #tpu.memory_space<hbm>> -> memref<640x128xf32, #tpu.memory_space<hbm>>
      %dma_start3A_59 = arith.constant 0 : i32
      %dma_start3A_60 = tpu.memref_slice %arg13[%mul3A_21, %dma_start3A_59] : memref<10240x128xf32, #tpu.memory_space<vmem_shared>> -> memref<640x128xf32, #tpu.memory_space<vmem_shared>>
      tpu.enqueue_dma source(%dma_start3A_60 : memref<640x128xf32, #tpu.memory_space<vmem_shared>>) target(%dma_start3A_58 : memref<640x128xf32, #tpu.memory_space<hbm>>) target_semaphore(%run_scoped3A : memref<!tpu.dma_semaphore, #tpu.memory_space<semaphore_mem>>)
      %dma_wait3A = arith.constant 0 : i32
      %dma_wait3A_61 = arith.constant 0 : i32
      %dma_wait3A_62 = tpu.memref_slice %arg6[%add3A_5, %dma_wait3A, %dma_wait3A_61] : memref<4x10240x128xf32, #tpu.memory_space<hbm>> -> memref<1x10240x128xf32, #tpu.memory_space<hbm>>
      %dma_wait3A_63 = tpu.memref_squeeze %dma_wait3A_62 : memref<1x10240x128xf32, #tpu.memory_space<hbm>> -> memref<10240x128xf32, #tpu.memory_space<hbm>>
      %dma_wait3A_64 = arith.constant 0 : i32
      %dma_wait3A_65 = tpu.memref_slice %dma_wait3A_63[%mul3A_23, %dma_wait3A_64] : memref<10240x128xf32, #tpu.memory_space<hbm>> -> memref<640x128xf32, #tpu.memory_space<hbm>>
      %dma_wait3A_66 = arith.constant 0 : i32
      %dma_wait3A_67 = tpu.memref_slice %arg13[%mul3A_21, %dma_wait3A_66] : memref<10240x128xf32, #tpu.memory_space<vmem_shared>> -> memref<640x128xf32, #tpu.memory_space<vmem_shared>>
      tpu.wait_dma2 semaphore(%run_scoped3A : memref<!tpu.dma_semaphore, #tpu.memory_space<semaphore_mem>>) src(%dma_wait3A_67 : memref<640x128xf32, #tpu.memory_space<vmem_shared>>) dst(%dma_wait3A_65 : memref<640x128xf32, #tpu.memory_space<hbm>>)
      tpu.yield
    }) : () -> ()
    %mul3A_24 = arith.constant 640 : i32
    %mul3A_25 = arith.muli %arg1, %mul3A_24 : i32
    "tpu.region"() ({
      %run_scoped3A = tpu.sem_alloc : memref<!tpu.dma_semaphore, #tpu.memory_space<semaphore_mem>>
      %dma_start3A_53 = arith.constant 0 : i32
      %dma_start3A_54 = tpu.memref_slice %arg13[%mul3A_25, %dma_start3A_53] : memref<10240x128xf32, #tpu.memory_space<vmem_shared>> -> memref<640x128xf32, #tpu.memory_space<vmem_shared>>
      tpu.enqueue_dma source(%arg5 : memref<640x128xf32, #tpu.memory_space<hbm>>) target(%dma_start3A_54 : memref<640x128xf32, #tpu.memory_space<vmem_shared>>) target_semaphore(%run_scoped3A : memref<!tpu.dma_semaphore, #tpu.memory_space<semaphore_mem>>)
      %dma_wait3A = arith.constant 0 : i32
      %dma_wait3A_55 = tpu.memref_slice %arg13[%mul3A_25, %dma_wait3A] : memref<10240x128xf32, #tpu.memory_space<vmem_shared>> -> memref<640x128xf32, #tpu.memory_space<vmem_shared>>
      tpu.wait_dma2 semaphore(%run_scoped3A : memref<!tpu.dma_semaphore, #tpu.memory_space<semaphore_mem>>) src(%arg5 : memref<640x128xf32, #tpu.memory_space<hbm>>) dst(%dma_wait3A_55 : memref<640x128xf32, #tpu.memory_space<vmem_shared>>)
      tpu.yield
    }) : () -> ()
    %barrier3A_26 = arith.constant 0 : index
    tpu.barrier barrier_id(%barrier3A_26)
    %mul3A_27 = arith.constant 2 : i32
    %mul3A_28 = arith.muli %arg0, %mul3A_27 : i32
    %add3A_29 = arith.constant 1 : i32
    %add3A_30 = arith.addi %mul3A_28, %add3A_29 : i32
    %add3A_31 = arith.constant 0 : i32
    %add3A_32 = arith.addi %mul3A_0, %add3A_31 : i32
    %multiple_of3A_33 = tpu.assume_multiple %add3A_32, 8 : i32
    "tpu.region"() ({
      %run_scoped3A = tpu.sem_alloc : memref<!tpu.dma_semaphore, #tpu.memory_space<semaphore_mem>>
      %dma_start3A_53 = tpu.memref_slice %arg2[%multiple_of3A_33] : memref<320000xi32, #tpu.memory_space<hbm>> -> memref<80xi32, #tpu.memory_space<hbm>>
      %dma_start3A_54 = tpu.memref_slice %arg2[%multiple_of3A_33] : memref<320000xi32, #tpu.memory_space<hbm>> -> memref<80xi32, #tpu.memory_space<hbm>>
      tpu.enqueue_dma source(%dma_start3A_54 : memref<80xi32, #tpu.memory_space<hbm>>) target(%arg7 : memref<80xi32, #tpu.memory_space<vmem>>) target_semaphore(%run_scoped3A : memref<!tpu.dma_semaphore, #tpu.memory_space<semaphore_mem>>)
      %dma_wait3A = tpu.memref_slice %arg2[%multiple_of3A_33] : memref<320000xi32, #tpu.memory_space<hbm>> -> memref<80xi32, #tpu.memory_space<hbm>>
      %dma_wait3A_55 = tpu.memref_slice %arg2[%multiple_of3A_33] : memref<320000xi32, #tpu.memory_space<hbm>> -> memref<80xi32, #tpu.memory_space<hbm>>
      tpu.wait_dma2 semaphore(%run_scoped3A : memref<!tpu.dma_semaphore, #tpu.memory_space<semaphore_mem>>) src(%dma_wait3A_55 : memref<80xi32, #tpu.memory_space<hbm>>) dst(%arg7 : memref<80xi32, #tpu.memory_space<vmem>>)
      tpu.yield
    }) : () -> ()
    "tpu.region"() ({
      %run_scoped3A = tpu.sem_alloc : memref<!tpu.dma_semaphore, #tpu.memory_space<semaphore_mem>>
      %dma_start3A_53 = tpu.memref_slice %arg3[%multiple_of3A_33] : memref<320000xi32, #tpu.memory_space<hbm>> -> memref<80xi32, #tpu.memory_space<hbm>>
      %dma_start3A_54 = tpu.memref_slice %arg3[%multiple_of3A_33] : memref<320000xi32, #tpu.memory_space<hbm>> -> memref<80xi32, #tpu.memory_space<hbm>>
      tpu.enqueue_dma source(%dma_start3A_54 : memref<80xi32, #tpu.memory_space<hbm>>) target(%arg8 : memref<80xi32, #tpu.memory_space<vmem>>) target_semaphore(%run_scoped3A : memref<!tpu.dma_semaphore, #tpu.memory_space<semaphore_mem>>)
      %dma_wait3A = tpu.memref_slice %arg3[%multiple_of3A_33] : memref<320000xi32, #tpu.memory_space<hbm>> -> memref<80xi32, #tpu.memory_space<hbm>>
      %dma_wait3A_55 = tpu.memref_slice %arg3[%multiple_of3A_33] : memref<320000xi32, #tpu.memory_space<hbm>> -> memref<80xi32, #tpu.memory_space<hbm>>
      tpu.wait_dma2 semaphore(%run_scoped3A : memref<!tpu.dma_semaphore, #tpu.memory_space<semaphore_mem>>) src(%dma_wait3A_55 : memref<80xi32, #tpu.memory_space<hbm>>) dst(%arg8 : memref<80xi32, #tpu.memory_space<vmem>>)
      tpu.yield
    }) : () -> ()
    %dma_start3A_34 = arith.constant 0 : i32
    %dma_start3A_35 = arith.constant 0 : i32
    %dma_start3A_36 = tpu.memref_slice %arg4[%add3A_30, %dma_start3A_34, %dma_start3A_35] : memref<4x10000x128xf32, #tpu.memory_space<hbm>> -> memref<1x10000x128xf32, #tpu.memory_space<hbm>>
    %dma_start3A_37 = tpu.memref_squeeze %dma_start3A_36 : memref<1x10000x128xf32, #tpu.memory_space<hbm>> -> memref<10000x128xf32, #tpu.memory_space<hbm>>
    %dma_start3A_38 = arith.constant 0 : i32
    %dma_start3A_39 = arith.constant 0 : i32
    %dma_start3A_40 = tpu.memref_slice %dma_start3A_37[%dma_start3A_38, %dma_start3A_39] : memref<10000x128xf32, #tpu.memory_space<hbm>> -> memref<10000x128xf32, #tpu.memory_space<hbm>>
    tpu.enqueue_indirect_dma source(%dma_start3A_40 : memref<10000x128xf32, #tpu.memory_space<hbm>>) target(%arg9 : memref<80x128xf32, #tpu.memory_space<vmem>>) offsets(%arg7 : memref<80xi32, #tpu.memory_space<vmem>>) semaphore(%arg14 : memref<!tpu.dma_semaphore, #tpu.memory_space<semaphore_mem>>)
    %scan3A_41 = arith.constant 0 : i32
    %scan3A_42 = arith.constant 0 : i32
    %scan3A_43 = arith.constant 125 : i32
    %scan3A_44 = arith.addi %scan3A_42, %scan3A_43 : i32
    %scan3A_45 = arith.constant 1 : i32
    scf.for %scan3A_53 = %scan3A_42 to %scan3A_44 step %scan3A_45  : i32 {
      %mul3A_54 = arith.constant 2 : i32
      %mul3A_55 = arith.muli %scan3A_53, %mul3A_54 : i32
      %add3A_56 = arith.constant 1 : i32
      %add3A_57 = arith.addi %mul3A_55, %add3A_56 : i32
      %lt3A = arith.constant 250 : i32
      %lt3A_58 = arith.cmpi slt, %add3A_57, %lt3A : i32
      %convert_element_type3A = arith.extui %lt3A_58 : i1 to i32
      %cond3A = arith.constant 0 : i32
      %cond3A_59 = arith.cmpi ne, %convert_element_type3A, %cond3A : i32
      scf.if %cond3A_59 {
        %mul3A_78 = arith.constant 80 : i32
        %mul3A_79 = arith.muli %add3A_57, %mul3A_78 : i32
        %add3A_80 = arith.addi %mul3A_0, %mul3A_79 : i32
        %multiple_of3A_81 = tpu.assume_multiple %add3A_80, 8 : i32
        "tpu.region"() ({
          %run_scoped3A = tpu.sem_alloc : memref<!tpu.dma_semaphore, #tpu.memory_space<semaphore_mem>>
          %dma_start3A_89 = tpu.memref_slice %arg2[%multiple_of3A_81] : memref<320000xi32, #tpu.memory_space<hbm>> -> memref<80xi32, #tpu.memory_space<hbm>>
          %dma_start3A_90 = tpu.memref_slice %arg2[%multiple_of3A_81] : memref<320000xi32, #tpu.memory_space<hbm>> -> memref<80xi32, #tpu.memory_space<hbm>>
          tpu.enqueue_dma source(%dma_start3A_90 : memref<80xi32, #tpu.memory_space<hbm>>) target(%arg10 : memref<80xi32, #tpu.memory_space<vmem>>) target_semaphore(%run_scoped3A : memref<!tpu.dma_semaphore, #tpu.memory_space<semaphore_mem>>)
          %dma_wait3A_91 = tpu.memref_slice %arg2[%multiple_of3A_81] : memref<320000xi32, #tpu.memory_space<hbm>> -> memref<80xi32, #tpu.memory_space<hbm>>
          %dma_wait3A_92 = tpu.memref_slice %arg2[%multiple_of3A_81] : memref<320000xi32, #tpu.memory_space<hbm>> -> memref<80xi32, #tpu.memory_space<hbm>>
          tpu.wait_dma2 semaphore(%run_scoped3A : memref<!tpu.dma_semaphore, #tpu.memory_space<semaphore_mem>>) src(%dma_wait3A_92 : memref<80xi32, #tpu.memory_space<hbm>>) dst(%arg10 : memref<80xi32, #tpu.memory_space<vmem>>)
          tpu.yield
        }) : () -> ()
        "tpu.region"() ({
          %run_scoped3A = tpu.sem_alloc : memref<!tpu.dma_semaphore, #tpu.memory_space<semaphore_mem>>
          %dma_start3A_89 = tpu.memref_slice %arg3[%multiple_of3A_81] : memref<320000xi32, #tpu.memory_space<hbm>> -> memref<80xi32, #tpu.memory_space<hbm>>
          %dma_start3A_90 = tpu.memref_slice %arg3[%multiple_of3A_81] : memref<320000xi32, #tpu.memory_space<hbm>> -> memref<80xi32, #tpu.memory_space<hbm>>
          tpu.enqueue_dma source(%dma_start3A_90 : memref<80xi32, #tpu.memory_space<hbm>>) target(%arg11 : memref<80xi32, #tpu.memory_space<vmem>>) target_semaphore(%run_scoped3A : memref<!tpu.dma_semaphore, #tpu.memory_space<semaphore_mem>>)
          %dma_wait3A_91 = tpu.memref_slice %arg3[%multiple_of3A_81] : memref<320000xi32, #tpu.memory_space<hbm>> -> memref<80xi32, #tpu.memory_space<hbm>>
          %dma_wait3A_92 = tpu.memref_slice %arg3[%multiple_of3A_81] : memref<320000xi32, #tpu.memory_space<hbm>> -> memref<80xi32, #tpu.memory_space<hbm>>
          tpu.wait_dma2 semaphore(%run_scoped3A : memref<!tpu.dma_semaphore, #tpu.memory_space<semaphore_mem>>) src(%dma_wait3A_92 : memref<80xi32, #tpu.memory_space<hbm>>) dst(%arg11 : memref<80xi32, #tpu.memory_space<vmem>>)
          tpu.yield
        }) : () -> ()
        %dma_start3A_82 = arith.constant 0 : i32
        %dma_start3A_83 = arith.constant 0 : i32
        %dma_start3A_84 = tpu.memref_slice %arg4[%add3A_30, %dma_start3A_82, %dma_start3A_83] : memref<4x10000x128xf32, #tpu.memory_space<hbm>> -> memref<1x10000x128xf32, #tpu.memory_space<hbm>>
        %dma_start3A_85 = tpu.memref_squeeze %dma_start3A_84 : memref<1x10000x128xf32, #tpu.memory_space<hbm>> -> memref<10000x128xf32, #tpu.memory_space<hbm>>
        %dma_start3A_86 = arith.constant 0 : i32
        %dma_start3A_87 = arith.constant 0 : i32
        %dma_start3A_88 = tpu.memref_slice %dma_start3A_85[%dma_start3A_86, %dma_start3A_87] : memref<10000x128xf32, #tpu.memory_space<hbm>> -> memref<10000x128xf32, #tpu.memory_space<hbm>>
        tpu.enqueue_indirect_dma source(%dma_start3A_88 : memref<10000x128xf32, #tpu.memory_space<hbm>>) target(%arg12 : memref<80x128xf32, #tpu.memory_space<vmem>>) offsets(%arg10 : memref<80xi32, #tpu.memory_space<vmem>>) semaphore(%arg15 : memref<!tpu.dma_semaphore, #tpu.memory_space<semaphore_mem>>)
      } else {
      }
      %dma_wait3A = arith.constant 0 : i32
      %dma_wait3A_60 = arith.constant 0 : i32
      %dma_wait3A_61 = tpu.memref_slice %arg4[%add3A_30, %dma_wait3A, %dma_wait3A_60] : memref<4x10000x128xf32, #tpu.memory_space<hbm>> -> memref<1x10000x128xf32, #tpu.memory_space<hbm>>
      %dma_wait3A_62 = tpu.memref_squeeze %dma_wait3A_61 : memref<1x10000x128xf32, #tpu.memory_space<hbm>> -> memref<10000x128xf32, #tpu.memory_space<hbm>>
      %dma_wait3A_63 = arith.constant 0 : i32
      %dma_wait3A_64 = arith.constant 0 : i32
      %dma_wait3A_65 = tpu.memref_slice %dma_wait3A_62[%dma_wait3A_63, %dma_wait3A_64] : memref<10000x128xf32, #tpu.memory_space<hbm>> -> memref<10000x128xf32, #tpu.memory_space<hbm>>
      tpu.wait_indirect_dma semaphore(%arg14 : memref<!tpu.dma_semaphore, #tpu.memory_space<semaphore_mem>>) src(%dma_wait3A_65 : memref<10000x128xf32, #tpu.memory_space<hbm>>) dst(%arg9 : memref<80x128xf32, #tpu.memory_space<vmem>>)
      "tpu.region"() ({
        %run_scoped3A = tpu.sem_alloc : memref<!tpu.dma_semaphore, #tpu.memory_space<semaphore_mem>>
        %dma_start3A_78 = arith.constant 0 : i32
        %dma_start3A_79 = arith.constant 0 : i32
        %dma_start3A_80 = tpu.memref_slice %arg13[%dma_start3A_78, %dma_start3A_79] : memref<10240x128xf32, #tpu.memory_space<vmem_shared>> -> memref<10240x128xf32, #tpu.memory_space<vmem_shared>>
        tpu.enqueue_indirect_dma source(%arg9 : memref<80x128xf32, #tpu.memory_space<vmem>>) target(%dma_start3A_80 : memref<10240x128xf32, #tpu.memory_space<vmem_shared>>) offsets(%arg8 : memref<80xi32, #tpu.memory_space<vmem>>) semaphore(%run_scoped3A : memref<!tpu.dma_semaphore, #tpu.memory_space<semaphore_mem>>) {add = true}
        %dma_wait3A_81 = arith.constant 0 : i32
        %dma_wait3A_82 = arith.constant 0 : i32
        %dma_wait3A_83 = tpu.memref_slice %arg13[%dma_wait3A_81, %dma_wait3A_82] : memref<10240x128xf32, #tpu.memory_space<vmem_shared>> -> memref<10240x128xf32, #tpu.memory_space<vmem_shared>>
        tpu.wait_indirect_dma semaphore(%run_scoped3A : memref<!tpu.dma_semaphore, #tpu.memory_space<semaphore_mem>>) src(%arg9 : memref<80x128xf32, #tpu.memory_space<vmem>>) dst(%dma_wait3A_83 : memref<10240x128xf32, #tpu.memory_space<vmem_shared>>)
        tpu.yield
      }) : () -> ()
      %add3A_66 = arith.constant 2 : i32
      %add3A_67 = arith.addi %mul3A_55, %add3A_66 : i32
      %lt3A_68 = arith.constant 250 : i32
      %lt3A_69 = arith.cmpi slt, %add3A_67, %lt3A_68 : i32
      %convert_element_type3A_70 = arith.extui %lt3A_69 : i1 to i32
      %cond3A_71 = arith.constant 0 : i32
      %cond3A_72 = arith.cmpi ne, %convert_element_type3A_70, %cond3A_71 : i32
      scf.if %cond3A_72 {
        %add3A_78 = arith.constant 2 : i32
        %add3A_79 = arith.addi %mul3A_55, %add3A_78 : i32
        %mul3A_80 = arith.constant 80 : i32
        %mul3A_81 = arith.muli %add3A_79, %mul3A_80 : i32
        %add3A_82 = arith.addi %mul3A_0, %mul3A_81 : i32
        %multiple_of3A_83 = tpu.assume_multiple %add3A_82, 8 : i32
        "tpu.region"() ({
          %run_scoped3A = tpu.sem_alloc : memref<!tpu.dma_semaphore, #tpu.memory_space<semaphore_mem>>
          %dma_start3A_91 = tpu.memref_slice %arg2[%multiple_of3A_83] : memref<320000xi32, #tpu.memory_space<hbm>> -> memref<80xi32, #tpu.memory_space<hbm>>
          %dma_start3A_92 = tpu.memref_slice %arg2[%multiple_of3A_83] : memref<320000xi32, #tpu.memory_space<hbm>> -> memref<80xi32, #tpu.memory_space<hbm>>
          tpu.enqueue_dma source(%dma_start3A_92 : memref<80xi32, #tpu.memory_space<hbm>>) target(%arg7 : memref<80xi32, #tpu.memory_space<vmem>>) target_semaphore(%run_scoped3A : memref<!tpu.dma_semaphore, #tpu.memory_space<semaphore_mem>>)
          %dma_wait3A_93 = tpu.memref_slice %arg2[%multiple_of3A_83] : memref<320000xi32, #tpu.memory_space<hbm>> -> memref<80xi32, #tpu.memory_space<hbm>>
          %dma_wait3A_94 = tpu.memref_slice %arg2[%multiple_of3A_83] : memref<320000xi32, #tpu.memory_space<hbm>> -> memref<80xi32, #tpu.memory_space<hbm>>
          tpu.wait_dma2 semaphore(%run_scoped3A : memref<!tpu.dma_semaphore, #tpu.memory_space<semaphore_mem>>) src(%dma_wait3A_94 : memref<80xi32, #tpu.memory_space<hbm>>) dst(%arg7 : memref<80xi32, #tpu.memory_space<vmem>>)
          tpu.yield
        }) : () -> ()
        "tpu.region"() ({
          %run_scoped3A = tpu.sem_alloc : memref<!tpu.dma_semaphore, #tpu.memory_space<semaphore_mem>>
          %dma_start3A_91 = tpu.memref_slice %arg3[%multiple_of3A_83] : memref<320000xi32, #tpu.memory_space<hbm>> -> memref<80xi32, #tpu.memory_space<hbm>>
          %dma_start3A_92 = tpu.memref_slice %arg3[%multiple_of3A_83] : memref<320000xi32, #tpu.memory_space<hbm>> -> memref<80xi32, #tpu.memory_space<hbm>>
          tpu.enqueue_dma source(%dma_start3A_92 : memref<80xi32, #tpu.memory_space<hbm>>) target(%arg8 : memref<80xi32, #tpu.memory_space<vmem>>) target_semaphore(%run_scoped3A : memref<!tpu.dma_semaphore, #tpu.memory_space<semaphore_mem>>)
          %dma_wait3A_93 = tpu.memref_slice %arg3[%multiple_of3A_83] : memref<320000xi32, #tpu.memory_space<hbm>> -> memref<80xi32, #tpu.memory_space<hbm>>
          %dma_wait3A_94 = tpu.memref_slice %arg3[%multiple_of3A_83] : memref<320000xi32, #tpu.memory_space<hbm>> -> memref<80xi32, #tpu.memory_space<hbm>>
          tpu.wait_dma2 semaphore(%run_scoped3A : memref<!tpu.dma_semaphore, #tpu.memory_space<semaphore_mem>>) src(%dma_wait3A_94 : memref<80xi32, #tpu.memory_space<hbm>>) dst(%arg8 : memref<80xi32, #tpu.memory_space<vmem>>)
          tpu.yield
        }) : () -> ()
        %dma_start3A_84 = arith.constant 0 : i32
        %dma_start3A_85 = arith.constant 0 : i32
        %dma_start3A_86 = tpu.memref_slice %arg4[%add3A_30, %dma_start3A_84, %dma_start3A_85] : memref<4x10000x128xf32, #tpu.memory_space<hbm>> -> memref<1x10000x128xf32, #tpu.memory_space<hbm>>
        %dma_start3A_87 = tpu.memref_squeeze %dma_start3A_86 : memref<1x10000x128xf32, #tpu.memory_space<hbm>> -> memref<10000x128xf32, #tpu.memory_space<hbm>>
        %dma_start3A_88 = arith.constant 0 : i32
        %dma_start3A_89 = arith.constant 0 : i32
        %dma_start3A_90 = tpu.memref_slice %dma_start3A_87[%dma_start3A_88, %dma_start3A_89] : memref<10000x128xf32, #tpu.memory_space<hbm>> -> memref<10000x128xf32, #tpu.memory_space<hbm>>
        tpu.enqueue_indirect_dma source(%dma_start3A_90 : memref<10000x128xf32, #tpu.memory_space<hbm>>) target(%arg9 : memref<80x128xf32, #tpu.memory_space<vmem>>) offsets(%arg7 : memref<80xi32, #tpu.memory_space<vmem>>) semaphore(%arg14 : memref<!tpu.dma_semaphore, #tpu.memory_space<semaphore_mem>>)
      } else {
      }
      %lt3A_73 = arith.constant 250 : i32
      %lt3A_74 = arith.cmpi slt, %add3A_57, %lt3A_73 : i32
      %convert_element_type3A_75 = arith.extui %lt3A_74 : i1 to i32
      %cond3A_76 = arith.constant 0 : i32
      %cond3A_77 = arith.cmpi ne, %convert_element_type3A_75, %cond3A_76 : i32
      scf.if %cond3A_77 {
        %dma_wait3A_78 = arith.constant 0 : i32
        %dma_wait3A_79 = arith.constant 0 : i32
        %dma_wait3A_80 = tpu.memref_slice %arg4[%add3A_30, %dma_wait3A_78, %dma_wait3A_79] : memref<4x10000x128xf32, #tpu.memory_space<hbm>> -> memref<1x10000x128xf32, #tpu.memory_space<hbm>>
        %dma_wait3A_81 = tpu.memref_squeeze %dma_wait3A_80 : memref<1x10000x128xf32, #tpu.memory_space<hbm>> -> memref<10000x128xf32, #tpu.memory_space<hbm>>
        %dma_wait3A_82 = arith.constant 0 : i32
        %dma_wait3A_83 = arith.constant 0 : i32
        %dma_wait3A_84 = tpu.memref_slice %dma_wait3A_81[%dma_wait3A_82, %dma_wait3A_83] : memref<10000x128xf32, #tpu.memory_space<hbm>> -> memref<10000x128xf32, #tpu.memory_space<hbm>>
        tpu.wait_indirect_dma semaphore(%arg15 : memref<!tpu.dma_semaphore, #tpu.memory_space<semaphore_mem>>) src(%dma_wait3A_84 : memref<10000x128xf32, #tpu.memory_space<hbm>>) dst(%arg12 : memref<80x128xf32, #tpu.memory_space<vmem>>)
        "tpu.region"() ({
          %run_scoped3A = tpu.sem_alloc : memref<!tpu.dma_semaphore, #tpu.memory_space<semaphore_mem>>
          %dma_start3A_85 = arith.constant 0 : i32
          %dma_start3A_86 = arith.constant 0 : i32
          %dma_start3A_87 = tpu.memref_slice %arg13[%dma_start3A_85, %dma_start3A_86] : memref<10240x128xf32, #tpu.memory_space<vmem_shared>> -> memref<10240x128xf32, #tpu.memory_space<vmem_shared>>
          tpu.enqueue_indirect_dma source(%arg12 : memref<80x128xf32, #tpu.memory_space<vmem>>) target(%dma_start3A_87 : memref<10240x128xf32, #tpu.memory_space<vmem_shared>>) offsets(%arg11 : memref<80xi32, #tpu.memory_space<vmem>>) semaphore(%run_scoped3A : memref<!tpu.dma_semaphore, #tpu.memory_space<semaphore_mem>>) {add = true}
          %dma_wait3A_88 = arith.constant 0 : i32
          %dma_wait3A_89 = arith.constant 0 : i32
          %dma_wait3A_90 = tpu.memref_slice %arg13[%dma_wait3A_88, %dma_wait3A_89] : memref<10240x128xf32, #tpu.memory_space<vmem_shared>> -> memref<10240x128xf32, #tpu.memory_space<vmem_shared>>
          tpu.wait_indirect_dma semaphore(%run_scoped3A : memref<!tpu.dma_semaphore, #tpu.memory_space<semaphore_mem>>) src(%arg12 : memref<80x128xf32, #tpu.memory_space<vmem>>) dst(%dma_wait3A_90 : memref<10240x128xf32, #tpu.memory_space<vmem_shared>>)
          tpu.yield
        }) : () -> ()
      } else {
      }
    }
    %scan3A_46 = arith.constant 125 : i32
    %barrier3A_47 = arith.constant 0 : index
    tpu.barrier barrier_id(%barrier3A_47)
    %mul3A_48 = arith.constant 640 : i32
    %mul3A_49 = arith.muli %arg1, %mul3A_48 : i32
    %mul3A_50 = arith.constant 640 : i32
    %mul3A_51 = arith.muli %arg1, %mul3A_50 : i32
    "tpu.region"() ({
      %run_scoped3A = tpu.sem_alloc : memref<!tpu.dma_semaphore, #tpu.memory_space<semaphore_mem>>
      %dma_start3A_53 = arith.constant 0 : i32
      %dma_start3A_54 = arith.constant 0 : i32
      %dma_start3A_55 = tpu.memref_slice %arg6[%add3A_30, %dma_start3A_53, %dma_start3A_54] : memref<4x10240x128xf32, #tpu.memory_space<hbm>> -> memref<1x10240x128xf32, #tpu.memory_space<hbm>>
      %dma_start3A_56 = tpu.memref_squeeze %dma_start3A_55 : memref<1x10240x128xf32, #tpu.memory_space<hbm>> -> memref<10240x128xf32, #tpu.memory_space<hbm>>
      %dma_start3A_57 = arith.constant 0 : i32
      %dma_start3A_58 = tpu.memref_slice %dma_start3A_56[%mul3A_51, %dma_start3A_57] : memref<10240x128xf32, #tpu.memory_space<hbm>> -> memref<640x128xf32, #tpu.memory_space<hbm>>
      %dma_start3A_59 = arith.constant 0 : i32
      %dma_start3A_60 = tpu.memref_slice %arg13[%mul3A_49, %dma_start3A_59] : memref<10240x128xf32, #tpu.memory_space<vmem_shared>> -> memref<640x128xf32, #tpu.memory_space<vmem_shared>>
      tpu.enqueue_dma source(%dma_start3A_60 : memref<640x128xf32, #tpu.memory_space<vmem_shared>>) target(%dma_start3A_58 : memref<640x128xf32, #tpu.memory_space<hbm>>) target_semaphore(%run_scoped3A : memref<!tpu.dma_semaphore, #tpu.memory_space<semaphore_mem>>)
      %dma_wait3A = arith.constant 0 : i32
      %dma_wait3A_61 = arith.constant 0 : i32
      %dma_wait3A_62 = tpu.memref_slice %arg6[%add3A_30, %dma_wait3A, %dma_wait3A_61] : memref<4x10240x128xf32, #tpu.memory_space<hbm>> -> memref<1x10240x128xf32, #tpu.memory_space<hbm>>
      %dma_wait3A_63 = tpu.memref_squeeze %dma_wait3A_62 : memref<1x10240x128xf32, #tpu.memory_space<hbm>> -> memref<10240x128xf32, #tpu.memory_space<hbm>>
      %dma_wait3A_64 = arith.constant 0 : i32
      %dma_wait3A_65 = tpu.memref_slice %dma_wait3A_63[%mul3A_51, %dma_wait3A_64] : memref<10240x128xf32, #tpu.memory_space<hbm>> -> memref<640x128xf32, #tpu.memory_space<hbm>>
      %dma_wait3A_66 = arith.constant 0 : i32
      %dma_wait3A_67 = tpu.memref_slice %arg13[%mul3A_49, %dma_wait3A_66] : memref<10240x128xf32, #tpu.memory_space<vmem_shared>> -> memref<640x128xf32, #tpu.memory_space<vmem_shared>>
      tpu.wait_dma2 semaphore(%run_scoped3A : memref<!tpu.dma_semaphore, #tpu.memory_space<semaphore_mem>>) src(%dma_wait3A_67 : memref<640x128xf32, #tpu.memory_space<vmem_shared>>) dst(%dma_wait3A_65 : memref<640x128xf32, #tpu.memory_space<hbm>>)
      tpu.yield
    }) : () -> ()
    %barrier3A_52 = arith.constant 0 : index
    tpu.barrier barrier_id(%barrier3A_52)
    return
  }
}

#map = affine_map<(d0, d1) -> (0)>
#map1 = affine_map<(d0, d1) -> (0, 0, 0)>
#map2 = affine_map<(d0, d1) -> (0, 0)>
module attributes {stable_mosaic.version = 14 : i64} {
  func.func @k(%arg0: i32, %arg1: i32, %arg2: memref<320000xi32, #tpu.memory_space<hbm>>, %arg3: memref<320000xi32, #tpu.memory_space<hbm>>, %arg4: memref<4x10000x128xf32, #tpu.memory_space<hbm>>, %arg5: memref<640x128xf32, #tpu.memory_space<hbm>>, %arg6: memref<4x10240x128xf32, #tpu.memory_space<hbm>>, %arg7: memref<80xi32, #tpu.memory_space<vmem>>, %arg8: memref<80xi32, #tpu.memory_space<vmem>>, %arg9: memref<80x128xf32, #tpu.memory_space<vmem>>, %arg10: memref<80xi32, #tpu.memory_space<vmem>>, %arg11: memref<80xi32, #tpu.memory_space<vmem>>, %arg12: memref<80x128xf32, #tpu.memory_space<vmem>>, %arg13: memref<10240x128xf32, #tpu.memory_space<vmem_shared>>, %arg14: memref<!tpu.dma_semaphore, #tpu.memory_space<semaphore_mem>>, %arg15: memref<!tpu.dma_semaphore, #tpu.memory_space<semaphore_mem>>) attributes {dimension_semantics = [#tpu.dimension_semantics<core_parallel>, #tpu.dimension_semantics<subcore_parallel>], iteration_bounds = array<i64: 2, 16>, scalar_prefetch = 0 : i64, scratch_operands = 9 : i64, tpu.core_type = #tpu.core_type<sc_vector_subcore>, window_params = [{transform_indices = #map}, {transform_indices = #map}, {transform_indices = #map1}, {transform_indices = #map2}, {transform_indices = #map1}]} {
    %mul3A = arith.constant 20000 : i32
    %mul3A_0 = arith.muli %arg1, %mul3A : i32
    %mul3A_1 = arith.constant 640 : i32
    %mul3A_2 = arith.muli %arg1, %mul3A_1 : i32
    "tpu.region"() ({
      %run_scoped3A = tpu.sem_alloc : memref<!tpu.dma_semaphore, #tpu.memory_space<semaphore_mem>>
      %dma_start3A_53 = arith.constant 0 : i32
      %dma_start3A_54 = tpu.memref_slice %arg13[%mul3A_2, %dma_start3A_53] : memref<10240x128xf32, #tpu.memory_space<vmem_shared>> -> memref<640x128xf32, #tpu.memory_space<vmem_shared>>
      tpu.enqueue_dma source(%arg5 : memref<640x128xf32, #tpu.memory_space<hbm>>) target(%dma_start3A_54 : memref<640x128xf32, #tpu.memory_space<vmem_shared>>) target_semaphore(%run_scoped3A : memref<!tpu.dma_semaphore, #tpu.memory_space<semaphore_mem>>)
      %dma_wait3A = arith.constant 0 : i32
      %dma_wait3A_55 = tpu.memref_slice %arg13[%mul3A_2, %dma_wait3A] : memref<10240x128xf32, #tpu.memory_space<vmem_shared>> -> memref<640x128xf32, #tpu.memory_space<vmem_shared>>
      tpu.wait_dma2 semaphore(%run_scoped3A : memref<!tpu.dma_semaphore, #tpu.memory_space<semaphore_mem>>) src(%arg5 : memref<640x128xf32, #tpu.memory_space<hbm>>) dst(%dma_wait3A_55 : memref<640x128xf32, #tpu.memory_space<vmem_shared>>)
      tpu.yield
    }) : () -> ()
    %barrier3A = arith.constant 0 : index
    tpu.barrier barrier_id(%barrier3A)
    %mul3A_3 = arith.constant 2 : i32
    %mul3A_4 = arith.muli %arg0, %mul3A_3 : i32
    %add3A = arith.constant 0 : i32
    %add3A_5 = arith.addi %mul3A_4, %add3A : i32
    %add3A_6 = arith.constant 0 : i32
    %add3A_7 = arith.addi %mul3A_0, %add3A_6 : i32
    %multiple_of3A = tpu.assume_multiple %add3A_7, 8 : i32
    "tpu.region"() ({
      %run_scoped3A = tpu.sem_alloc : memref<!tpu.dma_semaphore, #tpu.memory_space<semaphore_mem>>
      %dma_start3A_53 = tpu.memref_slice %arg2[%multiple_of3A] : memref<320000xi32, #tpu.memory_space<hbm>> -> memref<80xi32, #tpu.memory_space<hbm>>
      %dma_start3A_54 = tpu.memref_slice %arg2[%multiple_of3A] : memref<320000xi32, #tpu.memory_space<hbm>> -> memref<80xi32, #tpu.memory_space<hbm>>
      tpu.enqueue_dma source(%dma_start3A_54 : memref<80xi32, #tpu.memory_space<hbm>>) target(%arg7 : memref<80xi32, #tpu.memory_space<vmem>>) target_semaphore(%run_scoped3A : memref<!tpu.dma_semaphore, #tpu.memory_space<semaphore_mem>>)
      %dma_wait3A = tpu.memref_slice %arg2[%multiple_of3A] : memref<320000xi32, #tpu.memory_space<hbm>> -> memref<80xi32, #tpu.memory_space<hbm>>
      %dma_wait3A_55 = tpu.memref_slice %arg2[%multiple_of3A] : memref<320000xi32, #tpu.memory_space<hbm>> -> memref<80xi32, #tpu.memory_space<hbm>>
      tpu.wait_dma2 semaphore(%run_scoped3A : memref<!tpu.dma_semaphore, #tpu.memory_space<semaphore_mem>>) src(%dma_wait3A_55 : memref<80xi32, #tpu.memory_space<hbm>>) dst(%arg7 : memref<80xi32, #tpu.memory_space<vmem>>)
      tpu.yield
    }) : () -> ()
    "tpu.region"() ({
      %run_scoped3A = tpu.sem_alloc : memref<!tpu.dma_semaphore, #tpu.memory_space<semaphore_mem>>
      %dma_start3A_53 = tpu.memref_slice %arg3[%multiple_of3A] : memref<320000xi32, #tpu.memory_space<hbm>> -> memref<80xi32, #tpu.memory_space<hbm>>
      %dma_start3A_54 = tpu.memref_slice %arg3[%multiple_of3A] : memref<320000xi32, #tpu.memory_space<hbm>> -> memref<80xi32, #tpu.memory_space<hbm>>
      tpu.enqueue_dma source(%dma_start3A_54 : memref<80xi32, #tpu.memory_space<hbm>>) target(%arg8 : memref<80xi32, #tpu.memory_space<vmem>>) target_semaphore(%run_scoped3A : memref<!tpu.dma_semaphore, #tpu.memory_space<semaphore_mem>>)
      %dma_wait3A = tpu.memref_slice %arg3[%multiple_of3A] : memref<320000xi32, #tpu.memory_space<hbm>> -> memref<80xi32, #tpu.memory_space<hbm>>
      %dma_wait3A_55 = tpu.memref_slice %arg3[%multiple_of3A] : memref<320000xi32, #tpu.memory_space<hbm>> -> memref<80xi32, #tpu.memory_space<hbm>>
      tpu.wait_dma2 semaphore(%run_scoped3A : memref<!tpu.dma_semaphore, #tpu.memory_space<semaphore_mem>>) src(%dma_wait3A_55 : memref<80xi32, #tpu.memory_space<hbm>>) dst(%arg8 : memref<80xi32, #tpu.memory_space<vmem>>)
      tpu.yield
    }) : () -> ()
    %dma_start3A = arith.constant 0 : i32
    %dma_start3A_8 = arith.constant 0 : i32
    %dma_start3A_9 = tpu.memref_slice %arg4[%add3A_5, %dma_start3A, %dma_start3A_8] : memref<4x10000x128xf32, #tpu.memory_space<hbm>> -> memref<1x10000x128xf32, #tpu.memory_space<hbm>>
    %dma_start3A_10 = tpu.memref_squeeze %dma_start3A_9 : memref<1x10000x128xf32, #tpu.memory_space<hbm>> -> memref<10000x128xf32, #tpu.memory_space<hbm>>
    %dma_start3A_11 = arith.constant 0 : i32
    %dma_start3A_12 = arith.constant 0 : i32
    %dma_start3A_13 = tpu.memref_slice %dma_start3A_10[%dma_start3A_11, %dma_start3A_12] : memref<10000x128xf32, #tpu.memory_space<hbm>> -> memref<10000x128xf32, #tpu.memory_space<hbm>>
    tpu.enqueue_indirect_dma source(%dma_start3A_13 : memref<10000x128xf32, #tpu.memory_space<hbm>>) target(%arg9 : memref<80x128xf32, #tpu.memory_space<vmem>>) offsets(%arg7 : memref<80xi32, #tpu.memory_space<vmem>>) semaphore(%arg14 : memref<!tpu.dma_semaphore, #tpu.memory_space<semaphore_mem>>)
    %scan3A = arith.constant 0 : i32
    %scan3A_14 = arith.constant 0 : i32
    %scan3A_15 = arith.constant 125 : i32
    %scan3A_16 = arith.addi %scan3A_14, %scan3A_15 : i32
    %scan3A_17 = arith.constant 1 : i32
    scf.for %scan3A_53 = %scan3A_14 to %scan3A_16 step %scan3A_17  : i32 {
      %mul3A_54 = arith.constant 2 : i32
      %mul3A_55 = arith.muli %scan3A_53, %mul3A_54 : i32
      %add3A_56 = arith.constant 1 : i32
      %add3A_57 = arith.addi %mul3A_55, %add3A_56 : i32
      %lt3A = arith.constant 250 : i32
      %lt3A_58 = arith.cmpi slt, %add3A_57, %lt3A : i32
      %convert_element_type3A = arith.extui %lt3A_58 : i1 to i32
      %cond3A = arith.constant 0 : i32
      %cond3A_59 = arith.cmpi ne, %convert_element_type3A, %cond3A : i32
      scf.if %cond3A_59 {
        %mul3A_78 = arith.constant 80 : i32
        %mul3A_79 = arith.muli %add3A_57, %mul3A_78 : i32
        %add3A_80 = arith.addi %mul3A_0, %mul3A_79 : i32
        %multiple_of3A_81 = tpu.assume_multiple %add3A_80, 8 : i32
        "tpu.region"() ({
          %run_scoped3A = tpu.sem_alloc : memref<!tpu.dma_semaphore, #tpu.memory_space<semaphore_mem>>
          %dma_start3A_89 = tpu.memref_slice %arg2[%multiple_of3A_81] : memref<320000xi32, #tpu.memory_space<hbm>> -> memref<80xi32, #tpu.memory_space<hbm>>
          %dma_start3A_90 = tpu.memref_slice %arg2[%multiple_of3A_81] : memref<320000xi32, #tpu.memory_space<hbm>> -> memref<80xi32, #tpu.memory_space<hbm>>
          tpu.enqueue_dma source(%dma_start3A_90 : memref<80xi32, #tpu.memory_space<hbm>>) target(%arg10 : memref<80xi32, #tpu.memory_space<vmem>>) target_semaphore(%run_scoped3A : memref<!tpu.dma_semaphore, #tpu.memory_space<semaphore_mem>>)
          %dma_wait3A_91 = tpu.memref_slice %arg2[%multiple_of3A_81] : memref<320000xi32, #tpu.memory_space<hbm>> -> memref<80xi32, #tpu.memory_space<hbm>>
          %dma_wait3A_92 = tpu.memref_slice %arg2[%multiple_of3A_81] : memref<320000xi32, #tpu.memory_space<hbm>> -> memref<80xi32, #tpu.memory_space<hbm>>
          tpu.wait_dma2 semaphore(%run_scoped3A : memref<!tpu.dma_semaphore, #tpu.memory_space<semaphore_mem>>) src(%dma_wait3A_92 : memref<80xi32, #tpu.memory_space<hbm>>) dst(%arg10 : memref<80xi32, #tpu.memory_space<vmem>>)
          tpu.yield
        }) : () -> ()
        "tpu.region"() ({
          %run_scoped3A = tpu.sem_alloc : memref<!tpu.dma_semaphore, #tpu.memory_space<semaphore_mem>>
          %dma_start3A_89 = tpu.memref_slice %arg3[%multiple_of3A_81] : memref<320000xi32, #tpu.memory_space<hbm>> -> memref<80xi32, #tpu.memory_space<hbm>>
          %dma_start3A_90 = tpu.memref_slice %arg3[%multiple_of3A_81] : memref<320000xi32, #tpu.memory_space<hbm>> -> memref<80xi32, #tpu.memory_space<hbm>>
          tpu.enqueue_dma source(%dma_start3A_90 : memref<80xi32, #tpu.memory_space<hbm>>) target(%arg11 : memref<80xi32, #tpu.memory_space<vmem>>) target_semaphore(%run_scoped3A : memref<!tpu.dma_semaphore, #tpu.memory_space<semaphore_mem>>)
          %dma_wait3A_91 = tpu.memref_slice %arg3[%multiple_of3A_81] : memref<320000xi32, #tpu.memory_space<hbm>> -> memref<80xi32, #tpu.memory_space<hbm>>
          %dma_wait3A_92 = tpu.memref_slice %arg3[%multiple_of3A_81] : memref<320000xi32, #tpu.memory_space<hbm>> -> memref<80xi32, #tpu.memory_space<hbm>>
          tpu.wait_dma2 semaphore(%run_scoped3A : memref<!tpu.dma_semaphore, #tpu.memory_space<semaphore_mem>>) src(%dma_wait3A_92 : memref<80xi32, #tpu.memory_space<hbm>>) dst(%arg11 : memref<80xi32, #tpu.memory_space<vmem>>)
          tpu.yield
        }) : () -> ()
        %dma_start3A_82 = arith.constant 0 : i32
        %dma_start3A_83 = arith.constant 0 : i32
        %dma_start3A_84 = tpu.memref_slice %arg4[%add3A_5, %dma_start3A_82, %dma_start3A_83] : memref<4x10000x128xf32, #tpu.memory_space<hbm>> -> memref<1x10000x128xf32, #tpu.memory_space<hbm>>
        %dma_start3A_85 = tpu.memref_squeeze %dma_start3A_84 : memref<1x10000x128xf32, #tpu.memory_space<hbm>> -> memref<10000x128xf32, #tpu.memory_space<hbm>>
        %dma_start3A_86 = arith.constant 0 : i32
        %dma_start3A_87 = arith.constant 0 : i32
        %dma_start3A_88 = tpu.memref_slice %dma_start3A_85[%dma_start3A_86, %dma_start3A_87] : memref<10000x128xf32, #tpu.memory_space<hbm>> -> memref<10000x128xf32, #tpu.memory_space<hbm>>
        tpu.enqueue_indirect_dma source(%dma_start3A_88 : memref<10000x128xf32, #tpu.memory_space<hbm>>) target(%arg12 : memref<80x128xf32, #tpu.memory_space<vmem>>) offsets(%arg10 : memref<80xi32, #tpu.memory_space<vmem>>) semaphore(%arg15 : memref<!tpu.dma_semaphore, #tpu.memory_space<semaphore_mem>>)
      } else {
      }
      %dma_wait3A = arith.constant 0 : i32
      %dma_wait3A_60 = arith.constant 0 : i32
      %dma_wait3A_61 = tpu.memref_slice %arg4[%add3A_5, %dma_wait3A, %dma_wait3A_60] : memref<4x10000x128xf32, #tpu.memory_space<hbm>> -> memref<1x10000x128xf32, #tpu.memory_space<hbm>>
      %dma_wait3A_62 = tpu.memref_squeeze %dma_wait3A_61 : memref<1x10000x128xf32, #tpu.memory_space<hbm>> -> memref<10000x128xf32, #tpu.memory_space<hbm>>
      %dma_wait3A_63 = arith.constant 0 : i32
      %dma_wait3A_64 = arith.constant 0 : i32
      %dma_wait3A_65 = tpu.memref_slice %dma_wait3A_62[%dma_wait3A_63, %dma_wait3A_64] : memref<10000x128xf32, #tpu.memory_space<hbm>> -> memref<10000x128xf32, #tpu.memory_space<hbm>>
      tpu.wait_indirect_dma semaphore(%arg14 : memref<!tpu.dma_semaphore, #tpu.memory_space<semaphore_mem>>) src(%dma_wait3A_65 : memref<10000x128xf32, #tpu.memory_space<hbm>>) dst(%arg9 : memref<80x128xf32, #tpu.memory_space<vmem>>)
      "tpu.region"() ({
        %run_scoped3A = tpu.sem_alloc : memref<!tpu.dma_semaphore, #tpu.memory_space<semaphore_mem>>
        %dma_start3A_78 = arith.constant 0 : i32
        %dma_start3A_79 = arith.constant 0 : i32
        %dma_start3A_80 = tpu.memref_slice %arg13[%dma_start3A_78, %dma_start3A_79] : memref<10240x128xf32, #tpu.memory_space<vmem_shared>> -> memref<10240x128xf32, #tpu.memory_space<vmem_shared>>
        tpu.enqueue_indirect_dma source(%arg9 : memref<80x128xf32, #tpu.memory_space<vmem>>) target(%dma_start3A_80 : memref<10240x128xf32, #tpu.memory_space<vmem_shared>>) offsets(%arg8 : memref<80xi32, #tpu.memory_space<vmem>>) semaphore(%run_scoped3A : memref<!tpu.dma_semaphore, #tpu.memory_space<semaphore_mem>>) {add = true}
        %dma_wait3A_81 = arith.constant 0 : i32
        %dma_wait3A_82 = arith.constant 0 : i32
        %dma_wait3A_83 = tpu.memref_slice %arg13[%dma_wait3A_81, %dma_wait3A_82] : memref<10240x128xf32, #tpu.memory_space<vmem_shared>> -> memref<10240x128xf32, #tpu.memory_space<vmem_shared>>
        tpu.wait_indirect_dma semaphore(%run_scoped3A : memref<!tpu.dma_semaphore, #tpu.memory_space<semaphore_mem>>) src(%arg9 : memref<80x128xf32, #tpu.memory_space<vmem>>) dst(%dma_wait3A_83 : memref<10240x128xf32, #tpu.memory_space<vmem_shared>>)
        tpu.yield
      }) : () -> ()
      %add3A_66 = arith.constant 2 : i32
      %add3A_67 = arith.addi %mul3A_55, %add3A_66 : i32
      %lt3A_68 = arith.constant 250 : i32
      %lt3A_69 = arith.cmpi slt, %add3A_67, %lt3A_68 : i32
      %convert_element_type3A_70 = arith.extui %lt3A_69 : i1 to i32
      %cond3A_71 = arith.constant 0 : i32
      %cond3A_72 = arith.cmpi ne, %convert_element_type3A_70, %cond3A_71 : i32
      scf.if %cond3A_72 {
        %add3A_78 = arith.constant 2 : i32
        %add3A_79 = arith.addi %mul3A_55, %add3A_78 : i32
        %mul3A_80 = arith.constant 80 : i32
        %mul3A_81 = arith.muli %add3A_79, %mul3A_80 : i32
        %add3A_82 = arith.addi %mul3A_0, %mul3A_81 : i32
        %multiple_of3A_83 = tpu.assume_multiple %add3A_82, 8 : i32
        "tpu.region"() ({
          %run_scoped3A = tpu.sem_alloc : memref<!tpu.dma_semaphore, #tpu.memory_space<semaphore_mem>>
          %dma_start3A_91 = tpu.memref_slice %arg2[%multiple_of3A_83] : memref<320000xi32, #tpu.memory_space<hbm>> -> memref<80xi32, #tpu.memory_space<hbm>>
          %dma_start3A_92 = tpu.memref_slice %arg2[%multiple_of3A_83] : memref<320000xi32, #tpu.memory_space<hbm>> -> memref<80xi32, #tpu.memory_space<hbm>>
          tpu.enqueue_dma source(%dma_start3A_92 : memref<80xi32, #tpu.memory_space<hbm>>) target(%arg7 : memref<80xi32, #tpu.memory_space<vmem>>) target_semaphore(%run_scoped3A : memref<!tpu.dma_semaphore, #tpu.memory_space<semaphore_mem>>)
          %dma_wait3A_93 = tpu.memref_slice %arg2[%multiple_of3A_83] : memref<320000xi32, #tpu.memory_space<hbm>> -> memref<80xi32, #tpu.memory_space<hbm>>
          %dma_wait3A_94 = tpu.memref_slice %arg2[%multiple_of3A_83] : memref<320000xi32, #tpu.memory_space<hbm>> -> memref<80xi32, #tpu.memory_space<hbm>>
          tpu.wait_dma2 semaphore(%run_scoped3A : memref<!tpu.dma_semaphore, #tpu.memory_space<semaphore_mem>>) src(%dma_wait3A_94 : memref<80xi32, #tpu.memory_space<hbm>>) dst(%arg7 : memref<80xi32, #tpu.memory_space<vmem>>)
          tpu.yield
        }) : () -> ()
        "tpu.region"() ({
          %run_scoped3A = tpu.sem_alloc : memref<!tpu.dma_semaphore, #tpu.memory_space<semaphore_mem>>
          %dma_start3A_91 = tpu.memref_slice %arg3[%multiple_of3A_83] : memref<320000xi32, #tpu.memory_space<hbm>> -> memref<80xi32, #tpu.memory_space<hbm>>
          %dma_start3A_92 = tpu.memref_slice %arg3[%multiple_of3A_83] : memref<320000xi32, #tpu.memory_space<hbm>> -> memref<80xi32, #tpu.memory_space<hbm>>
          tpu.enqueue_dma source(%dma_start3A_92 : memref<80xi32, #tpu.memory_space<hbm>>) target(%arg8 : memref<80xi32, #tpu.memory_space<vmem>>) target_semaphore(%run_scoped3A : memref<!tpu.dma_semaphore, #tpu.memory_space<semaphore_mem>>)
          %dma_wait3A_93 = tpu.memref_slice %arg3[%multiple_of3A_83] : memref<320000xi32, #tpu.memory_space<hbm>> -> memref<80xi32, #tpu.memory_space<hbm>>
          %dma_wait3A_94 = tpu.memref_slice %arg3[%multiple_of3A_83] : memref<320000xi32, #tpu.memory_space<hbm>> -> memref<80xi32, #tpu.memory_space<hbm>>
          tpu.wait_dma2 semaphore(%run_scoped3A : memref<!tpu.dma_semaphore, #tpu.memory_space<semaphore_mem>>) src(%dma_wait3A_94 : memref<80xi32, #tpu.memory_space<hbm>>) dst(%arg8 : memref<80xi32, #tpu.memory_space<vmem>>)
          tpu.yield
        }) : () -> ()
        %dma_start3A_84 = arith.constant 0 : i32
        %dma_start3A_85 = arith.constant 0 : i32
        %dma_start3A_86 = tpu.memref_slice %arg4[%add3A_5, %dma_start3A_84, %dma_start3A_85] : memref<4x10000x128xf32, #tpu.memory_space<hbm>> -> memref<1x10000x128xf32, #tpu.memory_space<hbm>>
        %dma_start3A_87 = tpu.memref_squeeze %dma_start3A_86 : memref<1x10000x128xf32, #tpu.memory_space<hbm>> -> memref<10000x128xf32, #tpu.memory_space<hbm>>
        %dma_start3A_88 = arith.constant 0 : i32
        %dma_start3A_89 = arith.constant 0 : i32
        %dma_start3A_90 = tpu.memref_slice %dma_start3A_87[%dma_start3A_88, %dma_start3A_89] : memref<10000x128xf32, #tpu.memory_space<hbm>> -> memref<10000x128xf32, #tpu.memory_space<hbm>>
        tpu.enqueue_indirect_dma source(%dma_start3A_90 : memref<10000x128xf32, #tpu.memory_space<hbm>>) target(%arg9 : memref<80x128xf32, #tpu.memory_space<vmem>>) offsets(%arg7 : memref<80xi32, #tpu.memory_space<vmem>>) semaphore(%arg14 : memref<!tpu.dma_semaphore, #tpu.memory_space<semaphore_mem>>)
      } else {
      }
      %lt3A_73 = arith.constant 250 : i32
      %lt3A_74 = arith.cmpi slt, %add3A_57, %lt3A_73 : i32
      %convert_element_type3A_75 = arith.extui %lt3A_74 : i1 to i32
      %cond3A_76 = arith.constant 0 : i32
      %cond3A_77 = arith.cmpi ne, %convert_element_type3A_75, %cond3A_76 : i32
      scf.if %cond3A_77 {
        %dma_wait3A_78 = arith.constant 0 : i32
        %dma_wait3A_79 = arith.constant 0 : i32
        %dma_wait3A_80 = tpu.memref_slice %arg4[%add3A_5, %dma_wait3A_78, %dma_wait3A_79] : memref<4x10000x128xf32, #tpu.memory_space<hbm>> -> memref<1x10000x128xf32, #tpu.memory_space<hbm>>
        %dma_wait3A_81 = tpu.memref_squeeze %dma_wait3A_80 : memref<1x10000x128xf32, #tpu.memory_space<hbm>> -> memref<10000x128xf32, #tpu.memory_space<hbm>>
        %dma_wait3A_82 = arith.constant 0 : i32
        %dma_wait3A_83 = arith.constant 0 : i32
        %dma_wait3A_84 = tpu.memref_slice %dma_wait3A_81[%dma_wait3A_82, %dma_wait3A_83] : memref<10000x128xf32, #tpu.memory_space<hbm>> -> memref<10000x128xf32, #tpu.memory_space<hbm>>
        tpu.wait_indirect_dma semaphore(%arg15 : memref<!tpu.dma_semaphore, #tpu.memory_space<semaphore_mem>>) src(%dma_wait3A_84 : memref<10000x128xf32, #tpu.memory_space<hbm>>) dst(%arg12 : memref<80x128xf32, #tpu.memory_space<vmem>>)
        "tpu.region"() ({
          %run_scoped3A = tpu.sem_alloc : memref<!tpu.dma_semaphore, #tpu.memory_space<semaphore_mem>>
          %dma_start3A_85 = arith.constant 0 : i32
          %dma_start3A_86 = arith.constant 0 : i32
          %dma_start3A_87 = tpu.memref_slice %arg13[%dma_start3A_85, %dma_start3A_86] : memref<10240x128xf32, #tpu.memory_space<vmem_shared>> -> memref<10240x128xf32, #tpu.memory_space<vmem_shared>>
          tpu.enqueue_indirect_dma source(%arg12 : memref<80x128xf32, #tpu.memory_space<vmem>>) target(%dma_start3A_87 : memref<10240x128xf32, #tpu.memory_space<vmem_shared>>) offsets(%arg11 : memref<80xi32, #tpu.memory_space<vmem>>) semaphore(%run_scoped3A : memref<!tpu.dma_semaphore, #tpu.memory_space<semaphore_mem>>) {add = true}
          %dma_wait3A_88 = arith.constant 0 : i32
          %dma_wait3A_89 = arith.constant 0 : i32
          %dma_wait3A_90 = tpu.memref_slice %arg13[%dma_wait3A_88, %dma_wait3A_89] : memref<10240x128xf32, #tpu.memory_space<vmem_shared>> -> memref<10240x128xf32, #tpu.memory_space<vmem_shared>>
          tpu.wait_indirect_dma semaphore(%run_scoped3A : memref<!tpu.dma_semaphore, #tpu.memory_space<semaphore_mem>>) src(%arg12 : memref<80x128xf32, #tpu.memory_space<vmem>>) dst(%dma_wait3A_90 : memref<10240x128xf32, #tpu.memory_space<vmem_shared>>)
          tpu.yield
        }) : () -> ()
      } else {
      }
    }
    %scan3A_18 = arith.constant 125 : i32
    %barrier3A_19 = arith.constant 0 : index
    tpu.barrier barrier_id(%barrier3A_19)
    %mul3A_20 = arith.constant 640 : i32
    %mul3A_21 = arith.muli %arg1, %mul3A_20 : i32
    %mul3A_22 = arith.constant 640 : i32
    %mul3A_23 = arith.muli %arg1, %mul3A_22 : i32
    "tpu.region"() ({
      %run_scoped3A = tpu.sem_alloc : memref<!tpu.dma_semaphore, #tpu.memory_space<semaphore_mem>>
      %dma_start3A_53 = arith.constant 0 : i32
      %dma_start3A_54 = arith.constant 0 : i32
      %dma_start3A_55 = tpu.memref_slice %arg6[%add3A_5, %dma_start3A_53, %dma_start3A_54] : memref<4x10240x128xf32, #tpu.memory_space<hbm>> -> memref<1x10240x128xf32, #tpu.memory_space<hbm>>
      %dma_start3A_56 = tpu.memref_squeeze %dma_start3A_55 : memref<1x10240x128xf32, #tpu.memory_space<hbm>> -> memref<10240x128xf32, #tpu.memory_space<hbm>>
      %dma_start3A_57 = arith.constant 0 : i32
      %dma_start3A_58 = tpu.memref_slice %dma_start3A_56[%mul3A_23, %dma_start3A_57] : memref<10240x128xf32, #tpu.memory_space<hbm>> -> memref<640x128xf32, #tpu.memory_space<hbm>>
      %dma_start3A_59 = arith.constant 0 : i32
      %dma_start3A_60 = tpu.memref_slice %arg13[%mul3A_21, %dma_start3A_59] : memref<10240x128xf32, #tpu.memory_space<vmem_shared>> -> memref<640x128xf32, #tpu.memory_space<vmem_shared>>
      tpu.enqueue_dma source(%dma_start3A_60 : memref<640x128xf32, #tpu.memory_space<vmem_shared>>) target(%dma_start3A_58 : memref<640x128xf32, #tpu.memory_space<hbm>>) target_semaphore(%run_scoped3A : memref<!tpu.dma_semaphore, #tpu.memory_space<semaphore_mem>>)
      %dma_wait3A = arith.constant 0 : i32
      %dma_wait3A_61 = arith.constant 0 : i32
      %dma_wait3A_62 = tpu.memref_slice %arg6[%add3A_5, %dma_wait3A, %dma_wait3A_61] : memref<4x10240x128xf32, #tpu.memory_space<hbm>> -> memref<1x10240x128xf32, #tpu.memory_space<hbm>>
      %dma_wait3A_63 = tpu.memref_squeeze %dma_wait3A_62 : memref<1x10240x128xf32, #tpu.memory_space<hbm>> -> memref<10240x128xf32, #tpu.memory_space<hbm>>
      %dma_wait3A_64 = arith.constant 0 : i32
      %dma_wait3A_65 = tpu.memref_slice %dma_wait3A_63[%mul3A_23, %dma_wait3A_64] : memref<10240x128xf32, #tpu.memory_space<hbm>> -> memref<640x128xf32, #tpu.memory_space<hbm>>
      %dma_wait3A_66 = arith.constant 0 : i32
      %dma_wait3A_67 = tpu.memref_slice %arg13[%mul3A_21, %dma_wait3A_66] : memref<10240x128xf32, #tpu.memory_space<vmem_shared>> -> memref<640x128xf32, #tpu.memory_space<vmem_shared>>
      tpu.wait_dma2 semaphore(%run_scoped3A : memref<!tpu.dma_semaphore, #tpu.memory_space<semaphore_mem>>) src(%dma_wait3A_67 : memref<640x128xf32, #tpu.memory_space<vmem_shared>>) dst(%dma_wait3A_65 : memref<640x128xf32, #tpu.memory_space<hbm>>)
      tpu.yield
    }) : () -> ()
    %mul3A_24 = arith.constant 640 : i32
    %mul3A_25 = arith.muli %arg1, %mul3A_24 : i32
    "tpu.region"() ({
      %run_scoped3A = tpu.sem_alloc : memref<!tpu.dma_semaphore, #tpu.memory_space<semaphore_mem>>
      %dma_start3A_53 = arith.constant 0 : i32
      %dma_start3A_54 = tpu.memref_slice %arg13[%mul3A_25, %dma_start3A_53] : memref<10240x128xf32, #tpu.memory_space<vmem_shared>> -> memref<640x128xf32, #tpu.memory_space<vmem_shared>>
      tpu.enqueue_dma source(%arg5 : memref<640x128xf32, #tpu.memory_space<hbm>>) target(%dma_start3A_54 : memref<640x128xf32, #tpu.memory_space<vmem_shared>>) target_semaphore(%run_scoped3A : memref<!tpu.dma_semaphore, #tpu.memory_space<semaphore_mem>>)
      %dma_wait3A = arith.constant 0 : i32
      %dma_wait3A_55 = tpu.memref_slice %arg13[%mul3A_25, %dma_wait3A] : memref<10240x128xf32, #tpu.memory_space<vmem_shared>> -> memref<640x128xf32, #tpu.memory_space<vmem_shared>>
      tpu.wait_dma2 semaphore(%run_scoped3A : memref<!tpu.dma_semaphore, #tpu.memory_space<semaphore_mem>>) src(%arg5 : memref<640x128xf32, #tpu.memory_space<hbm>>) dst(%dma_wait3A_55 : memref<640x128xf32, #tpu.memory_space<vmem_shared>>)
      tpu.yield
    }) : () -> ()
    %barrier3A_26 = arith.constant 0 : index
    tpu.barrier barrier_id(%barrier3A_26)
    %mul3A_27 = arith.constant 2 : i32
    %mul3A_28 = arith.muli %arg0, %mul3A_27 : i32
    %add3A_29 = arith.constant 1 : i32
    %add3A_30 = arith.addi %mul3A_28, %add3A_29 : i32
    %add3A_31 = arith.constant 0 : i32
    %add3A_32 = arith.addi %mul3A_0, %add3A_31 : i32
    %multiple_of3A_33 = tpu.assume_multiple %add3A_32, 8 : i32
    "tpu.region"() ({
      %run_scoped3A = tpu.sem_alloc : memref<!tpu.dma_semaphore, #tpu.memory_space<semaphore_mem>>
      %dma_start3A_53 = tpu.memref_slice %arg2[%multiple_of3A_33] : memref<320000xi32, #tpu.memory_space<hbm>> -> memref<80xi32, #tpu.memory_space<hbm>>
      %dma_start3A_54 = tpu.memref_slice %arg2[%multiple_of3A_33] : memref<320000xi32, #tpu.memory_space<hbm>> -> memref<80xi32, #tpu.memory_space<hbm>>
      tpu.enqueue_dma source(%dma_start3A_54 : memref<80xi32, #tpu.memory_space<hbm>>) target(%arg7 : memref<80xi32, #tpu.memory_space<vmem>>) target_semaphore(%run_scoped3A : memref<!tpu.dma_semaphore, #tpu.memory_space<semaphore_mem>>)
      %dma_wait3A = tpu.memref_slice %arg2[%multiple_of3A_33] : memref<320000xi32, #tpu.memory_space<hbm>> -> memref<80xi32, #tpu.memory_space<hbm>>
      %dma_wait3A_55 = tpu.memref_slice %arg2[%multiple_of3A_33] : memref<320000xi32, #tpu.memory_space<hbm>> -> memref<80xi32, #tpu.memory_space<hbm>>
      tpu.wait_dma2 semaphore(%run_scoped3A : memref<!tpu.dma_semaphore, #tpu.memory_space<semaphore_mem>>) src(%dma_wait3A_55 : memref<80xi32, #tpu.memory_space<hbm>>) dst(%arg7 : memref<80xi32, #tpu.memory_space<vmem>>)
      tpu.yield
    }) : () -> ()
    "tpu.region"() ({
      %run_scoped3A = tpu.sem_alloc : memref<!tpu.dma_semaphore, #tpu.memory_space<semaphore_mem>>
      %dma_start3A_53 = tpu.memref_slice %arg3[%multiple_of3A_33] : memref<320000xi32, #tpu.memory_space<hbm>> -> memref<80xi32, #tpu.memory_space<hbm>>
      %dma_start3A_54 = tpu.memref_slice %arg3[%multiple_of3A_33] : memref<320000xi32, #tpu.memory_space<hbm>> -> memref<80xi32, #tpu.memory_space<hbm>>
      tpu.enqueue_dma source(%dma_start3A_54 : memref<80xi32, #tpu.memory_space<hbm>>) target(%arg8 : memref<80xi32, #tpu.memory_space<vmem>>) target_semaphore(%run_scoped3A : memref<!tpu.dma_semaphore, #tpu.memory_space<semaphore_mem>>)
      %dma_wait3A = tpu.memref_slice %arg3[%multiple_of3A_33] : memref<320000xi32, #tpu.memory_space<hbm>> -> memref<80xi32, #tpu.memory_space<hbm>>
      %dma_wait3A_55 = tpu.memref_slice %arg3[%multiple_of3A_33] : memref<320000xi32, #tpu.memory_space<hbm>> -> memref<80xi32, #tpu.memory_space<hbm>>
      tpu.wait_dma2 semaphore(%run_scoped3A : memref<!tpu.dma_semaphore, #tpu.memory_space<semaphore_mem>>) src(%dma_wait3A_55 : memref<80xi32, #tpu.memory_space<hbm>>) dst(%arg8 : memref<80xi32, #tpu.memory_space<vmem>>)
      tpu.yield
    }) : () -> ()
    %dma_start3A_34 = arith.constant 0 : i32
    %dma_start3A_35 = arith.constant 0 : i32
    %dma_start3A_36 = tpu.memref_slice %arg4[%add3A_30, %dma_start3A_34, %dma_start3A_35] : memref<4x10000x128xf32, #tpu.memory_space<hbm>> -> memref<1x10000x128xf32, #tpu.memory_space<hbm>>
    %dma_start3A_37 = tpu.memref_squeeze %dma_start3A_36 : memref<1x10000x128xf32, #tpu.memory_space<hbm>> -> memref<10000x128xf32, #tpu.memory_space<hbm>>
    %dma_start3A_38 = arith.constant 0 : i32
    %dma_start3A_39 = arith.constant 0 : i32
    %dma_start3A_40 = tpu.memref_slice %dma_start3A_37[%dma_start3A_38, %dma_start3A_39] : memref<10000x128xf32, #tpu.memory_space<hbm>> -> memref<10000x128xf32, #tpu.memory_space<hbm>>
    tpu.enqueue_indirect_dma source(%dma_start3A_40 : memref<10000x128xf32, #tpu.memory_space<hbm>>) target(%arg9 : memref<80x128xf32, #tpu.memory_space<vmem>>) offsets(%arg7 : memref<80xi32, #tpu.memory_space<vmem>>) semaphore(%arg14 : memref<!tpu.dma_semaphore, #tpu.memory_space<semaphore_mem>>)
    %scan3A_41 = arith.constant 0 : i32
    %scan3A_42 = arith.constant 0 : i32
    %scan3A_43 = arith.constant 125 : i32
    %scan3A_44 = arith.addi %scan3A_42, %scan3A_43 : i32
    %scan3A_45 = arith.constant 1 : i32
    scf.for %scan3A_53 = %scan3A_42 to %scan3A_44 step %scan3A_45  : i32 {
      %mul3A_54 = arith.constant 2 : i32
      %mul3A_55 = arith.muli %scan3A_53, %mul3A_54 : i32
      %add3A_56 = arith.constant 1 : i32
      %add3A_57 = arith.addi %mul3A_55, %add3A_56 : i32
      %lt3A = arith.constant 250 : i32
      %lt3A_58 = arith.cmpi slt, %add3A_57, %lt3A : i32
      %convert_element_type3A = arith.extui %lt3A_58 : i1 to i32
      %cond3A = arith.constant 0 : i32
      %cond3A_59 = arith.cmpi ne, %convert_element_type3A, %cond3A : i32
      scf.if %cond3A_59 {
        %mul3A_78 = arith.constant 80 : i32
        %mul3A_79 = arith.muli %add3A_57, %mul3A_78 : i32
        %add3A_80 = arith.addi %mul3A_0, %mul3A_79 : i32
        %multiple_of3A_81 = tpu.assume_multiple %add3A_80, 8 : i32
        "tpu.region"() ({
          %run_scoped3A = tpu.sem_alloc : memref<!tpu.dma_semaphore, #tpu.memory_space<semaphore_mem>>
          %dma_start3A_89 = tpu.memref_slice %arg2[%multiple_of3A_81] : memref<320000xi32, #tpu.memory_space<hbm>> -> memref<80xi32, #tpu.memory_space<hbm>>
          %dma_start3A_90 = tpu.memref_slice %arg2[%multiple_of3A_81] : memref<320000xi32, #tpu.memory_space<hbm>> -> memref<80xi32, #tpu.memory_space<hbm>>
          tpu.enqueue_dma source(%dma_start3A_90 : memref<80xi32, #tpu.memory_space<hbm>>) target(%arg10 : memref<80xi32, #tpu.memory_space<vmem>>) target_semaphore(%run_scoped3A : memref<!tpu.dma_semaphore, #tpu.memory_space<semaphore_mem>>)
          %dma_wait3A_91 = tpu.memref_slice %arg2[%multiple_of3A_81] : memref<320000xi32, #tpu.memory_space<hbm>> -> memref<80xi32, #tpu.memory_space<hbm>>
          %dma_wait3A_92 = tpu.memref_slice %arg2[%multiple_of3A_81] : memref<320000xi32, #tpu.memory_space<hbm>> -> memref<80xi32, #tpu.memory_space<hbm>>
          tpu.wait_dma2 semaphore(%run_scoped3A : memref<!tpu.dma_semaphore, #tpu.memory_space<semaphore_mem>>) src(%dma_wait3A_92 : memref<80xi32, #tpu.memory_space<hbm>>) dst(%arg10 : memref<80xi32, #tpu.memory_space<vmem>>)
          tpu.yield
        }) : () -> ()
        "tpu.region"() ({
          %run_scoped3A = tpu.sem_alloc : memref<!tpu.dma_semaphore, #tpu.memory_space<semaphore_mem>>
          %dma_start3A_89 = tpu.memref_slice %arg3[%multiple_of3A_81] : memref<320000xi32, #tpu.memory_space<hbm>> -> memref<80xi32, #tpu.memory_space<hbm>>
          %dma_start3A_90 = tpu.memref_slice %arg3[%multiple_of3A_81] : memref<320000xi32, #tpu.memory_space<hbm>> -> memref<80xi32, #tpu.memory_space<hbm>>
          tpu.enqueue_dma source(%dma_start3A_90 : memref<80xi32, #tpu.memory_space<hbm>>) target(%arg11 : memref<80xi32, #tpu.memory_space<vmem>>) target_semaphore(%run_scoped3A : memref<!tpu.dma_semaphore, #tpu.memory_space<semaphore_mem>>)
          %dma_wait3A_91 = tpu.memref_slice %arg3[%multiple_of3A_81] : memref<320000xi32, #tpu.memory_space<hbm>> -> memref<80xi32, #tpu.memory_space<hbm>>
          %dma_wait3A_92 = tpu.memref_slice %arg3[%multiple_of3A_81] : memref<320000xi32, #tpu.memory_space<hbm>> -> memref<80xi32, #tpu.memory_space<hbm>>
          tpu.wait_dma2 semaphore(%run_scoped3A : memref<!tpu.dma_semaphore, #tpu.memory_space<semaphore_mem>>) src(%dma_wait3A_92 : memref<80xi32, #tpu.memory_space<hbm>>) dst(%arg11 : memref<80xi32, #tpu.memory_space<vmem>>)
          tpu.yield
        }) : () -> ()
        %dma_start3A_82 = arith.constant 0 : i32
        %dma_start3A_83 = arith.constant 0 : i32
        %dma_start3A_84 = tpu.memref_slice %arg4[%add3A_30, %dma_start3A_82, %dma_start3A_83] : memref<4x10000x128xf32, #tpu.memory_space<hbm>> -> memref<1x10000x128xf32, #tpu.memory_space<hbm>>
        %dma_start3A_85 = tpu.memref_squeeze %dma_start3A_84 : memref<1x10000x128xf32, #tpu.memory_space<hbm>> -> memref<10000x128xf32, #tpu.memory_space<hbm>>
        %dma_start3A_86 = arith.constant 0 : i32
        %dma_start3A_87 = arith.constant 0 : i32
        %dma_start3A_88 = tpu.memref_slice %dma_start3A_85[%dma_start3A_86, %dma_start3A_87] : memref<10000x128xf32, #tpu.memory_space<hbm>> -> memref<10000x128xf32, #tpu.memory_space<hbm>>
        tpu.enqueue_indirect_dma source(%dma_start3A_88 : memref<10000x128xf32, #tpu.memory_space<hbm>>) target(%arg12 : memref<80x128xf32, #tpu.memory_space<vmem>>) offsets(%arg10 : memref<80xi32, #tpu.memory_space<vmem>>) semaphore(%arg15 : memref<!tpu.dma_semaphore, #tpu.memory_space<semaphore_mem>>)
      } else {
      }
      %dma_wait3A = arith.constant 0 : i32
      %dma_wait3A_60 = arith.constant 0 : i32
      %dma_wait3A_61 = tpu.memref_slice %arg4[%add3A_30, %dma_wait3A, %dma_wait3A_60] : memref<4x10000x128xf32, #tpu.memory_space<hbm>> -> memref<1x10000x128xf32, #tpu.memory_space<hbm>>
      %dma_wait3A_62 = tpu.memref_squeeze %dma_wait3A_61 : memref<1x10000x128xf32, #tpu.memory_space<hbm>> -> memref<10000x128xf32, #tpu.memory_space<hbm>>
      %dma_wait3A_63 = arith.constant 0 : i32
      %dma_wait3A_64 = arith.constant 0 : i32
      %dma_wait3A_65 = tpu.memref_slice %dma_wait3A_62[%dma_wait3A_63, %dma_wait3A_64] : memref<10000x128xf32, #tpu.memory_space<hbm>> -> memref<10000x128xf32, #tpu.memory_space<hbm>>
      tpu.wait_indirect_dma semaphore(%arg14 : memref<!tpu.dma_semaphore, #tpu.memory_space<semaphore_mem>>) src(%dma_wait3A_65 : memref<10000x128xf32, #tpu.memory_space<hbm>>) dst(%arg9 : memref<80x128xf32, #tpu.memory_space<vmem>>)
      "tpu.region"() ({
        %run_scoped3A = tpu.sem_alloc : memref<!tpu.dma_semaphore, #tpu.memory_space<semaphore_mem>>
        %dma_start3A_78 = arith.constant 0 : i32
        %dma_start3A_79 = arith.constant 0 : i32
        %dma_start3A_80 = tpu.memref_slice %arg13[%dma_start3A_78, %dma_start3A_79] : memref<10240x128xf32, #tpu.memory_space<vmem_shared>> -> memref<10240x128xf32, #tpu.memory_space<vmem_shared>>
        tpu.enqueue_indirect_dma source(%arg9 : memref<80x128xf32, #tpu.memory_space<vmem>>) target(%dma_start3A_80 : memref<10240x128xf32, #tpu.memory_space<vmem_shared>>) offsets(%arg8 : memref<80xi32, #tpu.memory_space<vmem>>) semaphore(%run_scoped3A : memref<!tpu.dma_semaphore, #tpu.memory_space<semaphore_mem>>) {add = true}
        %dma_wait3A_81 = arith.constant 0 : i32
        %dma_wait3A_82 = arith.constant 0 : i32
        %dma_wait3A_83 = tpu.memref_slice %arg13[%dma_wait3A_81, %dma_wait3A_82] : memref<10240x128xf32, #tpu.memory_space<vmem_shared>> -> memref<10240x128xf32, #tpu.memory_space<vmem_shared>>
        tpu.wait_indirect_dma semaphore(%run_scoped3A : memref<!tpu.dma_semaphore, #tpu.memory_space<semaphore_mem>>) src(%arg9 : memref<80x128xf32, #tpu.memory_space<vmem>>) dst(%dma_wait3A_83 : memref<10240x128xf32, #tpu.memory_space<vmem_shared>>)
        tpu.yield
      }) : () -> ()
      %add3A_66 = arith.constant 2 : i32
      %add3A_67 = arith.addi %mul3A_55, %add3A_66 : i32
      %lt3A_68 = arith.constant 250 : i32
      %lt3A_69 = arith.cmpi slt, %add3A_67, %lt3A_68 : i32
      %convert_element_type3A_70 = arith.extui %lt3A_69 : i1 to i32
      %cond3A_71 = arith.constant 0 : i32
      %cond3A_72 = arith.cmpi ne, %convert_element_type3A_70, %cond3A_71 : i32
      scf.if %cond3A_72 {
        %add3A_78 = arith.constant 2 : i32
        %add3A_79 = arith.addi %mul3A_55, %add3A_78 : i32
        %mul3A_80 = arith.constant 80 : i32
        %mul3A_81 = arith.muli %add3A_79, %mul3A_80 : i32
        %add3A_82 = arith.addi %mul3A_0, %mul3A_81 : i32
        %multiple_of3A_83 = tpu.assume_multiple %add3A_82, 8 : i32
        "tpu.region"() ({
          %run_scoped3A = tpu.sem_alloc : memref<!tpu.dma_semaphore, #tpu.memory_space<semaphore_mem>>
          %dma_start3A_91 = tpu.memref_slice %arg2[%multiple_of3A_83] : memref<320000xi32, #tpu.memory_space<hbm>> -> memref<80xi32, #tpu.memory_space<hbm>>
          %dma_start3A_92 = tpu.memref_slice %arg2[%multiple_of3A_83] : memref<320000xi32, #tpu.memory_space<hbm>> -> memref<80xi32, #tpu.memory_space<hbm>>
          tpu.enqueue_dma source(%dma_start3A_92 : memref<80xi32, #tpu.memory_space<hbm>>) target(%arg7 : memref<80xi32, #tpu.memory_space<vmem>>) target_semaphore(%run_scoped3A : memref<!tpu.dma_semaphore, #tpu.memory_space<semaphore_mem>>)
          %dma_wait3A_93 = tpu.memref_slice %arg2[%multiple_of3A_83] : memref<320000xi32, #tpu.memory_space<hbm>> -> memref<80xi32, #tpu.memory_space<hbm>>
          %dma_wait3A_94 = tpu.memref_slice %arg2[%multiple_of3A_83] : memref<320000xi32, #tpu.memory_space<hbm>> -> memref<80xi32, #tpu.memory_space<hbm>>
          tpu.wait_dma2 semaphore(%run_scoped3A : memref<!tpu.dma_semaphore, #tpu.memory_space<semaphore_mem>>) src(%dma_wait3A_94 : memref<80xi32, #tpu.memory_space<hbm>>) dst(%arg7 : memref<80xi32, #tpu.memory_space<vmem>>)
          tpu.yield
        }) : () -> ()
        "tpu.region"() ({
          %run_scoped3A = tpu.sem_alloc : memref<!tpu.dma_semaphore, #tpu.memory_space<semaphore_mem>>
          %dma_start3A_91 = tpu.memref_slice %arg3[%multiple_of3A_83] : memref<320000xi32, #tpu.memory_space<hbm>> -> memref<80xi32, #tpu.memory_space<hbm>>
          %dma_start3A_92 = tpu.memref_slice %arg3[%multiple_of3A_83] : memref<320000xi32, #tpu.memory_space<hbm>> -> memref<80xi32, #tpu.memory_space<hbm>>
          tpu.enqueue_dma source(%dma_start3A_92 : memref<80xi32, #tpu.memory_space<hbm>>) target(%arg8 : memref<80xi32, #tpu.memory_space<vmem>>) target_semaphore(%run_scoped3A : memref<!tpu.dma_semaphore, #tpu.memory_space<semaphore_mem>>)
          %dma_wait3A_93 = tpu.memref_slice %arg3[%multiple_of3A_83] : memref<320000xi32, #tpu.memory_space<hbm>> -> memref<80xi32, #tpu.memory_space<hbm>>
          %dma_wait3A_94 = tpu.memref_slice %arg3[%multiple_of3A_83] : memref<320000xi32, #tpu.memory_space<hbm>> -> memref<80xi32, #tpu.memory_space<hbm>>
          tpu.wait_dma2 semaphore(%run_scoped3A : memref<!tpu.dma_semaphore, #tpu.memory_space<semaphore_mem>>) src(%dma_wait3A_94 : memref<80xi32, #tpu.memory_space<hbm>>) dst(%arg8 : memref<80xi32, #tpu.memory_space<vmem>>)
          tpu.yield
        }) : () -> ()
        %dma_start3A_84 = arith.constant 0 : i32
        %dma_start3A_85 = arith.constant 0 : i32
        %dma_start3A_86 = tpu.memref_slice %arg4[%add3A_30, %dma_start3A_84, %dma_start3A_85] : memref<4x10000x128xf32, #tpu.memory_space<hbm>> -> memref<1x10000x128xf32, #tpu.memory_space<hbm>>
        %dma_start3A_87 = tpu.memref_squeeze %dma_start3A_86 : memref<1x10000x128xf32, #tpu.memory_space<hbm>> -> memref<10000x128xf32, #tpu.memory_space<hbm>>
        %dma_start3A_88 = arith.constant 0 : i32
        %dma_start3A_89 = arith.constant 0 : i32
        %dma_start3A_90 = tpu.memref_slice %dma_start3A_87[%dma_start3A_88, %dma_start3A_89] : memref<10000x128xf32, #tpu.memory_space<hbm>> -> memref<10000x128xf32, #tpu.memory_space<hbm>>
        tpu.enqueue_indirect_dma source(%dma_start3A_90 : memref<10000x128xf32, #tpu.memory_space<hbm>>) target(%arg9 : memref<80x128xf32, #tpu.memory_space<vmem>>) offsets(%arg7 : memref<80xi32, #tpu.memory_space<vmem>>) semaphore(%arg14 : memref<!tpu.dma_semaphore, #tpu.memory_space<semaphore_mem>>)
      } else {
      }
      %lt3A_73 = arith.constant 250 : i32
      %lt3A_74 = arith.cmpi slt, %add3A_57, %lt3A_73 : i32
      %convert_element_type3A_75 = arith.extui %lt3A_74 : i1 to i32
      %cond3A_76 = arith.constant 0 : i32
      %cond3A_77 = arith.cmpi ne, %convert_element_type3A_75, %cond3A_76 : i32
      scf.if %cond3A_77 {
        %dma_wait3A_78 = arith.constant 0 : i32
        %dma_wait3A_79 = arith.constant 0 : i32
        %dma_wait3A_80 = tpu.memref_slice %arg4[%add3A_30, %dma_wait3A_78, %dma_wait3A_79] : memref<4x10000x128xf32, #tpu.memory_space<hbm>> -> memref<1x10000x128xf32, #tpu.memory_space<hbm>>
        %dma_wait3A_81 = tpu.memref_squeeze %dma_wait3A_80 : memref<1x10000x128xf32, #tpu.memory_space<hbm>> -> memref<10000x128xf32, #tpu.memory_space<hbm>>
        %dma_wait3A_82 = arith.constant 0 : i32
        %dma_wait3A_83 = arith.constant 0 : i32
        %dma_wait3A_84 = tpu.memref_slice %dma_wait3A_81[%dma_wait3A_82, %dma_wait3A_83] : memref<10000x128xf32, #tpu.memory_space<hbm>> -> memref<10000x128xf32, #tpu.memory_space<hbm>>
        tpu.wait_indirect_dma semaphore(%arg15 : memref<!tpu.dma_semaphore, #tpu.memory_space<semaphore_mem>>) src(%dma_wait3A_84 : memref<10000x128xf32, #tpu.memory_space<hbm>>) dst(%arg12 : memref<80x128xf32, #tpu.memory_space<vmem>>)
        "tpu.region"() ({
          %run_scoped3A = tpu.sem_alloc : memref<!tpu.dma_semaphore, #tpu.memory_space<semaphore_mem>>
          %dma_start3A_85 = arith.constant 0 : i32
          %dma_start3A_86 = arith.constant 0 : i32
          %dma_start3A_87 = tpu.memref_slice %arg13[%dma_start3A_85, %dma_start3A_86] : memref<10240x128xf32, #tpu.memory_space<vmem_shared>> -> memref<10240x128xf32, #tpu.memory_space<vmem_shared>>
          tpu.enqueue_indirect_dma source(%arg12 : memref<80x128xf32, #tpu.memory_space<vmem>>) target(%dma_start3A_87 : memref<10240x128xf32, #tpu.memory_space<vmem_shared>>) offsets(%arg11 : memref<80xi32, #tpu.memory_space<vmem>>) semaphore(%run_scoped3A : memref<!tpu.dma_semaphore, #tpu.memory_space<semaphore_mem>>) {add = true}
          %dma_wait3A_88 = arith.constant 0 : i32
          %dma_wait3A_89 = arith.constant 0 : i32
          %dma_wait3A_90 = tpu.memref_slice %arg13[%dma_wait3A_88, %dma_wait3A_89] : memref<10240x128xf32, #tpu.memory_space<vmem_shared>> -> memref<10240x128xf32, #tpu.memory_space<vmem_shared>>
          tpu.wait_indirect_dma semaphore(%run_scoped3A : memref<!tpu.dma_semaphore, #tpu.memory_space<semaphore_mem>>) src(%arg12 : memref<80x128xf32, #tpu.memory_space<vmem>>) dst(%dma_wait3A_90 : memref<10240x128xf32, #tpu.memory_space<vmem_shared>>)
          tpu.yield
        }) : () -> ()
      } else {
      }
    }
    %scan3A_46 = arith.constant 125 : i32
    %barrier3A_47 = arith.constant 0 : index
    tpu.barrier barrier_id(%barrier3A_47)
    %mul3A_48 = arith.constant 640 : i32
    %mul3A_49 = arith.muli %arg1, %mul3A_48 : i32
    %mul3A_50 = arith.constant 640 : i32
    %mul3A_51 = arith.muli %arg1, %mul3A_50 : i32
    "tpu.region"() ({
      %run_scoped3A = tpu.sem_alloc : memref<!tpu.dma_semaphore, #tpu.memory_space<semaphore_mem>>
      %dma_start3A_53 = arith.constant 0 : i32
      %dma_start3A_54 = arith.constant 0 : i32
      %dma_start3A_55 = tpu.memref_slice %arg6[%add3A_30, %dma_start3A_53, %dma_start3A_54] : memref<4x10240x128xf32, #tpu.memory_space<hbm>> -> memref<1x10240x128xf32, #tpu.memory_space<hbm>>
      %dma_start3A_56 = tpu.memref_squeeze %dma_start3A_55 : memref<1x10240x128xf32, #tpu.memory_space<hbm>> -> memref<10240x128xf32, #tpu.memory_space<hbm>>
      %dma_start3A_57 = arith.constant 0 : i32
      %dma_start3A_58 = tpu.memref_slice %dma_start3A_56[%mul3A_51, %dma_start3A_57] : memref<10240x128xf32, #tpu.memory_space<hbm>> -> memref<640x128xf32, #tpu.memory_space<hbm>>
      %dma_start3A_59 = arith.constant 0 : i32
      %dma_start3A_60 = tpu.memref_slice %arg13[%mul3A_49, %dma_start3A_59] : memref<10240x128xf32, #tpu.memory_space<vmem_shared>> -> memref<640x128xf32, #tpu.memory_space<vmem_shared>>
      tpu.enqueue_dma source(%dma_start3A_60 : memref<640x128xf32, #tpu.memory_space<vmem_shared>>) target(%dma_start3A_58 : memref<640x128xf32, #tpu.memory_space<hbm>>) target_semaphore(%run_scoped3A : memref<!tpu.dma_semaphore, #tpu.memory_space<semaphore_mem>>)
      %dma_wait3A = arith.constant 0 : i32
      %dma_wait3A_61 = arith.constant 0 : i32
      %dma_wait3A_62 = tpu.memref_slice %arg6[%add3A_30, %dma_wait3A, %dma_wait3A_61] : memref<4x10240x128xf32, #tpu.memory_space<hbm>> -> memref<1x10240x128xf32, #tpu.memory_space<hbm>>
      %dma_wait3A_63 = tpu.memref_squeeze %dma_wait3A_62 : memref<1x10240x128xf32, #tpu.memory_space<hbm>> -> memref<10240x128xf32, #tpu.memory_space<hbm>>
      %dma_wait3A_64 = arith.constant 0 : i32
      %dma_wait3A_65 = tpu.memref_slice %dma_wait3A_63[%mul3A_51, %dma_wait3A_64] : memref<10240x128xf32, #tpu.memory_space<hbm>> -> memref<640x128xf32, #tpu.memory_space<hbm>>
      %dma_wait3A_66 = arith.constant 0 : i32
      %dma_wait3A_67 = tpu.memref_slice %arg13[%mul3A_49, %dma_wait3A_66] : memref<10240x128xf32, #tpu.memory_space<vmem_shared>> -> memref<640x128xf32, #tpu.memory_space<vmem_shared>>
      tpu.wait_dma2 semaphore(%run_scoped3A : memref<!tpu.dma_semaphore, #tpu.memory_space<semaphore_mem>>) src(%dma_wait3A_67 : memref<640x128xf32, #tpu.memory_space<vmem_shared>>) dst(%dma_wait3A_65 : memref<640x128xf32, #tpu.memory_space<hbm>>)
      tpu.yield
    }) : () -> ()
    %barrier3A_52 = arith.constant 0 : index
    tpu.barrier barrier_id(%barrier3A_52)
    return
  }
}

#map = affine_map<(d0, d1) -> (0)>
#map1 = affine_map<(d0, d1) -> (0, 0, 0)>
#map2 = affine_map<(d0, d1) -> (0, 0)>
module attributes {stable_mosaic.version = 14 : i64} {
  func.func @k(%arg0: i32, %arg1: i32, %arg2: memref<320000xi32, #tpu.memory_space<hbm>>, %arg3: memref<320000xi32, #tpu.memory_space<hbm>>, %arg4: memref<2x10000x128xf32, #tpu.memory_space<hbm>>, %arg5: memref<640x128xf32, #tpu.memory_space<hbm>>, %arg6: memref<2x10240x128xf32, #tpu.memory_space<hbm>>, %arg7: memref<80xi32, #tpu.memory_space<vmem>>, %arg8: memref<80xi32, #tpu.memory_space<vmem>>, %arg9: memref<80x128xf32, #tpu.memory_space<vmem>>, %arg10: memref<80xi32, #tpu.memory_space<vmem>>, %arg11: memref<80xi32, #tpu.memory_space<vmem>>, %arg12: memref<80x128xf32, #tpu.memory_space<vmem>>, %arg13: memref<10240x128xf32, #tpu.memory_space<vmem_shared>>, %arg14: memref<!tpu.dma_semaphore, #tpu.memory_space<semaphore_mem>>, %arg15: memref<!tpu.dma_semaphore, #tpu.memory_space<semaphore_mem>>) attributes {dimension_semantics = [#tpu.dimension_semantics<core_parallel>, #tpu.dimension_semantics<subcore_parallel>], iteration_bounds = array<i64: 2, 16>, scalar_prefetch = 0 : i64, scratch_operands = 9 : i64, tpu.core_type = #tpu.core_type<sc_vector_subcore>, window_params = [{transform_indices = #map}, {transform_indices = #map}, {transform_indices = #map1}, {transform_indices = #map2}, {transform_indices = #map1}]} {
    %mul3A = arith.constant 20000 : i32
    %mul3A_0 = arith.muli %arg1, %mul3A : i32
    %mul3A_1 = arith.constant 640 : i32
    %mul3A_2 = arith.muli %arg1, %mul3A_1 : i32
    "tpu.region"() ({
      %run_scoped3A = tpu.sem_alloc : memref<!tpu.dma_semaphore, #tpu.memory_space<semaphore_mem>>
      %dma_start3A_25 = arith.constant 0 : i32
      %dma_start3A_26 = tpu.memref_slice %arg13[%mul3A_2, %dma_start3A_25] : memref<10240x128xf32, #tpu.memory_space<vmem_shared>> -> memref<640x128xf32, #tpu.memory_space<vmem_shared>>
      tpu.enqueue_dma source(%arg5 : memref<640x128xf32, #tpu.memory_space<hbm>>) target(%dma_start3A_26 : memref<640x128xf32, #tpu.memory_space<vmem_shared>>) target_semaphore(%run_scoped3A : memref<!tpu.dma_semaphore, #tpu.memory_space<semaphore_mem>>)
      %dma_wait3A = arith.constant 0 : i32
      %dma_wait3A_27 = tpu.memref_slice %arg13[%mul3A_2, %dma_wait3A] : memref<10240x128xf32, #tpu.memory_space<vmem_shared>> -> memref<640x128xf32, #tpu.memory_space<vmem_shared>>
      tpu.wait_dma2 semaphore(%run_scoped3A : memref<!tpu.dma_semaphore, #tpu.memory_space<semaphore_mem>>) src(%arg5 : memref<640x128xf32, #tpu.memory_space<hbm>>) dst(%dma_wait3A_27 : memref<640x128xf32, #tpu.memory_space<vmem_shared>>)
      tpu.yield
    }) : () -> ()
    %barrier3A = arith.constant 0 : index
    tpu.barrier barrier_id(%barrier3A)
    %mul3A_3 = arith.constant 1 : i32
    %mul3A_4 = arith.muli %arg0, %mul3A_3 : i32
    %add3A = arith.constant 0 : i32
    %add3A_5 = arith.addi %mul3A_4, %add3A : i32
    %add3A_6 = arith.constant 0 : i32
    %add3A_7 = arith.addi %mul3A_0, %add3A_6 : i32
    %multiple_of3A = tpu.assume_multiple %add3A_7, 8 : i32
    "tpu.region"() ({
      %run_scoped3A = tpu.sem_alloc : memref<!tpu.dma_semaphore, #tpu.memory_space<semaphore_mem>>
      %dma_start3A_25 = tpu.memref_slice %arg2[%multiple_of3A] : memref<320000xi32, #tpu.memory_space<hbm>> -> memref<80xi32, #tpu.memory_space<hbm>>
      %dma_start3A_26 = tpu.memref_slice %arg2[%multiple_of3A] : memref<320000xi32, #tpu.memory_space<hbm>> -> memref<80xi32, #tpu.memory_space<hbm>>
      tpu.enqueue_dma source(%dma_start3A_26 : memref<80xi32, #tpu.memory_space<hbm>>) target(%arg7 : memref<80xi32, #tpu.memory_space<vmem>>) target_semaphore(%run_scoped3A : memref<!tpu.dma_semaphore, #tpu.memory_space<semaphore_mem>>)
      %dma_wait3A = tpu.memref_slice %arg2[%multiple_of3A] : memref<320000xi32, #tpu.memory_space<hbm>> -> memref<80xi32, #tpu.memory_space<hbm>>
      %dma_wait3A_27 = tpu.memref_slice %arg2[%multiple_of3A] : memref<320000xi32, #tpu.memory_space<hbm>> -> memref<80xi32, #tpu.memory_space<hbm>>
      tpu.wait_dma2 semaphore(%run_scoped3A : memref<!tpu.dma_semaphore, #tpu.memory_space<semaphore_mem>>) src(%dma_wait3A_27 : memref<80xi32, #tpu.memory_space<hbm>>) dst(%arg7 : memref<80xi32, #tpu.memory_space<vmem>>)
      tpu.yield
    }) : () -> ()
    "tpu.region"() ({
      %run_scoped3A = tpu.sem_alloc : memref<!tpu.dma_semaphore, #tpu.memory_space<semaphore_mem>>
      %dma_start3A_25 = tpu.memref_slice %arg3[%multiple_of3A] : memref<320000xi32, #tpu.memory_space<hbm>> -> memref<80xi32, #tpu.memory_space<hbm>>
      %dma_start3A_26 = tpu.memref_slice %arg3[%multiple_of3A] : memref<320000xi32, #tpu.memory_space<hbm>> -> memref<80xi32, #tpu.memory_space<hbm>>
      tpu.enqueue_dma source(%dma_start3A_26 : memref<80xi32, #tpu.memory_space<hbm>>) target(%arg8 : memref<80xi32, #tpu.memory_space<vmem>>) target_semaphore(%run_scoped3A : memref<!tpu.dma_semaphore, #tpu.memory_space<semaphore_mem>>)
      %dma_wait3A = tpu.memref_slice %arg3[%multiple_of3A] : memref<320000xi32, #tpu.memory_space<hbm>> -> memref<80xi32, #tpu.memory_space<hbm>>
      %dma_wait3A_27 = tpu.memref_slice %arg3[%multiple_of3A] : memref<320000xi32, #tpu.memory_space<hbm>> -> memref<80xi32, #tpu.memory_space<hbm>>
      tpu.wait_dma2 semaphore(%run_scoped3A : memref<!tpu.dma_semaphore, #tpu.memory_space<semaphore_mem>>) src(%dma_wait3A_27 : memref<80xi32, #tpu.memory_space<hbm>>) dst(%arg8 : memref<80xi32, #tpu.memory_space<vmem>>)
      tpu.yield
    }) : () -> ()
    %dma_start3A = arith.constant 0 : i32
    %dma_start3A_8 = arith.constant 0 : i32
    %dma_start3A_9 = tpu.memref_slice %arg4[%add3A_5, %dma_start3A, %dma_start3A_8] : memref<2x10000x128xf32, #tpu.memory_space<hbm>> -> memref<1x10000x128xf32, #tpu.memory_space<hbm>>
    %dma_start3A_10 = tpu.memref_squeeze %dma_start3A_9 : memref<1x10000x128xf32, #tpu.memory_space<hbm>> -> memref<10000x128xf32, #tpu.memory_space<hbm>>
    %dma_start3A_11 = arith.constant 0 : i32
    %dma_start3A_12 = arith.constant 0 : i32
    %dma_start3A_13 = tpu.memref_slice %dma_start3A_10[%dma_start3A_11, %dma_start3A_12] : memref<10000x128xf32, #tpu.memory_space<hbm>> -> memref<10000x128xf32, #tpu.memory_space<hbm>>
    tpu.enqueue_indirect_dma source(%dma_start3A_13 : memref<10000x128xf32, #tpu.memory_space<hbm>>) target(%arg9 : memref<80x128xf32, #tpu.memory_space<vmem>>) offsets(%arg7 : memref<80xi32, #tpu.memory_space<vmem>>) semaphore(%arg14 : memref<!tpu.dma_semaphore, #tpu.memory_space<semaphore_mem>>)
    %scan3A = arith.constant 0 : i32
    %scan3A_14 = arith.constant 0 : i32
    %scan3A_15 = arith.constant 125 : i32
    %scan3A_16 = arith.addi %scan3A_14, %scan3A_15 : i32
    %scan3A_17 = arith.constant 1 : i32
    scf.for %scan3A_25 = %scan3A_14 to %scan3A_16 step %scan3A_17  : i32 {
      %mul3A_26 = arith.constant 2 : i32
      %mul3A_27 = arith.muli %scan3A_25, %mul3A_26 : i32
      %add3A_28 = arith.constant 1 : i32
      %add3A_29 = arith.addi %mul3A_27, %add3A_28 : i32
      %lt3A = arith.constant 250 : i32
      %lt3A_30 = arith.cmpi slt, %add3A_29, %lt3A : i32
      %convert_element_type3A = arith.extui %lt3A_30 : i1 to i32
      %cond3A = arith.constant 0 : i32
      %cond3A_31 = arith.cmpi ne, %convert_element_type3A, %cond3A : i32
      scf.if %cond3A_31 {
        %mul3A_50 = arith.constant 80 : i32
        %mul3A_51 = arith.muli %add3A_29, %mul3A_50 : i32
        %add3A_52 = arith.addi %mul3A_0, %mul3A_51 : i32
        %multiple_of3A_53 = tpu.assume_multiple %add3A_52, 8 : i32
        "tpu.region"() ({
          %run_scoped3A = tpu.sem_alloc : memref<!tpu.dma_semaphore, #tpu.memory_space<semaphore_mem>>
          %dma_start3A_61 = tpu.memref_slice %arg2[%multiple_of3A_53] : memref<320000xi32, #tpu.memory_space<hbm>> -> memref<80xi32, #tpu.memory_space<hbm>>
          %dma_start3A_62 = tpu.memref_slice %arg2[%multiple_of3A_53] : memref<320000xi32, #tpu.memory_space<hbm>> -> memref<80xi32, #tpu.memory_space<hbm>>
          tpu.enqueue_dma source(%dma_start3A_62 : memref<80xi32, #tpu.memory_space<hbm>>) target(%arg10 : memref<80xi32, #tpu.memory_space<vmem>>) target_semaphore(%run_scoped3A : memref<!tpu.dma_semaphore, #tpu.memory_space<semaphore_mem>>)
          %dma_wait3A_63 = tpu.memref_slice %arg2[%multiple_of3A_53] : memref<320000xi32, #tpu.memory_space<hbm>> -> memref<80xi32, #tpu.memory_space<hbm>>
          %dma_wait3A_64 = tpu.memref_slice %arg2[%multiple_of3A_53] : memref<320000xi32, #tpu.memory_space<hbm>> -> memref<80xi32, #tpu.memory_space<hbm>>
          tpu.wait_dma2 semaphore(%run_scoped3A : memref<!tpu.dma_semaphore, #tpu.memory_space<semaphore_mem>>) src(%dma_wait3A_64 : memref<80xi32, #tpu.memory_space<hbm>>) dst(%arg10 : memref<80xi32, #tpu.memory_space<vmem>>)
          tpu.yield
        }) : () -> ()
        "tpu.region"() ({
          %run_scoped3A = tpu.sem_alloc : memref<!tpu.dma_semaphore, #tpu.memory_space<semaphore_mem>>
          %dma_start3A_61 = tpu.memref_slice %arg3[%multiple_of3A_53] : memref<320000xi32, #tpu.memory_space<hbm>> -> memref<80xi32, #tpu.memory_space<hbm>>
          %dma_start3A_62 = tpu.memref_slice %arg3[%multiple_of3A_53] : memref<320000xi32, #tpu.memory_space<hbm>> -> memref<80xi32, #tpu.memory_space<hbm>>
          tpu.enqueue_dma source(%dma_start3A_62 : memref<80xi32, #tpu.memory_space<hbm>>) target(%arg11 : memref<80xi32, #tpu.memory_space<vmem>>) target_semaphore(%run_scoped3A : memref<!tpu.dma_semaphore, #tpu.memory_space<semaphore_mem>>)
          %dma_wait3A_63 = tpu.memref_slice %arg3[%multiple_of3A_53] : memref<320000xi32, #tpu.memory_space<hbm>> -> memref<80xi32, #tpu.memory_space<hbm>>
          %dma_wait3A_64 = tpu.memref_slice %arg3[%multiple_of3A_53] : memref<320000xi32, #tpu.memory_space<hbm>> -> memref<80xi32, #tpu.memory_space<hbm>>
          tpu.wait_dma2 semaphore(%run_scoped3A : memref<!tpu.dma_semaphore, #tpu.memory_space<semaphore_mem>>) src(%dma_wait3A_64 : memref<80xi32, #tpu.memory_space<hbm>>) dst(%arg11 : memref<80xi32, #tpu.memory_space<vmem>>)
          tpu.yield
        }) : () -> ()
        %dma_start3A_54 = arith.constant 0 : i32
        %dma_start3A_55 = arith.constant 0 : i32
        %dma_start3A_56 = tpu.memref_slice %arg4[%add3A_5, %dma_start3A_54, %dma_start3A_55] : memref<2x10000x128xf32, #tpu.memory_space<hbm>> -> memref<1x10000x128xf32, #tpu.memory_space<hbm>>
        %dma_start3A_57 = tpu.memref_squeeze %dma_start3A_56 : memref<1x10000x128xf32, #tpu.memory_space<hbm>> -> memref<10000x128xf32, #tpu.memory_space<hbm>>
        %dma_start3A_58 = arith.constant 0 : i32
        %dma_start3A_59 = arith.constant 0 : i32
        %dma_start3A_60 = tpu.memref_slice %dma_start3A_57[%dma_start3A_58, %dma_start3A_59] : memref<10000x128xf32, #tpu.memory_space<hbm>> -> memref<10000x128xf32, #tpu.memory_space<hbm>>
        tpu.enqueue_indirect_dma source(%dma_start3A_60 : memref<10000x128xf32, #tpu.memory_space<hbm>>) target(%arg12 : memref<80x128xf32, #tpu.memory_space<vmem>>) offsets(%arg10 : memref<80xi32, #tpu.memory_space<vmem>>) semaphore(%arg15 : memref<!tpu.dma_semaphore, #tpu.memory_space<semaphore_mem>>)
      } else {
      }
      %dma_wait3A = arith.constant 0 : i32
      %dma_wait3A_32 = arith.constant 0 : i32
      %dma_wait3A_33 = tpu.memref_slice %arg4[%add3A_5, %dma_wait3A, %dma_wait3A_32] : memref<2x10000x128xf32, #tpu.memory_space<hbm>> -> memref<1x10000x128xf32, #tpu.memory_space<hbm>>
      %dma_wait3A_34 = tpu.memref_squeeze %dma_wait3A_33 : memref<1x10000x128xf32, #tpu.memory_space<hbm>> -> memref<10000x128xf32, #tpu.memory_space<hbm>>
      %dma_wait3A_35 = arith.constant 0 : i32
      %dma_wait3A_36 = arith.constant 0 : i32
      %dma_wait3A_37 = tpu.memref_slice %dma_wait3A_34[%dma_wait3A_35, %dma_wait3A_36] : memref<10000x128xf32, #tpu.memory_space<hbm>> -> memref<10000x128xf32, #tpu.memory_space<hbm>>
      tpu.wait_indirect_dma semaphore(%arg14 : memref<!tpu.dma_semaphore, #tpu.memory_space<semaphore_mem>>) src(%dma_wait3A_37 : memref<10000x128xf32, #tpu.memory_space<hbm>>) dst(%arg9 : memref<80x128xf32, #tpu.memory_space<vmem>>)
      "tpu.region"() ({
        %run_scoped3A = tpu.sem_alloc : memref<!tpu.dma_semaphore, #tpu.memory_space<semaphore_mem>>
        %dma_start3A_50 = arith.constant 0 : i32
        %dma_start3A_51 = arith.constant 0 : i32
        %dma_start3A_52 = tpu.memref_slice %arg13[%dma_start3A_50, %dma_start3A_51] : memref<10240x128xf32, #tpu.memory_space<vmem_shared>> -> memref<10240x128xf32, #tpu.memory_space<vmem_shared>>
        tpu.enqueue_indirect_dma source(%arg9 : memref<80x128xf32, #tpu.memory_space<vmem>>) target(%dma_start3A_52 : memref<10240x128xf32, #tpu.memory_space<vmem_shared>>) offsets(%arg8 : memref<80xi32, #tpu.memory_space<vmem>>) semaphore(%run_scoped3A : memref<!tpu.dma_semaphore, #tpu.memory_space<semaphore_mem>>) {add = true}
        %dma_wait3A_53 = arith.constant 0 : i32
        %dma_wait3A_54 = arith.constant 0 : i32
        %dma_wait3A_55 = tpu.memref_slice %arg13[%dma_wait3A_53, %dma_wait3A_54] : memref<10240x128xf32, #tpu.memory_space<vmem_shared>> -> memref<10240x128xf32, #tpu.memory_space<vmem_shared>>
        tpu.wait_indirect_dma semaphore(%run_scoped3A : memref<!tpu.dma_semaphore, #tpu.memory_space<semaphore_mem>>) src(%arg9 : memref<80x128xf32, #tpu.memory_space<vmem>>) dst(%dma_wait3A_55 : memref<10240x128xf32, #tpu.memory_space<vmem_shared>>)
        tpu.yield
      }) : () -> ()
      %add3A_38 = arith.constant 2 : i32
      %add3A_39 = arith.addi %mul3A_27, %add3A_38 : i32
      %lt3A_40 = arith.constant 250 : i32
      %lt3A_41 = arith.cmpi slt, %add3A_39, %lt3A_40 : i32
      %convert_element_type3A_42 = arith.extui %lt3A_41 : i1 to i32
      %cond3A_43 = arith.constant 0 : i32
      %cond3A_44 = arith.cmpi ne, %convert_element_type3A_42, %cond3A_43 : i32
      scf.if %cond3A_44 {
        %add3A_50 = arith.constant 2 : i32
        %add3A_51 = arith.addi %mul3A_27, %add3A_50 : i32
        %mul3A_52 = arith.constant 80 : i32
        %mul3A_53 = arith.muli %add3A_51, %mul3A_52 : i32
        %add3A_54 = arith.addi %mul3A_0, %mul3A_53 : i32
        %multiple_of3A_55 = tpu.assume_multiple %add3A_54, 8 : i32
        "tpu.region"() ({
          %run_scoped3A = tpu.sem_alloc : memref<!tpu.dma_semaphore, #tpu.memory_space<semaphore_mem>>
          %dma_start3A_63 = tpu.memref_slice %arg2[%multiple_of3A_55] : memref<320000xi32, #tpu.memory_space<hbm>> -> memref<80xi32, #tpu.memory_space<hbm>>
          %dma_start3A_64 = tpu.memref_slice %arg2[%multiple_of3A_55] : memref<320000xi32, #tpu.memory_space<hbm>> -> memref<80xi32, #tpu.memory_space<hbm>>
          tpu.enqueue_dma source(%dma_start3A_64 : memref<80xi32, #tpu.memory_space<hbm>>) target(%arg7 : memref<80xi32, #tpu.memory_space<vmem>>) target_semaphore(%run_scoped3A : memref<!tpu.dma_semaphore, #tpu.memory_space<semaphore_mem>>)
          %dma_wait3A_65 = tpu.memref_slice %arg2[%multiple_of3A_55] : memref<320000xi32, #tpu.memory_space<hbm>> -> memref<80xi32, #tpu.memory_space<hbm>>
          %dma_wait3A_66 = tpu.memref_slice %arg2[%multiple_of3A_55] : memref<320000xi32, #tpu.memory_space<hbm>> -> memref<80xi32, #tpu.memory_space<hbm>>
          tpu.wait_dma2 semaphore(%run_scoped3A : memref<!tpu.dma_semaphore, #tpu.memory_space<semaphore_mem>>) src(%dma_wait3A_66 : memref<80xi32, #tpu.memory_space<hbm>>) dst(%arg7 : memref<80xi32, #tpu.memory_space<vmem>>)
          tpu.yield
        }) : () -> ()
        "tpu.region"() ({
          %run_scoped3A = tpu.sem_alloc : memref<!tpu.dma_semaphore, #tpu.memory_space<semaphore_mem>>
          %dma_start3A_63 = tpu.memref_slice %arg3[%multiple_of3A_55] : memref<320000xi32, #tpu.memory_space<hbm>> -> memref<80xi32, #tpu.memory_space<hbm>>
          %dma_start3A_64 = tpu.memref_slice %arg3[%multiple_of3A_55] : memref<320000xi32, #tpu.memory_space<hbm>> -> memref<80xi32, #tpu.memory_space<hbm>>
          tpu.enqueue_dma source(%dma_start3A_64 : memref<80xi32, #tpu.memory_space<hbm>>) target(%arg8 : memref<80xi32, #tpu.memory_space<vmem>>) target_semaphore(%run_scoped3A : memref<!tpu.dma_semaphore, #tpu.memory_space<semaphore_mem>>)
          %dma_wait3A_65 = tpu.memref_slice %arg3[%multiple_of3A_55] : memref<320000xi32, #tpu.memory_space<hbm>> -> memref<80xi32, #tpu.memory_space<hbm>>
          %dma_wait3A_66 = tpu.memref_slice %arg3[%multiple_of3A_55] : memref<320000xi32, #tpu.memory_space<hbm>> -> memref<80xi32, #tpu.memory_space<hbm>>
          tpu.wait_dma2 semaphore(%run_scoped3A : memref<!tpu.dma_semaphore, #tpu.memory_space<semaphore_mem>>) src(%dma_wait3A_66 : memref<80xi32, #tpu.memory_space<hbm>>) dst(%arg8 : memref<80xi32, #tpu.memory_space<vmem>>)
          tpu.yield
        }) : () -> ()
        %dma_start3A_56 = arith.constant 0 : i32
        %dma_start3A_57 = arith.constant 0 : i32
        %dma_start3A_58 = tpu.memref_slice %arg4[%add3A_5, %dma_start3A_56, %dma_start3A_57] : memref<2x10000x128xf32, #tpu.memory_space<hbm>> -> memref<1x10000x128xf32, #tpu.memory_space<hbm>>
        %dma_start3A_59 = tpu.memref_squeeze %dma_start3A_58 : memref<1x10000x128xf32, #tpu.memory_space<hbm>> -> memref<10000x128xf32, #tpu.memory_space<hbm>>
        %dma_start3A_60 = arith.constant 0 : i32
        %dma_start3A_61 = arith.constant 0 : i32
        %dma_start3A_62 = tpu.memref_slice %dma_start3A_59[%dma_start3A_60, %dma_start3A_61] : memref<10000x128xf32, #tpu.memory_space<hbm>> -> memref<10000x128xf32, #tpu.memory_space<hbm>>
        tpu.enqueue_indirect_dma source(%dma_start3A_62 : memref<10000x128xf32, #tpu.memory_space<hbm>>) target(%arg9 : memref<80x128xf32, #tpu.memory_space<vmem>>) offsets(%arg7 : memref<80xi32, #tpu.memory_space<vmem>>) semaphore(%arg14 : memref<!tpu.dma_semaphore, #tpu.memory_space<semaphore_mem>>)
      } else {
      }
      %lt3A_45 = arith.constant 250 : i32
      %lt3A_46 = arith.cmpi slt, %add3A_29, %lt3A_45 : i32
      %convert_element_type3A_47 = arith.extui %lt3A_46 : i1 to i32
      %cond3A_48 = arith.constant 0 : i32
      %cond3A_49 = arith.cmpi ne, %convert_element_type3A_47, %cond3A_48 : i32
      scf.if %cond3A_49 {
        %dma_wait3A_50 = arith.constant 0 : i32
        %dma_wait3A_51 = arith.constant 0 : i32
        %dma_wait3A_52 = tpu.memref_slice %arg4[%add3A_5, %dma_wait3A_50, %dma_wait3A_51] : memref<2x10000x128xf32, #tpu.memory_space<hbm>> -> memref<1x10000x128xf32, #tpu.memory_space<hbm>>
        %dma_wait3A_53 = tpu.memref_squeeze %dma_wait3A_52 : memref<1x10000x128xf32, #tpu.memory_space<hbm>> -> memref<10000x128xf32, #tpu.memory_space<hbm>>
        %dma_wait3A_54 = arith.constant 0 : i32
        %dma_wait3A_55 = arith.constant 0 : i32
        %dma_wait3A_56 = tpu.memref_slice %dma_wait3A_53[%dma_wait3A_54, %dma_wait3A_55] : memref<10000x128xf32, #tpu.memory_space<hbm>> -> memref<10000x128xf32, #tpu.memory_space<hbm>>
        tpu.wait_indirect_dma semaphore(%arg15 : memref<!tpu.dma_semaphore, #tpu.memory_space<semaphore_mem>>) src(%dma_wait3A_56 : memref<10000x128xf32, #tpu.memory_space<hbm>>) dst(%arg12 : memref<80x128xf32, #tpu.memory_space<vmem>>)
        "tpu.region"() ({
          %run_scoped3A = tpu.sem_alloc : memref<!tpu.dma_semaphore, #tpu.memory_space<semaphore_mem>>
          %dma_start3A_57 = arith.constant 0 : i32
          %dma_start3A_58 = arith.constant 0 : i32
          %dma_start3A_59 = tpu.memref_slice %arg13[%dma_start3A_57, %dma_start3A_58] : memref<10240x128xf32, #tpu.memory_space<vmem_shared>> -> memref<10240x128xf32, #tpu.memory_space<vmem_shared>>
          tpu.enqueue_indirect_dma source(%arg12 : memref<80x128xf32, #tpu.memory_space<vmem>>) target(%dma_start3A_59 : memref<10240x128xf32, #tpu.memory_space<vmem_shared>>) offsets(%arg11 : memref<80xi32, #tpu.memory_space<vmem>>) semaphore(%run_scoped3A : memref<!tpu.dma_semaphore, #tpu.memory_space<semaphore_mem>>) {add = true}
          %dma_wait3A_60 = arith.constant 0 : i32
          %dma_wait3A_61 = arith.constant 0 : i32
          %dma_wait3A_62 = tpu.memref_slice %arg13[%dma_wait3A_60, %dma_wait3A_61] : memref<10240x128xf32, #tpu.memory_space<vmem_shared>> -> memref<10240x128xf32, #tpu.memory_space<vmem_shared>>
          tpu.wait_indirect_dma semaphore(%run_scoped3A : memref<!tpu.dma_semaphore, #tpu.memory_space<semaphore_mem>>) src(%arg12 : memref<80x128xf32, #tpu.memory_space<vmem>>) dst(%dma_wait3A_62 : memref<10240x128xf32, #tpu.memory_space<vmem_shared>>)
          tpu.yield
        }) : () -> ()
      } else {
      }
    }
    %scan3A_18 = arith.constant 125 : i32
    %barrier3A_19 = arith.constant 0 : index
    tpu.barrier barrier_id(%barrier3A_19)
    %mul3A_20 = arith.constant 640 : i32
    %mul3A_21 = arith.muli %arg1, %mul3A_20 : i32
    %mul3A_22 = arith.constant 640 : i32
    %mul3A_23 = arith.muli %arg1, %mul3A_22 : i32
    "tpu.region"() ({
      %run_scoped3A = tpu.sem_alloc : memref<!tpu.dma_semaphore, #tpu.memory_space<semaphore_mem>>
      %dma_start3A_25 = arith.constant 0 : i32
      %dma_start3A_26 = arith.constant 0 : i32
      %dma_start3A_27 = tpu.memref_slice %arg6[%add3A_5, %dma_start3A_25, %dma_start3A_26] : memref<2x10240x128xf32, #tpu.memory_space<hbm>> -> memref<1x10240x128xf32, #tpu.memory_space<hbm>>
      %dma_start3A_28 = tpu.memref_squeeze %dma_start3A_27 : memref<1x10240x128xf32, #tpu.memory_space<hbm>> -> memref<10240x128xf32, #tpu.memory_space<hbm>>
      %dma_start3A_29 = arith.constant 0 : i32
      %dma_start3A_30 = tpu.memref_slice %dma_start3A_28[%mul3A_23, %dma_start3A_29] : memref<10240x128xf32, #tpu.memory_space<hbm>> -> memref<640x128xf32, #tpu.memory_space<hbm>>
      %dma_start3A_31 = arith.constant 0 : i32
      %dma_start3A_32 = tpu.memref_slice %arg13[%mul3A_21, %dma_start3A_31] : memref<10240x128xf32, #tpu.memory_space<vmem_shared>> -> memref<640x128xf32, #tpu.memory_space<vmem_shared>>
      tpu.enqueue_dma source(%dma_start3A_32 : memref<640x128xf32, #tpu.memory_space<vmem_shared>>) target(%dma_start3A_30 : memref<640x128xf32, #tpu.memory_space<hbm>>) target_semaphore(%run_scoped3A : memref<!tpu.dma_semaphore, #tpu.memory_space<semaphore_mem>>)
      %dma_wait3A = arith.constant 0 : i32
      %dma_wait3A_33 = arith.constant 0 : i32
      %dma_wait3A_34 = tpu.memref_slice %arg6[%add3A_5, %dma_wait3A, %dma_wait3A_33] : memref<2x10240x128xf32, #tpu.memory_space<hbm>> -> memref<1x10240x128xf32, #tpu.memory_space<hbm>>
      %dma_wait3A_35 = tpu.memref_squeeze %dma_wait3A_34 : memref<1x10240x128xf32, #tpu.memory_space<hbm>> -> memref<10240x128xf32, #tpu.memory_space<hbm>>
      %dma_wait3A_36 = arith.constant 0 : i32
      %dma_wait3A_37 = tpu.memref_slice %dma_wait3A_35[%mul3A_23, %dma_wait3A_36] : memref<10240x128xf32, #tpu.memory_space<hbm>> -> memref<640x128xf32, #tpu.memory_space<hbm>>
      %dma_wait3A_38 = arith.constant 0 : i32
      %dma_wait3A_39 = tpu.memref_slice %arg13[%mul3A_21, %dma_wait3A_38] : memref<10240x128xf32, #tpu.memory_space<vmem_shared>> -> memref<640x128xf32, #tpu.memory_space<vmem_shared>>
      tpu.wait_dma2 semaphore(%run_scoped3A : memref<!tpu.dma_semaphore, #tpu.memory_space<semaphore_mem>>) src(%dma_wait3A_39 : memref<640x128xf32, #tpu.memory_space<vmem_shared>>) dst(%dma_wait3A_37 : memref<640x128xf32, #tpu.memory_space<hbm>>)
      tpu.yield
    }) : () -> ()
    %barrier3A_24 = arith.constant 0 : index
    tpu.barrier barrier_id(%barrier3A_24)
    return
  }
}

#map = affine_map<(d0, d1) -> (0)>
#map1 = affine_map<(d0, d1) -> (0, 0)>
#map2 = affine_map<(d0, d1) -> (0, 0, 0)>
module attributes {stable_mosaic.version = 14 : i64} {
  func.func @k(%arg0: i32, %arg1: i32, %arg2: memref<320000xi32, #tpu.memory_space<hbm>>, %arg3: memref<320000xi32, #tpu.memory_space<hbm>>, %arg4: memref<10000x128xf32, #tpu.memory_space<hbm>>, %arg5: memref<640x128xf32, #tpu.memory_space<hbm>>, %arg6: memref<2x10240x128xf32, #tpu.memory_space<hbm>>, %arg7: memref<80xi32, #tpu.memory_space<vmem>>, %arg8: memref<80xi32, #tpu.memory_space<vmem>>, %arg9: memref<80x128xf32, #tpu.memory_space<vmem>>, %arg10: memref<80xi32, #tpu.memory_space<vmem>>, %arg11: memref<80xi32, #tpu.memory_space<vmem>>, %arg12: memref<80x128xf32, #tpu.memory_space<vmem>>, %arg13: memref<10240x128xf32, #tpu.memory_space<vmem_shared>>, %arg14: memref<!tpu.dma_semaphore, #tpu.memory_space<semaphore_mem>>, %arg15: memref<!tpu.dma_semaphore, #tpu.memory_space<semaphore_mem>>) attributes {dimension_semantics = [#tpu.dimension_semantics<core_parallel>, #tpu.dimension_semantics<subcore_parallel>], iteration_bounds = array<i64: 2, 16>, scalar_prefetch = 0 : i64, scratch_operands = 9 : i64, tpu.core_type = #tpu.core_type<sc_vector_subcore>, window_params = [{transform_indices = #map}, {transform_indices = #map}, {transform_indices = #map1}, {transform_indices = #map1}, {transform_indices = #map2}]} {
    %mul3A = arith.constant 2 : i32
    %mul3A_0 = arith.muli %arg1, %mul3A : i32
    %add3A = arith.addi %mul3A_0, %arg0 : i32
    %mul3A_1 = arith.constant 640 : i32
    %mul3A_2 = arith.muli %arg1, %mul3A_1 : i32
    "tpu.region"() ({
      %run_scoped3A = tpu.sem_alloc : memref<!tpu.dma_semaphore, #tpu.memory_space<semaphore_mem>>
      %dma_start3A_19 = arith.constant 0 : i32
      %dma_start3A_20 = tpu.memref_slice %arg13[%mul3A_2, %dma_start3A_19] : memref<10240x128xf32, #tpu.memory_space<vmem_shared>> -> memref<640x128xf32, #tpu.memory_space<vmem_shared>>
      tpu.enqueue_dma source(%arg5 : memref<640x128xf32, #tpu.memory_space<hbm>>) target(%dma_start3A_20 : memref<640x128xf32, #tpu.memory_space<vmem_shared>>) target_semaphore(%run_scoped3A : memref<!tpu.dma_semaphore, #tpu.memory_space<semaphore_mem>>)
      %dma_wait3A = arith.constant 0 : i32
      %dma_wait3A_21 = tpu.memref_slice %arg13[%mul3A_2, %dma_wait3A] : memref<10240x128xf32, #tpu.memory_space<vmem_shared>> -> memref<640x128xf32, #tpu.memory_space<vmem_shared>>
      tpu.wait_dma2 semaphore(%run_scoped3A : memref<!tpu.dma_semaphore, #tpu.memory_space<semaphore_mem>>) src(%arg5 : memref<640x128xf32, #tpu.memory_space<hbm>>) dst(%dma_wait3A_21 : memref<640x128xf32, #tpu.memory_space<vmem_shared>>)
      tpu.yield
    }) : () -> ()
    %barrier3A = arith.constant 0 : index
    tpu.barrier barrier_id(%barrier3A)
    %mul3A_3 = arith.constant 10000 : i32
    %mul3A_4 = arith.muli %add3A, %mul3A_3 : i32
    %add3A_5 = arith.constant 0 : i32
    %add3A_6 = arith.addi %mul3A_4, %add3A_5 : i32
    %multiple_of3A = tpu.assume_multiple %add3A_6, 8 : i32
    "tpu.region"() ({
      %run_scoped3A = tpu.sem_alloc : memref<!tpu.dma_semaphore, #tpu.memory_space<semaphore_mem>>
      %dma_start3A_19 = tpu.memref_slice %arg2[%multiple_of3A] : memref<320000xi32, #tpu.memory_space<hbm>> -> memref<80xi32, #tpu.memory_space<hbm>>
      %dma_start3A_20 = tpu.memref_slice %arg2[%multiple_of3A] : memref<320000xi32, #tpu.memory_space<hbm>> -> memref<80xi32, #tpu.memory_space<hbm>>
      tpu.enqueue_dma source(%dma_start3A_20 : memref<80xi32, #tpu.memory_space<hbm>>) target(%arg7 : memref<80xi32, #tpu.memory_space<vmem>>) target_semaphore(%run_scoped3A : memref<!tpu.dma_semaphore, #tpu.memory_space<semaphore_mem>>)
      %dma_wait3A = tpu.memref_slice %arg2[%multiple_of3A] : memref<320000xi32, #tpu.memory_space<hbm>> -> memref<80xi32, #tpu.memory_space<hbm>>
      %dma_wait3A_21 = tpu.memref_slice %arg2[%multiple_of3A] : memref<320000xi32, #tpu.memory_space<hbm>> -> memref<80xi32, #tpu.memory_space<hbm>>
      tpu.wait_dma2 semaphore(%run_scoped3A : memref<!tpu.dma_semaphore, #tpu.memory_space<semaphore_mem>>) src(%dma_wait3A_21 : memref<80xi32, #tpu.memory_space<hbm>>) dst(%arg7 : memref<80xi32, #tpu.memory_space<vmem>>)
      tpu.yield
    }) : () -> ()
    "tpu.region"() ({
      %run_scoped3A = tpu.sem_alloc : memref<!tpu.dma_semaphore, #tpu.memory_space<semaphore_mem>>
      %dma_start3A_19 = tpu.memref_slice %arg3[%multiple_of3A] : memref<320000xi32, #tpu.memory_space<hbm>> -> memref<80xi32, #tpu.memory_space<hbm>>
      %dma_start3A_20 = tpu.memref_slice %arg3[%multiple_of3A] : memref<320000xi32, #tpu.memory_space<hbm>> -> memref<80xi32, #tpu.memory_space<hbm>>
      tpu.enqueue_dma source(%dma_start3A_20 : memref<80xi32, #tpu.memory_space<hbm>>) target(%arg8 : memref<80xi32, #tpu.memory_space<vmem>>) target_semaphore(%run_scoped3A : memref<!tpu.dma_semaphore, #tpu.memory_space<semaphore_mem>>)
      %dma_wait3A = tpu.memref_slice %arg3[%multiple_of3A] : memref<320000xi32, #tpu.memory_space<hbm>> -> memref<80xi32, #tpu.memory_space<hbm>>
      %dma_wait3A_21 = tpu.memref_slice %arg3[%multiple_of3A] : memref<320000xi32, #tpu.memory_space<hbm>> -> memref<80xi32, #tpu.memory_space<hbm>>
      tpu.wait_dma2 semaphore(%run_scoped3A : memref<!tpu.dma_semaphore, #tpu.memory_space<semaphore_mem>>) src(%dma_wait3A_21 : memref<80xi32, #tpu.memory_space<hbm>>) dst(%arg8 : memref<80xi32, #tpu.memory_space<vmem>>)
      tpu.yield
    }) : () -> ()
    %dma_start3A = arith.constant 0 : i32
    %dma_start3A_7 = arith.constant 0 : i32
    %dma_start3A_8 = tpu.memref_slice %arg4[%dma_start3A, %dma_start3A_7] : memref<10000x128xf32, #tpu.memory_space<hbm>> -> memref<10000x128xf32, #tpu.memory_space<hbm>>
    tpu.enqueue_indirect_dma source(%dma_start3A_8 : memref<10000x128xf32, #tpu.memory_space<hbm>>) target(%arg9 : memref<80x128xf32, #tpu.memory_space<vmem>>) offsets(%arg7 : memref<80xi32, #tpu.memory_space<vmem>>) semaphore(%arg14 : memref<!tpu.dma_semaphore, #tpu.memory_space<semaphore_mem>>)
    %scan3A = arith.constant 0 : i32
    %scan3A_9 = arith.constant 0 : i32
    %scan3A_10 = arith.constant 63 : i32
    %scan3A_11 = arith.addi %scan3A_9, %scan3A_10 : i32
    %scan3A_12 = arith.constant 1 : i32
    scf.for %scan3A_19 = %scan3A_9 to %scan3A_11 step %scan3A_12  : i32 {
      %mul3A_20 = arith.constant 2 : i32
      %mul3A_21 = arith.muli %scan3A_19, %mul3A_20 : i32
      %add3A_22 = arith.constant 1 : i32
      %add3A_23 = arith.addi %mul3A_21, %add3A_22 : i32
      %lt3A = arith.constant 125 : i32
      %lt3A_24 = arith.cmpi slt, %add3A_23, %lt3A : i32
      %convert_element_type3A = arith.extui %lt3A_24 : i1 to i32
      %cond3A = arith.constant 0 : i32
      %cond3A_25 = arith.cmpi ne, %convert_element_type3A, %cond3A : i32
      scf.if %cond3A_25 {
        %mul3A_40 = arith.constant 80 : i32
        %mul3A_41 = arith.muli %add3A_23, %mul3A_40 : i32
        %add3A_42 = arith.addi %mul3A_4, %mul3A_41 : i32
        %multiple_of3A_43 = tpu.assume_multiple %add3A_42, 8 : i32
        "tpu.region"() ({
          %run_scoped3A = tpu.sem_alloc : memref<!tpu.dma_semaphore, #tpu.memory_space<semaphore_mem>>
          %dma_start3A_47 = tpu.memref_slice %arg2[%multiple_of3A_43] : memref<320000xi32, #tpu.memory_space<hbm>> -> memref<80xi32, #tpu.memory_space<hbm>>
          %dma_start3A_48 = tpu.memref_slice %arg2[%multiple_of3A_43] : memref<320000xi32, #tpu.memory_space<hbm>> -> memref<80xi32, #tpu.memory_space<hbm>>
          tpu.enqueue_dma source(%dma_start3A_48 : memref<80xi32, #tpu.memory_space<hbm>>) target(%arg10 : memref<80xi32, #tpu.memory_space<vmem>>) target_semaphore(%run_scoped3A : memref<!tpu.dma_semaphore, #tpu.memory_space<semaphore_mem>>)
          %dma_wait3A_49 = tpu.memref_slice %arg2[%multiple_of3A_43] : memref<320000xi32, #tpu.memory_space<hbm>> -> memref<80xi32, #tpu.memory_space<hbm>>
          %dma_wait3A_50 = tpu.memref_slice %arg2[%multiple_of3A_43] : memref<320000xi32, #tpu.memory_space<hbm>> -> memref<80xi32, #tpu.memory_space<hbm>>
          tpu.wait_dma2 semaphore(%run_scoped3A : memref<!tpu.dma_semaphore, #tpu.memory_space<semaphore_mem>>) src(%dma_wait3A_50 : memref<80xi32, #tpu.memory_space<hbm>>) dst(%arg10 : memref<80xi32, #tpu.memory_space<vmem>>)
          tpu.yield
        }) : () -> ()
        "tpu.region"() ({
          %run_scoped3A = tpu.sem_alloc : memref<!tpu.dma_semaphore, #tpu.memory_space<semaphore_mem>>
          %dma_start3A_47 = tpu.memref_slice %arg3[%multiple_of3A_43] : memref<320000xi32, #tpu.memory_space<hbm>> -> memref<80xi32, #tpu.memory_space<hbm>>
          %dma_start3A_48 = tpu.memref_slice %arg3[%multiple_of3A_43] : memref<320000xi32, #tpu.memory_space<hbm>> -> memref<80xi32, #tpu.memory_space<hbm>>
          tpu.enqueue_dma source(%dma_start3A_48 : memref<80xi32, #tpu.memory_space<hbm>>) target(%arg11 : memref<80xi32, #tpu.memory_space<vmem>>) target_semaphore(%run_scoped3A : memref<!tpu.dma_semaphore, #tpu.memory_space<semaphore_mem>>)
          %dma_wait3A_49 = tpu.memref_slice %arg3[%multiple_of3A_43] : memref<320000xi32, #tpu.memory_space<hbm>> -> memref<80xi32, #tpu.memory_space<hbm>>
          %dma_wait3A_50 = tpu.memref_slice %arg3[%multiple_of3A_43] : memref<320000xi32, #tpu.memory_space<hbm>> -> memref<80xi32, #tpu.memory_space<hbm>>
          tpu.wait_dma2 semaphore(%run_scoped3A : memref<!tpu.dma_semaphore, #tpu.memory_space<semaphore_mem>>) src(%dma_wait3A_50 : memref<80xi32, #tpu.memory_space<hbm>>) dst(%arg11 : memref<80xi32, #tpu.memory_space<vmem>>)
          tpu.yield
        }) : () -> ()
        %dma_start3A_44 = arith.constant 0 : i32
        %dma_start3A_45 = arith.constant 0 : i32
        %dma_start3A_46 = tpu.memref_slice %arg4[%dma_start3A_44, %dma_start3A_45] : memref<10000x128xf32, #tpu.memory_space<hbm>> -> memref<10000x128xf32, #tpu.memory_space<hbm>>
        tpu.enqueue_indirect_dma source(%dma_start3A_46 : memref<10000x128xf32, #tpu.memory_space<hbm>>) target(%arg12 : memref<80x128xf32, #tpu.memory_space<vmem>>) offsets(%arg10 : memref<80xi32, #tpu.memory_space<vmem>>) semaphore(%arg15 : memref<!tpu.dma_semaphore, #tpu.memory_space<semaphore_mem>>)
      } else {
      }
      %dma_wait3A = arith.constant 0 : i32
      %dma_wait3A_26 = arith.constant 0 : i32
      %dma_wait3A_27 = tpu.memref_slice %arg4[%dma_wait3A, %dma_wait3A_26] : memref<10000x128xf32, #tpu.memory_space<hbm>> -> memref<10000x128xf32, #tpu.memory_space<hbm>>
      tpu.wait_indirect_dma semaphore(%arg14 : memref<!tpu.dma_semaphore, #tpu.memory_space<semaphore_mem>>) src(%dma_wait3A_27 : memref<10000x128xf32, #tpu.memory_space<hbm>>) dst(%arg9 : memref<80x128xf32, #tpu.memory_space<vmem>>)
      "tpu.region"() ({
        %run_scoped3A = tpu.sem_alloc : memref<!tpu.dma_semaphore, #tpu.memory_space<semaphore_mem>>
        %dma_start3A_40 = arith.constant 0 : i32
        %dma_start3A_41 = arith.constant 0 : i32
        %dma_start3A_42 = tpu.memref_slice %arg13[%dma_start3A_40, %dma_start3A_41] : memref<10240x128xf32, #tpu.memory_space<vmem_shared>> -> memref<10240x128xf32, #tpu.memory_space<vmem_shared>>
        tpu.enqueue_indirect_dma source(%arg9 : memref<80x128xf32, #tpu.memory_space<vmem>>) target(%dma_start3A_42 : memref<10240x128xf32, #tpu.memory_space<vmem_shared>>) offsets(%arg8 : memref<80xi32, #tpu.memory_space<vmem>>) semaphore(%run_scoped3A : memref<!tpu.dma_semaphore, #tpu.memory_space<semaphore_mem>>) {add = true}
        %dma_wait3A_43 = arith.constant 0 : i32
        %dma_wait3A_44 = arith.constant 0 : i32
        %dma_wait3A_45 = tpu.memref_slice %arg13[%dma_wait3A_43, %dma_wait3A_44] : memref<10240x128xf32, #tpu.memory_space<vmem_shared>> -> memref<10240x128xf32, #tpu.memory_space<vmem_shared>>
        tpu.wait_indirect_dma semaphore(%run_scoped3A : memref<!tpu.dma_semaphore, #tpu.memory_space<semaphore_mem>>) src(%arg9 : memref<80x128xf32, #tpu.memory_space<vmem>>) dst(%dma_wait3A_45 : memref<10240x128xf32, #tpu.memory_space<vmem_shared>>)
        tpu.yield
      }) : () -> ()
      %add3A_28 = arith.constant 2 : i32
      %add3A_29 = arith.addi %mul3A_21, %add3A_28 : i32
      %lt3A_30 = arith.constant 125 : i32
      %lt3A_31 = arith.cmpi slt, %add3A_29, %lt3A_30 : i32
      %convert_element_type3A_32 = arith.extui %lt3A_31 : i1 to i32
      %cond3A_33 = arith.constant 0 : i32
      %cond3A_34 = arith.cmpi ne, %convert_element_type3A_32, %cond3A_33 : i32
      scf.if %cond3A_34 {
        %add3A_40 = arith.constant 2 : i32
        %add3A_41 = arith.addi %mul3A_21, %add3A_40 : i32
        %mul3A_42 = arith.constant 80 : i32
        %mul3A_43 = arith.muli %add3A_41, %mul3A_42 : i32
        %add3A_44 = arith.addi %mul3A_4, %mul3A_43 : i32
        %multiple_of3A_45 = tpu.assume_multiple %add3A_44, 8 : i32
        "tpu.region"() ({
          %run_scoped3A = tpu.sem_alloc : memref<!tpu.dma_semaphore, #tpu.memory_space<semaphore_mem>>
          %dma_start3A_49 = tpu.memref_slice %arg2[%multiple_of3A_45] : memref<320000xi32, #tpu.memory_space<hbm>> -> memref<80xi32, #tpu.memory_space<hbm>>
          %dma_start3A_50 = tpu.memref_slice %arg2[%multiple_of3A_45] : memref<320000xi32, #tpu.memory_space<hbm>> -> memref<80xi32, #tpu.memory_space<hbm>>
          tpu.enqueue_dma source(%dma_start3A_50 : memref<80xi32, #tpu.memory_space<hbm>>) target(%arg7 : memref<80xi32, #tpu.memory_space<vmem>>) target_semaphore(%run_scoped3A : memref<!tpu.dma_semaphore, #tpu.memory_space<semaphore_mem>>)
          %dma_wait3A_51 = tpu.memref_slice %arg2[%multiple_of3A_45] : memref<320000xi32, #tpu.memory_space<hbm>> -> memref<80xi32, #tpu.memory_space<hbm>>
          %dma_wait3A_52 = tpu.memref_slice %arg2[%multiple_of3A_45] : memref<320000xi32, #tpu.memory_space<hbm>> -> memref<80xi32, #tpu.memory_space<hbm>>
          tpu.wait_dma2 semaphore(%run_scoped3A : memref<!tpu.dma_semaphore, #tpu.memory_space<semaphore_mem>>) src(%dma_wait3A_52 : memref<80xi32, #tpu.memory_space<hbm>>) dst(%arg7 : memref<80xi32, #tpu.memory_space<vmem>>)
          tpu.yield
        }) : () -> ()
        "tpu.region"() ({
          %run_scoped3A = tpu.sem_alloc : memref<!tpu.dma_semaphore, #tpu.memory_space<semaphore_mem>>
          %dma_start3A_49 = tpu.memref_slice %arg3[%multiple_of3A_45] : memref<320000xi32, #tpu.memory_space<hbm>> -> memref<80xi32, #tpu.memory_space<hbm>>
          %dma_start3A_50 = tpu.memref_slice %arg3[%multiple_of3A_45] : memref<320000xi32, #tpu.memory_space<hbm>> -> memref<80xi32, #tpu.memory_space<hbm>>
          tpu.enqueue_dma source(%dma_start3A_50 : memref<80xi32, #tpu.memory_space<hbm>>) target(%arg8 : memref<80xi32, #tpu.memory_space<vmem>>) target_semaphore(%run_scoped3A : memref<!tpu.dma_semaphore, #tpu.memory_space<semaphore_mem>>)
          %dma_wait3A_51 = tpu.memref_slice %arg3[%multiple_of3A_45] : memref<320000xi32, #tpu.memory_space<hbm>> -> memref<80xi32, #tpu.memory_space<hbm>>
          %dma_wait3A_52 = tpu.memref_slice %arg3[%multiple_of3A_45] : memref<320000xi32, #tpu.memory_space<hbm>> -> memref<80xi32, #tpu.memory_space<hbm>>
          tpu.wait_dma2 semaphore(%run_scoped3A : memref<!tpu.dma_semaphore, #tpu.memory_space<semaphore_mem>>) src(%dma_wait3A_52 : memref<80xi32, #tpu.memory_space<hbm>>) dst(%arg8 : memref<80xi32, #tpu.memory_space<vmem>>)
          tpu.yield
        }) : () -> ()
        %dma_start3A_46 = arith.constant 0 : i32
        %dma_start3A_47 = arith.constant 0 : i32
        %dma_start3A_48 = tpu.memref_slice %arg4[%dma_start3A_46, %dma_start3A_47] : memref<10000x128xf32, #tpu.memory_space<hbm>> -> memref<10000x128xf32, #tpu.memory_space<hbm>>
        tpu.enqueue_indirect_dma source(%dma_start3A_48 : memref<10000x128xf32, #tpu.memory_space<hbm>>) target(%arg9 : memref<80x128xf32, #tpu.memory_space<vmem>>) offsets(%arg7 : memref<80xi32, #tpu.memory_space<vmem>>) semaphore(%arg14 : memref<!tpu.dma_semaphore, #tpu.memory_space<semaphore_mem>>)
      } else {
      }
      %lt3A_35 = arith.constant 125 : i32
      %lt3A_36 = arith.cmpi slt, %add3A_23, %lt3A_35 : i32
      %convert_element_type3A_37 = arith.extui %lt3A_36 : i1 to i32
      %cond3A_38 = arith.constant 0 : i32
      %cond3A_39 = arith.cmpi ne, %convert_element_type3A_37, %cond3A_38 : i32
      scf.if %cond3A_39 {
        %dma_wait3A_40 = arith.constant 0 : i32
        %dma_wait3A_41 = arith.constant 0 : i32
        %dma_wait3A_42 = tpu.memref_slice %arg4[%dma_wait3A_40, %dma_wait3A_41] : memref<10000x128xf32, #tpu.memory_space<hbm>> -> memref<10000x128xf32, #tpu.memory_space<hbm>>
        tpu.wait_indirect_dma semaphore(%arg15 : memref<!tpu.dma_semaphore, #tpu.memory_space<semaphore_mem>>) src(%dma_wait3A_42 : memref<10000x128xf32, #tpu.memory_space<hbm>>) dst(%arg12 : memref<80x128xf32, #tpu.memory_space<vmem>>)
        "tpu.region"() ({
          %run_scoped3A = tpu.sem_alloc : memref<!tpu.dma_semaphore, #tpu.memory_space<semaphore_mem>>
          %dma_start3A_43 = arith.constant 0 : i32
          %dma_start3A_44 = arith.constant 0 : i32
          %dma_start3A_45 = tpu.memref_slice %arg13[%dma_start3A_43, %dma_start3A_44] : memref<10240x128xf32, #tpu.memory_space<vmem_shared>> -> memref<10240x128xf32, #tpu.memory_space<vmem_shared>>
          tpu.enqueue_indirect_dma source(%arg12 : memref<80x128xf32, #tpu.memory_space<vmem>>) target(%dma_start3A_45 : memref<10240x128xf32, #tpu.memory_space<vmem_shared>>) offsets(%arg11 : memref<80xi32, #tpu.memory_space<vmem>>) semaphore(%run_scoped3A : memref<!tpu.dma_semaphore, #tpu.memory_space<semaphore_mem>>) {add = true}
          %dma_wait3A_46 = arith.constant 0 : i32
          %dma_wait3A_47 = arith.constant 0 : i32
          %dma_wait3A_48 = tpu.memref_slice %arg13[%dma_wait3A_46, %dma_wait3A_47] : memref<10240x128xf32, #tpu.memory_space<vmem_shared>> -> memref<10240x128xf32, #tpu.memory_space<vmem_shared>>
          tpu.wait_indirect_dma semaphore(%run_scoped3A : memref<!tpu.dma_semaphore, #tpu.memory_space<semaphore_mem>>) src(%arg12 : memref<80x128xf32, #tpu.memory_space<vmem>>) dst(%dma_wait3A_48 : memref<10240x128xf32, #tpu.memory_space<vmem_shared>>)
          tpu.yield
        }) : () -> ()
      } else {
      }
    }
    %scan3A_13 = arith.constant 63 : i32
    %barrier3A_14 = arith.constant 0 : index
    tpu.barrier barrier_id(%barrier3A_14)
    %mul3A_15 = arith.constant 640 : i32
    %mul3A_16 = arith.muli %arg1, %mul3A_15 : i32
    %mul3A_17 = arith.constant 640 : i32
    %mul3A_18 = arith.muli %arg1, %mul3A_17 : i32
    "tpu.region"() ({
      %run_scoped3A = tpu.sem_alloc : memref<!tpu.dma_semaphore, #tpu.memory_space<semaphore_mem>>
      %dma_start3A_19 = arith.constant 0 : i32
      %dma_start3A_20 = arith.constant 0 : i32
      %dma_start3A_21 = tpu.memref_slice %arg6[%arg0, %dma_start3A_19, %dma_start3A_20] : memref<2x10240x128xf32, #tpu.memory_space<hbm>> -> memref<1x10240x128xf32, #tpu.memory_space<hbm>>
      %dma_start3A_22 = tpu.memref_squeeze %dma_start3A_21 : memref<1x10240x128xf32, #tpu.memory_space<hbm>> -> memref<10240x128xf32, #tpu.memory_space<hbm>>
      %dma_start3A_23 = arith.constant 0 : i32
      %dma_start3A_24 = tpu.memref_slice %dma_start3A_22[%mul3A_18, %dma_start3A_23] : memref<10240x128xf32, #tpu.memory_space<hbm>> -> memref<640x128xf32, #tpu.memory_space<hbm>>
      %dma_start3A_25 = arith.constant 0 : i32
      %dma_start3A_26 = tpu.memref_slice %arg13[%mul3A_16, %dma_start3A_25] : memref<10240x128xf32, #tpu.memory_space<vmem_shared>> -> memref<640x128xf32, #tpu.memory_space<vmem_shared>>
      tpu.enqueue_dma source(%dma_start3A_26 : memref<640x128xf32, #tpu.memory_space<vmem_shared>>) target(%dma_start3A_24 : memref<640x128xf32, #tpu.memory_space<hbm>>) target_semaphore(%run_scoped3A : memref<!tpu.dma_semaphore, #tpu.memory_space<semaphore_mem>>)
      %dma_wait3A = arith.constant 0 : i32
      %dma_wait3A_27 = arith.constant 0 : i32
      %dma_wait3A_28 = tpu.memref_slice %arg6[%arg0, %dma_wait3A, %dma_wait3A_27] : memref<2x10240x128xf32, #tpu.memory_space<hbm>> -> memref<1x10240x128xf32, #tpu.memory_space<hbm>>
      %dma_wait3A_29 = tpu.memref_squeeze %dma_wait3A_28 : memref<1x10240x128xf32, #tpu.memory_space<hbm>> -> memref<10240x128xf32, #tpu.memory_space<hbm>>
      %dma_wait3A_30 = arith.constant 0 : i32
      %dma_wait3A_31 = tpu.memref_slice %dma_wait3A_29[%mul3A_18, %dma_wait3A_30] : memref<10240x128xf32, #tpu.memory_space<hbm>> -> memref<640x128xf32, #tpu.memory_space<hbm>>
      %dma_wait3A_32 = arith.constant 0 : i32
      %dma_wait3A_33 = tpu.memref_slice %arg13[%mul3A_16, %dma_wait3A_32] : memref<10240x128xf32, #tpu.memory_space<vmem_shared>> -> memref<640x128xf32, #tpu.memory_space<vmem_shared>>
      tpu.wait_dma2 semaphore(%run_scoped3A : memref<!tpu.dma_semaphore, #tpu.memory_space<semaphore_mem>>) src(%dma_wait3A_33 : memref<640x128xf32, #tpu.memory_space<vmem_shared>>) dst(%dma_wait3A_31 : memref<640x128xf32, #tpu.memory_space<hbm>>)
      tpu.yield
    }) : () -> ()
    return
  }
}

#map = affine_map<(d0, d1) -> (0)>
#map1 = affine_map<(d0, d1) -> (0, 0)>
#map2 = affine_map<(d0, d1) -> (0, 0, 0)>
module attributes {stable_mosaic.version = 14 : i64} {
  func.func @k(%arg0: i32, %arg1: i32, %arg2: memref<320000xi32, #tpu.memory_space<hbm>>, %arg3: memref<320000xi32, #tpu.memory_space<hbm>>, %arg4: memref<10000x128xf32, #tpu.memory_space<hbm>>, %arg5: memref<640x128xf32, #tpu.memory_space<hbm>>, %arg6: memref<2x10240x128xf32, #tpu.memory_space<hbm>>, %arg7: memref<80xi32, #tpu.memory_space<vmem>>, %arg8: memref<80xi32, #tpu.memory_space<vmem>>, %arg9: memref<80x128xf32, #tpu.memory_space<vmem>>, %arg10: memref<80xi32, #tpu.memory_space<vmem>>, %arg11: memref<80xi32, #tpu.memory_space<vmem>>, %arg12: memref<80x128xf32, #tpu.memory_space<vmem>>, %arg13: memref<10240x128xf32, #tpu.memory_space<vmem_shared>>, %arg14: memref<!tpu.dma_semaphore, #tpu.memory_space<semaphore_mem>>, %arg15: memref<!tpu.dma_semaphore, #tpu.memory_space<semaphore_mem>>) attributes {dimension_semantics = [#tpu.dimension_semantics<core_parallel>, #tpu.dimension_semantics<subcore_parallel>], iteration_bounds = array<i64: 2, 16>, scalar_prefetch = 0 : i64, scratch_operands = 9 : i64, tpu.core_type = #tpu.core_type<sc_vector_subcore>, window_params = [{transform_indices = #map}, {transform_indices = #map}, {transform_indices = #map1}, {transform_indices = #map1}, {transform_indices = #map2}]} {
    %mul3A = arith.constant 2 : i32
    %mul3A_0 = arith.muli %arg1, %mul3A : i32
    %add3A = arith.addi %mul3A_0, %arg0 : i32
    %mul3A_1 = arith.constant 640 : i32
    %mul3A_2 = arith.muli %arg1, %mul3A_1 : i32
    "tpu.region"() ({
      %run_scoped3A = tpu.sem_alloc : memref<!tpu.dma_semaphore, #tpu.memory_space<semaphore_mem>>
      %dma_start3A_19 = arith.constant 0 : i32
      %dma_start3A_20 = tpu.memref_slice %arg13[%mul3A_2, %dma_start3A_19] : memref<10240x128xf32, #tpu.memory_space<vmem_shared>> -> memref<640x128xf32, #tpu.memory_space<vmem_shared>>
      tpu.enqueue_dma source(%arg5 : memref<640x128xf32, #tpu.memory_space<hbm>>) target(%dma_start3A_20 : memref<640x128xf32, #tpu.memory_space<vmem_shared>>) target_semaphore(%run_scoped3A : memref<!tpu.dma_semaphore, #tpu.memory_space<semaphore_mem>>)
      %dma_wait3A = arith.constant 0 : i32
      %dma_wait3A_21 = tpu.memref_slice %arg13[%mul3A_2, %dma_wait3A] : memref<10240x128xf32, #tpu.memory_space<vmem_shared>> -> memref<640x128xf32, #tpu.memory_space<vmem_shared>>
      tpu.wait_dma2 semaphore(%run_scoped3A : memref<!tpu.dma_semaphore, #tpu.memory_space<semaphore_mem>>) src(%arg5 : memref<640x128xf32, #tpu.memory_space<hbm>>) dst(%dma_wait3A_21 : memref<640x128xf32, #tpu.memory_space<vmem_shared>>)
      tpu.yield
    }) : () -> ()
    %barrier3A = arith.constant 0 : index
    tpu.barrier barrier_id(%barrier3A)
    %mul3A_3 = arith.constant 10000 : i32
    %mul3A_4 = arith.muli %add3A, %mul3A_3 : i32
    %add3A_5 = arith.constant 0 : i32
    %add3A_6 = arith.addi %mul3A_4, %add3A_5 : i32
    %multiple_of3A = tpu.assume_multiple %add3A_6, 8 : i32
    "tpu.region"() ({
      %run_scoped3A = tpu.sem_alloc : memref<!tpu.dma_semaphore, #tpu.memory_space<semaphore_mem>>
      %dma_start3A_19 = tpu.memref_slice %arg2[%multiple_of3A] : memref<320000xi32, #tpu.memory_space<hbm>> -> memref<80xi32, #tpu.memory_space<hbm>>
      %dma_start3A_20 = tpu.memref_slice %arg2[%multiple_of3A] : memref<320000xi32, #tpu.memory_space<hbm>> -> memref<80xi32, #tpu.memory_space<hbm>>
      tpu.enqueue_dma source(%dma_start3A_20 : memref<80xi32, #tpu.memory_space<hbm>>) target(%arg7 : memref<80xi32, #tpu.memory_space<vmem>>) target_semaphore(%run_scoped3A : memref<!tpu.dma_semaphore, #tpu.memory_space<semaphore_mem>>)
      %dma_wait3A = tpu.memref_slice %arg2[%multiple_of3A] : memref<320000xi32, #tpu.memory_space<hbm>> -> memref<80xi32, #tpu.memory_space<hbm>>
      %dma_wait3A_21 = tpu.memref_slice %arg2[%multiple_of3A] : memref<320000xi32, #tpu.memory_space<hbm>> -> memref<80xi32, #tpu.memory_space<hbm>>
      tpu.wait_dma2 semaphore(%run_scoped3A : memref<!tpu.dma_semaphore, #tpu.memory_space<semaphore_mem>>) src(%dma_wait3A_21 : memref<80xi32, #tpu.memory_space<hbm>>) dst(%arg7 : memref<80xi32, #tpu.memory_space<vmem>>)
      tpu.yield
    }) : () -> ()
    "tpu.region"() ({
      %run_scoped3A = tpu.sem_alloc : memref<!tpu.dma_semaphore, #tpu.memory_space<semaphore_mem>>
      %dma_start3A_19 = tpu.memref_slice %arg3[%multiple_of3A] : memref<320000xi32, #tpu.memory_space<hbm>> -> memref<80xi32, #tpu.memory_space<hbm>>
      %dma_start3A_20 = tpu.memref_slice %arg3[%multiple_of3A] : memref<320000xi32, #tpu.memory_space<hbm>> -> memref<80xi32, #tpu.memory_space<hbm>>
      tpu.enqueue_dma source(%dma_start3A_20 : memref<80xi32, #tpu.memory_space<hbm>>) target(%arg8 : memref<80xi32, #tpu.memory_space<vmem>>) target_semaphore(%run_scoped3A : memref<!tpu.dma_semaphore, #tpu.memory_space<semaphore_mem>>)
      %dma_wait3A = tpu.memref_slice %arg3[%multiple_of3A] : memref<320000xi32, #tpu.memory_space<hbm>> -> memref<80xi32, #tpu.memory_space<hbm>>
      %dma_wait3A_21 = tpu.memref_slice %arg3[%multiple_of3A] : memref<320000xi32, #tpu.memory_space<hbm>> -> memref<80xi32, #tpu.memory_space<hbm>>
      tpu.wait_dma2 semaphore(%run_scoped3A : memref<!tpu.dma_semaphore, #tpu.memory_space<semaphore_mem>>) src(%dma_wait3A_21 : memref<80xi32, #tpu.memory_space<hbm>>) dst(%arg8 : memref<80xi32, #tpu.memory_space<vmem>>)
      tpu.yield
    }) : () -> ()
    %dma_start3A = arith.constant 0 : i32
    %dma_start3A_7 = arith.constant 0 : i32
    %dma_start3A_8 = tpu.memref_slice %arg4[%dma_start3A, %dma_start3A_7] : memref<10000x128xf32, #tpu.memory_space<hbm>> -> memref<10000x128xf32, #tpu.memory_space<hbm>>
    tpu.enqueue_indirect_dma source(%dma_start3A_8 : memref<10000x128xf32, #tpu.memory_space<hbm>>) target(%arg9 : memref<80x128xf32, #tpu.memory_space<vmem>>) offsets(%arg7 : memref<80xi32, #tpu.memory_space<vmem>>) semaphore(%arg14 : memref<!tpu.dma_semaphore, #tpu.memory_space<semaphore_mem>>)
    %scan3A = arith.constant 0 : i32
    %scan3A_9 = arith.constant 0 : i32
    %scan3A_10 = arith.constant 63 : i32
    %scan3A_11 = arith.addi %scan3A_9, %scan3A_10 : i32
    %scan3A_12 = arith.constant 1 : i32
    scf.for %scan3A_19 = %scan3A_9 to %scan3A_11 step %scan3A_12  : i32 {
      %mul3A_20 = arith.constant 2 : i32
      %mul3A_21 = arith.muli %scan3A_19, %mul3A_20 : i32
      %add3A_22 = arith.constant 1 : i32
      %add3A_23 = arith.addi %mul3A_21, %add3A_22 : i32
      %lt3A = arith.constant 125 : i32
      %lt3A_24 = arith.cmpi slt, %add3A_23, %lt3A : i32
      %convert_element_type3A = arith.extui %lt3A_24 : i1 to i32
      %cond3A = arith.constant 0 : i32
      %cond3A_25 = arith.cmpi ne, %convert_element_type3A, %cond3A : i32
      scf.if %cond3A_25 {
        %mul3A_40 = arith.constant 80 : i32
        %mul3A_41 = arith.muli %add3A_23, %mul3A_40 : i32
        %add3A_42 = arith.addi %mul3A_4, %mul3A_41 : i32
        %multiple_of3A_43 = tpu.assume_multiple %add3A_42, 8 : i32
        "tpu.region"() ({
          %run_scoped3A = tpu.sem_alloc : memref<!tpu.dma_semaphore, #tpu.memory_space<semaphore_mem>>
          %dma_start3A_47 = tpu.memref_slice %arg2[%multiple_of3A_43] : memref<320000xi32, #tpu.memory_space<hbm>> -> memref<80xi32, #tpu.memory_space<hbm>>
          %dma_start3A_48 = tpu.memref_slice %arg2[%multiple_of3A_43] : memref<320000xi32, #tpu.memory_space<hbm>> -> memref<80xi32, #tpu.memory_space<hbm>>
          tpu.enqueue_dma source(%dma_start3A_48 : memref<80xi32, #tpu.memory_space<hbm>>) target(%arg10 : memref<80xi32, #tpu.memory_space<vmem>>) target_semaphore(%run_scoped3A : memref<!tpu.dma_semaphore, #tpu.memory_space<semaphore_mem>>)
          %dma_wait3A_49 = tpu.memref_slice %arg2[%multiple_of3A_43] : memref<320000xi32, #tpu.memory_space<hbm>> -> memref<80xi32, #tpu.memory_space<hbm>>
          %dma_wait3A_50 = tpu.memref_slice %arg2[%multiple_of3A_43] : memref<320000xi32, #tpu.memory_space<hbm>> -> memref<80xi32, #tpu.memory_space<hbm>>
          tpu.wait_dma2 semaphore(%run_scoped3A : memref<!tpu.dma_semaphore, #tpu.memory_space<semaphore_mem>>) src(%dma_wait3A_50 : memref<80xi32, #tpu.memory_space<hbm>>) dst(%arg10 : memref<80xi32, #tpu.memory_space<vmem>>)
          tpu.yield
        }) : () -> ()
        "tpu.region"() ({
          %run_scoped3A = tpu.sem_alloc : memref<!tpu.dma_semaphore, #tpu.memory_space<semaphore_mem>>
          %dma_start3A_47 = tpu.memref_slice %arg3[%multiple_of3A_43] : memref<320000xi32, #tpu.memory_space<hbm>> -> memref<80xi32, #tpu.memory_space<hbm>>
          %dma_start3A_48 = tpu.memref_slice %arg3[%multiple_of3A_43] : memref<320000xi32, #tpu.memory_space<hbm>> -> memref<80xi32, #tpu.memory_space<hbm>>
          tpu.enqueue_dma source(%dma_start3A_48 : memref<80xi32, #tpu.memory_space<hbm>>) target(%arg11 : memref<80xi32, #tpu.memory_space<vmem>>) target_semaphore(%run_scoped3A : memref<!tpu.dma_semaphore, #tpu.memory_space<semaphore_mem>>)
          %dma_wait3A_49 = tpu.memref_slice %arg3[%multiple_of3A_43] : memref<320000xi32, #tpu.memory_space<hbm>> -> memref<80xi32, #tpu.memory_space<hbm>>
          %dma_wait3A_50 = tpu.memref_slice %arg3[%multiple_of3A_43] : memref<320000xi32, #tpu.memory_space<hbm>> -> memref<80xi32, #tpu.memory_space<hbm>>
          tpu.wait_dma2 semaphore(%run_scoped3A : memref<!tpu.dma_semaphore, #tpu.memory_space<semaphore_mem>>) src(%dma_wait3A_50 : memref<80xi32, #tpu.memory_space<hbm>>) dst(%arg11 : memref<80xi32, #tpu.memory_space<vmem>>)
          tpu.yield
        }) : () -> ()
        %dma_start3A_44 = arith.constant 0 : i32
        %dma_start3A_45 = arith.constant 0 : i32
        %dma_start3A_46 = tpu.memref_slice %arg4[%dma_start3A_44, %dma_start3A_45] : memref<10000x128xf32, #tpu.memory_space<hbm>> -> memref<10000x128xf32, #tpu.memory_space<hbm>>
        tpu.enqueue_indirect_dma source(%dma_start3A_46 : memref<10000x128xf32, #tpu.memory_space<hbm>>) target(%arg12 : memref<80x128xf32, #tpu.memory_space<vmem>>) offsets(%arg10 : memref<80xi32, #tpu.memory_space<vmem>>) semaphore(%arg15 : memref<!tpu.dma_semaphore, #tpu.memory_space<semaphore_mem>>)
      } else {
      }
      %dma_wait3A = arith.constant 0 : i32
      %dma_wait3A_26 = arith.constant 0 : i32
      %dma_wait3A_27 = tpu.memref_slice %arg4[%dma_wait3A, %dma_wait3A_26] : memref<10000x128xf32, #tpu.memory_space<hbm>> -> memref<10000x128xf32, #tpu.memory_space<hbm>>
      tpu.wait_indirect_dma semaphore(%arg14 : memref<!tpu.dma_semaphore, #tpu.memory_space<semaphore_mem>>) src(%dma_wait3A_27 : memref<10000x128xf32, #tpu.memory_space<hbm>>) dst(%arg9 : memref<80x128xf32, #tpu.memory_space<vmem>>)
      "tpu.region"() ({
        %run_scoped3A = tpu.sem_alloc : memref<!tpu.dma_semaphore, #tpu.memory_space<semaphore_mem>>
        %dma_start3A_40 = arith.constant 0 : i32
        %dma_start3A_41 = arith.constant 0 : i32
        %dma_start3A_42 = tpu.memref_slice %arg13[%dma_start3A_40, %dma_start3A_41] : memref<10240x128xf32, #tpu.memory_space<vmem_shared>> -> memref<10240x128xf32, #tpu.memory_space<vmem_shared>>
        tpu.enqueue_indirect_dma source(%arg9 : memref<80x128xf32, #tpu.memory_space<vmem>>) target(%dma_start3A_42 : memref<10240x128xf32, #tpu.memory_space<vmem_shared>>) offsets(%arg8 : memref<80xi32, #tpu.memory_space<vmem>>) semaphore(%run_scoped3A : memref<!tpu.dma_semaphore, #tpu.memory_space<semaphore_mem>>) {add = true}
        %dma_wait3A_43 = arith.constant 0 : i32
        %dma_wait3A_44 = arith.constant 0 : i32
        %dma_wait3A_45 = tpu.memref_slice %arg13[%dma_wait3A_43, %dma_wait3A_44] : memref<10240x128xf32, #tpu.memory_space<vmem_shared>> -> memref<10240x128xf32, #tpu.memory_space<vmem_shared>>
        tpu.wait_indirect_dma semaphore(%run_scoped3A : memref<!tpu.dma_semaphore, #tpu.memory_space<semaphore_mem>>) src(%arg9 : memref<80x128xf32, #tpu.memory_space<vmem>>) dst(%dma_wait3A_45 : memref<10240x128xf32, #tpu.memory_space<vmem_shared>>)
        tpu.yield
      }) : () -> ()
      %add3A_28 = arith.constant 2 : i32
      %add3A_29 = arith.addi %mul3A_21, %add3A_28 : i32
      %lt3A_30 = arith.constant 125 : i32
      %lt3A_31 = arith.cmpi slt, %add3A_29, %lt3A_30 : i32
      %convert_element_type3A_32 = arith.extui %lt3A_31 : i1 to i32
      %cond3A_33 = arith.constant 0 : i32
      %cond3A_34 = arith.cmpi ne, %convert_element_type3A_32, %cond3A_33 : i32
      scf.if %cond3A_34 {
        %add3A_40 = arith.constant 2 : i32
        %add3A_41 = arith.addi %mul3A_21, %add3A_40 : i32
        %mul3A_42 = arith.constant 80 : i32
        %mul3A_43 = arith.muli %add3A_41, %mul3A_42 : i32
        %add3A_44 = arith.addi %mul3A_4, %mul3A_43 : i32
        %multiple_of3A_45 = tpu.assume_multiple %add3A_44, 8 : i32
        "tpu.region"() ({
          %run_scoped3A = tpu.sem_alloc : memref<!tpu.dma_semaphore, #tpu.memory_space<semaphore_mem>>
          %dma_start3A_49 = tpu.memref_slice %arg2[%multiple_of3A_45] : memref<320000xi32, #tpu.memory_space<hbm>> -> memref<80xi32, #tpu.memory_space<hbm>>
          %dma_start3A_50 = tpu.memref_slice %arg2[%multiple_of3A_45] : memref<320000xi32, #tpu.memory_space<hbm>> -> memref<80xi32, #tpu.memory_space<hbm>>
          tpu.enqueue_dma source(%dma_start3A_50 : memref<80xi32, #tpu.memory_space<hbm>>) target(%arg7 : memref<80xi32, #tpu.memory_space<vmem>>) target_semaphore(%run_scoped3A : memref<!tpu.dma_semaphore, #tpu.memory_space<semaphore_mem>>)
          %dma_wait3A_51 = tpu.memref_slice %arg2[%multiple_of3A_45] : memref<320000xi32, #tpu.memory_space<hbm>> -> memref<80xi32, #tpu.memory_space<hbm>>
          %dma_wait3A_52 = tpu.memref_slice %arg2[%multiple_of3A_45] : memref<320000xi32, #tpu.memory_space<hbm>> -> memref<80xi32, #tpu.memory_space<hbm>>
          tpu.wait_dma2 semaphore(%run_scoped3A : memref<!tpu.dma_semaphore, #tpu.memory_space<semaphore_mem>>) src(%dma_wait3A_52 : memref<80xi32, #tpu.memory_space<hbm>>) dst(%arg7 : memref<80xi32, #tpu.memory_space<vmem>>)
          tpu.yield
        }) : () -> ()
        "tpu.region"() ({
          %run_scoped3A = tpu.sem_alloc : memref<!tpu.dma_semaphore, #tpu.memory_space<semaphore_mem>>
          %dma_start3A_49 = tpu.memref_slice %arg3[%multiple_of3A_45] : memref<320000xi32, #tpu.memory_space<hbm>> -> memref<80xi32, #tpu.memory_space<hbm>>
          %dma_start3A_50 = tpu.memref_slice %arg3[%multiple_of3A_45] : memref<320000xi32, #tpu.memory_space<hbm>> -> memref<80xi32, #tpu.memory_space<hbm>>
          tpu.enqueue_dma source(%dma_start3A_50 : memref<80xi32, #tpu.memory_space<hbm>>) target(%arg8 : memref<80xi32, #tpu.memory_space<vmem>>) target_semaphore(%run_scoped3A : memref<!tpu.dma_semaphore, #tpu.memory_space<semaphore_mem>>)
          %dma_wait3A_51 = tpu.memref_slice %arg3[%multiple_of3A_45] : memref<320000xi32, #tpu.memory_space<hbm>> -> memref<80xi32, #tpu.memory_space<hbm>>
          %dma_wait3A_52 = tpu.memref_slice %arg3[%multiple_of3A_45] : memref<320000xi32, #tpu.memory_space<hbm>> -> memref<80xi32, #tpu.memory_space<hbm>>
          tpu.wait_dma2 semaphore(%run_scoped3A : memref<!tpu.dma_semaphore, #tpu.memory_space<semaphore_mem>>) src(%dma_wait3A_52 : memref<80xi32, #tpu.memory_space<hbm>>) dst(%arg8 : memref<80xi32, #tpu.memory_space<vmem>>)
          tpu.yield
        }) : () -> ()
        %dma_start3A_46 = arith.constant 0 : i32
        %dma_start3A_47 = arith.constant 0 : i32
        %dma_start3A_48 = tpu.memref_slice %arg4[%dma_start3A_46, %dma_start3A_47] : memref<10000x128xf32, #tpu.memory_space<hbm>> -> memref<10000x128xf32, #tpu.memory_space<hbm>>
        tpu.enqueue_indirect_dma source(%dma_start3A_48 : memref<10000x128xf32, #tpu.memory_space<hbm>>) target(%arg9 : memref<80x128xf32, #tpu.memory_space<vmem>>) offsets(%arg7 : memref<80xi32, #tpu.memory_space<vmem>>) semaphore(%arg14 : memref<!tpu.dma_semaphore, #tpu.memory_space<semaphore_mem>>)
      } else {
      }
      %lt3A_35 = arith.constant 125 : i32
      %lt3A_36 = arith.cmpi slt, %add3A_23, %lt3A_35 : i32
      %convert_element_type3A_37 = arith.extui %lt3A_36 : i1 to i32
      %cond3A_38 = arith.constant 0 : i32
      %cond3A_39 = arith.cmpi ne, %convert_element_type3A_37, %cond3A_38 : i32
      scf.if %cond3A_39 {
        %dma_wait3A_40 = arith.constant 0 : i32
        %dma_wait3A_41 = arith.constant 0 : i32
        %dma_wait3A_42 = tpu.memref_slice %arg4[%dma_wait3A_40, %dma_wait3A_41] : memref<10000x128xf32, #tpu.memory_space<hbm>> -> memref<10000x128xf32, #tpu.memory_space<hbm>>
        tpu.wait_indirect_dma semaphore(%arg15 : memref<!tpu.dma_semaphore, #tpu.memory_space<semaphore_mem>>) src(%dma_wait3A_42 : memref<10000x128xf32, #tpu.memory_space<hbm>>) dst(%arg12 : memref<80x128xf32, #tpu.memory_space<vmem>>)
        "tpu.region"() ({
          %run_scoped3A = tpu.sem_alloc : memref<!tpu.dma_semaphore, #tpu.memory_space<semaphore_mem>>
          %dma_start3A_43 = arith.constant 0 : i32
          %dma_start3A_44 = arith.constant 0 : i32
          %dma_start3A_45 = tpu.memref_slice %arg13[%dma_start3A_43, %dma_start3A_44] : memref<10240x128xf32, #tpu.memory_space<vmem_shared>> -> memref<10240x128xf32, #tpu.memory_space<vmem_shared>>
          tpu.enqueue_indirect_dma source(%arg12 : memref<80x128xf32, #tpu.memory_space<vmem>>) target(%dma_start3A_45 : memref<10240x128xf32, #tpu.memory_space<vmem_shared>>) offsets(%arg11 : memref<80xi32, #tpu.memory_space<vmem>>) semaphore(%run_scoped3A : memref<!tpu.dma_semaphore, #tpu.memory_space<semaphore_mem>>) {add = true}
          %dma_wait3A_46 = arith.constant 0 : i32
          %dma_wait3A_47 = arith.constant 0 : i32
          %dma_wait3A_48 = tpu.memref_slice %arg13[%dma_wait3A_46, %dma_wait3A_47] : memref<10240x128xf32, #tpu.memory_space<vmem_shared>> -> memref<10240x128xf32, #tpu.memory_space<vmem_shared>>
          tpu.wait_indirect_dma semaphore(%run_scoped3A : memref<!tpu.dma_semaphore, #tpu.memory_space<semaphore_mem>>) src(%arg12 : memref<80x128xf32, #tpu.memory_space<vmem>>) dst(%dma_wait3A_48 : memref<10240x128xf32, #tpu.memory_space<vmem_shared>>)
          tpu.yield
        }) : () -> ()
      } else {
      }
    }
    %scan3A_13 = arith.constant 63 : i32
    %barrier3A_14 = arith.constant 0 : index
    tpu.barrier barrier_id(%barrier3A_14)
    %mul3A_15 = arith.constant 640 : i32
    %mul3A_16 = arith.muli %arg1, %mul3A_15 : i32
    %mul3A_17 = arith.constant 640 : i32
    %mul3A_18 = arith.muli %arg1, %mul3A_17 : i32
    "tpu.region"() ({
      %run_scoped3A = tpu.sem_alloc : memref<!tpu.dma_semaphore, #tpu.memory_space<semaphore_mem>>
      %dma_start3A_19 = arith.constant 0 : i32
      %dma_start3A_20 = arith.constant 0 : i32
      %dma_start3A_21 = tpu.memref_slice %arg6[%arg0, %dma_start3A_19, %dma_start3A_20] : memref<2x10240x128xf32, #tpu.memory_space<hbm>> -> memref<1x10240x128xf32, #tpu.memory_space<hbm>>
      %dma_start3A_22 = tpu.memref_squeeze %dma_start3A_21 : memref<1x10240x128xf32, #tpu.memory_space<hbm>> -> memref<10240x128xf32, #tpu.memory_space<hbm>>
      %dma_start3A_23 = arith.constant 0 : i32
      %dma_start3A_24 = tpu.memref_slice %dma_start3A_22[%mul3A_18, %dma_start3A_23] : memref<10240x128xf32, #tpu.memory_space<hbm>> -> memref<640x128xf32, #tpu.memory_space<hbm>>
      %dma_start3A_25 = arith.constant 0 : i32
      %dma_start3A_26 = tpu.memref_slice %arg13[%mul3A_16, %dma_start3A_25] : memref<10240x128xf32, #tpu.memory_space<vmem_shared>> -> memref<640x128xf32, #tpu.memory_space<vmem_shared>>
      tpu.enqueue_dma source(%dma_start3A_26 : memref<640x128xf32, #tpu.memory_space<vmem_shared>>) target(%dma_start3A_24 : memref<640x128xf32, #tpu.memory_space<hbm>>) target_semaphore(%run_scoped3A : memref<!tpu.dma_semaphore, #tpu.memory_space<semaphore_mem>>)
      %dma_wait3A = arith.constant 0 : i32
      %dma_wait3A_27 = arith.constant 0 : i32
      %dma_wait3A_28 = tpu.memref_slice %arg6[%arg0, %dma_wait3A, %dma_wait3A_27] : memref<2x10240x128xf32, #tpu.memory_space<hbm>> -> memref<1x10240x128xf32, #tpu.memory_space<hbm>>
      %dma_wait3A_29 = tpu.memref_squeeze %dma_wait3A_28 : memref<1x10240x128xf32, #tpu.memory_space<hbm>> -> memref<10240x128xf32, #tpu.memory_space<hbm>>
      %dma_wait3A_30 = arith.constant 0 : i32
      %dma_wait3A_31 = tpu.memref_slice %dma_wait3A_29[%mul3A_18, %dma_wait3A_30] : memref<10240x128xf32, #tpu.memory_space<hbm>> -> memref<640x128xf32, #tpu.memory_space<hbm>>
      %dma_wait3A_32 = arith.constant 0 : i32
      %dma_wait3A_33 = tpu.memref_slice %arg13[%mul3A_16, %dma_wait3A_32] : memref<10240x128xf32, #tpu.memory_space<vmem_shared>> -> memref<640x128xf32, #tpu.memory_space<vmem_shared>>
      tpu.wait_dma2 semaphore(%run_scoped3A : memref<!tpu.dma_semaphore, #tpu.memory_space<semaphore_mem>>) src(%dma_wait3A_33 : memref<640x128xf32, #tpu.memory_space<vmem_shared>>) dst(%dma_wait3A_31 : memref<640x128xf32, #tpu.memory_space<hbm>>)
      tpu.yield
    }) : () -> ()
    return
  }
}

module attributes {stable_mosaic.version = 14 : i64} {
  func.func @body(%arg0: i32, %arg1: memref<2x1000x128xf32, #tpu.memory_space<vmem>>, %arg2: memref<1000x128xf32, #tpu.memory_space<vmem>>, %arg3: memref<1000x1xf32, #tpu.memory_space<vmem>>, %arg4: memref<1000x128xf32, #tpu.memory_space<vmem>>, %arg5: memref<1000x128xf32, #tpu.memory_space<vmem>>) attributes {dimension_semantics = [#tpu.dimension_semantics<arbitrary>], iteration_bounds = array<i64: 10>, scalar_prefetch = 0 : i64, scratch_operands = 0 : i64, tpu.core_type = #tpu.core_type<tc>, window_params = [{transform_indices = @transform_0, window_bounds = array<i64: 2, 1000, 128>}, {transform_indices = @transform_1, window_bounds = array<i64: 1000, 128>}, {transform_indices = @transform_2, window_bounds = array<i64: 1000, 1>}, {transform_indices = @transform_3, window_bounds = array<i64: 1000, 128>}, {transform_indices = @transform_4, window_bounds = array<i64: 1000, 128>}]} {
    %get3A = arith.constant 0 : index
    %get3A_0 = arith.constant 0 : index
    %get3A_1 = arith.constant 0 : index
    %get3A_2 = vector.load %arg1[%get3A, %get3A_0, %get3A_1] : memref<2x1000x128xf32, #tpu.memory_space<vmem>>, vector<1x1000x128xf32>
    %get3A_3 = vector.shape_cast %get3A_2 : vector<1x1000x128xf32> to vector<1000x128xf32>
    %slice3A = vector.extract_strided_slice %get3A_3 {offsets = [0, 0], sizes = [1000, 1], strides = [1, 1]} : vector<1000x128xf32> to vector<1000x1xf32>
    %get3A_4 = arith.constant 1 : index
    %get3A_5 = arith.constant 0 : index
    %get3A_6 = arith.constant 0 : index
    %get3A_7 = vector.load %arg1[%get3A_4, %get3A_5, %get3A_6] : memref<2x1000x128xf32, #tpu.memory_space<vmem>>, vector<1x1000x128xf32>
    %get3A_8 = vector.shape_cast %get3A_7 : vector<1x1000x128xf32> to vector<1000x128xf32>
    %slice3A_9 = vector.extract_strided_slice %get3A_8 {offsets = [0, 0], sizes = [1000, 1], strides = [1, 1]} : vector<1000x128xf32> to vector<1000x1xf32>
    %add3A = arith.addf %slice3A, %slice3A_9 : vector<1000x1xf32>
    %add3A_10 = arith.constant 1.000000e+00 : f32
    %add3A_11 = vector.broadcast %add3A_10 : f32 to vector<1000x1xf32>
    %add3A_12 = arith.addf %add3A, %add3A_11 : vector<1000x1xf32>
    %rsqrt3A = math.rsqrt %add3A_12 : vector<1000x1xf32>
    %swap3A = arith.constant 0 : index
    %swap3A_13 = arith.constant 0 : index
    %swap3A_14 = vector.load %arg3[%swap3A, %swap3A_13] : memref<1000x1xf32, #tpu.memory_space<vmem>>, vector<1000x1xf32>
    tpu.vector_store %arg3[%swap3A, %swap3A_13], %rsqrt3A {strides = array<i32>} : memref<1000x1xf32, #tpu.memory_space<vmem>>, vector<1000x1xf32>,
    %broadcast_in_dim3A = vector.shape_cast %rsqrt3A : vector<1000x1xf32> to vector<1000x1xf32>
    %broadcast_in_dim3A_15 = vector.broadcast %broadcast_in_dim3A : vector<1000x1xf32> to vector<1000x128xf32>
    %swap3A_16 = arith.constant 0 : index
    %swap3A_17 = arith.constant 0 : index
    %swap3A_18 = vector.load %arg4[%swap3A_16, %swap3A_17] : memref<1000x128xf32, #tpu.memory_space<vmem>>, vector<1000x128xf32>
    tpu.vector_store %arg4[%swap3A_16, %swap3A_17], %broadcast_in_dim3A_15 {strides = array<i32>} : memref<1000x128xf32, #tpu.memory_space<vmem>>, vector<1000x128xf32>,
    %get3A_19 = arith.constant 0 : index
    %get3A_20 = arith.constant 0 : index
    %get3A_21 = vector.load %arg2[%get3A_19, %get3A_20] : memref<1000x128xf32, #tpu.memory_space<vmem>>, vector<1000x128xf32>
    %mul3A = vector.broadcast %rsqrt3A : vector<1000x1xf32> to vector<1000x128xf32>
    %mul3A_22 = arith.mulf %get3A_21, %mul3A : vector<1000x128xf32>
    %swap3A_23 = arith.constant 0 : index
    %swap3A_24 = arith.constant 0 : index
    %swap3A_25 = vector.load %arg5[%swap3A_23, %swap3A_24] : memref<1000x128xf32, #tpu.memory_space<vmem>>, vector<1000x128xf32>
    tpu.vector_store %arg5[%swap3A_23, %swap3A_24], %mul3A_22 {strides = array<i32>} : memref<1000x128xf32, #tpu.memory_space<vmem>>, vector<1000x128xf32>,
    return
  }
  func.func @transform_0(%arg0: i32) -> (i32, i32, i32) {
    %c0_i32 = arith.constant 0 : i32
    %c0_i32_0 = arith.constant 0 : i32
    %c0_i32_1 = arith.constant 0 : i32
    return %c0_i32, %arg0, %c0_i32_0 : i32, i32, i32
  }
  func.func @transform_1(%arg0: i32) -> (i32, i32) {
    %c0_i32 = arith.constant 0 : i32
    %c0_i32_0 = arith.constant 0 : i32
    return %arg0, %c0_i32 : i32, i32
  }
  func.func @transform_2(%arg0: i32) -> (i32, i32) {
    %c0_i32 = arith.constant 0 : i32
    %c0_i32_0 = arith.constant 0 : i32
    return %arg0, %c0_i32 : i32, i32
  }
  func.func @transform_3(%arg0: i32) -> (i32, i32) {
    %c0_i32 = arith.constant 0 : i32
    %c0_i32_0 = arith.constant 0 : i32
    return %arg0, %c0_i32 : i32, i32
  }
  func.func @transform_4(%arg0: i32) -> (i32, i32) {
    %c0_i32 = arith.constant 0 : i32
    %c0_i32_0 = arith.constant 0 : i32
    return %arg0, %c0_i32 : i32, i32
  }
}

module attributes {stable_mosaic.version = 14 : i64} {
  func.func @body(%arg0: i32, %arg1: i32, %arg2: memref<2x1000x128xf32, #tpu.memory_space<vmem>>, %arg3: memref<1000x128xf32, #tpu.memory_space<vmem>>, %arg4: memref<1000x1xf32, #tpu.memory_space<vmem>>, %arg5: memref<128x512xf32, #tpu.memory_space<vmem>>, %arg6: memref<1x512xf32, #tpu.memory_space<vmem>>, %arg7: memref<1000x512xf32, #tpu.memory_space<vmem>>) attributes {dimension_semantics = [#tpu.dimension_semantics<arbitrary>, #tpu.dimension_semantics<arbitrary>], iteration_bounds = array<i64: 10, 8>, scalar_prefetch = 0 : i64, scratch_operands = 0 : i64, tpu.core_type = #tpu.core_type<tc>, window_params = [{transform_indices = @transform_0, window_bounds = array<i64: 2, 1000, 128>}, {transform_indices = @transform_1, window_bounds = array<i64: 1000, 128>}, {transform_indices = @transform_2, window_bounds = array<i64: 1000, 1>}, {transform_indices = @transform_3, window_bounds = array<i64: 128, 512>}, {transform_indices = @transform_4, window_bounds = array<i64: 1, 512>}, {transform_indices = @transform_5, window_bounds = array<i64: 1000, 512>}]} {
    %get3A = arith.constant 0 : index
    %get3A_0 = arith.constant 0 : index
    %get3A_1 = vector.load %arg4[%get3A, %get3A_0] : memref<1000x1xf32, #tpu.memory_space<vmem>>, vector<1000x1xf32>
    %get3A_2 = arith.constant 0 : index
    %get3A_3 = arith.constant 0 : index
    %get3A_4 = arith.constant 0 : index
    %get3A_5 = vector.load %arg2[%get3A_2, %get3A_3, %get3A_4] : memref<2x1000x128xf32, #tpu.memory_space<vmem>>, vector<1x1000x128xf32>
    %get3A_6 = vector.shape_cast %get3A_5 : vector<1x1000x128xf32> to vector<1000x128xf32>
    %get3A_7 = arith.constant 1 : index
    %get3A_8 = arith.constant 0 : index
    %get3A_9 = arith.constant 0 : index
    %get3A_10 = vector.load %arg2[%get3A_7, %get3A_8, %get3A_9] : memref<2x1000x128xf32, #tpu.memory_space<vmem>>, vector<1x1000x128xf32>
    %get3A_11 = vector.shape_cast %get3A_10 : vector<1x1000x128xf32> to vector<1000x128xf32>
    %add3A = arith.addf %get3A_6, %get3A_11 : vector<1000x128xf32>
    %get3A_12 = arith.constant 0 : index
    %get3A_13 = arith.constant 0 : index
    %get3A_14 = vector.load %arg3[%get3A_12, %get3A_13] : memref<1000x128xf32, #tpu.memory_space<vmem>>, vector<1000x128xf32>
    %add3A_15 = arith.addf %add3A, %get3A_14 : vector<1000x128xf32>
    %mul3A = vector.broadcast %get3A_1 : vector<1000x1xf32> to vector<1000x128xf32>
    %mul3A_16 = arith.mulf %mul3A, %add3A_15 : vector<1000x128xf32>
    %get3A_17 = arith.constant 0 : index
    %get3A_18 = arith.constant 0 : index
    %get3A_19 = vector.load %arg5[%get3A_17, %get3A_18] : memref<128x512xf32, #tpu.memory_space<vmem>>, vector<128x512xf32>
    %dot_general3A = arith.constant dense<0.000000e+00> : vector<1000x512xf32>
    %dot_general3A_20 = tpu.matmul %mul3A_16, %get3A_19, %dot_general3A {dimension_numbers = #tpu.dot_dimension_numbers<[1], [0], [0], [1], [0, 0, 1, 1], [], []>, transpose_lhs_hint = false} : vector<1000x128xf32>, vector<128x512xf32>, vector<1000x512xf32> -> vector<1000x512xf32>
    %get3A_21 = arith.constant 0 : index
    %get3A_22 = arith.constant 0 : index
    %get3A_23 = vector.load %arg6[%get3A_21, %get3A_22] : memref<1x512xf32, #tpu.memory_space<vmem>>, vector<1x512xf32>
    %add3A_24 = vector.broadcast %get3A_23 : vector<1x512xf32> to vector<1000x512xf32>
    %add3A_25 = arith.addf %dot_general3A_20, %add3A_24 : vector<1000x512xf32>
    %max3A = arith.constant 0.000000e+00 : f32
    %max3A_26 = vector.broadcast %max3A : f32 to vector<1000x512xf32>
    %max3A_27 = arith.maximumf %add3A_25, %max3A_26 : vector<1000x512xf32>
    %swap3A = arith.constant 0 : index
    %swap3A_28 = arith.constant 0 : index
    %swap3A_29 = vector.load %arg7[%swap3A, %swap3A_28] : memref<1000x512xf32, #tpu.memory_space<vmem>>, vector<1000x512xf32>
    tpu.vector_store %arg7[%swap3A, %swap3A_28], %max3A_27 {strides = array<i32>} : memref<1000x512xf32, #tpu.memory_space<vmem>>, vector<1000x512xf32>,
    return
  }
  func.func @transform_0(%arg0: i32, %arg1: i32) -> (i32, i32, i32) {
    %c0_i32 = arith.constant 0 : i32
    %c0_i32_0 = arith.constant 0 : i32
    %c0_i32_1 = arith.constant 0 : i32
    return %c0_i32, %arg0, %c0_i32_0 : i32, i32, i32
  }
  func.func @transform_1(%arg0: i32, %arg1: i32) -> (i32, i32) {
    %c0_i32 = arith.constant 0 : i32
    %c0_i32_0 = arith.constant 0 : i32
    return %arg0, %c0_i32 : i32, i32
  }
  func.func @transform_2(%arg0: i32, %arg1: i32) -> (i32, i32) {
    %c0_i32 = arith.constant 0 : i32
    %c0_i32_0 = arith.constant 0 : i32
    return %arg0, %c0_i32 : i32, i32
  }
  func.func @transform_3(%arg0: i32, %arg1: i32) -> (i32, i32) {
    %c0_i32 = arith.constant 0 : i32
    %c0_i32_0 = arith.constant 0 : i32
    return %c0_i32, %arg1 : i32, i32
  }
  func.func @transform_4(%arg0: i32, %arg1: i32) -> (i32, i32) {
    %c0_i32 = arith.constant 0 : i32
    %c0_i32_0 = arith.constant 0 : i32
    return %c0_i32, %arg1 : i32, i32
  }
  func.func @transform_5(%arg0: i32, %arg1: i32) -> (i32, i32) {
    %c0_i32 = arith.constant 0 : i32
    return %arg0, %arg1 : i32, i32
  }
}

module attributes {stable_mosaic.version = 14 : i64} {
  func.func @body(%arg0: i32, %arg1: i32, %arg2: i32, %arg3: memref<1000x512xf32, #tpu.memory_space<vmem>>, %arg4: memref<512x512xf32, #tpu.memory_space<vmem>>, %arg5: memref<1000x1xf32, #tpu.memory_space<vmem>>, %arg6: memref<4x1000x128xf32, #tpu.memory_space<vmem>>, %arg7: memref<1000x512xf32, #tpu.memory_space<vmem>>) attributes {dimension_semantics = [#tpu.dimension_semantics<arbitrary>, #tpu.dimension_semantics<arbitrary>, #tpu.dimension_semantics<arbitrary>], iteration_bounds = array<i64: 10, 1, 8>, scalar_prefetch = 0 : i64, scratch_operands = 1 : i64, tpu.core_type = #tpu.core_type<tc>, window_params = [{transform_indices = @transform_0, window_bounds = array<i64: 1000, 512>}, {transform_indices = @transform_1, window_bounds = array<i64: 512, 512>}, {transform_indices = @transform_2, window_bounds = array<i64: 1000, 1>}, {transform_indices = @transform_3, window_bounds = array<i64: 4, 1000, 128>}]} {
    %eq3A = arith.constant 0 : i32
    %eq3A_0 = arith.cmpi eq, %arg2, %eq3A : i32
    %convert_element_type3A = arith.extui %eq3A_0 : i1 to i32
    %cond3A = arith.constant 0 : i32
    %cond3A_1 = arith.cmpi ne, %convert_element_type3A, %cond3A : i32
    scf.if %cond3A_1 {
      %broadcast_in_dim3A = arith.constant 0.000000e+00 : f32
      %broadcast_in_dim3A_18 = vector.broadcast %broadcast_in_dim3A : f32 to vector<1000x512xf32>
      %swap3A_19 = arith.constant 0 : index
      %swap3A_20 = arith.constant 0 : index
      %swap3A_21 = vector.load %arg7[%swap3A_19, %swap3A_20] : memref<1000x512xf32, #tpu.memory_space<vmem>>, vector<1000x512xf32>
      tpu.vector_store %arg7[%swap3A_19, %swap3A_20], %broadcast_in_dim3A_18 {strides = array<i32>} : memref<1000x512xf32, #tpu.memory_space<vmem>>, vector<1000x512xf32>,
    } else {
    }
    %get3A = arith.constant 0 : index
    %get3A_2 = arith.constant 0 : index
    %get3A_3 = vector.load %arg7[%get3A, %get3A_2] : memref<1000x512xf32, #tpu.memory_space<vmem>>, vector<1000x512xf32>
    %get3A_4 = arith.constant 0 : index
    %get3A_5 = arith.constant 0 : index
    %get3A_6 = vector.load %arg3[%get3A_4, %get3A_5] : memref<1000x512xf32, #tpu.memory_space<vmem>>, vector<1000x512xf32>
    %get3A_7 = arith.constant 0 : index
    %get3A_8 = arith.constant 0 : index
    %get3A_9 = vector.load %arg4[%get3A_7, %get3A_8] : memref<512x512xf32, #tpu.memory_space<vmem>>, vector<512x512xf32>
    %dot_general3A = arith.constant dense<0.000000e+00> : vector<1000x512xf32>
    %dot_general3A_10 = tpu.matmul %get3A_6, %get3A_9, %dot_general3A {dimension_numbers = #tpu.dot_dimension_numbers<[1], [0], [0], [1], [0, 0, 1, 1], [], []>, transpose_lhs_hint = false} : vector<1000x512xf32>, vector<512x512xf32>, vector<1000x512xf32> -> vector<1000x512xf32>
    %add3A = arith.addf %get3A_3, %dot_general3A_10 : vector<1000x512xf32>
    %swap3A = arith.constant 0 : index
    %swap3A_11 = arith.constant 0 : index
    %swap3A_12 = vector.load %arg7[%swap3A, %swap3A_11] : memref<1000x512xf32, #tpu.memory_space<vmem>>, vector<1000x512xf32>
    tpu.vector_store %arg7[%swap3A, %swap3A_11], %add3A {strides = array<i32>} : memref<1000x512xf32, #tpu.memory_space<vmem>>, vector<1000x512xf32>,
    %eq3A_13 = arith.constant 7 : i32
    %eq3A_14 = arith.cmpi eq, %arg2, %eq3A_13 : i32
    %convert_element_type3A_15 = arith.extui %eq3A_14 : i1 to i32
    %cond3A_16 = arith.constant 0 : i32
    %cond3A_17 = arith.cmpi ne, %convert_element_type3A_15, %cond3A_16 : i32
    scf.if %cond3A_17 {
      %get3A_18 = arith.constant 0 : index
      %get3A_19 = arith.constant 0 : index
      %get3A_20 = vector.load %arg5[%get3A_18, %get3A_19] : memref<1000x1xf32, #tpu.memory_space<vmem>>, vector<1000x1xf32>
      %get3A_21 = arith.constant 0 : index
      %get3A_22 = arith.constant 0 : index
      %get3A_23 = vector.load %arg7[%get3A_21, %get3A_22] : memref<1000x512xf32, #tpu.memory_space<vmem>>, vector<1000x512xf32>
      %mul3A = vector.broadcast %get3A_20 : vector<1000x1xf32> to vector<1000x512xf32>
      %mul3A_24 = arith.mulf %mul3A, %get3A_23 : vector<1000x512xf32>
      %slice3A = vector.extract_strided_slice %mul3A_24 {offsets = [0, 0], sizes = [1000, 128], strides = [1, 1]} : vector<1000x512xf32> to vector<1000x128xf32>
      %swap3A_25 = arith.constant 0 : index
      %swap3A_26 = arith.constant 0 : index
      %swap3A_27 = arith.constant 0 : index
      %swap3A_28 = vector.load %arg6[%swap3A_25, %swap3A_26, %swap3A_27] : memref<4x1000x128xf32, #tpu.memory_space<vmem>>, vector<1x1000x128xf32>
      %swap3A_29 = vector.shape_cast %swap3A_28 : vector<1x1000x128xf32> to vector<1000x128xf32>
      %swap3A_30 = vector.shape_cast %slice3A : vector<1000x128xf32> to vector<1x1000x128xf32>
      tpu.vector_store %arg6[%swap3A_25, %swap3A_26, %swap3A_27], %swap3A_30 {strides = array<i32>} : memref<4x1000x128xf32, #tpu.memory_space<vmem>>, vector<1x1000x128xf32>,
      %slice3A_31 = vector.extract_strided_slice %mul3A_24 {offsets = [0, 128], sizes = [1000, 128], strides = [1, 1]} : vector<1000x512xf32> to vector<1000x128xf32>
      %swap3A_32 = arith.constant 1 : index
      %swap3A_33 = arith.constant 0 : index
      %swap3A_34 = arith.constant 0 : index
      %swap3A_35 = vector.load %arg6[%swap3A_32, %swap3A_33, %swap3A_34] : memref<4x1000x128xf32, #tpu.memory_space<vmem>>, vector<1x1000x128xf32>
      %swap3A_36 = vector.shape_cast %swap3A_35 : vector<1x1000x128xf32> to vector<1000x128xf32>
      %swap3A_37 = vector.shape_cast %slice3A_31 : vector<1000x128xf32> to vector<1x1000x128xf32>
      tpu.vector_store %arg6[%swap3A_32, %swap3A_33, %swap3A_34], %swap3A_37 {strides = array<i32>} : memref<4x1000x128xf32, #tpu.memory_space<vmem>>, vector<1x1000x128xf32>,
      %slice3A_38 = vector.extract_strided_slice %mul3A_24 {offsets = [0, 256], sizes = [1000, 128], strides = [1, 1]} : vector<1000x512xf32> to vector<1000x128xf32>
      %swap3A_39 = arith.constant 2 : index
      %swap3A_40 = arith.constant 0 : index
      %swap3A_41 = arith.constant 0 : index
      %swap3A_42 = vector.load %arg6[%swap3A_39, %swap3A_40, %swap3A_41] : memref<4x1000x128xf32, #tpu.memory_space<vmem>>, vector<1x1000x128xf32>
      %swap3A_43 = vector.shape_cast %swap3A_42 : vector<1x1000x128xf32> to vector<1000x128xf32>
      %swap3A_44 = vector.shape_cast %slice3A_38 : vector<1000x128xf32> to vector<1x1000x128xf32>
      tpu.vector_store %arg6[%swap3A_39, %swap3A_40, %swap3A_41], %swap3A_44 {strides = array<i32>} : memref<4x1000x128xf32, #tpu.memory_space<vmem>>, vector<1x1000x128xf32>,
      %slice3A_45 = vector.extract_strided_slice %mul3A_24 {offsets = [0, 384], sizes = [1000, 128], strides = [1, 1]} : vector<1000x512xf32> to vector<1000x128xf32>
      %swap3A_46 = arith.constant 3 : index
      %swap3A_47 = arith.constant 0 : index
      %swap3A_48 = arith.constant 0 : index
      %swap3A_49 = vector.load %arg6[%swap3A_46, %swap3A_47, %swap3A_48] : memref<4x1000x128xf32, #tpu.memory_space<vmem>>, vector<1x1000x128xf32>
      %swap3A_50 = vector.shape_cast %swap3A_49 : vector<1x1000x128xf32> to vector<1000x128xf32>
      %swap3A_51 = vector.shape_cast %slice3A_45 : vector<1000x128xf32> to vector<1x1000x128xf32>
      tpu.vector_store %arg6[%swap3A_46, %swap3A_47, %swap3A_48], %swap3A_51 {strides = array<i32>} : memref<4x1000x128xf32, #tpu.memory_space<vmem>>, vector<1x1000x128xf32>,
    } else {
    }
    return
  }
  func.func @transform_0(%arg0: i32, %arg1: i32, %arg2: i32) -> (i32, i32) {
    %c0_i32 = arith.constant 0 : i32
    return %arg0, %arg2 : i32, i32
  }
  func.func @transform_1(%arg0: i32, %arg1: i32, %arg2: i32) -> (i32, i32) {
    %c0_i32 = arith.constant 0 : i32
    return %arg2, %arg1 : i32, i32
  }
  func.func @transform_2(%arg0: i32, %arg1: i32, %arg2: i32) -> (i32, i32) {
    %c0_i32 = arith.constant 0 : i32
    %c0_i32_0 = arith.constant 0 : i32
    return %arg0, %c0_i32 : i32, i32
  }
  func.func @transform_3(%arg0: i32, %arg1: i32, %arg2: i32) -> (i32, i32, i32) {
    %c0_i32 = arith.constant 0 : i32
    %c0_i32_0 = arith.constant 0 : i32
    return %arg1, %arg0, %c0_i32 : i32, i32, i32
  }
}

module attributes {stable_mosaic.version = 14 : i64} {
  func.func @body(%arg0: i32, %arg1: i32, %arg2: memref<1x1000x128xf32, #tpu.memory_space<vmem>>, %arg3: memref<1x1000x128xf32, #tpu.memory_space<vmem>>, %arg4: memref<1x1000x128xf32, #tpu.memory_space<vmem>>, %arg5: memref<1x1000x128xf32, #tpu.memory_space<vmem>>, %arg6: memref<1x1x128xf32, #tpu.memory_space<vmem>>, %arg7: memref<1000x1xf32, #tpu.memory_space<vmem>>, %arg8: memref<128x256xf32, #tpu.memory_space<vmem>>, %arg9: memref<2x1000x128xf32, #tpu.memory_space<vmem>>, %arg10: memref<1000x256xf32, #tpu.memory_space<vmem>>) attributes {dimension_semantics = [#tpu.dimension_semantics<arbitrary>, #tpu.dimension_semantics<arbitrary>], iteration_bounds = array<i64: 10, 8>, scalar_prefetch = 0 : i64, scratch_operands = 1 : i64, tpu.core_type = #tpu.core_type<tc>, window_params = [{transform_indices = @transform_0, window_bounds = array<i64: 1, 1000, 128>}, {transform_indices = @transform_1, window_bounds = array<i64: 1, 1000, 128>}, {transform_indices = @transform_2, window_bounds = array<i64: 1, 1000, 128>}, {transform_indices = @transform_3, window_bounds = array<i64: 1, 1000, 128>}, {transform_indices = @transform_4, window_bounds = array<i64: 1, 1, 128>}, {transform_indices = @transform_5, window_bounds = array<i64: 1000, 1>}, {transform_indices = @transform_6, window_bounds = array<i64: 128, 256>}, {transform_indices = @transform_7, window_bounds = array<i64: 2, 1000, 128>}]} {
    %eq3A = arith.constant 0 : i32
    %eq3A_0 = arith.cmpi eq, %arg1, %eq3A : i32
    %convert_element_type3A = arith.extui %eq3A_0 : i1 to i32
    %cond3A = arith.constant 0 : i32
    %cond3A_1 = arith.cmpi ne, %convert_element_type3A, %cond3A : i32
    scf.if %cond3A_1 {
      %broadcast_in_dim3A = arith.constant 0.000000e+00 : f32
      %broadcast_in_dim3A_51 = vector.broadcast %broadcast_in_dim3A : f32 to vector<1000x256xf32>
      %swap3A_52 = arith.constant 0 : index
      %swap3A_53 = arith.constant 0 : index
      %swap3A_54 = vector.load %arg10[%swap3A_52, %swap3A_53] : memref<1000x256xf32, #tpu.memory_space<vmem>>, vector<1000x256xf32>
      tpu.vector_store %arg10[%swap3A_52, %swap3A_53], %broadcast_in_dim3A_51 {strides = array<i32>} : memref<1000x256xf32, #tpu.memory_space<vmem>>, vector<1000x256xf32>,
    } else {
    }
    %lt3A = arith.constant 4 : i32
    %lt3A_2 = arith.cmpi slt, %arg1, %lt3A : i32
    %get3A = arith.constant 0 : index
    %get3A_3 = arith.constant 0 : index
    %get3A_4 = arith.constant 0 : index
    %get3A_5 = vector.load %arg2[%get3A, %get3A_3, %get3A_4] : memref<1x1000x128xf32, #tpu.memory_space<vmem>>, vector<1x1000x128xf32>
    %get3A_6 = vector.shape_cast %get3A_5 : vector<1x1000x128xf32> to vector<1000x128xf32>
    %get3A_7 = arith.constant 0 : index
    %get3A_8 = arith.constant 0 : index
    %get3A_9 = arith.constant 0 : index
    %get3A_10 = vector.load %arg4[%get3A_7, %get3A_8, %get3A_9] : memref<1x1000x128xf32, #tpu.memory_space<vmem>>, vector<1x1000x128xf32>
    %get3A_11 = vector.shape_cast %get3A_10 : vector<1x1000x128xf32> to vector<1000x128xf32>
    %select_n3A = arith.select %lt3A_2, %get3A_6, %get3A_11 : vector<1000x128xf32>
    %get3A_12 = arith.constant 0 : index
    %get3A_13 = arith.constant 0 : index
    %get3A_14 = arith.constant 0 : index
    %get3A_15 = vector.load %arg3[%get3A_12, %get3A_13, %get3A_14] : memref<1x1000x128xf32, #tpu.memory_space<vmem>>, vector<1x1000x128xf32>
    %get3A_16 = vector.shape_cast %get3A_15 : vector<1x1000x128xf32> to vector<1000x128xf32>
    %get3A_17 = arith.constant 0 : index
    %get3A_18 = arith.constant 0 : index
    %get3A_19 = arith.constant 0 : index
    %get3A_20 = vector.load %arg5[%get3A_17, %get3A_18, %get3A_19] : memref<1x1000x128xf32, #tpu.memory_space<vmem>>, vector<1x1000x128xf32>
    %get3A_21 = vector.shape_cast %get3A_20 : vector<1x1000x128xf32> to vector<1000x128xf32>
    %select_n3A_22 = arith.select %lt3A_2, %get3A_16, %get3A_21 : vector<1000x128xf32>
    %get3A_23 = arith.constant 0 : index
    %get3A_24 = arith.constant 0 : index
    %get3A_25 = vector.load %arg7[%get3A_23, %get3A_24] : memref<1000x1xf32, #tpu.memory_space<vmem>>, vector<1000x1xf32>
    %add3A = arith.addf %select_n3A, %select_n3A_22 : vector<1000x128xf32>
    %mul3A = vector.broadcast %get3A_25 : vector<1000x1xf32> to vector<1000x128xf32>
    %mul3A_26 = arith.mulf %mul3A, %add3A : vector<1000x128xf32>
    %get3A_27 = arith.constant 0 : index
    %get3A_28 = arith.constant 0 : index
    %get3A_29 = arith.constant 0 : index
    %get3A_30 = vector.load %arg6[%get3A_27, %get3A_28, %get3A_29] : memref<1x1x128xf32, #tpu.memory_space<vmem>>, vector<1x1x128xf32>
    %get3A_31 = vector.shape_cast %get3A_30 : vector<1x1x128xf32> to vector<1x128xf32>
    %add3A_32 = vector.broadcast %get3A_31 : vector<1x128xf32> to vector<1000x128xf32>
    %add3A_33 = arith.addf %mul3A_26, %add3A_32 : vector<1000x128xf32>
    %max3A = arith.constant 0.000000e+00 : f32
    %max3A_34 = vector.broadcast %max3A : f32 to vector<1000x128xf32>
    %max3A_35 = arith.maximumf %add3A_33, %max3A_34 : vector<1000x128xf32>
    %get3A_36 = arith.constant 0 : index
    %get3A_37 = arith.constant 0 : index
    %get3A_38 = vector.load %arg10[%get3A_36, %get3A_37] : memref<1000x256xf32, #tpu.memory_space<vmem>>, vector<1000x256xf32>
    %get3A_39 = arith.constant 0 : index
    %get3A_40 = arith.constant 0 : index
    %get3A_41 = vector.load %arg8[%get3A_39, %get3A_40] : memref<128x256xf32, #tpu.memory_space<vmem>>, vector<128x256xf32>
    %dot_general3A = arith.constant dense<0.000000e+00> : vector<1000x256xf32>
    %dot_general3A_42 = tpu.matmul %max3A_35, %get3A_41, %dot_general3A {dimension_numbers = #tpu.dot_dimension_numbers<[1], [0], [0], [1], [0, 0, 1, 1], [], []>, transpose_lhs_hint = false} : vector<1000x128xf32>, vector<128x256xf32>, vector<1000x256xf32> -> vector<1000x256xf32>
    %add3A_43 = arith.addf %get3A_38, %dot_general3A_42 : vector<1000x256xf32>
    %swap3A = arith.constant 0 : index
    %swap3A_44 = arith.constant 0 : index
    %swap3A_45 = vector.load %arg10[%swap3A, %swap3A_44] : memref<1000x256xf32, #tpu.memory_space<vmem>>, vector<1000x256xf32>
    tpu.vector_store %arg10[%swap3A, %swap3A_44], %add3A_43 {strides = array<i32>} : memref<1000x256xf32, #tpu.memory_space<vmem>>, vector<1000x256xf32>,
    %eq3A_46 = arith.constant 7 : i32
    %eq3A_47 = arith.cmpi eq, %arg1, %eq3A_46 : i32
    %convert_element_type3A_48 = arith.extui %eq3A_47 : i1 to i32
    %cond3A_49 = arith.constant 0 : i32
    %cond3A_50 = arith.cmpi ne, %convert_element_type3A_48, %cond3A_49 : i32
    scf.if %cond3A_50 {
      %get3A_51 = arith.constant 0 : index
      %get3A_52 = arith.constant 0 : index
      %get3A_53 = vector.load %arg7[%get3A_51, %get3A_52] : memref<1000x1xf32, #tpu.memory_space<vmem>>, vector<1000x1xf32>
      %get3A_54 = arith.constant 0 : index
      %get3A_55 = arith.constant 0 : index
      %get3A_56 = vector.load %arg10[%get3A_54, %get3A_55] : memref<1000x256xf32, #tpu.memory_space<vmem>>, vector<1000x256xf32>
      %mul3A_57 = vector.broadcast %get3A_53 : vector<1000x1xf32> to vector<1000x256xf32>
      %mul3A_58 = arith.mulf %mul3A_57, %get3A_56 : vector<1000x256xf32>
      %slice3A = vector.extract_strided_slice %mul3A_58 {offsets = [0, 0], sizes = [1000, 128], strides = [1, 1]} : vector<1000x256xf32> to vector<1000x128xf32>
      %swap3A_59 = arith.constant 0 : index
      %swap3A_60 = arith.constant 0 : index
      %swap3A_61 = arith.constant 0 : index
      %swap3A_62 = vector.load %arg9[%swap3A_59, %swap3A_60, %swap3A_61] : memref<2x1000x128xf32, #tpu.memory_space<vmem>>, vector<1x1000x128xf32>
      %swap3A_63 = vector.shape_cast %swap3A_62 : vector<1x1000x128xf32> to vector<1000x128xf32>
      %swap3A_64 = vector.shape_cast %slice3A : vector<1000x128xf32> to vector<1x1000x128xf32>
      tpu.vector_store %arg9[%swap3A_59, %swap3A_60, %swap3A_61], %swap3A_64 {strides = array<i32>} : memref<2x1000x128xf32, #tpu.memory_space<vmem>>, vector<1x1000x128xf32>,
      %slice3A_65 = vector.extract_strided_slice %mul3A_58 {offsets = [0, 128], sizes = [1000, 128], strides = [1, 1]} : vector<1000x256xf32> to vector<1000x128xf32>
      %swap3A_66 = arith.constant 1 : index
      %swap3A_67 = arith.constant 0 : index
      %swap3A_68 = arith.constant 0 : index
      %swap3A_69 = vector.load %arg9[%swap3A_66, %swap3A_67, %swap3A_68] : memref<2x1000x128xf32, #tpu.memory_space<vmem>>, vector<1x1000x128xf32>
      %swap3A_70 = vector.shape_cast %swap3A_69 : vector<1x1000x128xf32> to vector<1000x128xf32>
      %swap3A_71 = vector.shape_cast %slice3A_65 : vector<1000x128xf32> to vector<1x1000x128xf32>
      tpu.vector_store %arg9[%swap3A_66, %swap3A_67, %swap3A_68], %swap3A_71 {strides = array<i32>} : memref<2x1000x128xf32, #tpu.memory_space<vmem>>, vector<1x1000x128xf32>,
    } else {
    }
    return
  }
  func.func @transform_0(%arg0: i32, %arg1: i32) -> (i32, i32, i32) {
    %min3A = arith.constant 3 : i32
    %min3A_0 = arith.minsi %arg1, %min3A : i32
    %c0_i32 = arith.constant 0 : i32
    %c0_i32_1 = arith.constant 0 : i32
    return %min3A_0, %arg0, %c0_i32 : i32, i32, i32
  }
  func.func @transform_1(%arg0: i32, %arg1: i32) -> (i32, i32, i32) {
    %min3A = arith.constant 3 : i32
    %min3A_0 = arith.minsi %arg1, %min3A : i32
    %c0_i32 = arith.constant 0 : i32
    %c0_i32_1 = arith.constant 0 : i32
    return %min3A_0, %arg0, %c0_i32 : i32, i32, i32
  }
  func.func @transform_2(%arg0: i32, %arg1: i32) -> (i32, i32, i32) {
    %sub3A = arith.constant 4 : i32
    %sub3A_0 = arith.subi %arg1, %sub3A : i32
    %max3A = arith.constant 0 : i32
    %max3A_1 = arith.maxsi %sub3A_0, %max3A : i32
    %c0_i32 = arith.constant 0 : i32
    %c0_i32_2 = arith.constant 0 : i32
    return %max3A_1, %arg0, %c0_i32 : i32, i32, i32
  }
  func.func @transform_3(%arg0: i32, %arg1: i32) -> (i32, i32, i32) {
    %sub3A = arith.constant 4 : i32
    %sub3A_0 = arith.subi %arg1, %sub3A : i32
    %max3A = arith.constant 0 : i32
    %max3A_1 = arith.maxsi %sub3A_0, %max3A : i32
    %c0_i32 = arith.constant 0 : i32
    %c0_i32_2 = arith.constant 0 : i32
    return %max3A_1, %arg0, %c0_i32 : i32, i32, i32
  }
  func.func @transform_4(%arg0: i32, %arg1: i32) -> (i32, i32, i32) {
    %c0_i32 = arith.constant 0 : i32
    %c0_i32_0 = arith.constant 0 : i32
    %c0_i32_1 = arith.constant 0 : i32
    return %arg1, %c0_i32, %c0_i32_0 : i32, i32, i32
  }
  func.func @transform_5(%arg0: i32, %arg1: i32) -> (i32, i32) {
    %c0_i32 = arith.constant 0 : i32
    %c0_i32_0 = arith.constant 0 : i32
    return %arg0, %c0_i32 : i32, i32
  }
  func.func @transform_6(%arg0: i32, %arg1: i32) -> (i32, i32) {
    %c0_i32 = arith.constant 0 : i32
    %c0_i32_0 = arith.constant 0 : i32
    return %arg1, %c0_i32 : i32, i32
  }
  func.func @transform_7(%arg0: i32, %arg1: i32) -> (i32, i32, i32) {
    %c0_i32 = arith.constant 0 : i32
    %c0_i32_0 = arith.constant 0 : i32
    %c0_i32_1 = arith.constant 0 : i32
    return %c0_i32, %arg0, %c0_i32_0 : i32, i32, i32
  }
}

module attributes {stable_mosaic.version = 14 : i64} {
  func.func @body(%arg0: i32, %arg1: i32, %arg2: memref<1x1000x128xf32, #tpu.memory_space<vmem>>, %arg3: memref<1x1000x128xf32, #tpu.memory_space<vmem>>, %arg4: memref<1x1x128xf32, #tpu.memory_space<vmem>>, %arg5: memref<1000x1xf32, #tpu.memory_space<vmem>>, %arg6: memref<128x128xf32, #tpu.memory_space<vmem>>, %arg7: memref<1000x128xf32, #tpu.memory_space<vmem>>, %arg8: memref<1000x128xf32, #tpu.memory_space<vmem>>) attributes {dimension_semantics = [#tpu.dimension_semantics<arbitrary>, #tpu.dimension_semantics<arbitrary>], iteration_bounds = array<i64: 10, 2>, scalar_prefetch = 0 : i64, scratch_operands = 1 : i64, tpu.core_type = #tpu.core_type<tc>, window_params = [{transform_indices = @transform_0, window_bounds = array<i64: 1, 1000, 128>}, {transform_indices = @transform_1, window_bounds = array<i64: 1, 1000, 128>}, {transform_indices = @transform_2, window_bounds = array<i64: 1, 1, 128>}, {transform_indices = @transform_3, window_bounds = array<i64: 1000, 1>}, {transform_indices = @transform_4, window_bounds = array<i64: 128, 128>}, {transform_indices = @transform_5, window_bounds = array<i64: 1000, 128>}]} {
    %eq3A = arith.constant 0 : i32
    %eq3A_0 = arith.cmpi eq, %arg1, %eq3A : i32
    %convert_element_type3A = arith.extui %eq3A_0 : i1 to i32
    %cond3A = arith.constant 0 : i32
    %cond3A_1 = arith.cmpi ne, %convert_element_type3A, %cond3A : i32
    scf.if %cond3A_1 {
      %broadcast_in_dim3A = arith.constant 0.000000e+00 : f32
      %broadcast_in_dim3A_39 = vector.broadcast %broadcast_in_dim3A : f32 to vector<1000x128xf32>
      %swap3A_40 = arith.constant 0 : index
      %swap3A_41 = arith.constant 0 : index
      %swap3A_42 = vector.load %arg8[%swap3A_40, %swap3A_41] : memref<1000x128xf32, #tpu.memory_space<vmem>>, vector<1000x128xf32>
      tpu.vector_store %arg8[%swap3A_40, %swap3A_41], %broadcast_in_dim3A_39 {strides = array<i32>} : memref<1000x128xf32, #tpu.memory_space<vmem>>, vector<1000x128xf32>,
    } else {
    }
    %get3A = arith.constant 0 : index
    %get3A_2 = arith.constant 0 : index
    %get3A_3 = vector.load %arg5[%get3A, %get3A_2] : memref<1000x1xf32, #tpu.memory_space<vmem>>, vector<1000x1xf32>
    %get3A_4 = arith.constant 0 : index
    %get3A_5 = arith.constant 0 : index
    %get3A_6 = arith.constant 0 : index
    %get3A_7 = vector.load %arg2[%get3A_4, %get3A_5, %get3A_6] : memref<1x1000x128xf32, #tpu.memory_space<vmem>>, vector<1x1000x128xf32>
    %get3A_8 = vector.shape_cast %get3A_7 : vector<1x1000x128xf32> to vector<1000x128xf32>
    %get3A_9 = arith.constant 0 : index
    %get3A_10 = arith.constant 0 : index
    %get3A_11 = arith.constant 0 : index
    %get3A_12 = vector.load %arg3[%get3A_9, %get3A_10, %get3A_11] : memref<1x1000x128xf32, #tpu.memory_space<vmem>>, vector<1x1000x128xf32>
    %get3A_13 = vector.shape_cast %get3A_12 : vector<1x1000x128xf32> to vector<1000x128xf32>
    %add3A = arith.addf %get3A_8, %get3A_13 : vector<1000x128xf32>
    %mul3A = vector.broadcast %get3A_3 : vector<1000x1xf32> to vector<1000x128xf32>
    %mul3A_14 = arith.mulf %mul3A, %add3A : vector<1000x128xf32>
    %get3A_15 = arith.constant 0 : index
    %get3A_16 = arith.constant 0 : index
    %get3A_17 = arith.constant 0 : index
    %get3A_18 = vector.load %arg4[%get3A_15, %get3A_16, %get3A_17] : memref<1x1x128xf32, #tpu.memory_space<vmem>>, vector<1x1x128xf32>
    %get3A_19 = vector.shape_cast %get3A_18 : vector<1x1x128xf32> to vector<1x128xf32>
    %add3A_20 = vector.broadcast %get3A_19 : vector<1x128xf32> to vector<1000x128xf32>
    %add3A_21 = arith.addf %mul3A_14, %add3A_20 : vector<1000x128xf32>
    %max3A = arith.constant 0.000000e+00 : f32
    %max3A_22 = vector.broadcast %max3A : f32 to vector<1000x128xf32>
    %max3A_23 = arith.maximumf %add3A_21, %max3A_22 : vector<1000x128xf32>
    %get3A_24 = arith.constant 0 : index
    %get3A_25 = arith.constant 0 : index
    %get3A_26 = vector.load %arg8[%get3A_24, %get3A_25] : memref<1000x128xf32, #tpu.memory_space<vmem>>, vector<1000x128xf32>
    %get3A_27 = arith.constant 0 : index
    %get3A_28 = arith.constant 0 : index
    %get3A_29 = vector.load %arg6[%get3A_27, %get3A_28] : memref<128x128xf32, #tpu.memory_space<vmem>>, vector<128x128xf32>
    %dot_general3A = arith.constant dense<0.000000e+00> : vector<1000x128xf32>
    %dot_general3A_30 = tpu.matmul %max3A_23, %get3A_29, %dot_general3A {dimension_numbers = #tpu.dot_dimension_numbers<[1], [0], [0], [1], [0, 0, 1, 1], [], []>, transpose_lhs_hint = false} : vector<1000x128xf32>, vector<128x128xf32>, vector<1000x128xf32> -> vector<1000x128xf32>
    %add3A_31 = arith.addf %get3A_26, %dot_general3A_30 : vector<1000x128xf32>
    %swap3A = arith.constant 0 : index
    %swap3A_32 = arith.constant 0 : index
    %swap3A_33 = vector.load %arg8[%swap3A, %swap3A_32] : memref<1000x128xf32, #tpu.memory_space<vmem>>, vector<1000x128xf32>
    tpu.vector_store %arg8[%swap3A, %swap3A_32], %add3A_31 {strides = array<i32>} : memref<1000x128xf32, #tpu.memory_space<vmem>>, vector<1000x128xf32>,
    %eq3A_34 = arith.constant 1 : i32
    %eq3A_35 = arith.cmpi eq, %arg1, %eq3A_34 : i32
    %convert_element_type3A_36 = arith.extui %eq3A_35 : i1 to i32
    %cond3A_37 = arith.constant 0 : i32
    %cond3A_38 = arith.cmpi ne, %convert_element_type3A_36, %cond3A_37 : i32
    scf.if %cond3A_38 {
      %get3A_39 = arith.constant 0 : index
      %get3A_40 = arith.constant 0 : index
      %get3A_41 = vector.load %arg5[%get3A_39, %get3A_40] : memref<1000x1xf32, #tpu.memory_space<vmem>>, vector<1000x1xf32>
      %get3A_42 = arith.constant 0 : index
      %get3A_43 = arith.constant 0 : index
      %get3A_44 = vector.load %arg8[%get3A_42, %get3A_43] : memref<1000x128xf32, #tpu.memory_space<vmem>>, vector<1000x128xf32>
      %mul3A_45 = vector.broadcast %get3A_41 : vector<1000x1xf32> to vector<1000x128xf32>
      %mul3A_46 = arith.mulf %mul3A_45, %get3A_44 : vector<1000x128xf32>
      %swap3A_47 = arith.constant 0 : index
      %swap3A_48 = arith.constant 0 : index
      %swap3A_49 = vector.load %arg7[%swap3A_47, %swap3A_48] : memref<1000x128xf32, #tpu.memory_space<vmem>>, vector<1000x128xf32>
      tpu.vector_store %arg7[%swap3A_47, %swap3A_48], %mul3A_46 {strides = array<i32>} : memref<1000x128xf32, #tpu.memory_space<vmem>>, vector<1000x128xf32>,
    } else {
    }
    return
  }
  func.func @transform_0(%arg0: i32, %arg1: i32) -> (i32, i32, i32) {
    %c0_i32 = arith.constant 0 : i32
    %c0_i32_0 = arith.constant 0 : i32
    return %arg1, %arg0, %c0_i32 : i32, i32, i32
  }
  func.func @transform_1(%arg0: i32, %arg1: i32) -> (i32, i32, i32) {
    %c0_i32 = arith.constant 0 : i32
    %c0_i32_0 = arith.constant 0 : i32
    return %arg1, %arg0, %c0_i32 : i32, i32, i32
  }
  func.func @transform_2(%arg0: i32, %arg1: i32) -> (i32, i32, i32) {
    %c0_i32 = arith.constant 0 : i32
    %c0_i32_0 = arith.constant 0 : i32
    %c0_i32_1 = arith.constant 0 : i32
    return %arg1, %c0_i32, %c0_i32_0 : i32, i32, i32
  }
  func.func @transform_3(%arg0: i32, %arg1: i32) -> (i32, i32) {
    %c0_i32 = arith.constant 0 : i32
    %c0_i32_0 = arith.constant 0 : i32
    return %arg0, %c0_i32 : i32, i32
  }
  func.func @transform_4(%arg0: i32, %arg1: i32) -> (i32, i32) {
    %c0_i32 = arith.constant 0 : i32
    %c0_i32_0 = arith.constant 0 : i32
    return %arg1, %c0_i32 : i32, i32
  }
  func.func @transform_5(%arg0: i32, %arg1: i32) -> (i32, i32) {
    %c0_i32 = arith.constant 0 : i32
    %c0_i32_0 = arith.constant 0 : i32
    return %arg0, %c0_i32 : i32, i32
  }
}

module attributes {stable_mosaic.version = 14 : i64} {
  func.func @body(%arg0: i32, %arg1: memref<2x1000x128xf32, #tpu.memory_space<vmem>>, %arg2: memref<1000x128xf32, #tpu.memory_space<vmem>>, %arg3: memref<1000x1xf32, #tpu.memory_space<vmem>>, %arg4: memref<2x1000x128xf32, #tpu.memory_space<vmem>>, %arg5: memref<1x128xf32, #tpu.memory_space<vmem>>, %arg6: memref<128x32xf32, #tpu.memory_space<vmem>>, %arg7: memref<1x32xf32, #tpu.memory_space<vmem>>, %arg8: memref<32x3xf32, #tpu.memory_space<vmem>>, %arg9: memref<1x3xf32, #tpu.memory_space<vmem>>, %arg10: memref<1x3xf32, #tpu.memory_space<vmem>>, %arg11: memref<1x128xf32, #tpu.memory_space<vmem>>) attributes {dimension_semantics = [#tpu.dimension_semantics<arbitrary>], iteration_bounds = array<i64: 10>, scalar_prefetch = 0 : i64, scratch_operands = 1 : i64, tpu.core_type = #tpu.core_type<tc>, window_params = [{transform_indices = @transform_0, window_bounds = array<i64: 2, 1000, 128>}, {transform_indices = @transform_1, window_bounds = array<i64: 1000, 128>}, {transform_indices = @transform_2, window_bounds = array<i64: 1000, 1>}, {transform_indices = @transform_3, window_bounds = array<i64: 2, 1000, 128>}, {pipeline_mode = #tpu.pipeline_mode<synchronous>, transform_indices = @transform_4, window_bounds = array<i64: 1, 128>}, {pipeline_mode = #tpu.pipeline_mode<synchronous>, transform_indices = @transform_5, window_bounds = array<i64: 128, 32>}, {pipeline_mode = #tpu.pipeline_mode<synchronous>, transform_indices = @transform_6, window_bounds = array<i64: 1, 32>}, {pipeline_mode = #tpu.pipeline_mode<synchronous>, transform_indices = @transform_7, window_bounds = array<i64: 32, 3>}, {pipeline_mode = #tpu.pipeline_mode<synchronous>, transform_indices = @transform_8, window_bounds = array<i64: 1, 3>}, {pipeline_mode = #tpu.pipeline_mode<synchronous>, transform_indices = @transform_9, window_bounds = array<i64: 1, 3>}]} {
    %eq3A = arith.constant 0 : i32
    %eq3A_0 = arith.cmpi eq, %arg0, %eq3A : i32
    %convert_element_type3A = arith.extui %eq3A_0 : i1 to i32
    %cond3A = arith.constant 0 : i32
    %cond3A_1 = arith.cmpi ne, %convert_element_type3A, %cond3A : i32
    scf.if %cond3A_1 {
      %broadcast_in_dim3A_54 = arith.constant 0.000000e+00 : f32
      %broadcast_in_dim3A_55 = vector.broadcast %broadcast_in_dim3A_54 : f32 to vector<1x128xf32>
      %swap3A_56 = arith.constant 0 : index
      %swap3A_57 = arith.constant 0 : index
      %swap3A_58 = vector.load %arg11[%swap3A_56, %swap3A_57] : memref<1x128xf32, #tpu.memory_space<vmem>>, vector<1x128xf32>
      tpu.vector_store %arg11[%swap3A_56, %swap3A_57], %broadcast_in_dim3A_55 {strides = array<i32>} : memref<1x128xf32, #tpu.memory_space<vmem>>, vector<1x128xf32>,
    } else {
    }
    %get3A = arith.constant 0 : index
    %get3A_2 = arith.constant 0 : index
    %get3A_3 = vector.load %arg3[%get3A, %get3A_2] : memref<1000x1xf32, #tpu.memory_space<vmem>>, vector<1000x1xf32>
    %get3A_4 = arith.constant 0 : index
    %get3A_5 = arith.constant 0 : index
    %get3A_6 = arith.constant 0 : index
    %get3A_7 = vector.load %arg1[%get3A_4, %get3A_5, %get3A_6] : memref<2x1000x128xf32, #tpu.memory_space<vmem>>, vector<1x1000x128xf32>
    %get3A_8 = vector.shape_cast %get3A_7 : vector<1x1000x128xf32> to vector<1000x128xf32>
    %get3A_9 = arith.constant 1 : index
    %get3A_10 = arith.constant 0 : index
    %get3A_11 = arith.constant 0 : index
    %get3A_12 = vector.load %arg1[%get3A_9, %get3A_10, %get3A_11] : memref<2x1000x128xf32, #tpu.memory_space<vmem>>, vector<1x1000x128xf32>
    %get3A_13 = vector.shape_cast %get3A_12 : vector<1x1000x128xf32> to vector<1000x128xf32>
    %add3A = arith.addf %get3A_8, %get3A_13 : vector<1000x128xf32>
    %get3A_14 = arith.constant 0 : index
    %get3A_15 = arith.constant 0 : index
    %get3A_16 = vector.load %arg2[%get3A_14, %get3A_15] : memref<1000x128xf32, #tpu.memory_space<vmem>>, vector<1000x128xf32>
    %add3A_17 = arith.addf %add3A, %get3A_16 : vector<1000x128xf32>
    %mul3A = vector.broadcast %get3A_3 : vector<1000x1xf32> to vector<1000x128xf32>
    %mul3A_18 = arith.mulf %mul3A, %add3A_17 : vector<1000x128xf32>
    %get3A_19 = arith.constant 0 : index
    %get3A_20 = arith.constant 0 : index
    %get3A_21 = vector.load %arg5[%get3A_19, %get3A_20] : memref<1x128xf32, #tpu.memory_space<vmem>>, vector<1x128xf32>
    %add3A_22 = vector.broadcast %get3A_21 : vector<1x128xf32> to vector<1000x128xf32>
    %add3A_23 = arith.addf %mul3A_18, %add3A_22 : vector<1000x128xf32>
    %max3A = arith.constant 0.000000e+00 : f32
    %max3A_24 = vector.broadcast %max3A : f32 to vector<1000x128xf32>
    %max3A_25 = arith.maximumf %add3A_23, %max3A_24 : vector<1000x128xf32>
    %get3A_26 = arith.constant 0 : index
    %get3A_27 = arith.constant 0 : index
    %get3A_28 = arith.constant 0 : index
    %get3A_29 = vector.load %arg4[%get3A_26, %get3A_27, %get3A_28] : memref<2x1000x128xf32, #tpu.memory_space<vmem>>, vector<1x1000x128xf32>
    %get3A_30 = vector.shape_cast %get3A_29 : vector<1x1000x128xf32> to vector<1000x128xf32>
    %slice3A = vector.extract_strided_slice %get3A_30 {offsets = [0, 0], sizes = [1000, 1], strides = [1, 1]} : vector<1000x128xf32> to vector<1000x1xf32>
    %get3A_31 = arith.constant 1 : index
    %get3A_32 = arith.constant 0 : index
    %get3A_33 = arith.constant 0 : index
    %get3A_34 = vector.load %arg4[%get3A_31, %get3A_32, %get3A_33] : memref<2x1000x128xf32, #tpu.memory_space<vmem>>, vector<1x1000x128xf32>
    %get3A_35 = vector.shape_cast %get3A_34 : vector<1x1000x128xf32> to vector<1000x128xf32>
    %slice3A_36 = vector.extract_strided_slice %get3A_35 {offsets = [0, 0], sizes = [1000, 1], strides = [1, 1]} : vector<1000x128xf32> to vector<1000x1xf32>
    %add3A_37 = arith.addf %slice3A, %slice3A_36 : vector<1000x1xf32>
    %add3A_38 = arith.addf %add3A_37, %get3A_3 : vector<1000x1xf32>
    %mul3A_39 = arith.mulf %get3A_3, %add3A_38 : vector<1000x1xf32>
    %get3A_40 = arith.constant 0 : index
    %get3A_41 = arith.constant 0 : index
    %get3A_42 = vector.load %arg11[%get3A_40, %get3A_41] : memref<1x128xf32, #tpu.memory_space<vmem>>, vector<1x128xf32>
    %mul3A_43 = vector.broadcast %mul3A_39 : vector<1000x1xf32> to vector<1000x128xf32>
    %mul3A_44 = arith.mulf %mul3A_43, %max3A_25 : vector<1000x128xf32>
    %reduce_sum3A = arith.constant dense<0.000000e+00> : vector<128xf32>
    %reduce_sum3A_45 = vector.multi_reduction <add>, %mul3A_44, %reduce_sum3A [0] : vector<1000x128xf32> to vector<128xf32>
    %broadcast_in_dim3A = vector.shape_cast %reduce_sum3A_45 : vector<128xf32> to vector<1x128xf32>
    %add3A_46 = arith.addf %get3A_42, %broadcast_in_dim3A : vector<1x128xf32>
    %swap3A = arith.constant 0 : index
    %swap3A_47 = arith.constant 0 : index
    %swap3A_48 = vector.load %arg11[%swap3A, %swap3A_47] : memref<1x128xf32, #tpu.memory_space<vmem>>, vector<1x128xf32>
    tpu.vector_store %arg11[%swap3A, %swap3A_47], %add3A_46 {strides = array<i32>} : memref<1x128xf32, #tpu.memory_space<vmem>>, vector<1x128xf32>,
    %eq3A_49 = arith.constant 9 : i32
    %eq3A_50 = arith.cmpi eq, %arg0, %eq3A_49 : i32
    %convert_element_type3A_51 = arith.extui %eq3A_50 : i1 to i32
    %cond3A_52 = arith.constant 0 : i32
    %cond3A_53 = arith.cmpi ne, %convert_element_type3A_51, %cond3A_52 : i32
    scf.if %cond3A_53 {
      %get3A_54 = arith.constant 0 : index
      %get3A_55 = arith.constant 0 : index
      %get3A_56 = vector.load %arg11[%get3A_54, %get3A_55] : memref<1x128xf32, #tpu.memory_space<vmem>>, vector<1x128xf32>
      %div3A = arith.constant 1.000000e+04 : f32
      %div3A_57 = vector.broadcast %div3A : f32 to vector<1x128xf32>
      %div3A_58 = arith.divf %get3A_56, %div3A_57 : vector<1x128xf32>
      %get3A_59 = arith.constant 0 : index
      %get3A_60 = arith.constant 0 : index
      %get3A_61 = vector.load %arg6[%get3A_59, %get3A_60] : memref<128x32xf32, #tpu.memory_space<vmem>>, vector<128x32xf32>
      %dot_general3A = arith.constant dense<0.000000e+00> : vector<1x32xf32>
      %dot_general3A_62 = tpu.matmul %div3A_58, %get3A_61, %dot_general3A {dimension_numbers = #tpu.dot_dimension_numbers<[1], [0], [0], [1], [0, 0, 1, 1], [], []>, transpose_lhs_hint = false} : vector<1x128xf32>, vector<128x32xf32>, vector<1x32xf32> -> vector<1x32xf32>
      %get3A_63 = arith.constant 0 : index
      %get3A_64 = arith.constant 0 : index
      %get3A_65 = vector.load %arg7[%get3A_63, %get3A_64] : memref<1x32xf32, #tpu.memory_space<vmem>>, vector<1x32xf32>
      %add3A_66 = arith.addf %dot_general3A_62, %get3A_65 : vector<1x32xf32>
      %get3A_67 = arith.constant 0 : index
      %get3A_68 = arith.constant 0 : index
      %get3A_69 = vector.load %arg8[%get3A_67, %get3A_68] : memref<32x3xf32, #tpu.memory_space<vmem>>, vector<32x3xf32>
      %dot_general3A_70 = arith.constant dense<0.000000e+00> : vector<1x3xf32>
      %dot_general3A_71 = tpu.matmul %add3A_66, %get3A_69, %dot_general3A_70 {dimension_numbers = #tpu.dot_dimension_numbers<[1], [0], [0], [1], [0, 0, 1, 1], [], []>, transpose_lhs_hint = false} : vector<1x32xf32>, vector<32x3xf32>, vector<1x3xf32> -> vector<1x3xf32>
      %get3A_72 = arith.constant 0 : index
      %get3A_73 = arith.constant 0 : index
      %get3A_74 = vector.load %arg9[%get3A_72, %get3A_73] : memref<1x3xf32, #tpu.memory_space<vmem>>, vector<1x3xf32>
      %add3A_75 = arith.addf %dot_general3A_71, %get3A_74 : vector<1x3xf32>
      %swap3A_76 = arith.constant 0 : index
      %swap3A_77 = arith.constant 0 : index
      %swap3A_78 = vector.load %arg10[%swap3A_76, %swap3A_77] : memref<1x3xf32, #tpu.memory_space<vmem>>, vector<1x3xf32>
      tpu.vector_store %arg10[%swap3A_76, %swap3A_77], %add3A_75 {strides = array<i32>} : memref<1x3xf32, #tpu.memory_space<vmem>>, vector<1x3xf32>,
    } else {
    }
    return
  }
  func.func @transform_0(%arg0: i32) -> (i32, i32, i32) {
    %c0_i32 = arith.constant 0 : i32
    %c0_i32_0 = arith.constant 0 : i32
    %c0_i32_1 = arith.constant 0 : i32
    return %c0_i32, %arg0, %c0_i32_0 : i32, i32, i32
  }
  func.func @transform_1(%arg0: i32) -> (i32, i32) {
    %c0_i32 = arith.constant 0 : i32
    %c0_i32_0 = arith.constant 0 : i32
    return %arg0, %c0_i32 : i32, i32
  }
  func.func @transform_2(%arg0: i32) -> (i32, i32) {
    %c0_i32 = arith.constant 0 : i32
    %c0_i32_0 = arith.constant 0 : i32
    return %arg0, %c0_i32 : i32, i32
  }
  func.func @transform_3(%arg0: i32) -> (i32, i32, i32) {
    %c0_i32 = arith.constant 0 : i32
    %c0_i32_0 = arith.constant 0 : i32
    %c0_i32_1 = arith.constant 0 : i32
    return %c0_i32, %arg0, %c0_i32_0 : i32, i32, i32
  }
  func.func @transform_4(%arg0: i32) -> (i32, i32) {
    %c0_i32 = arith.constant 0 : i32
    %c0_i32_0 = arith.constant 0 : i32
    %c0_i32_1 = arith.constant 0 : i32
    return %c0_i32, %c0_i32_0 : i32, i32
  }
  func.func @transform_5(%arg0: i32) -> (i32, i32) {
    %c0_i32 = arith.constant 0 : i32
    %c0_i32_0 = arith.constant 0 : i32
    %c0_i32_1 = arith.constant 0 : i32
    return %c0_i32, %c0_i32_0 : i32, i32
  }
  func.func @transform_6(%arg0: i32) -> (i32, i32) {
    %c0_i32 = arith.constant 0 : i32
    %c0_i32_0 = arith.constant 0 : i32
    %c0_i32_1 = arith.constant 0 : i32
    return %c0_i32, %c0_i32_0 : i32, i32
  }
  func.func @transform_7(%arg0: i32) -> (i32, i32) {
    %c0_i32 = arith.constant 0 : i32
    %c0_i32_0 = arith.constant 0 : i32
    %c0_i32_1 = arith.constant 0 : i32
    return %c0_i32, %c0_i32_0 : i32, i32
  }
  func.func @transform_8(%arg0: i32) -> (i32, i32) {
    %c0_i32 = arith.constant 0 : i32
    %c0_i32_0 = arith.constant 0 : i32
    %c0_i32_1 = arith.constant 0 : i32
    return %c0_i32, %c0_i32_0 : i32, i32
  }
  func.func @transform_9(%arg0: i32) -> (i32, i32) {
    %c0_i32 = arith.constant 0 : i32
    %c0_i32_0 = arith.constant 0 : i32
    %c0_i32_1 = arith.constant 0 : i32
    return %c0_i32, %c0_i32_0 : i32, i32
  }
}

</mosaic_0001>

<sc_bundles>
// kernel: kernel.16.cloned.1.call-start
scs
__scs_entry_jumppad:
0x0: {  	(pc) =	sbr.rel $0x88, $3  }
0x1: {  	(tag) =	ssettag $0x0;
	lr =	simm.s32 $0x1  }
0x2: {  	[smem:$0x3F93] =	sst lr;
	_ =	strace $0xD0000000  }
0x3: {  	_ = 	snop  }
0x4: {  	_ = 	snop  }
0x5: {  	_ = 	snop  }
0x6: {  	_ = 	snop  }
0x7: {  	_ = 	snop  }
__scs_overlays_trampoline_lowered:
0x8: {  	[smem:$0x3FA2] =	sst s0  }
0x9: {  	[smem:$0x3FA3] =	sst s1  }
0xa: {  	[smem:$0x3FA4] =	sst s2  }
0xb: {  	[smem:$0x3FA5] =	sst s3  }
0xc: {  	[smem:$0x3FA6] =	sst s4  }
0xd: {  	[smem:$0x3FA7] =	sst s5  }
0xe: {  	[smem:$0x3FA8] =	sst s6  }
0xf: {  	[smem:$0x3FA9] =	sst s7  }
0x10: {  	[smem:$0x3FAA] =	sst s8  }
0x11: {  	[smem:$0x3FAB] =	sst s9;
	s0 =	simm.s32 @!p0 $0x0  }
0x12: {  	s1 =	sld [smem:$0x3F91];
	s0 =	simm.s32 @p0 $0x1  }
0x13: {  	[smem:$0x3FAC] =	sst s0;
	s0 =	simm.s32 @!p1 $0x0  }
0x14: {  	s2 =	sld [smem:$0x3F90];
	s0 =	simm.s32 @p1 $0x1  }
0x15: {  	[smem:$0x3FAD] =	sst s0;
	s0 =	simm.s32 @!p2 $0x0  }
0x16: {  	s3 =	sld [smem:$0x3FDB];
	s0 =	simm.s32 @p2 $0x1  }
0x17: {  	s4 =	simm.s32 $0x1BF5;
	[smem:$0x3FAF] =	sst s0  }
0x18: {  	s0 =	sld [smem:$0x3F92];
	_ =	swait.ge [sflag:s4], $0x0  }
0x19: {  	s7 =	sld [smem:$0x3F93]  }
0x1a: {  	s8 =	sadd.s32 $0xFFFFE003, lr  }
0x1b: {  	s9 =	sadd.s32 $0xFFFFFEF7, lr;
	s5 =	simm.s32 $0xFFFFFFFF;
	p2 =	slt.u32 s8, $0xFFFFF086  }
0x1c: {  	p1 =	slt.u32 s9, $0xF7A;
	s5 =	simm.s32 @!p2 $0x0  }
0x1d: {  	s5 =	simm.s32 @p1 $0x1;
	p0 =	seq.s32 s7, s2  }
0x1e: {  	s7 =	smul.u32 @!p0 $0xF7A, s2;
	p2 =	seq.s32 @!p0 s5, $0x0  }
0x1f: {  	s9 =	smul.u32 $0xF7A, s1;
	s8 =	simm.s32 @!p0 $0x1BF5;
	p2 =	por !p2, p0  }
0x20: {  	[sflag:s8] =	ssyncset.s32 @!p0 $0xFFFFF086;
	s6 =	sadd.s32 @!p0 s3, s7;
	s7 =	simm.s32 @!p0 $0x108  }
0x21: {  	s3 =	sadd.s32 s3, s9;
	s6 =	sadd.s32 @!p0 $0x88, s6;
	s7 =	simm.s32 @p2 $0x1082  }
0x22: {  	[simem:s7], [sflag:s8] =	dma.local @!p0 [hbm:s6], $0xF7A  }
0x23: {  	s9 =	sor.u32 $0xD0000000, s2;
	s6 =	simm.s32 $0x108;
	_ =	swait.ge @!p0 [sflag:s8], $0x0  }
0x24: {  	s3 =	sadd.s32 $0x88, s3;
	s6 =	simm.s32 @!p1 $0x1082;
	[sflag:s4] =	ssyncset.s32 $0xFFFFF086  }
0x25: {  	[simem:s6], [sflag:s4] =	dma.local [hbm:s3], $0xF7A  }
0x26: {  	[smem:$0x3F93] =	sst s1;
	(tag) =	ssettag s2;
	_ =	strace s9  }
0x27: {  	s1 =	sld [smem:$0x3FA3]  }
0x28: {  	s2 =	sld [smem:$0x3FA4]  }
0x29: {  	s4 =	sld [smem:$0x3FA6]  }
0x2a: {  	p0 =	seq.s32 s5, $0x0;
	s5 =	sld [smem:$0x3FA7]  }
0x2b: {  	s6 =	sld [smem:$0x3FA8]  }
0x2c: {  	s7 =	sld [smem:$0x3FA9]  }
0x2d: {  	s3 =	simm.s32 $0x108;
	s8 =	sld [smem:$0x3FAA]  }
0x2e: {  	s3 =	simm.s32 @!p0 $0x1082;
	s9 =	sld [smem:$0x3FAB]  }
0x2f: {  	lr =	sadd.s32 s0, s3;
	s0 =	sld [smem:$0x3FA2]  }
0x30: {  	s3 =	sld [smem:$0x3FA5]  }
0x31: {  	[smem:$0x3FAE] =	sst s10  }
0x32: {  	s10 =	sld [smem:$0x3FAC];
	_ =	sdelay $0x3  }
0x33: {  	p0 =	seq.s32 s10, $0x1;
	s10 =	sld [smem:$0x3FAE];
	_ =	sdelay $0x3  }
0x34: {  	[smem:$0x3FAE] =	sst s10  }
0x35: {  	s10 =	sld [smem:$0x3FAD];
	_ =	sdelay $0x3  }
0x36: {  	p1 =	seq.s32 s10, $0x1;
	s10 =	sld [smem:$0x3FAE];
	_ =	sdelay $0x3  }
0x37: {  	[smem:$0x3FAE] =	sst s10  }
0x38: {  	s10 =	sld [smem:$0x3FAF]  }
0x39: {  	_ = 	snop;
	(pc) =	sbr.ind lr, $3  }
0x3a: {  	_ = 	snop  }
0x3b: {  	_ = 	snop  }
0x3c: {  	p2 =	seq.s32 s10, $0x1;
	s10 =	sld [smem:$0x3FAE]  }
0x3d: {  	_ =	shalt  }
0x3e: {  	_ =	shalt  }
0x3f: {  	_ =	shalt  }
0x40: {  	_ =	shalt  }
0x41: {  	_ =	shalt  }
0x42: {  	_ =	shalt  }
0x43: {  	_ =	shalt  }
0x44: {  	_ =	shalt  }
0x45: {  	_ =	shalt  }
0x46: {  	_ =	shalt  }
0x47: {  	_ =	shalt  }
0x48: {  	_ =	shalt  }
0x49: {  	_ =	shalt  }
0x4a: {  	_ =	shalt  }
0x4b: {  	_ =	shalt  }
0x4c: {  	_ =	shalt  }
0x4d: {  	_ =	shalt  }
0x4e: {  	_ =	shalt  }
0x4f: {  	_ =	shalt  }
0x50: {  	_ =	shalt  }
0x51: {  	_ =	shalt  }
0x52: {  	_ =	shalt  }
0x53: {  	_ =	shalt  }
0x54: {  	_ =	shalt  }
0x55: {  	_ =	shalt  }
0x56: {  	_ =	shalt  }
0x57: {  	_ =	shalt  }
0x58: {  	_ =	shalt  }
0x59: {  	_ =	shalt  }
0x5a: {  	_ =	shalt  }
0x5b: {  	_ =	shalt  }
0x5c: {  	_ =	shalt  }
0x5d: {  	_ =	shalt  }
0x5e: {  	_ =	shalt  }
0x5f: {  	_ =	shalt  }
0x60: {  	_ =	shalt  }
0x61: {  	_ =	shalt  }
0x62: {  	_ =	shalt  }
0x63: {  	_ =	shalt  }
0x64: {  	_ =	shalt  }
0x65: {  	_ =	shalt  }
0x66: {  	_ =	shalt  }
0x67: {  	_ =	shalt  }
0x68: {  	_ =	shalt  }
0x69: {  	_ =	shalt  }
0x6a: {  	_ =	shalt  }
0x6b: {  	_ =	shalt  }
0x6c: {  	_ =	shalt  }
0x6d: {  	_ =	shalt  }
0x6e: {  	_ =	shalt  }
0x6f: {  	_ =	shalt  }
0x70: {  	_ =	shalt  }
0x71: {  	_ =	shalt  }
0x72: {  	_ =	shalt  }
0x73: {  	_ =	shalt  }
0x74: {  	_ =	shalt  }
0x75: {  	_ =	shalt  }
0x76: {  	_ =	shalt  }
0x77: {  	_ =	shalt  }
0x78: {  	_ =	shalt  }
0x79: {  	_ =	shalt  }
0x7a: {  	_ =	shalt  }
0x7b: {  	_ =	shalt  }
0x7c: {  	_ =	shalt  }
0x7d: {  	_ =	shalt  }
0x7e: {  	_ =	shalt  }
0x7f: {  	_ =	shalt  }
0x80: {  	_ =	shalt  }
0x81: {  	_ =	shalt  }
0x82: {  	_ =	shalt  }
0x83: {  	_ =	shalt  }
0x84: {  	_ =	shalt  }
0x85: {  	_ =	shalt  }
0x86: {  	_ =	shalt  }
0x87: {  	_ =	shalt  }
.Lfunc_end0:
.L_simem_size_0:
called_computation_lowered:
.L_overlay_start_0:
0x88: {  	s2 =	sld [smem:$0x3FD9]  }
0x89: {  	s3 =	sld [smem:$0x3FFE];
	_ =	sdelay $0x1  }
0x8a: {  	s1 =	srdreg.scid  }
0x8b: {  	s0 =	sand.u32 $0x1, s1  }
0x8c: {  	s16 =	sshll.u32 s0, $0xA;
	s2 =	sadd.s32 s3, s2  }
0x8d: {  	s2 =	sadd.s32 s2, s16  }
0x8e: {  	[smem:$0x3FBA] =	sst s2  }
0x8f: {  	_ = 	snop  }
0x90: {  	(tm) =	ssettm $0x1  }
0x91: {  	s17 =	sld [smem:$0x3FFB];
	_ =	sdelay $0x3  }
0x92: {  	_ =	strace s17  }
0x93: {  	s2 =	sld [smem:$0x3FFC];
	_ =	sdelay $0x3  }
0x94: {  	_ =	strace s2  }
0x95: {  	s2 =	sld [smem:$0x3FFD];
	_ =	sdelay $0x3  }
0x96: {  	_ =	strace s2  }
0x97: {  	_ =	strace $0x8FFFFFFF  }
0x98: {  	s18 =	sld [smem:$0x3FDB];
	_ =	sdelay $0x1  }
0x99: {  	s19 =	simm.s32 $_scs_section_size  }
0x9a: {  	s4 =	simm.s32 $_size__tile_overlayer_lowered;
	s5 =	simm.s32 $_tile_overlayer_lowered  }
0x9b: {  	s22 =	simm.s32 $0x1BFF;
	s21 =	sshll.u32 s5, $0x1;
	s2 =	sadd.s32 s19, s18  }
0x9c: {  	s6 =	simm.s32 $0x0;
	s20 =	sshll.u32 s4, $0x1;
	s4 =	sadd.s32 s21, s2  }
0x9d: {  	[timem:s6], [sflag:s22] =	dma.local [hbm:s4], s20  }
0x9e: {  	_ =	swait.ge [sflag:s22], s20  }
0x9f: {  	s3 =	ssub.s32 $0x0, s20;
	[sflag:s22] =	ssyncset.done $0x0  }
0xa0: {  	[sflag:s22] =	ssyncadd.s32 s3;
	_ =	sdelay $0x1  }
0xa1: {  	s23 =	simm.s32 $0x1B8B  }
0xa2: {  	_ =	swait.ge [sflag:s23], $0x1  }
0xa3: {  	[sflag:s23] =	ssyncset.done $0x0  }
0xa4: {  	s25 =	simm.s32 $0x1B8E;
	s24 =	sld [smem:$0x3FFE];
	[sflag:s23] =	ssyncadd.s32 $0xFFFFFFFF  }
0xa5: {  	s26 =	simm.s32 $execute0_lowered;
	[smem:$0x3FD2] =	sst s25  }
0xa6: {  	s4 =	sshll.u32 s26, $0x1;
	_ =	strace $0x80000046;
	[dreg:$0x1] =	wrdreg $0xFFFFFFFF  }
0xa7: {  	s28 =	simm.s32 $_size_execute0_lowered;
	s2 =	sadd.s32 s2, s4;
	[dreg:$0x0] =	wrdreg $0x0  }
0xa8: {  	s4 =	sshll.u32 s28, $0x1;
	[dreg:$0x2] =	wrdreg s2  }
0xa9: {  	[dreg:$0x3] =	wrdreg s4  }
0xaa: {  	[dreg:$0x4] =	wrdreg $0xC0  }
0xab: {  	_ =	task [dreg:s6], $0x5FFFF  }
0xac: {  	[dreg:$0x1] =	wrdreg $0xFFFFFFFF  }
0xad: {  	[dreg:$0x0] =	wrdreg $0x60  }
0xae: {  	[dreg:$0x2] =	wrdreg s24  }
0xaf: {  	[dreg:$0x3] =	wrdreg $0x29000  }
0xb0: {  	[dreg:$0x4] =	wrdreg $0x9  }
0xb1: {  	_ =	task.clear_ibuf [dreg:s6], $0x5FFFF;
	_ =	strace $0x90000046  }
0xb2: {  	s29 =	simm.s32 $0x9;
	_ =	strace $0x80000048  }
0xb3: {  	_ =	swait.ge [sflag:s29], $0x1  }
0xb4: {  	[sflag:s29] =	ssyncadd.s32 $0xFFFFFFFF  }
0xb5: {  	_ =	strace $0x90000048  }
0xb6: {  	_ =	sfence  }
0xb7: {  	s30 =	sld [smem:$0x0];
	_ =	sdelay $0x2  }
0xb8: {  	s31 =	sshll.u32 s1, $0xD;
	s1 =	sshrl.u32 s1, $0x2  }
0xb9: {  	s3 =	sand.u32 $0x4000, s31;
	s1 =	sadd.s32 s1, s30  }
0xba: {  	s0 =	sor.u32 s3, s0;
	s1 =	sshll.u32 s1, $0x11  }
0xbb: {  	s0 =	sor.u32 s1, s0  }
0xbc: {  	s0 =	sadd.s32 $0x8F2B, s0  }
0xbd: {  	[sflag:s0] =	ssyncadd.remote.s32 $0x1  }
0xbe: {  	_ =	sfence.sel $0xFFFF  }
0xbf: {  	[dreg:$0x0] =	wrdreg $0xFFFFFFFF;
	(pc) =	sbr.abs _section_cstart, $3  }
0xc0: {  	[dreg:$0x1] =	wrdreg $0xFFFFFFFF  }
0xc1: {  	_ =	task.clear_ibuf [dreg:s6], $0x2FFFF;
	_ =	strace $0x9FFFFFFF  }
0xc2: {  	(tm) =	ssettm $0x7FFFFFFF  }
0xc3: {  	_ =	shalt  }
tec
execute0_lowered:
.L_overlay_start_1:
0x0: {  	(tag) =	ssettag $0x1  }
0x1: {  	s6 =	rddreg [dreg:$0x0]  }
0x2: {  	s1 =	rddreg [dreg:$0x1]  }
0x3: {  	s0 =	rddreg [dreg:$0x2];
	s2 =	simm.s32 $0x0;
	s3 =	srdreg.scid  }
0x4: {  	s15 =	simm.s32 $0x80;
	s16 =	simm.s32 $0x50;
	[smem:$0x7FF] =	sst s2  }
0x5: {  	s7 =	sand.u32 $0x1, s3;
	s10 =	sadd.s32 $0x6600, s6;
	s4 =	sadd.s32 $0x1A200, s6  }
0x6: {  	s5 =	sadd.s32 $0x1A800, s6;
	s3 =	stileid.u32;
	s8 =	smul.u32 $0x28000, s7  }
0x7: {  	_ =	strace $0x80000047;
	s9 =	ssub.s32 $0x2, s7;
	s11 =	smul.u32 $0x50000, s3  }
0x8: {  	s28 =	sshll.u32 s3, $0x1;
	s12 =	smul.u32 $0x4E20, s3;
	s13 =	sshll.u32 s3, $0x6  }
0x9: {  	s18 =	smul.u32 $0x2800, s3;
	s26 =	sshrl.u32 s9, $0x1;
	s8 =	sadd.s32 s8, s6  }
0xa: {  	s6 =	sor.u32 s7, s28;
	s11 =	sshrl.u32 s11, $0x2;
	s7 =	smul.u32 $0x2710, s7  }
0xb: {  	s9 =	ssub.s32 s9, s26;
	s11 =	sadd.s32 s11, s1;
	s14 =	smul.u32 $0x2710, s6  }
0xc: {  	s6 =	sor.u32 $0x1C01, s13;
	s17 =	sadd.s32 $0x1D000, s8;
	s13 =	simm.s32 $0x100  }
0xd: {  	s12 =	sadd.s32 s7, s12;
	s7 =	smax.u32 s9, $0x1;
	s11 =	sshrl.u32 s11, $0x3  }
0xe: {  	s17 =	sadd.s32 s18, s17;
	s18 =	simm.s32 $0x0;
	s29 =	sshrl.u32 s14, $0x3  }
0xf: {  	s30 =	sadd.s32 $0x50, s12;
	s12 =	sshrl.u32 s12, $0x3;
	s8 =	sadd.s32 s10, s29  }
0x10: {  	s14 =	simm.s32 $0x2;
	s31 =	sshrl.u32 s30, $0x3;
	s8 =	sadd.s32 $0x4D8, s8  }
0x11: {  	s9 =	sadd.s32 s31, s10;
	s10 =	sadd.s32 s12, s10;
	s12 =	simm.s32 $0x1  }
.LBB2_1:
0x12: {  	[spmem:s11], [sflag:s6] =	dma.local [hbm:s5], $0x2800  }
0x13: {  	_ =	swait.ge [sflag:s12], $0x2800  }
0x14: {  	[sflag:s12] =	ssyncset.done $0x0  }
0x15: {  	[sflag:s12] =	ssyncadd.s32 $0xFFFFD800  }
0x16: {  	[tilespmem:s13], [sflag:$0x1] =	stream.linear.gather [hbm4b:s4+s2], $0x2800, $0x38;
	[tilespmem:$0x16900] =	vst v63  }
0x17: {  	_ =	swait.ge [sflag:s12], $0x2800  }
0x18: {  	[sflag:s12] =	ssyncset.done $0x0  }
0x19: {  	[sflag:s12] =	ssyncadd.s32 $0xFFFFD800  }
0x1a: {  	s19 =	sadd.s32 $0x0, s10;
	[bflag:$0x0] =	sbarrier.arrive $0xFFFF  }
0x1b: {  	[tilespmem:s2], [sflag:$0x2] =	stream.linear.gather [hbm4b:s19+s2], $0x50, $0x38;
	[tilespmem:$0x16900] =	vst v63  }
0x1c: {  	_ =	swait.ge [sflag:s14], $0x50  }
0x1d: {  	[sflag:s14] =	ssyncset.done $0x0  }
0x1e: {  	s31 =	sadd.s32 $0x0, s9;
	[sflag:s14] =	ssyncadd.s32 $0xFFFFFFB0  }
0x1f: {  	[tilespmem:s15], [sflag:$0x2] =	stream.linear.gather [hbm4b:s31+s2], $0x50, $0x38;
	[tilespmem:$0x16900] =	vst v63  }
0x20: {  	_ =	swait.ge [sflag:s14], $0x50  }
0x21: {  	[sflag:s14] =	ssyncset.done $0x0  }
0x22: {  	[sflag:s14] =	ssyncadd.s32 $0xFFFFFFB0  }
0x23: {  	[spmem:s1] =	stream.indirect.scatter.add.f32 [tilespmem:s13], [sflag:$0x2], $0x80, s2, s16, $0xb8;
	[tilespmem:$0x16900] =	vst v63  }
0x24: {  	_ =	swait.ge [sflag:s14], $0x2800  }
0x25: {  	[sflag:s14] =	ssyncset.done $0x0  }
0x26: {  	[sflag:s14] =	ssyncadd.s32 $0xFFFFD800  }
0x27: {  	[spmem:s1] =	stream.indirect.scatter.add.f32 [tilespmem:s13], [sflag:$0x1], $0x80, s15, s16, $0xb8;
	[tilespmem:$0x16900] =	vst v63  }
0x28: {  	_ =	swait.ge [sflag:s12], $0x2800  }
0x29: {  	s20 =	simm.s32 $0x28;
	s19 =	simm.s32 $0x14;
	[sflag:s12] =	ssyncset.done $0x0  }
.LBB2_2:
0x2a: {  	s21 =	sadd.s32 s19, s10  }
0x2b: {  	[sflag:s12] =	ssyncadd.s32 $0xFFFFD800;
	s22 =	smov.u32 s20;
	s23 =	sadd.s32 $0x14, s20  }
0x2c: {  	[tilespmem:s2], [sflag:$0x2] =	stream.linear.gather [hbm4b:s21+s2], $0x50, $0x38;
	[tilespmem:$0x16900] =	vst v63  }
0x2d: {  	p0 =	sne.s32 s20, $0x4C4;
	_ =	swait.ge [sflag:s14], $0x50  }
0x2e: {  	[sflag:s14] =	ssyncset.done $0x0  }
0x2f: {  	s20 =	sadd.s32 s19, s9;
	s19 =	smov.u32 s22;
	[sflag:s14] =	ssyncadd.s32 $0xFFFFFFB0  }
0x30: {  	[tilespmem:s15], [sflag:$0x2] =	stream.linear.gather [hbm4b:s20+s2], $0x50, $0x38;
	[tilespmem:$0x16900] =	vst v63  }
0x31: {  	_ =	swait.ge [sflag:s14], $0x50  }
0x32: {  	[sflag:s14] =	ssyncset.done $0x0  }
0x33: {  	[sflag:s14] =	ssyncadd.s32 $0xFFFFFFB0  }
0x34: {  	[spmem:s1] =	stream.indirect.scatter.add.f32 [tilespmem:s13], [sflag:$0x2], $0x80, s2, s16, $0xb8;
	[tilespmem:$0x16900] =	vst v63  }
0x35: {  	_ =	swait.ge [sflag:s14], $0x2800  }
.Ltmp0:
0x36: {  	[sflag:s14] =	ssyncset.done $0x0;
	(pc) =	sbr.rel @p0 .LBB2_2-.Ltmp0, $4  }
0x37: {  	[sflag:s14] =	ssyncadd.s32 $0xFFFFD800  }
0x38: {  	[spmem:s1] =	stream.indirect.scatter.add.f32 [tilespmem:s13], [sflag:$0x1], $0x80, s15, s16, $0xb8;
	[tilespmem:$0x16900] =	vst v63  }
0x39: {  	_ =	swait.ge [sflag:s12], $0x2800  }
0x3a: {  	s20 =	smov.u32 s23;
	[sflag:s12] =	ssyncset.done $0x0  }
0x3b: {  	s20 =	sadd.s32 s19, s10;
	[sflag:s12] =	ssyncadd.s32 $0xFFFFD800  }
0x3c: {  	[tilespmem:s2], [sflag:$0x2] =	stream.linear.gather [hbm4b:s20+s2], $0x50, $0x38;
	[tilespmem:$0x16900] =	vst v63  }
0x3d: {  	_ =	swait.ge [sflag:s14], $0x50  }
0x3e: {  	[sflag:s14] =	ssyncset.done $0x0  }
0x3f: {  	s31 =	sadd.s32 s19, s9;
	[sflag:s14] =	ssyncadd.s32 $0xFFFFFFB0  }
0x40: {  	[tilespmem:s15], [sflag:$0x2] =	stream.linear.gather [hbm4b:s31+s2], $0x50, $0x38;
	[tilespmem:$0x16900] =	vst v63  }
0x41: {  	_ =	swait.ge [sflag:s14], $0x50  }
0x42: {  	[sflag:s14] =	ssyncset.done $0x0  }
0x43: {  	[sflag:s14] =	ssyncadd.s32 $0xFFFFFFB0  }
0x44: {  	[spmem:s1] =	stream.indirect.scatter.add.f32 [tilespmem:s13], [sflag:$0x2], $0x80, s2, s16, $0xb8;
	[tilespmem:$0x16900] =	vst v63  }
0x45: {  	_ =	swait.ge [sflag:s14], $0x2800  }
0x46: {  	[sflag:s14] =	ssyncset.done $0x0  }
0x47: {  	[sflag:s14] =	ssyncadd.s32 $0xFFFFD800  }
0x48: {  	[spmem:s1] =	stream.indirect.scatter.add.f32 [tilespmem:s13], [sflag:$0x1], $0x80, s15, s16, $0xb8;
	[tilespmem:$0x16900] =	vst v63  }
0x49: {  	_ =	swait.ge [sflag:s12], $0x2800  }
0x4a: {  	[sflag:s12] =	ssyncset.done $0x0  }
0x4b: {  	[sflag:s12] =	ssyncadd.s32 $0xFFFFD800  }
0x4c: {  	[tilespmem:s2], [sflag:$0x2] =	stream.linear.gather [hbm4b:s8+s2], $0x50, $0x38;
	[tilespmem:$0x16900] =	vst v63  }
0x4d: {  	_ =	swait.ge [sflag:s14], $0x50  }
0x4e: {  	[sflag:s14] =	ssyncset.done $0x0  }
0x4f: {  	[sflag:s14] =	ssyncadd.s32 $0xFFFFFFB0  }
0x50: {  	[spmem:s1] =	stream.indirect.scatter.add.f32 [tilespmem:s13], [sflag:$0x2], $0x80, s2, s16, $0xb8;
	[tilespmem:$0x16900] =	vst v63  }
0x51: {  	_ =	swait.ge [sflag:s14], $0x2800  }
0x52: {  	s18 =	sadd.s32 $0x1, s18;
	[sflag:s14] =	ssyncset.done $0x0  }
0x53: {  	p0 =	sne.s32 s18, s7;
	[sflag:s14] =	ssyncadd.s32 $0xFFFFD800  }
.Ltmp1:
0x54: {  	[bflag:$0x0] =	sbarrier.arrive $0xFFFF;
	(pc) =	sbr.rel @p0 .LBB2_1-.Ltmp1, $4  }
0x55: {  	[hbm:s17], [sflag:s6] =	dma.local [spmem:s11], $0x2800  }
0x56: {  	_ =	swait.ge [sflag:s12], $0x2800  }
0x57: {  	[sflag:s12] =	ssyncset.done $0x0  }
0x58: {  	[sflag:s12] =	ssyncadd.s32 $0xFFFFD800  }
0x59: {  	_ =	sfence.sel $0x180000  }
0x5a: {  	[bflag:$0x0] =	sbarrier.arrive $0xFFFF  }
0x5b: {  	p0 =	sne.s32 s3, $0x0;
	_ =	strace $0x90000047  }
0x5c: {  	s0 =	sadd.s32 @!p0 $0x100000, s0;
	[bflag:$0x2] =	sbarrier.arrive $0xFFFF  }
0x5d: {  	[sflag:s0] =	ssyncadd.tile.s32 @!p0 $0x1;
	_ =	shalt  }
.Lfunc_end2:
_tile_overlayer_lowered:
.L_overlay_start_2:
0x5e: {  	(tag) =	ssettag $0x2  }
0x5f: {  	s0 =	rddreg [dreg:$0x0];
	s2 =	stileid.u32  }
0x60: {  	s1 =	rddreg [dreg:$0x1];
	p0 =	sne.s32 s2, $0x0  }
0x61: {  	s3 =	rddreg [dreg:$0x2];
	[bflag:$0x3] =	sbarrier.arrive $0xFFFF;
	s2 =	simm.s32 @!p0 $0x1C01  }
0x62: {  	[timem:s3], [sflag:s2] =	dma.local @!p0 [hbm:s0], s1  }
0x63: {  	s0 =	simm.s32 @!p0 $0x1  }
0x64: {  	_ =	swait.ge @!p0 [sflag:s0], s1  }
0x65: {  	s1 =	ssub.s32 @!p0 $0x0, s1;
	[sflag:s0] =	ssyncset.done @!p0 $0x0  }
0x66: {  	[sflag:s0] =	ssyncadd.s32 @!p0 s1  }
0x67: {  	[bflag:$0x3] =	sbarrier.arrive $0xFFFF  }
0x68: {  	_ =	shalt  }

// kernel: kernel.19.cloned.1.call-start
scs
__scs_entry_jumppad:
0x0: {  	(pc) =	sbr.rel $0x88, $3  }
0x1: {  	(tag) =	ssettag $0x0;
	lr =	simm.s32 $0x1  }
0x2: {  	[smem:$0x3F93] =	sst lr;
	_ =	strace $0xD0000000  }
0x3: {  	_ = 	snop  }
0x4: {  	_ = 	snop  }
0x5: {  	_ = 	snop  }
0x6: {  	_ = 	snop  }
0x7: {  	_ = 	snop  }
__scs_overlays_trampoline_lowered:
0x8: {  	[smem:$0x3FA2] =	sst s0  }
0x9: {  	[smem:$0x3FA3] =	sst s1  }
0xa: {  	[smem:$0x3FA4] =	sst s2  }
0xb: {  	[smem:$0x3FA5] =	sst s3  }
0xc: {  	[smem:$0x3FA6] =	sst s4  }
0xd: {  	[smem:$0x3FA7] =	sst s5  }
0xe: {  	[smem:$0x3FA8] =	sst s6  }
0xf: {  	[smem:$0x3FA9] =	sst s7  }
0x10: {  	[smem:$0x3FAA] =	sst s8  }
0x11: {  	[smem:$0x3FAB] =	sst s9;
	s0 =	simm.s32 @!p0 $0x0  }
0x12: {  	s1 =	sld [smem:$0x3F91];
	s0 =	simm.s32 @p0 $0x1  }
0x13: {  	[smem:$0x3FAC] =	sst s0;
	s0 =	simm.s32 @!p1 $0x0  }
0x14: {  	s2 =	sld [smem:$0x3F90];
	s0 =	simm.s32 @p1 $0x1  }
0x15: {  	[smem:$0x3FAD] =	sst s0;
	s0 =	simm.s32 @!p2 $0x0  }
0x16: {  	s3 =	sld [smem:$0x3FDB];
	s0 =	simm.s32 @p2 $0x1  }
0x17: {  	s4 =	simm.s32 $0x1BF5;
	[smem:$0x3FAF] =	sst s0  }
0x18: {  	s0 =	sld [smem:$0x3F92];
	_ =	swait.ge [sflag:s4], $0x0  }
0x19: {  	s7 =	sld [smem:$0x3F93]  }
0x1a: {  	s8 =	sadd.s32 $0xFFFFE003, lr  }
0x1b: {  	s9 =	sadd.s32 $0xFFFFFEF7, lr;
	s5 =	simm.s32 $0xFFFFFFFF;
	p2 =	slt.u32 s8, $0xFFFFF086  }
0x1c: {  	p1 =	slt.u32 s9, $0xF7A;
	s5 =	simm.s32 @!p2 $0x0  }
0x1d: {  	s5 =	simm.s32 @p1 $0x1;
	p0 =	seq.s32 s7, s2  }
0x1e: {  	s7 =	smul.u32 @!p0 $0xF7A, s2;
	p2 =	seq.s32 @!p0 s5, $0x0  }
0x1f: {  	s9 =	smul.u32 $0xF7A, s1;
	s8 =	simm.s32 @!p0 $0x1BF5;
	p2 =	por !p2, p0  }
0x20: {  	[sflag:s8] =	ssyncset.s32 @!p0 $0xFFFFF086;
	s6 =	sadd.s32 @!p0 s3, s7;
	s7 =	simm.s32 @!p0 $0x108  }
0x21: {  	s3 =	sadd.s32 s3, s9;
	s6 =	sadd.s32 @!p0 $0x88, s6;
	s7 =	simm.s32 @p2 $0x1082  }
0x22: {  	[simem:s7], [sflag:s8] =	dma.local @!p0 [hbm:s6], $0xF7A  }
0x23: {  	s9 =	sor.u32 $0xD0000000, s2;
	s6 =	simm.s32 $0x108;
	_ =	swait.ge @!p0 [sflag:s8], $0x0  }
0x24: {  	s3 =	sadd.s32 $0x88, s3;
	s6 =	simm.s32 @!p1 $0x1082;
	[sflag:s4] =	ssyncset.s32 $0xFFFFF086  }
0x25: {  	[simem:s6], [sflag:s4] =	dma.local [hbm:s3], $0xF7A  }
0x26: {  	[smem:$0x3F93] =	sst s1;
	(tag) =	ssettag s2;
	_ =	strace s9  }
0x27: {  	s1 =	sld [smem:$0x3FA3]  }
0x28: {  	s2 =	sld [smem:$0x3FA4]  }
0x29: {  	s4 =	sld [smem:$0x3FA6]  }
0x2a: {  	p0 =	seq.s32 s5, $0x0;
	s5 =	sld [smem:$0x3FA7]  }
0x2b: {  	s6 =	sld [smem:$0x3FA8]  }
0x2c: {  	s7 =	sld [smem:$0x3FA9]  }
0x2d: {  	s3 =	simm.s32 $0x108;
	s8 =	sld [smem:$0x3FAA]  }
0x2e: {  	s3 =	simm.s32 @!p0 $0x1082;
	s9 =	sld [smem:$0x3FAB]  }
0x2f: {  	lr =	sadd.s32 s0, s3;
	s0 =	sld [smem:$0x3FA2]  }
0x30: {  	s3 =	sld [smem:$0x3FA5]  }
0x31: {  	[smem:$0x3FAE] =	sst s10  }
0x32: {  	s10 =	sld [smem:$0x3FAC];
	_ =	sdelay $0x3  }
0x33: {  	p0 =	seq.s32 s10, $0x1;
	s10 =	sld [smem:$0x3FAE];
	_ =	sdelay $0x3  }
0x34: {  	[smem:$0x3FAE] =	sst s10  }
0x35: {  	s10 =	sld [smem:$0x3FAD];
	_ =	sdelay $0x3  }
0x36: {  	p1 =	seq.s32 s10, $0x1;
	s10 =	sld [smem:$0x3FAE];
	_ =	sdelay $0x3  }
0x37: {  	[smem:$0x3FAE] =	sst s10  }
0x38: {  	s10 =	sld [smem:$0x3FAF]  }
0x39: {  	_ = 	snop;
	(pc) =	sbr.ind lr, $3  }
0x3a: {  	_ = 	snop  }
0x3b: {  	_ = 	snop  }
0x3c: {  	p2 =	seq.s32 s10, $0x1;
	s10 =	sld [smem:$0x3FAE]  }
0x3d: {  	_ =	shalt  }
0x3e: {  	_ =	shalt  }
0x3f: {  	_ =	shalt  }
0x40: {  	_ =	shalt  }
0x41: {  	_ =	shalt  }
0x42: {  	_ =	shalt  }
0x43: {  	_ =	shalt  }
0x44: {  	_ =	shalt  }
0x45: {  	_ =	shalt  }
0x46: {  	_ =	shalt  }
0x47: {  	_ =	shalt  }
0x48: {  	_ =	shalt  }
0x49: {  	_ =	shalt  }
0x4a: {  	_ =	shalt  }
0x4b: {  	_ =	shalt  }
0x4c: {  	_ =	shalt  }
0x4d: {  	_ =	shalt  }
0x4e: {  	_ =	shalt  }
0x4f: {  	_ =	shalt  }
0x50: {  	_ =	shalt  }
0x51: {  	_ =	shalt  }
0x52: {  	_ =	shalt  }
0x53: {  	_ =	shalt  }
0x54: {  	_ =	shalt  }
0x55: {  	_ =	shalt  }
0x56: {  	_ =	shalt  }
0x57: {  	_ =	shalt  }
0x58: {  	_ =	shalt  }
0x59: {  	_ =	shalt  }
0x5a: {  	_ =	shalt  }
0x5b: {  	_ =	shalt  }
0x5c: {  	_ =	shalt  }
0x5d: {  	_ =	shalt  }
0x5e: {  	_ =	shalt  }
0x5f: {  	_ =	shalt  }
0x60: {  	_ =	shalt  }
0x61: {  	_ =	shalt  }
0x62: {  	_ =	shalt  }
0x63: {  	_ =	shalt  }
0x64: {  	_ =	shalt  }
0x65: {  	_ =	shalt  }
0x66: {  	_ =	shalt  }
0x67: {  	_ =	shalt  }
0x68: {  	_ =	shalt  }
0x69: {  	_ =	shalt  }
0x6a: {  	_ =	shalt  }
0x6b: {  	_ =	shalt  }
0x6c: {  	_ =	shalt  }
0x6d: {  	_ =	shalt  }
0x6e: {  	_ =	shalt  }
0x6f: {  	_ =	shalt  }
0x70: {  	_ =	shalt  }
0x71: {  	_ =	shalt  }
0x72: {  	_ =	shalt  }
0x73: {  	_ =	shalt  }
0x74: {  	_ =	shalt  }
0x75: {  	_ =	shalt  }
0x76: {  	_ =	shalt  }
0x77: {  	_ =	shalt  }
0x78: {  	_ =	shalt  }
0x79: {  	_ =	shalt  }
0x7a: {  	_ =	shalt  }
0x7b: {  	_ =	shalt  }
0x7c: {  	_ =	shalt  }
0x7d: {  	_ =	shalt  }
0x7e: {  	_ =	shalt  }
0x7f: {  	_ =	shalt  }
0x80: {  	_ =	shalt  }
0x81: {  	_ =	shalt  }
0x82: {  	_ =	shalt  }
0x83: {  	_ =	shalt  }
0x84: {  	_ =	shalt  }
0x85: {  	_ =	shalt  }
0x86: {  	_ =	shalt  }
0x87: {  	_ =	shalt  }
.Lfunc_end0:
.L_simem_size_0:
called_computation.1_lowered:
.L_overlay_start_0:
0x88: {  	s2 =	sld [smem:$0x3FD9]  }
0x89: {  	s3 =	sld [smem:$0x3FFE];
	_ =	sdelay $0x1  }
0x8a: {  	s1 =	srdreg.scid  }
0x8b: {  	s0 =	sand.u32 $0x1, s1  }
0x8c: {  	s17 =	sshll.u32 s0, $0xA;
	s2 =	sadd.s32 s3, s2  }
0x8d: {  	s2 =	sadd.s32 s2, s17  }
0x8e: {  	[smem:$0x3FBA] =	sst s2  }
0x8f: {  	_ = 	snop  }
0x90: {  	(tm) =	ssettm $0x1  }
0x91: {  	s18 =	sld [smem:$0x3FFB];
	_ =	sdelay $0x3  }
0x92: {  	_ =	strace s18  }
0x93: {  	s2 =	sld [smem:$0x3FFC];
	_ =	sdelay $0x3  }
0x94: {  	_ =	strace s2  }
0x95: {  	s2 =	sld [smem:$0x3FFD];
	_ =	sdelay $0x3  }
0x96: {  	_ =	strace s2  }
0x97: {  	_ =	strace $0x8FFFFFFF  }
0x98: {  	s19 =	sld [smem:$0x3FDB];
	_ =	sdelay $0x1  }
0x99: {  	s20 =	simm.s32 $_scs_section_size  }
0x9a: {  	s4 =	simm.s32 $_size__tile_overlayer_lowered;
	s5 =	simm.s32 $_tile_overlayer_lowered  }
0x9b: {  	s6 =	simm.s32 $0x1BFF;
	s21 =	sshll.u32 s5, $0x1;
	s3 =	sadd.s32 s20, s19  }
0x9c: {  	s22 =	simm.s32 $0x0;
	s4 =	sshll.u32 s4, $0x1;
	s5 =	sadd.s32 s21, s3  }
0x9d: {  	[timem:s22], [sflag:s6] =	dma.local [hbm:s5], s4  }
0x9e: {  	_ =	swait.ge [sflag:s6], s4  }
0x9f: {  	s4 =	ssub.s32 $0x0, s4;
	[sflag:s6] =	ssyncset.done $0x0  }
0xa0: {  	[sflag:s6] =	ssyncadd.s32 s4;
	_ =	sdelay $0x1  }
0xa1: {  	s23 =	simm.s32 $0x1B8B  }
0xa2: {  	_ =	swait.ge [sflag:s23], $0x1  }
0xa3: {  	[sflag:s23] =	ssyncset.done $0x0  }
0xa4: {  	[sflag:s23] =	ssyncadd.s32 $0xFFFFFFFF  }
0xa5: {  	s4 =	sld [smem:$0x0]  }
0xa6: {  	s5 =	sand.u32 $0xFFFFFFFE, s1  }
0xa7: {  	p0 =	sne.s32 s1, s5  }
0xa8: {  	s5 =	sshll.u32 @p0 s5, $0xE  }
0xa9: {  	s5 =	sadd.s32 @p0 $0x11B8D, s5;
	s6 =	sshll.u32 @p0 s4, $0x11  }
0xaa: {  	s5 =	sor.u32 @p0 s6, s5  }
0xab: {  	[sflag:s5] =	ssyncadd.remote.s32 @p0 $0x1;
	_ =	sdelay $0x1  }
0xac: {  	s5 =	simm.s32 @p0 $0x1B8D  }
0xad: {  	_ =	swait.eq @p0 [sflag:s5], $0x1  }
0xae: {  	[sflag:s5] =	ssyncadd.s32 @p0 $0xFFFFFFFF  }
0xaf: {  	s6 =	sshll.u32 @!p0 s1, $0xE  }
0xb0: {  	s6 =	sor.u32 @!p0 $0x4000, s6;
	s5 =	simm.s32 @!p0 $0x1B8D  }
0xb1: {  	s4 =	sshll.u32 @!p0 s4, $0x11;
	s6 =	sadd.s32 @!p0 $0x11B8D, s6;
	_ =	swait.eq @!p0 [sflag:s5], $0x1  }
0xb2: {  	s4 =	sor.u32 @!p0 s4, s6;
	[sflag:s5] =	ssyncadd.s32 @!p0 $0xFFFFFFFF  }
0xb3: {  	s25 =	simm.s32 $0x1B8E;
	s24 =	sld [smem:$0x3FFE];
	[sflag:s4] =	ssyncadd.remote.s32 @!p0 $0x1  }
0xb4: {  	s26 =	simm.s32 $execute0_lowered;
	[smem:$0x3FD2] =	sst s25  }
0xb5: {  	s5 =	sshll.u32 s26, $0x1;
	_ =	strace $0x80000055;
	[dreg:$0x1] =	wrdreg $0xFFFFFFFF  }
0xb6: {  	s28 =	simm.s32 $_size_execute0_lowered;
	s3 =	sadd.s32 s3, s5;
	[dreg:$0x0] =	wrdreg $0x0  }
0xb7: {  	s5 =	sshll.u32 s28, $0x1;
	[dreg:$0x2] =	wrdreg s3  }
0xb8: {  	[dreg:$0x3] =	wrdreg s5  }
0xb9: {  	[dreg:$0x4] =	wrdreg $0xC0  }
0xba: {  	_ =	task [dreg:s22], $0x5FFFF  }
0xbb: {  	[dreg:$0x1] =	wrdreg $0xFFFFFFFF  }
0xbc: {  	[dreg:$0x0] =	wrdreg $0x60  }
0xbd: {  	[dreg:$0x2] =	wrdreg s24  }
0xbe: {  	[dreg:$0x3] =	wrdreg $0x52000  }
0xbf: {  	[dreg:$0x4] =	wrdreg $0x9  }
0xc0: {  	_ =	task.clear_ibuf [dreg:s22], $0x5FFFF;
	_ =	strace $0x90000055  }
0xc1: {  	s29 =	simm.s32 $0x9;
	_ =	strace $0x80000057  }
0xc2: {  	_ =	swait.ge [sflag:s29], $0x1  }
0xc3: {  	[sflag:s29] =	ssyncadd.s32 $0xFFFFFFFF  }
0xc4: {  	_ =	strace $0x90000057  }
0xc5: {  	_ =	sfence  }
0xc6: {  	s30 =	sld [smem:$0x0];
	_ =	sdelay $0x2  }
0xc7: {  	s31 =	sshll.u32 s1, $0xD;
	s1 =	sshrl.u32 s1, $0x2  }
0xc8: {  	s4 =	sand.u32 $0x4000, s31;
	s1 =	sadd.s32 s1, s30  }
0xc9: {  	s0 =	sor.u32 s4, s0;
	s1 =	sshll.u32 s1, $0x11  }
0xca: {  	s0 =	sor.u32 s1, s0  }
0xcb: {  	s0 =	sadd.s32 $0x8F2B, s0  }
0xcc: {  	[sflag:s0] =	ssyncadd.remote.s32 $0x1  }
0xcd: {  	_ =	sfence.sel $0xFFFF  }
0xce: {  	[dreg:$0x0] =	wrdreg $0xFFFFFFFF;
	(pc) =	sbr.abs _section_cstart, $3  }
0xcf: {  	[dreg:$0x1] =	wrdreg $0xFFFFFFFF  }
0xd0: {  	_ =	task.clear_ibuf [dreg:s22], $0x2FFFF;
	_ =	strace $0x9FFFFFFF  }
0xd1: {  	(tm) =	ssettm $0x7FFFFFFF  }
tec
execute0_lowered:
.L_overlay_start_1:
0x0: {  	(tag) =	ssettag $0x1  }
0x1: {  	s0 =	rddreg [dreg:$0x0]  }
0x2: {  	s1 =	rddreg [dreg:$0x1]  }
0x3: {  	s2 =	simm.s32 $0x0;
	s3 =	srdreg.scid;
	s24 =	stileid.u32  }
0x4: {  	s16 =	simm.s32 $0x3;
	s17 =	simm.s32 $0x80;
	s18 =	simm.s32 $0x50  }
0x5: {  	s19 =	simm.s32 $0x100;
	s20 =	simm.s32 $0x2900;
	s21 =	simm.s32 $0x4  }
0x6: {  	s22 =	simm.s32 $0x2980;
	s23 =	simm.s32 $0x2A00;
	s28 =	simm.s32 $0x0  }
0x7: {  	[smem:$0x7FF] =	sst s2;
	s4 =	sadd.s32 $0x6600, s0;
	s5 =	sadd.s32 $0x10400, s0  }
0x8: {  	s8 =	sand.u32 $0x1, s3;
	s6 =	sadd.s32 $0x44200, s0;
	s12 =	smul.u32 $0x50000, s24  }
0x9: {  	s7 =	sshll.u32 s24, $0x1;
	s25 =	sadd.s32 $0x1A800, s0;
	s14 =	smul.u32 $0x4E20, s24  }
0xa: {  	s29 =	sshll.u32 s24, $0x6;
	s24 =	smul.u32 $0x2800, s24;
	_ =	strace $0x80000056  }
0xb: {  	s9 =	smul.u32 $0x28000, s8;
	s10 =	ssub.s32 $0x2, s8;
	s11 =	sor.u32 s8, s7  }
0xc: {  	[dreg:$0x3] =	wrdreg s25;
	s30 =	smul.u32 $0x2710, s8;
	s8 =	sor.u32 $0x1C03, s29  }
0xd: {  	s25 =	simm.s32 $0x1;
	s13 =	sshrl.u32 s10, $0x1;
	s11 =	smul.u32 $0x2710, s11  }
0xe: {  	s26 =	sshrl.u32 s12, $0x2;
	s0 =	sadd.s32 s9, s0;
	s13 =	ssub.s32 s10, s13  }
0xf: {  	s15 =	sadd.s32 s26, s1;
	s12 =	sadd.s32 s30, s14;
	s26 =	simm.s32 $0x2  }
0x10: {  	s31 =	sshrl.u32 s11, $0x3;
	s0 =	sadd.s32 $0x109600, s0;
	s14 =	sadd.s32 $0x50, s12  }
0x11: {  	s11 =	smax.u32 s13, $0x1;
	s12 =	sadd.s32 $0xA0, s12;
	s15 =	sshrl.u32 s15, $0x3  }
0x12: {  	s9 =	sadd.s32 s4, s31;
	s10 =	sadd.s32 s5, s31;
	s14 =	sshrl.u32 s14, $0x3  }
0x13: {  	s24 =	sadd.s32 s24, s0;
	s13 =	sadd.s32 s14, s5;
	s14 =	sadd.s32 s14, s4  }
.LBB2_1:
0x14: {  	s0 =	rddreg [dreg:$0x3]  }
0x15: {  	[spmem:s15], [sflag:s8] =	dma.local [hbm:s0], $0x2800  }
0x16: {  	_ =	swait.ge [sflag:s16], $0x2800  }
0x17: {  	[sflag:s16] =	ssyncset.done $0x0  }
0x18: {  	[sflag:s16] =	ssyncadd.s32 $0xFFFFD800  }
0x19: {  	[bflag:$0x0] =	sbarrier.arrive $0xFFFF  }
0x1a: {  	[tilespmem:s2], [sflag:$0x3] =	stream.linear.gather [hbm4b:s9+s2], $0x50, $0x38;
	[tilespmem:$0x19200] =	vst v63  }
0x1b: {  	_ =	swait.ge [sflag:s16], $0x50  }
0x1c: {  	[sflag:s16] =	ssyncset.done $0x0  }
0x1d: {  	[sflag:s16] =	ssyncadd.s32 $0xFFFFFFB0  }
0x1e: {  	[tilespmem:s17], [sflag:$0x3] =	stream.linear.gather [hbm4b:s10+s2], $0x50, $0x38;
	[tilespmem:$0x19200] =	vst v63  }
0x1f: {  	_ =	swait.ge [sflag:s16], $0x50  }
0x20: {  	[sflag:s16] =	ssyncset.done $0x0  }
0x21: {  	[sflag:s16] =	ssyncadd.s32 $0xFFFFFFB0  }
0x22: {  	[tilespmem:s19], [sflag:$0x1] =	stream.indirect.gather [hbm4b:s6+s18], $0x80, s2, s18, $0xb8;
	[tilespmem:$0x19200] =	vst v63  }
0x23: {  	s7 =	sadd.s32 $0x0, s14  }
0x24: {  	[tilespmem:s20], [sflag:$0x4] =	stream.linear.gather [hbm4b:s7+s2], $0x50, $0x38;
	[tilespmem:$0x19200] =	vst v63  }
0x25: {  	_ =	swait.ge [sflag:s21], $0x50  }
0x26: {  	[sflag:s21] =	ssyncset.done $0x0  }
0x27: {  	s3 =	sadd.s32 $0x0, s13;
	[sflag:s21] =	ssyncadd.s32 $0xFFFFFFB0  }
0x28: {  	[tilespmem:s22], [sflag:$0x4] =	stream.linear.gather [hbm4b:s3+s2], $0x50, $0x38;
	[tilespmem:$0x19200] =	vst v63  }
0x29: {  	_ =	swait.ge [sflag:s21], $0x50  }
0x2a: {  	[sflag:s21] =	ssyncset.done $0x0  }
0x2b: {  	[sflag:s21] =	ssyncadd.s32 $0xFFFFFFB0  }
0x2c: {  	[tilespmem:s23], [sflag:$0x2] =	stream.indirect.gather [hbm4b:s6+s18], $0x80, s20, s18, $0xb8;
	[tilespmem:$0x19200] =	vst v63  }
0x2d: {  	_ =	swait.ge [sflag:s25], $0x2800  }
0x2e: {  	[sflag:s25] =	ssyncset.done $0x0  }
0x2f: {  	[sflag:s25] =	ssyncadd.s32 $0xFFFFD800  }
0x30: {  	[spmem:s1] =	stream.indirect.scatter.add.f32 [tilespmem:s19], [sflag:$0x4], $0x80, s17, s18, $0xb8;
	[tilespmem:$0x19200] =	vst v63  }
0x31: {  	_ =	swait.ge [sflag:s21], $0x2800  }
0x32: {  	s7 =	sshrl.u32 s12, $0x3;
	[sflag:s21] =	ssyncset.done $0x0  }
0x33: {  	s29 =	sadd.s32 s4, s7;
	[sflag:s21] =	ssyncadd.s32 $0xFFFFD800  }
0x34: {  	[tilespmem:s2], [sflag:$0x4] =	stream.linear.gather [hbm4b:s29+s2], $0x50, $0x38;
	[tilespmem:$0x19200] =	vst v63  }
0x35: {  	_ =	swait.ge [sflag:s21], $0x50  }
0x36: {  	[sflag:s21] =	ssyncset.done $0x0  }
0x37: {  	s0 =	sadd.s32 s5, s7;
	[sflag:s21] =	ssyncadd.s32 $0xFFFFFFB0  }
0x38: {  	[tilespmem:s17], [sflag:$0x4] =	stream.linear.gather [hbm4b:s0+s2], $0x50, $0x38;
	[tilespmem:$0x19200] =	vst v63  }
0x39: {  	_ =	swait.ge [sflag:s21], $0x50  }
0x3a: {  	[sflag:s21] =	ssyncset.done $0x0  }
0x3b: {  	[sflag:s21] =	ssyncadd.s32 $0xFFFFFFB0  }
0x3c: {  	[tilespmem:s19], [sflag:$0x1] =	stream.indirect.gather [hbm4b:s6+s18], $0x80, s2, s18, $0xb8;
	[tilespmem:$0x19200] =	vst v63  }
0x3d: {  	_ =	swait.ge [sflag:s26], $0x2800  }
0x3e: {  	[sflag:s26] =	ssyncset.done $0x0  }
0x3f: {  	[sflag:s26] =	ssyncadd.s32 $0xFFFFD800  }
0x40: {  	[spmem:s1] =	stream.indirect.scatter.add.f32 [tilespmem:s23], [sflag:$0x3], $0x80, s22, s18, $0xb8;
	[tilespmem:$0x19200] =	vst v63  }
0x41: {  	s30 =	simm.s32 $0x14;
	_ =	swait.ge [sflag:s16], $0x2800  }
0x42: {  	s31 =	simm.s32 $0x28;
	s29 =	sadd.s32 $0xA0, s12;
	[sflag:s16] =	ssyncset.done $0x0  }
.LBB2_2:
0x43: {  	s3 =	sadd.s32 s30, s14  }
0x44: {  	[sflag:s16] =	ssyncadd.s32 $0xFFFFD800;
	s7 =	smov.u32 s31;
	s0 =	sadd.s32 $0x14, s31  }
0x45: {  	[tilespmem:s20], [sflag:$0x4] =	stream.linear.gather [hbm4b:s3+s2], $0x50, $0x38;
	[tilespmem:$0x19200] =	vst v63  }
0x46: {  	p0 =	sne.s32 s31, $0x4C4;
	_ =	swait.ge [sflag:s21], $0x50  }
0x47: {  	[sflag:s21] =	ssyncset.done $0x0  }
0x48: {  	s3 =	sadd.s32 s30, s13;
	s30 =	smov.u32 s7;
	[sflag:s21] =	ssyncadd.s32 $0xFFFFFFB0  }
0x49: {  	[tilespmem:s22], [sflag:$0x4] =	stream.linear.gather [hbm4b:s3+s2], $0x50, $0x38;
	[tilespmem:$0x19200] =	vst v63  }
0x4a: {  	_ =	swait.ge [sflag:s21], $0x50  }
0x4b: {  	[sflag:s21] =	ssyncset.done $0x0  }
0x4c: {  	[sflag:s21] =	ssyncadd.s32 $0xFFFFFFB0  }
0x4d: {  	[tilespmem:s23], [sflag:$0x2] =	stream.indirect.gather [hbm4b:s6+s18], $0x80, s20, s18, $0xb8;
	[tilespmem:$0x19200] =	vst v63  }
0x4e: {  	_ =	swait.ge [sflag:s25], $0x2800  }
0x4f: {  	[sflag:s25] =	ssyncset.done $0x0  }
0x50: {  	[sflag:s25] =	ssyncadd.s32 $0xFFFFD800  }
0x51: {  	[spmem:s1] =	stream.indirect.scatter.add.f32 [tilespmem:s19], [sflag:$0x4], $0x80, s17, s18, $0xb8;
	[tilespmem:$0x19200] =	vst v63  }
0x52: {  	_ =	swait.ge [sflag:s21], $0x2800  }
0x53: {  	s3 =	sshrl.u32 s29, $0x3;
	[sflag:s21] =	ssyncset.done $0x0  }
0x54: {  	s7 =	sadd.s32 s4, s3;
	[sflag:s21] =	ssyncadd.s32 $0xFFFFD800  }
0x55: {  	[tilespmem:s2], [sflag:$0x4] =	stream.linear.gather [hbm4b:s7+s2], $0x50, $0x38;
	[tilespmem:$0x19200] =	vst v63  }
0x56: {  	_ =	swait.ge [sflag:s21], $0x50  }
0x57: {  	[sflag:s21] =	ssyncset.done $0x0  }
0x58: {  	s3 =	sadd.s32 s5, s3;
	[sflag:s21] =	ssyncadd.s32 $0xFFFFFFB0  }
0x59: {  	[tilespmem:s17], [sflag:$0x4] =	stream.linear.gather [hbm4b:s3+s2], $0x50, $0x38;
	[tilespmem:$0x19200] =	vst v63  }
0x5a: {  	_ =	swait.ge [sflag:s21], $0x50  }
0x5b: {  	[sflag:s21] =	ssyncset.done $0x0  }
0x5c: {  	[sflag:s21] =	ssyncadd.s32 $0xFFFFFFB0  }
0x5d: {  	[tilespmem:s19], [sflag:$0x1] =	stream.indirect.gather [hbm4b:s6+s18], $0x80, s2, s18, $0xb8;
	[tilespmem:$0x19200] =	vst v63  }
0x5e: {  	_ =	swait.ge [sflag:s26], $0x2800  }
.Ltmp0:
0x5f: {  	[sflag:s26] =	ssyncset.done $0x0;
	(pc) =	sbr.rel @p0 .LBB2_2-.Ltmp0, $4  }
0x60: {  	[sflag:s26] =	ssyncadd.s32 $0xFFFFD800  }
0x61: {  	[spmem:s1] =	stream.indirect.scatter.add.f32 [tilespmem:s23], [sflag:$0x3], $0x80, s22, s18, $0xb8;
	[tilespmem:$0x19200] =	vst v63  }
0x62: {  	_ =	swait.ge [sflag:s16], $0x2800  }
0x63: {  	s31 =	smov.u32 s0;
	s29 =	sadd.s32 $0xA0, s29;
	[sflag:s16] =	ssyncset.done $0x0  }
0x64: {  	s0 =	sadd.s32 s30, s14;
	[sflag:s16] =	ssyncadd.s32 $0xFFFFD800  }
0x65: {  	[tilespmem:s20], [sflag:$0x4] =	stream.linear.gather [hbm4b:s0+s2], $0x50, $0x38;
	[tilespmem:$0x19200] =	vst v63  }
0x66: {  	_ =	swait.ge [sflag:s21], $0x50  }
0x67: {  	[sflag:s21] =	ssyncset.done $0x0  }
0x68: {  	s30 =	sadd.s32 s30, s13;
	[sflag:s21] =	ssyncadd.s32 $0xFFFFFFB0  }
0x69: {  	[tilespmem:s22], [sflag:$0x4] =	stream.linear.gather [hbm4b:s30+s2], $0x50, $0x38;
	[tilespmem:$0x19200] =	vst v63  }
0x6a: {  	_ =	swait.ge [sflag:s21], $0x50  }
0x6b: {  	[sflag:s21] =	ssyncset.done $0x0  }
0x6c: {  	[sflag:s21] =	ssyncadd.s32 $0xFFFFFFB0  }
0x6d: {  	[tilespmem:s23], [sflag:$0x2] =	stream.indirect.gather [hbm4b:s6+s18], $0x80, s20, s18, $0xb8;
	[tilespmem:$0x19200] =	vst v63  }
0x6e: {  	_ =	swait.ge [sflag:s25], $0x2800  }
0x6f: {  	[sflag:s25] =	ssyncset.done $0x0  }
0x70: {  	[sflag:s25] =	ssyncadd.s32 $0xFFFFD800  }
0x71: {  	[spmem:s1] =	stream.indirect.scatter.add.f32 [tilespmem:s19], [sflag:$0x4], $0x80, s17, s18, $0xb8;
	[tilespmem:$0x19200] =	vst v63  }
0x72: {  	_ =	swait.ge [sflag:s21], $0x2800  }
0x73: {  	s31 =	sshrl.u32 s29, $0x3;
	[sflag:s21] =	ssyncset.done $0x0  }
0x74: {  	s3 =	sadd.s32 s4, s31;
	[sflag:s21] =	ssyncadd.s32 $0xFFFFD800  }
0x75: {  	[tilespmem:s2], [sflag:$0x4] =	stream.linear.gather [hbm4b:s3+s2], $0x50, $0x38;
	[tilespmem:$0x19200] =	vst v63  }
0x76: {  	_ =	swait.ge [sflag:s21], $0x50  }
0x77: {  	[sflag:s21] =	ssyncset.done $0x0  }
0x78: {  	s0 =	sadd.s32 s5, s31;
	[sflag:s21] =	ssyncadd.s32 $0xFFFFFFB0  }
0x79: {  	[tilespmem:s17], [sflag:$0x4] =	stream.linear.gather [hbm4b:s0+s2], $0x50, $0x38;
	[tilespmem:$0x19200] =	vst v63  }
0x7a: {  	_ =	swait.ge [sflag:s21], $0x50  }
0x7b: {  	[sflag:s21] =	ssyncset.done $0x0  }
0x7c: {  	[sflag:s21] =	ssyncadd.s32 $0xFFFFFFB0  }
0x7d: {  	[tilespmem:s19], [sflag:$0x1] =	stream.indirect.gather [hbm4b:s6+s18], $0x80, s2, s18, $0xb8;
	[tilespmem:$0x19200] =	vst v63  }
0x7e: {  	_ =	swait.ge [sflag:s26], $0x2800  }
0x7f: {  	[sflag:s26] =	ssyncset.done $0x0  }
0x80: {  	[sflag:s26] =	ssyncadd.s32 $0xFFFFD800  }
0x81: {  	[spmem:s1] =	stream.indirect.scatter.add.f32 [tilespmem:s23], [sflag:$0x3], $0x80, s22, s18, $0xb8;
	[tilespmem:$0x19200] =	vst v63  }
0x82: {  	_ =	swait.ge [sflag:s16], $0x2800  }
0x83: {  	[sflag:s16] =	ssyncset.done $0x0  }
0x84: {  	[sflag:s16] =	ssyncadd.s32 $0xFFFFD800  }
0x85: {  	_ =	swait.ge [sflag:s25], $0x2800  }
0x86: {  	[sflag:s25] =	ssyncset.done $0x0  }
0x87: {  	[sflag:s25] =	ssyncadd.s32 $0xFFFFD800  }
0x88: {  	[spmem:s1] =	stream.indirect.scatter.add.f32 [tilespmem:s19], [sflag:$0x4], $0x80, s17, s18, $0xb8;
	[tilespmem:$0x19200] =	vst v63  }
0x89: {  	_ =	swait.ge [sflag:s21], $0x2800  }
0x8a: {  	s28 =	sadd.s32 $0x1, s28;
	[sflag:s21] =	ssyncset.done $0x0  }
0x8b: {  	p0 =	sne.s32 s28, s11;
	[sflag:s21] =	ssyncadd.s32 $0xFFFFD800  }
.Ltmp1:
0x8c: {  	[bflag:$0x0] =	sbarrier.arrive $0xFFFF;
	(pc) =	sbr.rel @p0 .LBB2_1-.Ltmp1, $4  }
0x8d: {  	[hbm:s24], [sflag:s8] =	dma.local [spmem:s15], $0x2800  }
0x8e: {  	_ =	swait.ge [sflag:s16], $0x2800  }
0x8f: {  	[sflag:s16] =	ssyncset.done $0x0  }
0x90: {  	[sflag:s16] =	ssyncadd.s32 $0xFFFFD800  }
0x91: {  	_ =	sfence.sel $0x180000  }
0x92: {  	[bflag:$0x0] =	sbarrier.arrive $0xFFFF  }
0x93: {  	_ =	strace $0x90000056  }
0x94: {  	s0 =	stileid.u32;
	[bflag:$0x2] =	sbarrier.arrive $0xFFFF  }
0x95: {  	p0 =	sne.s32 s0, $0x0;
	s0 =	rddreg [dreg:$0x2]  }
0x96: {  	s0 =	sadd.s32 @!p0 $0x100000, s0  }
0x97: {  	[sflag:s0] =	ssyncadd.tile.s32 @!p0 $0x1;
	_ =	shalt  }
.Lfunc_end2:
_tile_overlayer_lowered:
.L_overlay_start_2:
0x98: {  	(tag) =	ssettag $0x2  }
0x99: {  	s0 =	rddreg [dreg:$0x0];
	s2 =	stileid.u32  }
0x9a: {  	s1 =	rddreg [dreg:$0x1];
	p0 =	sne.s32 s2, $0x0  }
0x9b: {  	s3 =	rddreg [dreg:$0x2];
	[bflag:$0x3] =	sbarrier.arrive $0xFFFF;
	s2 =	simm.s32 @!p0 $0x1C03  }
0x9c: {  	[timem:s3], [sflag:s2] =	dma.local @!p0 [hbm:s0], s1  }
0x9d: {  	s0 =	simm.s32 @!p0 $0x3  }
0x9e: {  	_ =	swait.ge @!p0 [sflag:s0], s1  }
0x9f: {  	s1 =	ssub.s32 @!p0 $0x0, s1;
	[sflag:s0] =	ssyncset.done @!p0 $0x0  }
0xa0: {  	[sflag:s0] =	ssyncadd.s32 @!p0 s1  }
0xa1: {  	[bflag:$0x3] =	sbarrier.arrive $0xFFFF  }
0xa2: {  	_ =	shalt  }

// kernel: kernel.22.cloned.1.call-start
scs
__scs_entry_jumppad:
0x0: {  	(pc) =	sbr.rel $0x88, $3  }
0x1: {  	(tag) =	ssettag $0x0;
	lr =	simm.s32 $0x1  }
0x2: {  	[smem:$0x3F93] =	sst lr;
	_ =	strace $0xD0000000  }
0x3: {  	_ = 	snop  }
0x4: {  	_ = 	snop  }
0x5: {  	_ = 	snop  }
0x6: {  	_ = 	snop  }
0x7: {  	_ = 	snop  }
__scs_overlays_trampoline_lowered:
0x8: {  	[smem:$0x3FA2] =	sst s0  }
0x9: {  	[smem:$0x3FA3] =	sst s1  }
0xa: {  	[smem:$0x3FA4] =	sst s2  }
0xb: {  	[smem:$0x3FA5] =	sst s3  }
0xc: {  	[smem:$0x3FA6] =	sst s4  }
0xd: {  	[smem:$0x3FA7] =	sst s5  }
0xe: {  	[smem:$0x3FA8] =	sst s6  }
0xf: {  	[smem:$0x3FA9] =	sst s7  }
0x10: {  	[smem:$0x3FAA] =	sst s8  }
0x11: {  	[smem:$0x3FAB] =	sst s9;
	s0 =	simm.s32 @!p0 $0x0  }
0x12: {  	s1 =	sld [smem:$0x3F91];
	s0 =	simm.s32 @p0 $0x1  }
0x13: {  	[smem:$0x3FAC] =	sst s0;
	s0 =	simm.s32 @!p1 $0x0  }
0x14: {  	s2 =	sld [smem:$0x3F90];
	s0 =	simm.s32 @p1 $0x1  }
0x15: {  	[smem:$0x3FAD] =	sst s0;
	s0 =	simm.s32 @!p2 $0x0  }
0x16: {  	s3 =	sld [smem:$0x3FDB];
	s0 =	simm.s32 @p2 $0x1  }
0x17: {  	s4 =	simm.s32 $0x1BF5;
	[smem:$0x3FAF] =	sst s0  }
0x18: {  	s0 =	sld [smem:$0x3F92];
	_ =	swait.ge [sflag:s4], $0x0  }
0x19: {  	s7 =	sld [smem:$0x3F93]  }
0x1a: {  	s8 =	sadd.s32 $0xFFFFE003, lr  }
0x1b: {  	s9 =	sadd.s32 $0xFFFFFEF7, lr;
	s5 =	simm.s32 $0xFFFFFFFF;
	p2 =	slt.u32 s8, $0xFFFFF086  }
0x1c: {  	p1 =	slt.u32 s9, $0xF7A;
	s5 =	simm.s32 @!p2 $0x0  }
0x1d: {  	s5 =	simm.s32 @p1 $0x1;
	p0 =	seq.s32 s7, s2  }
0x1e: {  	s7 =	smul.u32 @!p0 $0xF7A, s2;
	p2 =	seq.s32 @!p0 s5, $0x0  }
0x1f: {  	s9 =	smul.u32 $0xF7A, s1;
	s8 =	simm.s32 @!p0 $0x1BF5;
	p2 =	por !p2, p0  }
0x20: {  	[sflag:s8] =	ssyncset.s32 @!p0 $0xFFFFF086;
	s6 =	sadd.s32 @!p0 s3, s7;
	s7 =	simm.s32 @!p0 $0x108  }
0x21: {  	s3 =	sadd.s32 s3, s9;
	s6 =	sadd.s32 @!p0 $0x88, s6;
	s7 =	simm.s32 @p2 $0x1082  }
0x22: {  	[simem:s7], [sflag:s8] =	dma.local @!p0 [hbm:s6], $0xF7A  }
0x23: {  	s9 =	sor.u32 $0xD0000000, s2;
	s6 =	simm.s32 $0x108;
	_ =	swait.ge @!p0 [sflag:s8], $0x0  }
0x24: {  	s3 =	sadd.s32 $0x88, s3;
	s6 =	simm.s32 @!p1 $0x1082;
	[sflag:s4] =	ssyncset.s32 $0xFFFFF086  }
0x25: {  	[simem:s6], [sflag:s4] =	dma.local [hbm:s3], $0xF7A  }
0x26: {  	[smem:$0x3F93] =	sst s1;
	(tag) =	ssettag s2;
	_ =	strace s9  }
0x27: {  	s1 =	sld [smem:$0x3FA3]  }
0x28: {  	s2 =	sld [smem:$0x3FA4]  }
0x29: {  	s4 =	sld [smem:$0x3FA6]  }
0x2a: {  	p0 =	seq.s32 s5, $0x0;
	s5 =	sld [smem:$0x3FA7]  }
0x2b: {  	s6 =	sld [smem:$0x3FA8]  }
0x2c: {  	s7 =	sld [smem:$0x3FA9]  }
0x2d: {  	s3 =	simm.s32 $0x108;
	s8 =	sld [smem:$0x3FAA]  }
0x2e: {  	s3 =	simm.s32 @!p0 $0x1082;
	s9 =	sld [smem:$0x3FAB]  }
0x2f: {  	lr =	sadd.s32 s0, s3;
	s0 =	sld [smem:$0x3FA2]  }
0x30: {  	s3 =	sld [smem:$0x3FA5]  }
0x31: {  	[smem:$0x3FAE] =	sst s10  }
0x32: {  	s10 =	sld [smem:$0x3FAC];
	_ =	sdelay $0x3  }
0x33: {  	p0 =	seq.s32 s10, $0x1;
	s10 =	sld [smem:$0x3FAE];
	_ =	sdelay $0x3  }
0x34: {  	[smem:$0x3FAE] =	sst s10  }
0x35: {  	s10 =	sld [smem:$0x3FAD];
	_ =	sdelay $0x3  }
0x36: {  	p1 =	seq.s32 s10, $0x1;
	s10 =	sld [smem:$0x3FAE];
	_ =	sdelay $0x3  }
0x37: {  	[smem:$0x3FAE] =	sst s10  }
0x38: {  	s10 =	sld [smem:$0x3FAF]  }
0x39: {  	_ = 	snop;
	(pc) =	sbr.ind lr, $3  }
0x3a: {  	_ = 	snop  }
0x3b: {  	_ = 	snop  }
0x3c: {  	p2 =	seq.s32 s10, $0x1;
	s10 =	sld [smem:$0x3FAE]  }
0x3d: {  	_ =	shalt  }
0x3e: {  	_ =	shalt  }
0x3f: {  	_ =	shalt  }
0x40: {  	_ =	shalt  }
0x41: {  	_ =	shalt  }
0x42: {  	_ =	shalt  }
0x43: {  	_ =	shalt  }
0x44: {  	_ =	shalt  }
0x45: {  	_ =	shalt  }
0x46: {  	_ =	shalt  }
0x47: {  	_ =	shalt  }
0x48: {  	_ =	shalt  }
0x49: {  	_ =	shalt  }
0x4a: {  	_ =	shalt  }
0x4b: {  	_ =	shalt  }
0x4c: {  	_ =	shalt  }
0x4d: {  	_ =	shalt  }
0x4e: {  	_ =	shalt  }
0x4f: {  	_ =	shalt  }
0x50: {  	_ =	shalt  }
0x51: {  	_ =	shalt  }
0x52: {  	_ =	shalt  }
0x53: {  	_ =	shalt  }
0x54: {  	_ =	shalt  }
0x55: {  	_ =	shalt  }
0x56: {  	_ =	shalt  }
0x57: {  	_ =	shalt  }
0x58: {  	_ =	shalt  }
0x59: {  	_ =	shalt  }
0x5a: {  	_ =	shalt  }
0x5b: {  	_ =	shalt  }
0x5c: {  	_ =	shalt  }
0x5d: {  	_ =	shalt  }
0x5e: {  	_ =	shalt  }
0x5f: {  	_ =	shalt  }
0x60: {  	_ =	shalt  }
0x61: {  	_ =	shalt  }
0x62: {  	_ =	shalt  }
0x63: {  	_ =	shalt  }
0x64: {  	_ =	shalt  }
0x65: {  	_ =	shalt  }
0x66: {  	_ =	shalt  }
0x67: {  	_ =	shalt  }
0x68: {  	_ =	shalt  }
0x69: {  	_ =	shalt  }
0x6a: {  	_ =	shalt  }
0x6b: {  	_ =	shalt  }
0x6c: {  	_ =	shalt  }
0x6d: {  	_ =	shalt  }
0x6e: {  	_ =	shalt  }
0x6f: {  	_ =	shalt  }
0x70: {  	_ =	shalt  }
0x71: {  	_ =	shalt  }
0x72: {  	_ =	shalt  }
0x73: {  	_ =	shalt  }
0x74: {  	_ =	shalt  }
0x75: {  	_ =	shalt  }
0x76: {  	_ =	shalt  }
0x77: {  	_ =	shalt  }
0x78: {  	_ =	shalt  }
0x79: {  	_ =	shalt  }
0x7a: {  	_ =	shalt  }
0x7b: {  	_ =	shalt  }
0x7c: {  	_ =	shalt  }
0x7d: {  	_ =	shalt  }
0x7e: {  	_ =	shalt  }
0x7f: {  	_ =	shalt  }
0x80: {  	_ =	shalt  }
0x81: {  	_ =	shalt  }
0x82: {  	_ =	shalt  }
0x83: {  	_ =	shalt  }
0x84: {  	_ =	shalt  }
0x85: {  	_ =	shalt  }
0x86: {  	_ =	shalt  }
0x87: {  	_ =	shalt  }
.Lfunc_end0:
.L_simem_size_0:
called_computation.2_lowered:
.L_overlay_start_0:
0x88: {  	s2 =	sld [smem:$0x3FD9]  }
0x89: {  	s3 =	sld [smem:$0x3FFE];
	_ =	sdelay $0x1  }
0x8a: {  	s1 =	srdreg.scid  }
0x8b: {  	s0 =	sand.u32 $0x1, s1  }
0x8c: {  	s16 =	sshll.u32 s0, $0xA;
	s2 =	sadd.s32 s3, s2  }
0x8d: {  	s2 =	sadd.s32 s2, s16  }
0x8e: {  	[smem:$0x3FBA] =	sst s2  }
0x8f: {  	_ = 	snop  }
0x90: {  	(tm) =	ssettm $0x1  }
0x91: {  	s17 =	sld [smem:$0x3FFB];
	_ =	sdelay $0x3  }
0x92: {  	_ =	strace s17  }
0x93: {  	s2 =	sld [smem:$0x3FFC];
	_ =	sdelay $0x3  }
0x94: {  	_ =	strace s2  }
0x95: {  	s2 =	sld [smem:$0x3FFD];
	_ =	sdelay $0x3  }
0x96: {  	_ =	strace s2  }
0x97: {  	_ =	strace $0x8FFFFFFF  }
0x98: {  	s18 =	sld [smem:$0x3FDB];
	_ =	sdelay $0x1  }
0x99: {  	s19 =	simm.s32 $_scs_section_size  }
0x9a: {  	s4 =	simm.s32 $_size__tile_overlayer_lowered;
	s5 =	simm.s32 $_tile_overlayer_lowered  }
0x9b: {  	s22 =	simm.s32 $0x1BFF;
	s21 =	sshll.u32 s5, $0x1;
	s2 =	sadd.s32 s19, s18  }
0x9c: {  	s6 =	simm.s32 $0x0;
	s20 =	sshll.u32 s4, $0x1;
	s4 =	sadd.s32 s21, s2  }
0x9d: {  	[timem:s6], [sflag:s22] =	dma.local [hbm:s4], s20  }
0x9e: {  	_ =	swait.ge [sflag:s22], s20  }
0x9f: {  	s3 =	ssub.s32 $0x0, s20;
	[sflag:s22] =	ssyncset.done $0x0  }
0xa0: {  	[sflag:s22] =	ssyncadd.s32 s3;
	_ =	sdelay $0x1  }
0xa1: {  	s23 =	simm.s32 $0x1B8B  }
0xa2: {  	_ =	swait.ge [sflag:s23], $0x1  }
0xa3: {  	[sflag:s23] =	ssyncset.done $0x0  }
0xa4: {  	s25 =	simm.s32 $0x1B8E;
	s24 =	sld [smem:$0x3FFE];
	[sflag:s23] =	ssyncadd.s32 $0xFFFFFFFF  }
0xa5: {  	s26 =	simm.s32 $execute0_lowered;
	[smem:$0x3FD2] =	sst s25  }
0xa6: {  	s4 =	sshll.u32 s26, $0x1;
	_ =	strace $0x80000049;
	[dreg:$0x1] =	wrdreg $0xFFFFFFFF  }
0xa7: {  	s28 =	simm.s32 $_size_execute0_lowered;
	s2 =	sadd.s32 s2, s4;
	[dreg:$0x0] =	wrdreg $0x0  }
0xa8: {  	s4 =	sshll.u32 s28, $0x1;
	[dreg:$0x2] =	wrdreg s2  }
0xa9: {  	[dreg:$0x3] =	wrdreg s4  }
0xaa: {  	[dreg:$0x4] =	wrdreg $0xC0  }
0xab: {  	_ =	task [dreg:s6], $0x5FFFF  }
0xac: {  	[dreg:$0x1] =	wrdreg $0xFFFFFFFF  }
0xad: {  	[dreg:$0x0] =	wrdreg $0x60  }
0xae: {  	[dreg:$0x2] =	wrdreg s24  }
0xaf: {  	[dreg:$0x3] =	wrdreg $0x52000  }
0xb0: {  	[dreg:$0x4] =	wrdreg $0x9  }
0xb1: {  	_ =	task.clear_ibuf [dreg:s6], $0x5FFFF;
	_ =	strace $0x90000049  }
0xb2: {  	s29 =	simm.s32 $0x9;
	_ =	strace $0x8000004B  }
0xb3: {  	_ =	swait.ge [sflag:s29], $0x1  }
0xb4: {  	[sflag:s29] =	ssyncadd.s32 $0xFFFFFFFF  }
0xb5: {  	_ =	strace $0x9000004B  }
0xb6: {  	_ =	sfence  }
0xb7: {  	s30 =	sld [smem:$0x0];
	_ =	sdelay $0x2  }
0xb8: {  	s31 =	sshll.u32 s1, $0xD;
	s1 =	sshrl.u32 s1, $0x2  }
0xb9: {  	s3 =	sand.u32 $0x4000, s31;
	s1 =	sadd.s32 s1, s30  }
0xba: {  	s0 =	sor.u32 s3, s0;
	s1 =	sshll.u32 s1, $0x11  }
0xbb: {  	s0 =	sor.u32 s1, s0  }
0xbc: {  	s0 =	sadd.s32 $0x8F2B, s0  }
0xbd: {  	[sflag:s0] =	ssyncadd.remote.s32 $0x1  }
0xbe: {  	_ =	sfence.sel $0xFFFF  }
0xbf: {  	[dreg:$0x0] =	wrdreg $0xFFFFFFFF;
	(pc) =	sbr.abs _section_cstart, $3  }
0xc0: {  	[dreg:$0x1] =	wrdreg $0xFFFFFFFF  }
0xc1: {  	_ =	task.clear_ibuf [dreg:s6], $0x2FFFF;
	_ =	strace $0x9FFFFFFF  }
0xc2: {  	(tm) =	ssettm $0x7FFFFFFF  }
0xc3: {  	_ =	shalt  }
tec
execute0_lowered:
.L_overlay_start_1:
0x0: {  	(tag) =	ssettag $0x1  }
0x1: {  	s0 =	rddreg [dreg:$0x0]  }
0x2: {  	s1 =	rddreg [dreg:$0x1]  }
0x3: {  	s2 =	simm.s32 $0x0;
	s3 =	srdreg.scid;
	s24 =	stileid.u32  }
0x4: {  	s16 =	simm.s32 $0x3;
	s17 =	simm.s32 $0x80;
	s18 =	simm.s32 $0x50  }
0x5: {  	s19 =	simm.s32 $0x100;
	s20 =	simm.s32 $0x2900;
	s21 =	simm.s32 $0x4  }
0x6: {  	s22 =	simm.s32 $0x2980;
	s23 =	simm.s32 $0x2A00;
	s28 =	simm.s32 $0x0  }
0x7: {  	[smem:$0x7FF] =	sst s2;
	s4 =	sadd.s32 $0x10400, s0;
	s5 =	sadd.s32 $0x6600, s0  }
0x8: {  	s8 =	sand.u32 $0x1, s3;
	s6 =	sadd.s32 $0x1D000, s0;
	s12 =	smul.u32 $0x50000, s24  }
0x9: {  	s7 =	sshll.u32 s24, $0x1;
	s25 =	sadd.s32 $0x1A800, s0;
	s14 =	smul.u32 $0x4E20, s24  }
0xa: {  	s29 =	sshll.u32 s24, $0x6;
	s24 =	smul.u32 $0x2800, s24;
	_ =	strace $0x8000004A  }
0xb: {  	s9 =	smul.u32 $0x28000, s8;
	s10 =	ssub.s32 $0x2, s8;
	s11 =	sor.u32 s8, s7  }
0xc: {  	[dreg:$0x3] =	wrdreg s25;
	s30 =	smul.u32 $0x2710, s8;
	s8 =	sor.u32 $0x1C03, s29  }
0xd: {  	s25 =	simm.s32 $0x1;
	s13 =	sshrl.u32 s10, $0x1;
	s11 =	smul.u32 $0x2710, s11  }
0xe: {  	s26 =	sshrl.u32 s12, $0x2;
	s0 =	sadd.s32 s9, s0;
	s13 =	ssub.s32 s10, s13  }
0xf: {  	s15 =	sadd.s32 s26, s1;
	s12 =	sadd.s32 s30, s14;
	s26 =	simm.s32 $0x2  }
0x10: {  	s31 =	sshrl.u32 s11, $0x3;
	s0 =	sadd.s32 $0x6B400, s0;
	s14 =	sadd.s32 $0x50, s12  }
0x11: {  	s11 =	smax.u32 s13, $0x1;
	s12 =	sadd.s32 $0xA0, s12;
	s15 =	sshrl.u32 s15, $0x3  }
0x12: {  	s9 =	sadd.s32 s4, s31;
	s10 =	sadd.s32 s5, s31;
	s14 =	sshrl.u32 s14, $0x3  }
0x13: {  	s24 =	sadd.s32 s24, s0;
	s13 =	sadd.s32 s14, s5;
	s14 =	sadd.s32 s14, s4  }
.LBB2_1:
0x14: {  	s0 =	rddreg [dreg:$0x3]  }
0x15: {  	[spmem:s15], [sflag:s8] =	dma.local [hbm:s0], $0x2800  }
0x16: {  	_ =	swait.ge [sflag:s16], $0x2800  }
0x17: {  	[sflag:s16] =	ssyncset.done $0x0  }
0x18: {  	[sflag:s16] =	ssyncadd.s32 $0xFFFFD800  }
0x19: {  	[bflag:$0x0] =	sbarrier.arrive $0xFFFF  }
0x1a: {  	[tilespmem:s2], [sflag:$0x3] =	stream.linear.gather [hbm4b:s9+s2], $0x50, $0x38;
	[tilespmem:$0x19200] =	vst v63  }
0x1b: {  	_ =	swait.ge [sflag:s16], $0x50  }
0x1c: {  	[sflag:s16] =	ssyncset.done $0x0  }
0x1d: {  	[sflag:s16] =	ssyncadd.s32 $0xFFFFFFB0  }
0x1e: {  	[tilespmem:s17], [sflag:$0x3] =	stream.linear.gather [hbm4b:s10+s2], $0x50, $0x38;
	[tilespmem:$0x19200] =	vst v63  }
0x1f: {  	_ =	swait.ge [sflag:s16], $0x50  }
0x20: {  	[sflag:s16] =	ssyncset.done $0x0  }
0x21: {  	[sflag:s16] =	ssyncadd.s32 $0xFFFFFFB0  }
0x22: {  	[tilespmem:s19], [sflag:$0x1] =	stream.indirect.gather [hbm4b:s6+s18], $0x80, s2, s18, $0xb8;
	[tilespmem:$0x19200] =	vst v63  }
0x23: {  	s7 =	sadd.s32 $0x0, s14  }
0x24: {  	[tilespmem:s20], [sflag:$0x4] =	stream.linear.gather [hbm4b:s7+s2], $0x50, $0x38;
	[tilespmem:$0x19200] =	vst v63  }
0x25: {  	_ =	swait.ge [sflag:s21], $0x50  }
0x26: {  	[sflag:s21] =	ssyncset.done $0x0  }
0x27: {  	s3 =	sadd.s32 $0x0, s13;
	[sflag:s21] =	ssyncadd.s32 $0xFFFFFFB0  }
0x28: {  	[tilespmem:s22], [sflag:$0x4] =	stream.linear.gather [hbm4b:s3+s2], $0x50, $0x38;
	[tilespmem:$0x19200] =	vst v63  }
0x29: {  	_ =	swait.ge [sflag:s21], $0x50  }
0x2a: {  	[sflag:s21] =	ssyncset.done $0x0  }
0x2b: {  	[sflag:s21] =	ssyncadd.s32 $0xFFFFFFB0  }
0x2c: {  	[tilespmem:s23], [sflag:$0x2] =	stream.indirect.gather [hbm4b:s6+s18], $0x80, s20, s18, $0xb8;
	[tilespmem:$0x19200] =	vst v63  }
0x2d: {  	_ =	swait.ge [sflag:s25], $0x2800  }
0x2e: {  	[sflag:s25] =	ssyncset.done $0x0  }
0x2f: {  	[sflag:s25] =	ssyncadd.s32 $0xFFFFD800  }
0x30: {  	[spmem:s1] =	stream.indirect.scatter.add.f32 [tilespmem:s19], [sflag:$0x4], $0x80, s17, s18, $0xb8;
	[tilespmem:$0x19200] =	vst v63  }
0x31: {  	_ =	swait.ge [sflag:s21], $0x2800  }
0x32: {  	s7 =	sshrl.u32 s12, $0x3;
	[sflag:s21] =	ssyncset.done $0x0  }
0x33: {  	s29 =	sadd.s32 s4, s7;
	[sflag:s21] =	ssyncadd.s32 $0xFFFFD800  }
0x34: {  	[tilespmem:s2], [sflag:$0x4] =	stream.linear.gather [hbm4b:s29+s2], $0x50, $0x38;
	[tilespmem:$0x19200] =	vst v63  }
0x35: {  	_ =	swait.ge [sflag:s21], $0x50  }
0x36: {  	[sflag:s21] =	ssyncset.done $0x0  }
0x37: {  	s0 =	sadd.s32 s5, s7;
	[sflag:s21] =	ssyncadd.s32 $0xFFFFFFB0  }
0x38: {  	[tilespmem:s17], [sflag:$0x4] =	stream.linear.gather [hbm4b:s0+s2], $0x50, $0x38;
	[tilespmem:$0x19200] =	vst v63  }
0x39: {  	_ =	swait.ge [sflag:s21], $0x50  }
0x3a: {  	[sflag:s21] =	ssyncset.done $0x0  }
0x3b: {  	[sflag:s21] =	ssyncadd.s32 $0xFFFFFFB0  }
0x3c: {  	[tilespmem:s19], [sflag:$0x1] =	stream.indirect.gather [hbm4b:s6+s18], $0x80, s2, s18, $0xb8;
	[tilespmem:$0x19200] =	vst v63  }
0x3d: {  	_ =	swait.ge [sflag:s26], $0x2800  }
0x3e: {  	[sflag:s26] =	ssyncset.done $0x0  }
0x3f: {  	[sflag:s26] =	ssyncadd.s32 $0xFFFFD800  }
0x40: {  	[spmem:s1] =	stream.indirect.scatter.add.f32 [tilespmem:s23], [sflag:$0x3], $0x80, s22, s18, $0xb8;
	[tilespmem:$0x19200] =	vst v63  }
0x41: {  	s30 =	simm.s32 $0x14;
	_ =	swait.ge [sflag:s16], $0x2800  }
0x42: {  	s31 =	simm.s32 $0x28;
	s29 =	sadd.s32 $0xA0, s12;
	[sflag:s16] =	ssyncset.done $0x0  }
.LBB2_2:
0x43: {  	s3 =	sadd.s32 s30, s14  }
0x44: {  	[sflag:s16] =	ssyncadd.s32 $0xFFFFD800;
	s7 =	smov.u32 s31;
	s0 =	sadd.s32 $0x14, s31  }
0x45: {  	[tilespmem:s20], [sflag:$0x4] =	stream.linear.gather [hbm4b:s3+s2], $0x50, $0x38;
	[tilespmem:$0x19200] =	vst v63  }
0x46: {  	p0 =	sne.s32 s31, $0x4C4;
	_ =	swait.ge [sflag:s21], $0x50  }
0x47: {  	[sflag:s21] =	ssyncset.done $0x0  }
0x48: {  	s3 =	sadd.s32 s30, s13;
	s30 =	smov.u32 s7;
	[sflag:s21] =	ssyncadd.s32 $0xFFFFFFB0  }
0x49: {  	[tilespmem:s22], [sflag:$0x4] =	stream.linear.gather [hbm4b:s3+s2], $0x50, $0x38;
	[tilespmem:$0x19200] =	vst v63  }
0x4a: {  	_ =	swait.ge [sflag:s21], $0x50  }
0x4b: {  	[sflag:s21] =	ssyncset.done $0x0  }
0x4c: {  	[sflag:s21] =	ssyncadd.s32 $0xFFFFFFB0  }
0x4d: {  	[tilespmem:s23], [sflag:$0x2] =	stream.indirect.gather [hbm4b:s6+s18], $0x80, s20, s18, $0xb8;
	[tilespmem:$0x19200] =	vst v63  }
0x4e: {  	_ =	swait.ge [sflag:s25], $0x2800  }
0x4f: {  	[sflag:s25] =	ssyncset.done $0x0  }
0x50: {  	[sflag:s25] =	ssyncadd.s32 $0xFFFFD800  }
0x51: {  	[spmem:s1] =	stream.indirect.scatter.add.f32 [tilespmem:s19], [sflag:$0x4], $0x80, s17, s18, $0xb8;
	[tilespmem:$0x19200] =	vst v63  }
0x52: {  	_ =	swait.ge [sflag:s21], $0x2800  }
0x53: {  	s3 =	sshrl.u32 s29, $0x3;
	[sflag:s21] =	ssyncset.done $0x0  }
0x54: {  	s7 =	sadd.s32 s4, s3;
	[sflag:s21] =	ssyncadd.s32 $0xFFFFD800  }
0x55: {  	[tilespmem:s2], [sflag:$0x4] =	stream.linear.gather [hbm4b:s7+s2], $0x50, $0x38;
	[tilespmem:$0x19200] =	vst v63  }
0x56: {  	_ =	swait.ge [sflag:s21], $0x50  }
0x57: {  	[sflag:s21] =	ssyncset.done $0x0  }
0x58: {  	s3 =	sadd.s32 s5, s3;
	[sflag:s21] =	ssyncadd.s32 $0xFFFFFFB0  }
0x59: {  	[tilespmem:s17], [sflag:$0x4] =	stream.linear.gather [hbm4b:s3+s2], $0x50, $0x38;
	[tilespmem:$0x19200] =	vst v63  }
0x5a: {  	_ =	swait.ge [sflag:s21], $0x50  }
0x5b: {  	[sflag:s21] =	ssyncset.done $0x0  }
0x5c: {  	[sflag:s21] =	ssyncadd.s32 $0xFFFFFFB0  }
0x5d: {  	[tilespmem:s19], [sflag:$0x1] =	stream.indirect.gather [hbm4b:s6+s18], $0x80, s2, s18, $0xb8;
	[tilespmem:$0x19200] =	vst v63  }
0x5e: {  	_ =	swait.ge [sflag:s26], $0x2800  }
.Ltmp0:
0x5f: {  	[sflag:s26] =	ssyncset.done $0x0;
	(pc) =	sbr.rel @p0 .LBB2_2-.Ltmp0, $4  }
0x60: {  	[sflag:s26] =	ssyncadd.s32 $0xFFFFD800  }
0x61: {  	[spmem:s1] =	stream.indirect.scatter.add.f32 [tilespmem:s23], [sflag:$0x3], $0x80, s22, s18, $0xb8;
	[tilespmem:$0x19200] =	vst v63  }
0x62: {  	_ =	swait.ge [sflag:s16], $0x2800  }
0x63: {  	s31 =	smov.u32 s0;
	s29 =	sadd.s32 $0xA0, s29;
	[sflag:s16] =	ssyncset.done $0x0  }
0x64: {  	s0 =	sadd.s32 s30, s14;
	[sflag:s16] =	ssyncadd.s32 $0xFFFFD800  }
0x65: {  	[tilespmem:s20], [sflag:$0x4] =	stream.linear.gather [hbm4b:s0+s2], $0x50, $0x38;
	[tilespmem:$0x19200] =	vst v63  }
0x66: {  	_ =	swait.ge [sflag:s21], $0x50  }
0x67: {  	[sflag:s21] =	ssyncset.done $0x0  }
0x68: {  	s30 =	sadd.s32 s30, s13;
	[sflag:s21] =	ssyncadd.s32 $0xFFFFFFB0  }
0x69: {  	[tilespmem:s22], [sflag:$0x4] =	stream.linear.gather [hbm4b:s30+s2], $0x50, $0x38;
	[tilespmem:$0x19200] =	vst v63  }
0x6a: {  	_ =	swait.ge [sflag:s21], $0x50  }
0x6b: {  	[sflag:s21] =	ssyncset.done $0x0  }
0x6c: {  	[sflag:s21] =	ssyncadd.s32 $0xFFFFFFB0  }
0x6d: {  	[tilespmem:s23], [sflag:$0x2] =	stream.indirect.gather [hbm4b:s6+s18], $0x80, s20, s18, $0xb8;
	[tilespmem:$0x19200] =	vst v63  }
0x6e: {  	_ =	swait.ge [sflag:s25], $0x2800  }
0x6f: {  	[sflag:s25] =	ssyncset.done $0x0  }
0x70: {  	[sflag:s25] =	ssyncadd.s32 $0xFFFFD800  }
0x71: {  	[spmem:s1] =	stream.indirect.scatter.add.f32 [tilespmem:s19], [sflag:$0x4], $0x80, s17, s18, $0xb8;
	[tilespmem:$0x19200] =	vst v63  }
0x72: {  	_ =	swait.ge [sflag:s21], $0x2800  }
0x73: {  	s31 =	sshrl.u32 s29, $0x3;
	[sflag:s21] =	ssyncset.done $0x0  }
0x74: {  	s3 =	sadd.s32 s4, s31;
	[sflag:s21] =	ssyncadd.s32 $0xFFFFD800  }
0x75: {  	[tilespmem:s2], [sflag:$0x4] =	stream.linear.gather [hbm4b:s3+s2], $0x50, $0x38;
	[tilespmem:$0x19200] =	vst v63  }
0x76: {  	_ =	swait.ge [sflag:s21], $0x50  }
0x77: {  	[sflag:s21] =	ssyncset.done $0x0  }
0x78: {  	s0 =	sadd.s32 s5, s31;
	[sflag:s21] =	ssyncadd.s32 $0xFFFFFFB0  }
0x79: {  	[tilespmem:s17], [sflag:$0x4] =	stream.linear.gather [hbm4b:s0+s2], $0x50, $0x38;
	[tilespmem:$0x19200] =	vst v63  }
0x7a: {  	_ =	swait.ge [sflag:s21], $0x50  }
0x7b: {  	[sflag:s21] =	ssyncset.done $0x0  }
0x7c: {  	[sflag:s21] =	ssyncadd.s32 $0xFFFFFFB0  }
0x7d: {  	[tilespmem:s19], [sflag:$0x1] =	stream.indirect.gather [hbm4b:s6+s18], $0x80, s2, s18, $0xb8;
	[tilespmem:$0x19200] =	vst v63  }
0x7e: {  	_ =	swait.ge [sflag:s26], $0x2800  }
0x7f: {  	[sflag:s26] =	ssyncset.done $0x0  }
0x80: {  	[sflag:s26] =	ssyncadd.s32 $0xFFFFD800  }
0x81: {  	[spmem:s1] =	stream.indirect.scatter.add.f32 [tilespmem:s23], [sflag:$0x3], $0x80, s22, s18, $0xb8;
	[tilespmem:$0x19200] =	vst v63  }
0x82: {  	_ =	swait.ge [sflag:s16], $0x2800  }
0x83: {  	[sflag:s16] =	ssyncset.done $0x0  }
0x84: {  	[sflag:s16] =	ssyncadd.s32 $0xFFFFD800  }
0x85: {  	_ =	swait.ge [sflag:s25], $0x2800  }
0x86: {  	[sflag:s25] =	ssyncset.done $0x0  }
0x87: {  	[sflag:s25] =	ssyncadd.s32 $0xFFFFD800  }
0x88: {  	[spmem:s1] =	stream.indirect.scatter.add.f32 [tilespmem:s19], [sflag:$0x4], $0x80, s17, s18, $0xb8;
	[tilespmem:$0x19200] =	vst v63  }
0x89: {  	_ =	swait.ge [sflag:s21], $0x2800  }
0x8a: {  	s28 =	sadd.s32 $0x1, s28;
	[sflag:s21] =	ssyncset.done $0x0  }
0x8b: {  	p0 =	sne.s32 s28, s11;
	[sflag:s21] =	ssyncadd.s32 $0xFFFFD800  }
.Ltmp1:
0x8c: {  	[bflag:$0x0] =	sbarrier.arrive $0xFFFF;
	(pc) =	sbr.rel @p0 .LBB2_1-.Ltmp1, $4  }
0x8d: {  	[hbm:s24], [sflag:s8] =	dma.local [spmem:s15], $0x2800  }
0x8e: {  	_ =	swait.ge [sflag:s16], $0x2800  }
0x8f: {  	[sflag:s16] =	ssyncset.done $0x0  }
0x90: {  	[sflag:s16] =	ssyncadd.s32 $0xFFFFD800  }
0x91: {  	_ =	sfence.sel $0x180000  }
0x92: {  	[bflag:$0x0] =	sbarrier.arrive $0xFFFF  }
0x93: {  	_ =	strace $0x9000004A  }
0x94: {  	s0 =	stileid.u32;
	[bflag:$0x2] =	sbarrier.arrive $0xFFFF  }
0x95: {  	p0 =	sne.s32 s0, $0x0;
	s0 =	rddreg [dreg:$0x2]  }
0x96: {  	s0 =	sadd.s32 @!p0 $0x100000, s0  }
0x97: {  	[sflag:s0] =	ssyncadd.tile.s32 @!p0 $0x1;
	_ =	shalt  }
.Lfunc_end2:
_tile_overlayer_lowered:
.L_overlay_start_2:
0x98: {  	(tag) =	ssettag $0x2  }
0x99: {  	s0 =	rddreg [dreg:$0x0];
	s2 =	stileid.u32  }
0x9a: {  	s1 =	rddreg [dreg:$0x1];
	p0 =	sne.s32 s2, $0x0  }
0x9b: {  	s3 =	rddreg [dreg:$0x2];
	[bflag:$0x3] =	sbarrier.arrive $0xFFFF;
	s2 =	simm.s32 @!p0 $0x1C03  }
0x9c: {  	[timem:s3], [sflag:s2] =	dma.local @!p0 [hbm:s0], s1  }
0x9d: {  	s0 =	simm.s32 @!p0 $0x3  }
0x9e: {  	_ =	swait.ge @!p0 [sflag:s0], s1  }
0x9f: {  	s1 =	ssub.s32 @!p0 $0x0, s1;
	[sflag:s0] =	ssyncset.done @!p0 $0x0  }
0xa0: {  	[sflag:s0] =	ssyncadd.s32 @!p0 s1  }
0xa1: {  	[bflag:$0x3] =	sbarrier.arrive $0xFFFF  }
0xa2: {  	_ =	shalt  }

// kernel: kernel.25.cloned.1.call-start
scs
__scs_entry_jumppad:
0x0: {  	(pc) =	sbr.rel $0x88, $3  }
0x1: {  	(tag) =	ssettag $0x0;
	lr =	simm.s32 $0x1  }
0x2: {  	[smem:$0x3F93] =	sst lr;
	_ =	strace $0xD0000000  }
0x3: {  	_ = 	snop  }
0x4: {  	_ = 	snop  }
0x5: {  	_ = 	snop  }
0x6: {  	_ = 	snop  }
0x7: {  	_ = 	snop  }
__scs_overlays_trampoline_lowered:
0x8: {  	[smem:$0x3FA2] =	sst s0  }
0x9: {  	[smem:$0x3FA3] =	sst s1  }
0xa: {  	[smem:$0x3FA4] =	sst s2  }
0xb: {  	[smem:$0x3FA5] =	sst s3  }
0xc: {  	[smem:$0x3FA6] =	sst s4  }
0xd: {  	[smem:$0x3FA7] =	sst s5  }
0xe: {  	[smem:$0x3FA8] =	sst s6  }
0xf: {  	[smem:$0x3FA9] =	sst s7  }
0x10: {  	[smem:$0x3FAA] =	sst s8  }
0x11: {  	[smem:$0x3FAB] =	sst s9;
	s0 =	simm.s32 @!p0 $0x0  }
0x12: {  	s1 =	sld [smem:$0x3F91];
	s0 =	simm.s32 @p0 $0x1  }
0x13: {  	[smem:$0x3FAC] =	sst s0;
	s0 =	simm.s32 @!p1 $0x0  }
0x14: {  	s2 =	sld [smem:$0x3F90];
	s0 =	simm.s32 @p1 $0x1  }
0x15: {  	[smem:$0x3FAD] =	sst s0;
	s0 =	simm.s32 @!p2 $0x0  }
0x16: {  	s3 =	sld [smem:$0x3FDB];
	s0 =	simm.s32 @p2 $0x1  }
0x17: {  	s4 =	simm.s32 $0x1BF5;
	[smem:$0x3FAF] =	sst s0  }
0x18: {  	s0 =	sld [smem:$0x3F92];
	_ =	swait.ge [sflag:s4], $0x0  }
0x19: {  	s7 =	sld [smem:$0x3F93]  }
0x1a: {  	s8 =	sadd.s32 $0xFFFFE003, lr  }
0x1b: {  	s9 =	sadd.s32 $0xFFFFFEF7, lr;
	s5 =	simm.s32 $0xFFFFFFFF;
	p2 =	slt.u32 s8, $0xFFFFF086  }
0x1c: {  	p1 =	slt.u32 s9, $0xF7A;
	s5 =	simm.s32 @!p2 $0x0  }
0x1d: {  	s5 =	simm.s32 @p1 $0x1;
	p0 =	seq.s32 s7, s2  }
0x1e: {  	s7 =	smul.u32 @!p0 $0xF7A, s2;
	p2 =	seq.s32 @!p0 s5, $0x0  }
0x1f: {  	s9 =	smul.u32 $0xF7A, s1;
	s8 =	simm.s32 @!p0 $0x1BF5;
	p2 =	por !p2, p0  }
0x20: {  	[sflag:s8] =	ssyncset.s32 @!p0 $0xFFFFF086;
	s6 =	sadd.s32 @!p0 s3, s7;
	s7 =	simm.s32 @!p0 $0x108  }
0x21: {  	s3 =	sadd.s32 s3, s9;
	s6 =	sadd.s32 @!p0 $0x88, s6;
	s7 =	simm.s32 @p2 $0x1082  }
0x22: {  	[simem:s7], [sflag:s8] =	dma.local @!p0 [hbm:s6], $0xF7A  }
0x23: {  	s9 =	sor.u32 $0xD0000000, s2;
	s6 =	simm.s32 $0x108;
	_ =	swait.ge @!p0 [sflag:s8], $0x0  }
0x24: {  	s3 =	sadd.s32 $0x88, s3;
	s6 =	simm.s32 @!p1 $0x1082;
	[sflag:s4] =	ssyncset.s32 $0xFFFFF086  }
0x25: {  	[simem:s6], [sflag:s4] =	dma.local [hbm:s3], $0xF7A  }
0x26: {  	[smem:$0x3F93] =	sst s1;
	(tag) =	ssettag s2;
	_ =	strace s9  }
0x27: {  	s1 =	sld [smem:$0x3FA3]  }
0x28: {  	s2 =	sld [smem:$0x3FA4]  }
0x29: {  	s4 =	sld [smem:$0x3FA6]  }
0x2a: {  	p0 =	seq.s32 s5, $0x0;
	s5 =	sld [smem:$0x3FA7]  }
0x2b: {  	s6 =	sld [smem:$0x3FA8]  }
0x2c: {  	s7 =	sld [smem:$0x3FA9]  }
0x2d: {  	s3 =	simm.s32 $0x108;
	s8 =	sld [smem:$0x3FAA]  }
0x2e: {  	s3 =	simm.s32 @!p0 $0x1082;
	s9 =	sld [smem:$0x3FAB]  }
0x2f: {  	lr =	sadd.s32 s0, s3;
	s0 =	sld [smem:$0x3FA2]  }
0x30: {  	s3 =	sld [smem:$0x3FA5]  }
0x31: {  	[smem:$0x3FAE] =	sst s10  }
0x32: {  	s10 =	sld [smem:$0x3FAC];
	_ =	sdelay $0x3  }
0x33: {  	p0 =	seq.s32 s10, $0x1;
	s10 =	sld [smem:$0x3FAE];
	_ =	sdelay $0x3  }
0x34: {  	[smem:$0x3FAE] =	sst s10  }
0x35: {  	s10 =	sld [smem:$0x3FAD];
	_ =	sdelay $0x3  }
0x36: {  	p1 =	seq.s32 s10, $0x1;
	s10 =	sld [smem:$0x3FAE];
	_ =	sdelay $0x3  }
0x37: {  	[smem:$0x3FAE] =	sst s10  }
0x38: {  	s10 =	sld [smem:$0x3FAF]  }
0x39: {  	_ = 	snop;
	(pc) =	sbr.ind lr, $3  }
0x3a: {  	_ = 	snop  }
0x3b: {  	_ = 	snop  }
0x3c: {  	p2 =	seq.s32 s10, $0x1;
	s10 =	sld [smem:$0x3FAE]  }
0x3d: {  	_ =	shalt  }
0x3e: {  	_ =	shalt  }
0x3f: {  	_ =	shalt  }
0x40: {  	_ =	shalt  }
0x41: {  	_ =	shalt  }
0x42: {  	_ =	shalt  }
0x43: {  	_ =	shalt  }
0x44: {  	_ =	shalt  }
0x45: {  	_ =	shalt  }
0x46: {  	_ =	shalt  }
0x47: {  	_ =	shalt  }
0x48: {  	_ =	shalt  }
0x49: {  	_ =	shalt  }
0x4a: {  	_ =	shalt  }
0x4b: {  	_ =	shalt  }
0x4c: {  	_ =	shalt  }
0x4d: {  	_ =	shalt  }
0x4e: {  	_ =	shalt  }
0x4f: {  	_ =	shalt  }
0x50: {  	_ =	shalt  }
0x51: {  	_ =	shalt  }
0x52: {  	_ =	shalt  }
0x53: {  	_ =	shalt  }
0x54: {  	_ =	shalt  }
0x55: {  	_ =	shalt  }
0x56: {  	_ =	shalt  }
0x57: {  	_ =	shalt  }
0x58: {  	_ =	shalt  }
0x59: {  	_ =	shalt  }
0x5a: {  	_ =	shalt  }
0x5b: {  	_ =	shalt  }
0x5c: {  	_ =	shalt  }
0x5d: {  	_ =	shalt  }
0x5e: {  	_ =	shalt  }
0x5f: {  	_ =	shalt  }
0x60: {  	_ =	shalt  }
0x61: {  	_ =	shalt  }
0x62: {  	_ =	shalt  }
0x63: {  	_ =	shalt  }
0x64: {  	_ =	shalt  }
0x65: {  	_ =	shalt  }
0x66: {  	_ =	shalt  }
0x67: {  	_ =	shalt  }
0x68: {  	_ =	shalt  }
0x69: {  	_ =	shalt  }
0x6a: {  	_ =	shalt  }
0x6b: {  	_ =	shalt  }
0x6c: {  	_ =	shalt  }
0x6d: {  	_ =	shalt  }
0x6e: {  	_ =	shalt  }
0x6f: {  	_ =	shalt  }
0x70: {  	_ =	shalt  }
0x71: {  	_ =	shalt  }
0x72: {  	_ =	shalt  }
0x73: {  	_ =	shalt  }
0x74: {  	_ =	shalt  }
0x75: {  	_ =	shalt  }
0x76: {  	_ =	shalt  }
0x77: {  	_ =	shalt  }
0x78: {  	_ =	shalt  }
0x79: {  	_ =	shalt  }
0x7a: {  	_ =	shalt  }
0x7b: {  	_ =	shalt  }
0x7c: {  	_ =	shalt  }
0x7d: {  	_ =	shalt  }
0x7e: {  	_ =	shalt  }
0x7f: {  	_ =	shalt  }
0x80: {  	_ =	shalt  }
0x81: {  	_ =	shalt  }
0x82: {  	_ =	shalt  }
0x83: {  	_ =	shalt  }
0x84: {  	_ =	shalt  }
0x85: {  	_ =	shalt  }
0x86: {  	_ =	shalt  }
0x87: {  	_ =	shalt  }
.Lfunc_end0:
.L_simem_size_0:
called_computation.3_lowered:
.L_overlay_start_0:
0x88: {  	s2 =	sld [smem:$0x3FD9]  }
0x89: {  	s3 =	sld [smem:$0x3FFE];
	_ =	sdelay $0x1  }
0x8a: {  	s1 =	srdreg.scid  }
0x8b: {  	s0 =	sand.u32 $0x1, s1  }
0x8c: {  	s16 =	sshll.u32 s0, $0xA;
	s2 =	sadd.s32 s3, s2  }
0x8d: {  	s2 =	sadd.s32 s2, s16  }
0x8e: {  	[smem:$0x3FBA] =	sst s2  }
0x8f: {  	_ = 	snop  }
0x90: {  	(tm) =	ssettm $0x1  }
0x91: {  	s17 =	sld [smem:$0x3FFB];
	_ =	sdelay $0x3  }
0x92: {  	_ =	strace s17  }
0x93: {  	s2 =	sld [smem:$0x3FFC];
	_ =	sdelay $0x3  }
0x94: {  	_ =	strace s2  }
0x95: {  	s2 =	sld [smem:$0x3FFD];
	_ =	sdelay $0x3  }
0x96: {  	_ =	strace s2  }
0x97: {  	_ =	strace $0x8FFFFFFF  }
0x98: {  	s18 =	sld [smem:$0x3FDB];
	_ =	sdelay $0x1  }
0x99: {  	s19 =	simm.s32 $_scs_section_size  }
0x9a: {  	s4 =	simm.s32 $_size__tile_overlayer_lowered;
	s5 =	simm.s32 $_tile_overlayer_lowered  }
0x9b: {  	s22 =	simm.s32 $0x1BFF;
	s21 =	sshll.u32 s5, $0x1;
	s2 =	sadd.s32 s19, s18  }
0x9c: {  	s6 =	simm.s32 $0x0;
	s20 =	sshll.u32 s4, $0x1;
	s4 =	sadd.s32 s21, s2  }
0x9d: {  	[timem:s6], [sflag:s22] =	dma.local [hbm:s4], s20  }
0x9e: {  	_ =	swait.ge [sflag:s22], s20  }
0x9f: {  	s3 =	ssub.s32 $0x0, s20;
	[sflag:s22] =	ssyncset.done $0x0  }
0xa0: {  	[sflag:s22] =	ssyncadd.s32 s3;
	_ =	sdelay $0x1  }
0xa1: {  	s23 =	simm.s32 $0x1B8B  }
0xa2: {  	_ =	swait.ge [sflag:s23], $0x1  }
0xa3: {  	[sflag:s23] =	ssyncset.done $0x0  }
0xa4: {  	s25 =	simm.s32 $0x1B8E;
	s24 =	sld [smem:$0x3FFE];
	[sflag:s23] =	ssyncadd.s32 $0xFFFFFFFF  }
0xa5: {  	s26 =	simm.s32 $execute0_lowered;
	[smem:$0x3FD2] =	sst s25  }
0xa6: {  	s4 =	sshll.u32 s26, $0x1;
	_ =	strace $0x8000004C;
	[dreg:$0x1] =	wrdreg $0xFFFFFFFF  }
0xa7: {  	s28 =	simm.s32 $_size_execute0_lowered;
	s2 =	sadd.s32 s2, s4;
	[dreg:$0x0] =	wrdreg $0x0  }
0xa8: {  	s4 =	sshll.u32 s28, $0x1;
	[dreg:$0x2] =	wrdreg s2  }
0xa9: {  	[dreg:$0x3] =	wrdreg s4  }
0xaa: {  	[dreg:$0x4] =	wrdreg $0xC0  }
0xab: {  	_ =	task [dreg:s6], $0x5FFFF  }
0xac: {  	[dreg:$0x1] =	wrdreg $0xFFFFFFFF  }
0xad: {  	[dreg:$0x0] =	wrdreg $0x60  }
0xae: {  	[dreg:$0x2] =	wrdreg s24  }
0xaf: {  	[dreg:$0x3] =	wrdreg $0x52000  }
0xb0: {  	[dreg:$0x4] =	wrdreg $0x9  }
0xb1: {  	_ =	task.clear_ibuf [dreg:s6], $0x5FFFF;
	_ =	strace $0x9000004C  }
0xb2: {  	s29 =	simm.s32 $0x9;
	_ =	strace $0x8000004E  }
0xb3: {  	_ =	swait.ge [sflag:s29], $0x1  }
0xb4: {  	[sflag:s29] =	ssyncadd.s32 $0xFFFFFFFF  }
0xb5: {  	_ =	strace $0x9000004E  }
0xb6: {  	_ =	sfence  }
0xb7: {  	s30 =	sld [smem:$0x0];
	_ =	sdelay $0x2  }
0xb8: {  	s31 =	sshll.u32 s1, $0xD;
	s1 =	sshrl.u32 s1, $0x2  }
0xb9: {  	s3 =	sand.u32 $0x4000, s31;
	s1 =	sadd.s32 s1, s30  }
0xba: {  	s0 =	sor.u32 s3, s0;
	s1 =	sshll.u32 s1, $0x11  }
0xbb: {  	s0 =	sor.u32 s1, s0  }
0xbc: {  	s0 =	sadd.s32 $0x8F2B, s0  }
0xbd: {  	[sflag:s0] =	ssyncadd.remote.s32 $0x1  }
0xbe: {  	_ =	sfence.sel $0xFFFF  }
0xbf: {  	[dreg:$0x0] =	wrdreg $0xFFFFFFFF;
	(pc) =	sbr.abs _section_cstart, $3  }
0xc0: {  	[dreg:$0x1] =	wrdreg $0xFFFFFFFF  }
0xc1: {  	_ =	task.clear_ibuf [dreg:s6], $0x2FFFF;
	_ =	strace $0x9FFFFFFF  }
0xc2: {  	(tm) =	ssettm $0x7FFFFFFF  }
0xc3: {  	_ =	shalt  }
tec
execute0_lowered:
.L_overlay_start_1:
0x0: {  	(tag) =	ssettag $0x1  }
0x1: {  	s0 =	rddreg [dreg:$0x0]  }
0x2: {  	s1 =	rddreg [dreg:$0x1];
	s2 =	simm.s32 $0x0;
	s4 =	srdreg.scid  }
0x3: {  	s17 =	stileid.u32;
	s18 =	simm.s32 $0x50;
	s19 =	simm.s32 $0x100  }
0x4: {  	s28 =	simm.s32 $0x2;
	s29 =	simm.s32 $0x0;
	[smem:$0x7FF] =	sst s2  }
0x5: {  	s3 =	sadd.s32 $0x10400, s0;
	s13 =	sadd.s32 $0x6600, s0;
	s7 =	smul.u32 $0x50000, s17  }
0x6: {  	s9 =	sadd.s32 $0x61D400, s0;
	s5 =	sand.u32 $0x1, s4;
	s10 =	smul.u32 $0x4E20, s17  }
0x7: {  	s4 =	sadd.s32 $0x1A800, s0;
	s0 =	sadd.s32 $0x6B9800, s0;
	s24 =	smul.u32 $0x2800, s17  }
0x8: {  	s22 =	sshll.u32 s17, $0x6;
	s25 =	smul.u32 $0x9C4, s17;
	s17 =	simm.s32 $0x80  }
0x9: {  	_ =	strace $0x8000004D;
	s6 =	ssub.s32 $0x2, s5;
	s21 =	smul.u32 $0x4E200, s5  }
0xa: {  	s12 =	smul.u32 $0x50000, s5;
	s23 =	sshllo.u32 s5, $0x1;
	s5 =	sor.u32 $0x1C03, s22  }
0xb: {  	s22 =	simm.s32 $0x2980;
	s8 =	sshrl.u32 s6, $0x1;
	s16 =	smul.u32 $0x27100, s23  }
0xc: {  	s20 =	sshrl.u32 s7, $0x2;
	s14 =	sshrl.u32 s10, $0x3;
	s10 =	smul.u32 $0x28000, s23  }
0xd: {  	s11 =	ssub.s32 s6, s8;
	s15 =	sadd.s32 s20, s1;
	s6 =	sadd.s32 s3, s14  }
0xe: {  	s7 =	sadd.s32 s13, s14;
	s8 =	sadd.s32 s9, s21;
	s23 =	sadd.s32 s0, s12  }
0xf: {  	s30 =	sadd.s32 $0x9BA, s14;
	s14 =	sadd.s32 s25, s3;
	s20 =	simm.s32 $0x2900  }
0x10: {  	s21 =	simm.s32 $0x4;
	s9 =	sadd.s32 s9, s16;
	s0 =	sadd.s32 s0, s10  }
0x11: {  	s26 =	smax.u32 s11, $0x1;
	s11 =	sadd.s32 s3, s30;
	s12 =	sadd.s32 s13, s30  }
0x12: {  	s13 =	sadd.s32 s25, s13;
	s15 =	sshrl.u32 s15, $0x3;
	s16 =	simm.s32 $0x3  }
0x13: {  	s31 =	sadd.s32 s24, s23;
	s25 =	simm.s32 $0x2A00;
	[dreg:$0x3] =	wrdreg s26  }
0x14: {  	[dreg:$0x4] =	wrdreg s31;
	s24 =	sadd.s32 s24, s0;
	s26 =	simm.s32 $0x1  }
.LBB2_1:
0x15: {  	[spmem:s15], [sflag:s5] =	dma.local [hbm:s4], $0x2800  }
0x16: {  	_ =	swait.ge [sflag:s16], $0x2800  }
0x17: {  	[sflag:s16] =	ssyncset.done $0x0  }
0x18: {  	[sflag:s16] =	ssyncadd.s32 $0xFFFFD800  }
0x19: {  	[bflag:$0x0] =	sbarrier.arrive $0xFFFF  }
0x1a: {  	[tilespmem:s2], [sflag:$0x3] =	stream.linear.gather [hbm4b:s6+s2], $0x50, $0x38;
	[tilespmem:$0x19200] =	vst v63  }
0x1b: {  	_ =	swait.ge [sflag:s16], $0x50  }
0x1c: {  	[sflag:s16] =	ssyncset.done $0x0  }
0x1d: {  	[sflag:s16] =	ssyncadd.s32 $0xFFFFFFB0  }
0x1e: {  	[tilespmem:s17], [sflag:$0x3] =	stream.linear.gather [hbm4b:s7+s2], $0x50, $0x38;
	[tilespmem:$0x19200] =	vst v63  }
0x1f: {  	_ =	swait.ge [sflag:s16], $0x50  }
0x20: {  	[sflag:s16] =	ssyncset.done $0x0  }
0x21: {  	s0 =	sadd.s32 $0xFFFFF650, s14;
	[sflag:s16] =	ssyncadd.s32 $0xFFFFFFB0  }
0x22: {  	[tilespmem:s19], [sflag:$0x1] =	stream.indirect.gather [hbm4b:s8+s18], $0x80, s2, s18, $0xb8;
	[tilespmem:$0x19200] =	vst v63  }
0x23: {  	s3 =	sadd.s32 $0x9BA, s0  }
0x24: {  	[tilespmem:s20], [sflag:$0x4] =	stream.linear.gather [hbm4b:s3+s2], $0x50, $0x38;
	[tilespmem:$0x19200] =	vst v63  }
0x25: {  	_ =	swait.ge [sflag:s21], $0x50  }
0x26: {  	s10 =	sadd.s32 $0xFFFFF650, s13;
	[sflag:s21] =	ssyncset.done $0x0  }
0x27: {  	s30 =	sadd.s32 $0x9BA, s10;
	[sflag:s21] =	ssyncadd.s32 $0xFFFFFFB0  }
0x28: {  	[tilespmem:s22], [sflag:$0x4] =	stream.linear.gather [hbm4b:s30+s2], $0x50, $0x38;
	[tilespmem:$0x19200] =	vst v63  }
0x29: {  	_ =	swait.ge [sflag:s21], $0x50  }
0x2a: {  	[sflag:s21] =	ssyncset.done $0x0  }
0x2b: {  	[sflag:s21] =	ssyncadd.s32 $0xFFFFFFB0  }
0x2c: {  	[tilespmem:s25], [sflag:$0x2] =	stream.indirect.gather [hbm4b:s8+s18], $0x80, s20, s18, $0xb8;
	[tilespmem:$0x19200] =	vst v63  }
0x2d: {  	_ =	swait.ge [sflag:s26], $0x2800  }
0x2e: {  	[sflag:s26] =	ssyncset.done $0x0  }
0x2f: {  	[sflag:s26] =	ssyncadd.s32 $0xFFFFD800  }
0x30: {  	[spmem:s1] =	stream.indirect.scatter.add.f32 [tilespmem:s19], [sflag:$0x4], $0x80, s17, s18, $0xb8;
	[tilespmem:$0x19200] =	vst v63  }
0x31: {  	_ =	swait.ge [sflag:s21], $0x2800  }
0x32: {  	[sflag:s21] =	ssyncset.done $0x0  }
0x33: {  	s0 =	sadd.s32 $0x9C4, s0;
	[sflag:s21] =	ssyncadd.s32 $0xFFFFD800  }
0x34: {  	[tilespmem:s2], [sflag:$0x4] =	stream.linear.gather [hbm4b:s0+s2], $0x50, $0x38;
	[tilespmem:$0x19200] =	vst v63  }
0x35: {  	_ =	swait.ge [sflag:s21], $0x50  }
0x36: {  	[sflag:s21] =	ssyncset.done $0x0  }
0x37: {  	s23 =	sadd.s32 $0x9C4, s10;
	[sflag:s21] =	ssyncadd.s32 $0xFFFFFFB0  }
0x38: {  	[tilespmem:s17], [sflag:$0x4] =	stream.linear.gather [hbm4b:s23+s2], $0x50, $0x38;
	[tilespmem:$0x19200] =	vst v63  }
0x39: {  	_ =	swait.ge [sflag:s21], $0x50  }
0x3a: {  	[sflag:s21] =	ssyncset.done $0x0  }
0x3b: {  	[sflag:s21] =	ssyncadd.s32 $0xFFFFFFB0  }
0x3c: {  	[tilespmem:s19], [sflag:$0x1] =	stream.indirect.gather [hbm4b:s8+s18], $0x80, s2, s18, $0xb8;
	[tilespmem:$0x19200] =	vst v63  }
0x3d: {  	_ =	swait.ge [sflag:s28], $0x2800  }
0x3e: {  	[sflag:s28] =	ssyncset.done $0x0  }
0x3f: {  	[sflag:s28] =	ssyncadd.s32 $0xFFFFD800  }
0x40: {  	[spmem:s1] =	stream.indirect.scatter.add.f32 [tilespmem:s25], [sflag:$0x3], $0x80, s22, s18, $0xb8;
	[tilespmem:$0x19200] =	vst v63  }
0x41: {  	s31 =	simm.s32 $0xFFFFF678;
	_ =	swait.ge [sflag:s16], $0x2800  }
0x42: {  	s30 =	simm.s32 $0xFFFFF664;
	s0 =	sadd.s32 $0xFFFFF664, s14;
	[sflag:s16] =	ssyncset.done $0x0  }
.LBB2_2:
0x43: {  	s10 =	sadd.s32 $0x9BA, s0  }
0x44: {  	[sflag:s16] =	ssyncadd.s32 $0xFFFFD800;
	s23 =	smov.u32 s31;
	s3 =	sadd.s32 $0x14, s31  }
0x45: {  	[tilespmem:s20], [sflag:$0x4] =	stream.linear.gather [hbm4b:s10+s2], $0x50, $0x38;
	[tilespmem:$0x19200] =	vst v63  }
0x46: {  	p0 =	sne.s32 s31, $0xFFFFFFEC;
	_ =	swait.ge [sflag:s21], $0x50  }
0x47: {  	s10 =	sadd.s32 s30, s13;
	s30 =	smov.u32 s23;
	[sflag:s21] =	ssyncset.done $0x0  }
0x48: {  	s23 =	sadd.s32 $0x9BA, s10;
	[sflag:s21] =	ssyncadd.s32 $0xFFFFFFB0  }
0x49: {  	[tilespmem:s22], [sflag:$0x4] =	stream.linear.gather [hbm4b:s23+s2], $0x50, $0x38;
	[tilespmem:$0x19200] =	vst v63  }
0x4a: {  	_ =	swait.ge [sflag:s21], $0x50  }
0x4b: {  	[sflag:s21] =	ssyncset.done $0x0  }
0x4c: {  	[sflag:s21] =	ssyncadd.s32 $0xFFFFFFB0  }
0x4d: {  	[tilespmem:s25], [sflag:$0x2] =	stream.indirect.gather [hbm4b:s8+s18], $0x80, s20, s18, $0xb8;
	[tilespmem:$0x19200] =	vst v63  }
0x4e: {  	_ =	swait.ge [sflag:s26], $0x2800  }
0x4f: {  	[sflag:s26] =	ssyncset.done $0x0  }
0x50: {  	[sflag:s26] =	ssyncadd.s32 $0xFFFFD800  }
0x51: {  	[spmem:s1] =	stream.indirect.scatter.add.f32 [tilespmem:s19], [sflag:$0x4], $0x80, s17, s18, $0xb8;
	[tilespmem:$0x19200] =	vst v63  }
0x52: {  	_ =	swait.ge [sflag:s21], $0x2800  }
0x53: {  	[sflag:s21] =	ssyncset.done $0x0  }
0x54: {  	s0 =	sadd.s32 $0x9C4, s0;
	[sflag:s21] =	ssyncadd.s32 $0xFFFFD800  }
0x55: {  	[tilespmem:s2], [sflag:$0x4] =	stream.linear.gather [hbm4b:s0+s2], $0x50, $0x38;
	[tilespmem:$0x19200] =	vst v63  }
0x56: {  	_ =	swait.ge [sflag:s21], $0x50  }
0x57: {  	[sflag:s21] =	ssyncset.done $0x0  }
0x58: {  	s0 =	sadd.s32 $0x9C4, s10;
	[sflag:s21] =	ssyncadd.s32 $0xFFFFFFB0  }
0x59: {  	[tilespmem:s17], [sflag:$0x4] =	stream.linear.gather [hbm4b:s0+s2], $0x50, $0x38;
	[tilespmem:$0x19200] =	vst v63  }
0x5a: {  	_ =	swait.ge [sflag:s21], $0x50  }
0x5b: {  	[sflag:s21] =	ssyncset.done $0x0  }
0x5c: {  	[sflag:s21] =	ssyncadd.s32 $0xFFFFFFB0  }
0x5d: {  	[tilespmem:s19], [sflag:$0x1] =	stream.indirect.gather [hbm4b:s8+s18], $0x80, s2, s18, $0xb8;
	[tilespmem:$0x19200] =	vst v63  }
0x5e: {  	_ =	swait.ge [sflag:s28], $0x2800  }
.Ltmp0:
0x5f: {  	[sflag:s28] =	ssyncset.done $0x0;
	(pc) =	sbr.rel @p0 .LBB2_2-.Ltmp0, $4  }
0x60: {  	[sflag:s28] =	ssyncadd.s32 $0xFFFFD800  }
0x61: {  	[spmem:s1] =	stream.indirect.scatter.add.f32 [tilespmem:s25], [sflag:$0x3], $0x80, s22, s18, $0xb8;
	[tilespmem:$0x19200] =	vst v63  }
0x62: {  	_ =	swait.ge [sflag:s16], $0x2800  }
0x63: {  	s31 =	smov.u32 s3;
	s0 =	sadd.s32 s30, s14;
	[sflag:s16] =	ssyncset.done $0x0  }
0x64: {  	s3 =	sadd.s32 $0x9BA, s0;
	[sflag:s16] =	ssyncadd.s32 $0xFFFFD800  }
0x65: {  	[tilespmem:s20], [sflag:$0x4] =	stream.linear.gather [hbm4b:s3+s2], $0x50, $0x38;
	[tilespmem:$0x19200] =	vst v63  }
0x66: {  	_ =	swait.ge [sflag:s21], $0x50  }
0x67: {  	s23 =	sadd.s32 s30, s13;
	[sflag:s21] =	ssyncset.done $0x0  }
0x68: {  	s10 =	sadd.s32 $0x9BA, s23;
	[sflag:s21] =	ssyncadd.s32 $0xFFFFFFB0  }
0x69: {  	[tilespmem:s22], [sflag:$0x4] =	stream.linear.gather [hbm4b:s10+s2], $0x50, $0x38;
	[tilespmem:$0x19200] =	vst v63  }
0x6a: {  	_ =	swait.ge [sflag:s21], $0x50  }
0x6b: {  	[sflag:s21] =	ssyncset.done $0x0  }
0x6c: {  	[sflag:s21] =	ssyncadd.s32 $0xFFFFFFB0  }
0x6d: {  	[tilespmem:s25], [sflag:$0x2] =	stream.indirect.gather [hbm4b:s8+s18], $0x80, s20, s18, $0xb8;
	[tilespmem:$0x19200] =	vst v63  }
0x6e: {  	_ =	swait.ge [sflag:s26], $0x2800  }
0x6f: {  	[sflag:s26] =	ssyncset.done $0x0  }
0x70: {  	[sflag:s26] =	ssyncadd.s32 $0xFFFFD800  }
0x71: {  	[spmem:s1] =	stream.indirect.scatter.add.f32 [tilespmem:s19], [sflag:$0x4], $0x80, s17, s18, $0xb8;
	[tilespmem:$0x19200] =	vst v63  }
0x72: {  	_ =	swait.ge [sflag:s21], $0x2800  }
0x73: {  	[sflag:s21] =	ssyncset.done $0x0  }
0x74: {  	s31 =	sadd.s32 $0x9C4, s0;
	[sflag:s21] =	ssyncadd.s32 $0xFFFFD800  }
0x75: {  	[tilespmem:s2], [sflag:$0x4] =	stream.linear.gather [hbm4b:s31+s2], $0x50, $0x38;
	[tilespmem:$0x19200] =	vst v63  }
0x76: {  	_ =	swait.ge [sflag:s21], $0x50  }
0x77: {  	[sflag:s21] =	ssyncset.done $0x0  }
0x78: {  	s3 =	sadd.s32 $0x9C4, s23;
	[sflag:s21] =	ssyncadd.s32 $0xFFFFFFB0  }
0x79: {  	[tilespmem:s17], [sflag:$0x4] =	stream.linear.gather [hbm4b:s3+s2], $0x50, $0x38;
	[tilespmem:$0x19200] =	vst v63  }
0x7a: {  	_ =	swait.ge [sflag:s21], $0x50  }
0x7b: {  	[sflag:s21] =	ssyncset.done $0x0  }
0x7c: {  	[sflag:s21] =	ssyncadd.s32 $0xFFFFFFB0  }
0x7d: {  	[tilespmem:s19], [sflag:$0x1] =	stream.indirect.gather [hbm4b:s8+s18], $0x80, s2, s18, $0xb8;
	[tilespmem:$0x19200] =	vst v63  }
0x7e: {  	_ =	swait.ge [sflag:s28], $0x2800  }
0x7f: {  	[sflag:s28] =	ssyncset.done $0x0  }
0x80: {  	[sflag:s28] =	ssyncadd.s32 $0xFFFFD800  }
0x81: {  	[spmem:s1] =	stream.indirect.scatter.add.f32 [tilespmem:s25], [sflag:$0x3], $0x80, s22, s18, $0xb8;
	[tilespmem:$0x19200] =	vst v63  }
0x82: {  	_ =	swait.ge [sflag:s16], $0x2800  }
0x83: {  	[sflag:s16] =	ssyncset.done $0x0  }
0x84: {  	[sflag:s16] =	ssyncadd.s32 $0xFFFFD800  }
0x85: {  	[tilespmem:s20], [sflag:$0x4] =	stream.linear.gather [hbm4b:s11+s2], $0x50, $0x38;
	[tilespmem:$0x19200] =	vst v63  }
0x86: {  	_ =	swait.ge [sflag:s21], $0x50  }
0x87: {  	[sflag:s21] =	ssyncset.done $0x0  }
0x88: {  	[sflag:s21] =	ssyncadd.s32 $0xFFFFFFB0  }
0x89: {  	[tilespmem:s22], [sflag:$0x4] =	stream.linear.gather [hbm4b:s12+s2], $0x50, $0x38;
	[tilespmem:$0x19200] =	vst v63  }
0x8a: {  	_ =	swait.ge [sflag:s21], $0x50  }
0x8b: {  	[sflag:s21] =	ssyncset.done $0x0  }
0x8c: {  	[sflag:s21] =	ssyncadd.s32 $0xFFFFFFB0  }
0x8d: {  	[tilespmem:s25], [sflag:$0x2] =	stream.indirect.gather [hbm4b:s8+s18], $0x80, s20, s18, $0xb8;
	[tilespmem:$0x19200] =	vst v63  }
0x8e: {  	_ =	swait.ge [sflag:s26], $0x2800  }
0x8f: {  	[sflag:s26] =	ssyncset.done $0x0  }
0x90: {  	[sflag:s26] =	ssyncadd.s32 $0xFFFFD800  }
0x91: {  	[spmem:s1] =	stream.indirect.scatter.add.f32 [tilespmem:s19], [sflag:$0x4], $0x80, s17, s18, $0xb8;
	[tilespmem:$0x19200] =	vst v63  }
0x92: {  	_ =	swait.ge [sflag:s21], $0x2800  }
0x93: {  	[sflag:s21] =	ssyncset.done $0x0  }
0x94: {  	[sflag:s21] =	ssyncadd.s32 $0xFFFFD800  }
0x95: {  	_ =	swait.ge [sflag:s28], $0x2800  }
0x96: {  	[sflag:s28] =	ssyncset.done $0x0  }
0x97: {  	[sflag:s28] =	ssyncadd.s32 $0xFFFFD800  }
0x98: {  	[spmem:s1] =	stream.indirect.scatter.add.f32 [tilespmem:s25], [sflag:$0x3], $0x80, s22, s18, $0xb8;
	[tilespmem:$0x19200] =	vst v63  }
0x99: {  	_ =	swait.ge [sflag:s16], $0x2800  }
0x9a: {  	[sflag:s16] =	ssyncset.done $0x0  }
0x9b: {  	[sflag:s16] =	ssyncadd.s32 $0xFFFFD800  }
0x9c: {  	[bflag:$0x0] =	sbarrier.arrive $0xFFFF  }
0x9d: {  	s10 =	rddreg [dreg:$0x4]  }
0x9e: {  	[hbm:s10], [sflag:s5] =	dma.local [spmem:s15], $0x2800  }
0x9f: {  	_ =	swait.ge [sflag:s16], $0x2800  }
0xa0: {  	[sflag:s16] =	ssyncset.done $0x0  }
0xa1: {  	[sflag:s16] =	ssyncadd.s32 $0xFFFFD800  }
0xa2: {  	[spmem:s15], [sflag:s5] =	dma.local [hbm:s4], $0x2800  }
0xa3: {  	_ =	swait.ge [sflag:s16], $0x2800  }
0xa4: {  	[sflag:s16] =	ssyncset.done $0x0  }
0xa5: {  	[sflag:s16] =	ssyncadd.s32 $0xFFFFD800  }
0xa6: {  	[bflag:$0x0] =	sbarrier.arrive $0xFFFF  }
0xa7: {  	[tilespmem:s2], [sflag:$0x3] =	stream.linear.gather [hbm4b:s6+s2], $0x50, $0x38;
	[tilespmem:$0x19200] =	vst v63  }
0xa8: {  	_ =	swait.ge [sflag:s16], $0x50  }
0xa9: {  	[sflag:s16] =	ssyncset.done $0x0  }
0xaa: {  	[sflag:s16] =	ssyncadd.s32 $0xFFFFFFB0  }
0xab: {  	[tilespmem:s17], [sflag:$0x3] =	stream.linear.gather [hbm4b:s7+s2], $0x50, $0x38;
	[tilespmem:$0x19200] =	vst v63  }
0xac: {  	_ =	swait.ge [sflag:s16], $0x50  }
0xad: {  	[sflag:s16] =	ssyncset.done $0x0  }
0xae: {  	s0 =	sadd.s32 $0xFFFFF650, s14;
	[sflag:s16] =	ssyncadd.s32 $0xFFFFFFB0  }
0xaf: {  	[tilespmem:s19], [sflag:$0x1] =	stream.indirect.gather [hbm4b:s9+s18], $0x80, s2, s18, $0xb8;
	[tilespmem:$0x19200] =	vst v63  }
0xb0: {  	s23 =	sadd.s32 $0x9BA, s0  }
0xb1: {  	[tilespmem:s20], [sflag:$0x4] =	stream.linear.gather [hbm4b:s23+s2], $0x50, $0x38;
	[tilespmem:$0x19200] =	vst v63  }
0xb2: {  	_ =	swait.ge [sflag:s21], $0x50  }
0xb3: {  	s31 =	sadd.s32 $0xFFFFF650, s13;
	[sflag:s21] =	ssyncset.done $0x0  }
0xb4: {  	s23 =	sadd.s32 $0x9BA, s31;
	[sflag:s21] =	ssyncadd.s32 $0xFFFFFFB0  }
0xb5: {  	[tilespmem:s22], [sflag:$0x4] =	stream.linear.gather [hbm4b:s23+s2], $0x50, $0x38;
	[tilespmem:$0x19200] =	vst v63  }
0xb6: {  	_ =	swait.ge [sflag:s21], $0x50  }
0xb7: {  	[sflag:s21] =	ssyncset.done $0x0  }
0xb8: {  	[sflag:s21] =	ssyncadd.s32 $0xFFFFFFB0  }
0xb9: {  	[tilespmem:s25], [sflag:$0x2] =	stream.indirect.gather [hbm4b:s9+s18], $0x80, s20, s18, $0xb8;
	[tilespmem:$0x19200] =	vst v63  }
0xba: {  	_ =	swait.ge [sflag:s26], $0x2800  }
0xbb: {  	[sflag:s26] =	ssyncset.done $0x0  }
0xbc: {  	[sflag:s26] =	ssyncadd.s32 $0xFFFFD800  }
0xbd: {  	[spmem:s1] =	stream.indirect.scatter.add.f32 [tilespmem:s19], [sflag:$0x4], $0x80, s17, s18, $0xb8;
	[tilespmem:$0x19200] =	vst v63  }
0xbe: {  	_ =	swait.ge [sflag:s21], $0x2800  }
0xbf: {  	[sflag:s21] =	ssyncset.done $0x0  }
0xc0: {  	s0 =	sadd.s32 $0x9C4, s0;
	[sflag:s21] =	ssyncadd.s32 $0xFFFFD800  }
0xc1: {  	[tilespmem:s2], [sflag:$0x4] =	stream.linear.gather [hbm4b:s0+s2], $0x50, $0x38;
	[tilespmem:$0x19200] =	vst v63  }
0xc2: {  	_ =	swait.ge [sflag:s21], $0x50  }
0xc3: {  	[sflag:s21] =	ssyncset.done $0x0  }
0xc4: {  	s31 =	sadd.s32 $0x9C4, s31;
	[sflag:s21] =	ssyncadd.s32 $0xFFFFFFB0  }
0xc5: {  	[tilespmem:s17], [sflag:$0x4] =	stream.linear.gather [hbm4b:s31+s2], $0x50, $0x38;
	[tilespmem:$0x19200] =	vst v63  }
0xc6: {  	_ =	swait.ge [sflag:s21], $0x50  }
0xc7: {  	[sflag:s21] =	ssyncset.done $0x0  }
0xc8: {  	[sflag:s21] =	ssyncadd.s32 $0xFFFFFFB0  }
0xc9: {  	[tilespmem:s19], [sflag:$0x1] =	stream.indirect.gather [hbm4b:s9+s18], $0x80, s2, s18, $0xb8;
	[tilespmem:$0x19200] =	vst v63  }
0xca: {  	_ =	swait.ge [sflag:s28], $0x2800  }
0xcb: {  	[sflag:s28] =	ssyncset.done $0x0  }
0xcc: {  	[sflag:s28] =	ssyncadd.s32 $0xFFFFD800  }
0xcd: {  	[spmem:s1] =	stream.indirect.scatter.add.f32 [tilespmem:s25], [sflag:$0x3], $0x80, s22, s18, $0xb8;
	[tilespmem:$0x19200] =	vst v63  }
0xce: {  	s30 =	simm.s32 $0xFFFFF664;
	_ =	swait.ge [sflag:s16], $0x2800  }
0xcf: {  	s3 =	simm.s32 $0xFFFFF678;
	s0 =	sadd.s32 $0xFFFFF664, s14;
	[sflag:s16] =	ssyncset.done $0x0  }
.LBB2_4:
0xd0: {  	s10 =	sadd.s32 $0x9BA, s0  }
0xd1: {  	[sflag:s16] =	ssyncadd.s32 $0xFFFFD800;
	s23 =	smov.u32 s3;
	s31 =	sadd.s32 $0x14, s3  }
0xd2: {  	[tilespmem:s20], [sflag:$0x4] =	stream.linear.gather [hbm4b:s10+s2], $0x50, $0x38;
	[tilespmem:$0x19200] =	vst v63  }
0xd3: {  	p0 =	sne.s32 s3, $0xFFFFFFEC;
	_ =	swait.ge [sflag:s21], $0x50  }
0xd4: {  	s3 =	sadd.s32 s30, s13;
	s30 =	smov.u32 s23;
	[sflag:s21] =	ssyncset.done $0x0  }
0xd5: {  	s10 =	sadd.s32 $0x9BA, s3;
	[sflag:s21] =	ssyncadd.s32 $0xFFFFFFB0  }
0xd6: {  	[tilespmem:s22], [sflag:$0x4] =	stream.linear.gather [hbm4b:s10+s2], $0x50, $0x38;
	[tilespmem:$0x19200] =	vst v63  }
0xd7: {  	_ =	swait.ge [sflag:s21], $0x50  }
0xd8: {  	[sflag:s21] =	ssyncset.done $0x0  }
0xd9: {  	[sflag:s21] =	ssyncadd.s32 $0xFFFFFFB0  }
0xda: {  	[tilespmem:s25], [sflag:$0x2] =	stream.indirect.gather [hbm4b:s9+s18], $0x80, s20, s18, $0xb8;
	[tilespmem:$0x19200] =	vst v63  }
0xdb: {  	_ =	swait.ge [sflag:s26], $0x2800  }
0xdc: {  	[sflag:s26] =	ssyncset.done $0x0  }
0xdd: {  	[sflag:s26] =	ssyncadd.s32 $0xFFFFD800  }
0xde: {  	[spmem:s1] =	stream.indirect.scatter.add.f32 [tilespmem:s19], [sflag:$0x4], $0x80, s17, s18, $0xb8;
	[tilespmem:$0x19200] =	vst v63  }
0xdf: {  	_ =	swait.ge [sflag:s21], $0x2800  }
0xe0: {  	[sflag:s21] =	ssyncset.done $0x0  }
0xe1: {  	s0 =	sadd.s32 $0x9C4, s0;
	[sflag:s21] =	ssyncadd.s32 $0xFFFFD800  }
0xe2: {  	[tilespmem:s2], [sflag:$0x4] =	stream.linear.gather [hbm4b:s0+s2], $0x50, $0x38;
	[tilespmem:$0x19200] =	vst v63  }
0xe3: {  	_ =	swait.ge [sflag:s21], $0x50  }
0xe4: {  	[sflag:s21] =	ssyncset.done $0x0  }
0xe5: {  	s0 =	sadd.s32 $0x9C4, s3;
	[sflag:s21] =	ssyncadd.s32 $0xFFFFFFB0  }
0xe6: {  	[tilespmem:s17], [sflag:$0x4] =	stream.linear.gather [hbm4b:s0+s2], $0x50, $0x38;
	[tilespmem:$0x19200] =	vst v63  }
0xe7: {  	_ =	swait.ge [sflag:s21], $0x50  }
0xe8: {  	[sflag:s21] =	ssyncset.done $0x0  }
0xe9: {  	[sflag:s21] =	ssyncadd.s32 $0xFFFFFFB0  }
0xea: {  	[tilespmem:s19], [sflag:$0x1] =	stream.indirect.gather [hbm4b:s9+s18], $0x80, s2, s18, $0xb8;
	[tilespmem:$0x19200] =	vst v63  }
0xeb: {  	_ =	swait.ge [sflag:s28], $0x2800  }
.Ltmp1:
0xec: {  	[sflag:s28] =	ssyncset.done $0x0;
	(pc) =	sbr.rel @p0 .LBB2_4-.Ltmp1, $4  }
0xed: {  	[sflag:s28] =	ssyncadd.s32 $0xFFFFD800  }
0xee: {  	[spmem:s1] =	stream.indirect.scatter.add.f32 [tilespmem:s25], [sflag:$0x3], $0x80, s22, s18, $0xb8;
	[tilespmem:$0x19200] =	vst v63  }
0xef: {  	_ =	swait.ge [sflag:s16], $0x2800  }
0xf0: {  	s3 =	smov.u32 s31;
	s0 =	sadd.s32 s30, s14;
	[sflag:s16] =	ssyncset.done $0x0  }
0xf1: {  	s3 =	sadd.s32 $0x9BA, s0;
	[sflag:s16] =	ssyncadd.s32 $0xFFFFD800  }
0xf2: {  	[tilespmem:s20], [sflag:$0x4] =	stream.linear.gather [hbm4b:s3+s2], $0x50, $0x38;
	[tilespmem:$0x19200] =	vst v63  }
0xf3: {  	_ =	swait.ge [sflag:s21], $0x50  }
0xf4: {  	s31 =	sadd.s32 s30, s13;
	[sflag:s21] =	ssyncset.done $0x0  }
0xf5: {  	s10 =	sadd.s32 $0x9BA, s31;
	[sflag:s21] =	ssyncadd.s32 $0xFFFFFFB0  }
0xf6: {  	[tilespmem:s22], [sflag:$0x4] =	stream.linear.gather [hbm4b:s10+s2], $0x50, $0x38;
	[tilespmem:$0x19200] =	vst v63  }
0xf7: {  	_ =	swait.ge [sflag:s21], $0x50  }
0xf8: {  	[sflag:s21] =	ssyncset.done $0x0  }
0xf9: {  	[sflag:s21] =	ssyncadd.s32 $0xFFFFFFB0  }
0xfa: {  	[tilespmem:s25], [sflag:$0x2] =	stream.indirect.gather [hbm4b:s9+s18], $0x80, s20, s18, $0xb8;
	[tilespmem:$0x19200] =	vst v63  }
0xfb: {  	_ =	swait.ge [sflag:s26], $0x2800  }
0xfc: {  	[sflag:s26] =	ssyncset.done $0x0  }
0xfd: {  	[sflag:s26] =	ssyncadd.s32 $0xFFFFD800  }
0xfe: {  	[spmem:s1] =	stream.indirect.scatter.add.f32 [tilespmem:s19], [sflag:$0x4], $0x80, s17, s18, $0xb8;
	[tilespmem:$0x19200] =	vst v63  }
0xff: {  	_ =	swait.ge [sflag:s21], $0x2800  }
0x100: {  	[sflag:s21] =	ssyncset.done $0x0  }
0x101: {  	s23 =	sadd.s32 $0x9C4, s0;
	[sflag:s21] =	ssyncadd.s32 $0xFFFFD800  }
0x102: {  	[tilespmem:s2], [sflag:$0x4] =	stream.linear.gather [hbm4b:s23+s2], $0x50, $0x38;
	[tilespmem:$0x19200] =	vst v63  }
0x103: {  	_ =	swait.ge [sflag:s21], $0x50  }
0x104: {  	[sflag:s21] =	ssyncset.done $0x0  }
0x105: {  	s30 =	sadd.s32 $0x9C4, s31;
	[sflag:s21] =	ssyncadd.s32 $0xFFFFFFB0  }
0x106: {  	[tilespmem:s17], [sflag:$0x4] =	stream.linear.gather [hbm4b:s30+s2], $0x50, $0x38;
	[tilespmem:$0x19200] =	vst v63  }
0x107: {  	_ =	swait.ge [sflag:s21], $0x50  }
0x108: {  	[sflag:s21] =	ssyncset.done $0x0  }
0x109: {  	[sflag:s21] =	ssyncadd.s32 $0xFFFFFFB0  }
0x10a: {  	[tilespmem:s19], [sflag:$0x1] =	stream.indirect.gather [hbm4b:s9+s18], $0x80, s2, s18, $0xb8;
	[tilespmem:$0x19200] =	vst v63  }
0x10b: {  	_ =	swait.ge [sflag:s28], $0x2800  }
0x10c: {  	[sflag:s28] =	ssyncset.done $0x0  }
0x10d: {  	[sflag:s28] =	ssyncadd.s32 $0xFFFFD800  }
0x10e: {  	[spmem:s1] =	stream.indirect.scatter.add.f32 [tilespmem:s25], [sflag:$0x3], $0x80, s22, s18, $0xb8;
	[tilespmem:$0x19200] =	vst v63  }
0x10f: {  	_ =	swait.ge [sflag:s16], $0x2800  }
0x110: {  	[sflag:s16] =	ssyncset.done $0x0  }
0x111: {  	[sflag:s16] =	ssyncadd.s32 $0xFFFFD800  }
0x112: {  	[tilespmem:s20], [sflag:$0x4] =	stream.linear.gather [hbm4b:s11+s2], $0x50, $0x38;
	[tilespmem:$0x19200] =	vst v63  }
0x113: {  	_ =	swait.ge [sflag:s21], $0x50  }
0x114: {  	[sflag:s21] =	ssyncset.done $0x0  }
0x115: {  	[sflag:s21] =	ssyncadd.s32 $0xFFFFFFB0  }
0x116: {  	[tilespmem:s22], [sflag:$0x4] =	stream.linear.gather [hbm4b:s12+s2], $0x50, $0x38;
	[tilespmem:$0x19200] =	vst v63  }
0x117: {  	_ =	swait.ge [sflag:s21], $0x50  }
0x118: {  	[sflag:s21] =	ssyncset.done $0x0  }
0x119: {  	[sflag:s21] =	ssyncadd.s32 $0xFFFFFFB0  }
0x11a: {  	[tilespmem:s25], [sflag:$0x2] =	stream.indirect.gather [hbm4b:s9+s18], $0x80, s20, s18, $0xb8;
	[tilespmem:$0x19200] =	vst v63  }
0x11b: {  	_ =	swait.ge [sflag:s26], $0x2800  }
0x11c: {  	[sflag:s26] =	ssyncset.done $0x0  }
0x11d: {  	[sflag:s26] =	ssyncadd.s32 $0xFFFFD800  }
0x11e: {  	[spmem:s1] =	stream.indirect.scatter.add.f32 [tilespmem:s19], [sflag:$0x4], $0x80, s17, s18, $0xb8;
	[tilespmem:$0x19200] =	vst v63  }
0x11f: {  	_ =	swait.ge [sflag:s21], $0x2800  }
0x120: {  	[sflag:s21] =	ssyncset.done $0x0  }
0x121: {  	[sflag:s21] =	ssyncadd.s32 $0xFFFFD800  }
0x122: {  	_ =	swait.ge [sflag:s28], $0x2800  }
0x123: {  	[sflag:s28] =	ssyncset.done $0x0  }
0x124: {  	[sflag:s28] =	ssyncadd.s32 $0xFFFFD800  }
0x125: {  	[spmem:s1] =	stream.indirect.scatter.add.f32 [tilespmem:s25], [sflag:$0x3], $0x80, s22, s18, $0xb8;
	[tilespmem:$0x19200] =	vst v63  }
0x126: {  	_ =	swait.ge [sflag:s16], $0x2800  }
0x127: {  	[sflag:s16] =	ssyncset.done $0x0  }
0x128: {  	[sflag:s16] =	ssyncadd.s32 $0xFFFFD800  }
0x129: {  	[bflag:$0x0] =	sbarrier.arrive $0xFFFF  }
0x12a: {  	[hbm:s24], [sflag:s5] =	dma.local [spmem:s15], $0x2800  }
0x12b: {  	_ =	swait.ge [sflag:s16], $0x2800  }
0x12c: {  	s29 =	sadd.s32 $0x1, s29;
	s31 =	rddreg [dreg:$0x3]  }
0x12d: {  	p0 =	sne.s32 s29, s31  }
.Ltmp2:
0x12e: {  	_ = 	snop;
	(pc) =	sbr.rel @p0 .LBB2_1-.Ltmp2, $3  }
0x12f: {  	[sflag:s16] =	ssyncset.done $0x0  }
0x130: {  	[sflag:s16] =	ssyncadd.s32 $0xFFFFD800  }
0x131: {  	[bflag:$0x0] =	sbarrier.arrive $0xFFFF;
	_ =	sdelay $0x1  }
0x132: {  	_ =	sfence.sel $0x180000  }
0x133: {  	[bflag:$0x0] =	sbarrier.arrive $0xFFFF  }
0x134: {  	_ =	strace $0x9000004D  }
0x135: {  	s0 =	stileid.u32;
	[bflag:$0x2] =	sbarrier.arrive $0xFFFF  }
0x136: {  	p0 =	sne.s32 s0, $0x0;
	s0 =	rddreg [dreg:$0x2]  }
0x137: {  	s0 =	sadd.s32 @!p0 $0x100000, s0  }
0x138: {  	[sflag:s0] =	ssyncadd.tile.s32 @!p0 $0x1;
	_ =	shalt  }
.Lfunc_end2:
_tile_overlayer_lowered:
.L_overlay_start_2:
0x139: {  	(tag) =	ssettag $0x2  }
0x13a: {  	s0 =	rddreg [dreg:$0x0];
	s2 =	stileid.u32  }
0x13b: {  	s1 =	rddreg [dreg:$0x1];
	p0 =	sne.s32 s2, $0x0  }
0x13c: {  	s3 =	rddreg [dreg:$0x2];
	[bflag:$0x3] =	sbarrier.arrive $0xFFFF;
	s2 =	simm.s32 @!p0 $0x1C03  }
0x13d: {  	[timem:s3], [sflag:s2] =	dma.local @!p0 [hbm:s0], s1  }
0x13e: {  	s0 =	simm.s32 @!p0 $0x3  }
0x13f: {  	_ =	swait.ge @!p0 [sflag:s0], s1  }
0x140: {  	s1 =	ssub.s32 @!p0 $0x0, s1;
	[sflag:s0] =	ssyncset.done @!p0 $0x0  }
0x141: {  	[sflag:s0] =	ssyncadd.s32 @!p0 s1  }
0x142: {  	[bflag:$0x3] =	sbarrier.arrive $0xFFFF  }
0x143: {  	_ =	shalt  }

// kernel: kernel.28.cloned.1.call-start
scs
__scs_entry_jumppad:
0x0: {  	(pc) =	sbr.rel $0x88, $3  }
0x1: {  	(tag) =	ssettag $0x0;
	lr =	simm.s32 $0x1  }
0x2: {  	[smem:$0x3F93] =	sst lr;
	_ =	strace $0xD0000000  }
0x3: {  	_ = 	snop  }
0x4: {  	_ = 	snop  }
0x5: {  	_ = 	snop  }
0x6: {  	_ = 	snop  }
0x7: {  	_ = 	snop  }
__scs_overlays_trampoline_lowered:
0x8: {  	[smem:$0x3FA2] =	sst s0  }
0x9: {  	[smem:$0x3FA3] =	sst s1  }
0xa: {  	[smem:$0x3FA4] =	sst s2  }
0xb: {  	[smem:$0x3FA5] =	sst s3  }
0xc: {  	[smem:$0x3FA6] =	sst s4  }
0xd: {  	[smem:$0x3FA7] =	sst s5  }
0xe: {  	[smem:$0x3FA8] =	sst s6  }
0xf: {  	[smem:$0x3FA9] =	sst s7  }
0x10: {  	[smem:$0x3FAA] =	sst s8  }
0x11: {  	[smem:$0x3FAB] =	sst s9;
	s0 =	simm.s32 @!p0 $0x0  }
0x12: {  	s1 =	sld [smem:$0x3F91];
	s0 =	simm.s32 @p0 $0x1  }
0x13: {  	[smem:$0x3FAC] =	sst s0;
	s0 =	simm.s32 @!p1 $0x0  }
0x14: {  	s2 =	sld [smem:$0x3F90];
	s0 =	simm.s32 @p1 $0x1  }
0x15: {  	[smem:$0x3FAD] =	sst s0;
	s0 =	simm.s32 @!p2 $0x0  }
0x16: {  	s3 =	sld [smem:$0x3FDB];
	s0 =	simm.s32 @p2 $0x1  }
0x17: {  	s4 =	simm.s32 $0x1BF5;
	[smem:$0x3FAF] =	sst s0  }
0x18: {  	s0 =	sld [smem:$0x3F92];
	_ =	swait.ge [sflag:s4], $0x0  }
0x19: {  	s7 =	sld [smem:$0x3F93]  }
0x1a: {  	s8 =	sadd.s32 $0xFFFFE003, lr  }
0x1b: {  	s9 =	sadd.s32 $0xFFFFFEF7, lr;
	s5 =	simm.s32 $0xFFFFFFFF;
	p2 =	slt.u32 s8, $0xFFFFF086  }
0x1c: {  	p1 =	slt.u32 s9, $0xF7A;
	s5 =	simm.s32 @!p2 $0x0  }
0x1d: {  	s5 =	simm.s32 @p1 $0x1;
	p0 =	seq.s32 s7, s2  }
0x1e: {  	s7 =	smul.u32 @!p0 $0xF7A, s2;
	p2 =	seq.s32 @!p0 s5, $0x0  }
0x1f: {  	s9 =	smul.u32 $0xF7A, s1;
	s8 =	simm.s32 @!p0 $0x1BF5;
	p2 =	por !p2, p0  }
0x20: {  	[sflag:s8] =	ssyncset.s32 @!p0 $0xFFFFF086;
	s6 =	sadd.s32 @!p0 s3, s7;
	s7 =	simm.s32 @!p0 $0x108  }
0x21: {  	s3 =	sadd.s32 s3, s9;
	s6 =	sadd.s32 @!p0 $0x88, s6;
	s7 =	simm.s32 @p2 $0x1082  }
0x22: {  	[simem:s7], [sflag:s8] =	dma.local @!p0 [hbm:s6], $0xF7A  }
0x23: {  	s9 =	sor.u32 $0xD0000000, s2;
	s6 =	simm.s32 $0x108;
	_ =	swait.ge @!p0 [sflag:s8], $0x0  }
0x24: {  	s3 =	sadd.s32 $0x88, s3;
	s6 =	simm.s32 @!p1 $0x1082;
	[sflag:s4] =	ssyncset.s32 $0xFFFFF086  }
0x25: {  	[simem:s6], [sflag:s4] =	dma.local [hbm:s3], $0xF7A  }
0x26: {  	[smem:$0x3F93] =	sst s1;
	(tag) =	ssettag s2;
	_ =	strace s9  }
0x27: {  	s1 =	sld [smem:$0x3FA3]  }
0x28: {  	s2 =	sld [smem:$0x3FA4]  }
0x29: {  	s4 =	sld [smem:$0x3FA6]  }
0x2a: {  	p0 =	seq.s32 s5, $0x0;
	s5 =	sld [smem:$0x3FA7]  }
0x2b: {  	s6 =	sld [smem:$0x3FA8]  }
0x2c: {  	s7 =	sld [smem:$0x3FA9]  }
0x2d: {  	s3 =	simm.s32 $0x108;
	s8 =	sld [smem:$0x3FAA]  }
0x2e: {  	s3 =	simm.s32 @!p0 $0x1082;
	s9 =	sld [smem:$0x3FAB]  }
0x2f: {  	lr =	sadd.s32 s0, s3;
	s0 =	sld [smem:$0x3FA2]  }
0x30: {  	s3 =	sld [smem:$0x3FA5]  }
0x31: {  	[smem:$0x3FAE] =	sst s10  }
0x32: {  	s10 =	sld [smem:$0x3FAC];
	_ =	sdelay $0x3  }
0x33: {  	p0 =	seq.s32 s10, $0x1;
	s10 =	sld [smem:$0x3FAE];
	_ =	sdelay $0x3  }
0x34: {  	[smem:$0x3FAE] =	sst s10  }
0x35: {  	s10 =	sld [smem:$0x3FAD];
	_ =	sdelay $0x3  }
0x36: {  	p1 =	seq.s32 s10, $0x1;
	s10 =	sld [smem:$0x3FAE];
	_ =	sdelay $0x3  }
0x37: {  	[smem:$0x3FAE] =	sst s10  }
0x38: {  	s10 =	sld [smem:$0x3FAF]  }
0x39: {  	_ = 	snop;
	(pc) =	sbr.ind lr, $3  }
0x3a: {  	_ = 	snop  }
0x3b: {  	_ = 	snop  }
0x3c: {  	p2 =	seq.s32 s10, $0x1;
	s10 =	sld [smem:$0x3FAE]  }
0x3d: {  	_ =	shalt  }
0x3e: {  	_ =	shalt  }
0x3f: {  	_ =	shalt  }
0x40: {  	_ =	shalt  }
0x41: {  	_ =	shalt  }
0x42: {  	_ =	shalt  }
0x43: {  	_ =	shalt  }
0x44: {  	_ =	shalt  }
0x45: {  	_ =	shalt  }
0x46: {  	_ =	shalt  }
0x47: {  	_ =	shalt  }
0x48: {  	_ =	shalt  }
0x49: {  	_ =	shalt  }
0x4a: {  	_ =	shalt  }
0x4b: {  	_ =	shalt  }
0x4c: {  	_ =	shalt  }
0x4d: {  	_ =	shalt  }
0x4e: {  	_ =	shalt  }
0x4f: {  	_ =	shalt  }
0x50: {  	_ =	shalt  }
0x51: {  	_ =	shalt  }
0x52: {  	_ =	shalt  }
0x53: {  	_ =	shalt  }
0x54: {  	_ =	shalt  }
0x55: {  	_ =	shalt  }
0x56: {  	_ =	shalt  }
0x57: {  	_ =	shalt  }
0x58: {  	_ =	shalt  }
0x59: {  	_ =	shalt  }
0x5a: {  	_ =	shalt  }
0x5b: {  	_ =	shalt  }
0x5c: {  	_ =	shalt  }
0x5d: {  	_ =	shalt  }
0x5e: {  	_ =	shalt  }
0x5f: {  	_ =	shalt  }
0x60: {  	_ =	shalt  }
0x61: {  	_ =	shalt  }
0x62: {  	_ =	shalt  }
0x63: {  	_ =	shalt  }
0x64: {  	_ =	shalt  }
0x65: {  	_ =	shalt  }
0x66: {  	_ =	shalt  }
0x67: {  	_ =	shalt  }
0x68: {  	_ =	shalt  }
0x69: {  	_ =	shalt  }
0x6a: {  	_ =	shalt  }
0x6b: {  	_ =	shalt  }
0x6c: {  	_ =	shalt  }
0x6d: {  	_ =	shalt  }
0x6e: {  	_ =	shalt  }
0x6f: {  	_ =	shalt  }
0x70: {  	_ =	shalt  }
0x71: {  	_ =	shalt  }
0x72: {  	_ =	shalt  }
0x73: {  	_ =	shalt  }
0x74: {  	_ =	shalt  }
0x75: {  	_ =	shalt  }
0x76: {  	_ =	shalt  }
0x77: {  	_ =	shalt  }
0x78: {  	_ =	shalt  }
0x79: {  	_ =	shalt  }
0x7a: {  	_ =	shalt  }
0x7b: {  	_ =	shalt  }
0x7c: {  	_ =	shalt  }
0x7d: {  	_ =	shalt  }
0x7e: {  	_ =	shalt  }
0x7f: {  	_ =	shalt  }
0x80: {  	_ =	shalt  }
0x81: {  	_ =	shalt  }
0x82: {  	_ =	shalt  }
0x83: {  	_ =	shalt  }
0x84: {  	_ =	shalt  }
0x85: {  	_ =	shalt  }
0x86: {  	_ =	shalt  }
0x87: {  	_ =	shalt  }
.Lfunc_end0:
.L_simem_size_0:
called_computation.4_lowered:
.L_overlay_start_0:
0x88: {  	s2 =	sld [smem:$0x3FD9]  }
0x89: {  	s3 =	sld [smem:$0x3FFE];
	_ =	sdelay $0x1  }
0x8a: {  	s1 =	srdreg.scid  }
0x8b: {  	s0 =	sand.u32 $0x1, s1  }
0x8c: {  	s17 =	sshll.u32 s0, $0xA;
	s2 =	sadd.s32 s3, s2  }
0x8d: {  	s2 =	sadd.s32 s2, s17  }
0x8e: {  	[smem:$0x3FBA] =	sst s2  }
0x8f: {  	_ = 	snop  }
0x90: {  	(tm) =	ssettm $0x1  }
0x91: {  	s18 =	sld [smem:$0x3FFB];
	_ =	sdelay $0x3  }
0x92: {  	_ =	strace s18  }
0x93: {  	s2 =	sld [smem:$0x3FFC];
	_ =	sdelay $0x3  }
0x94: {  	_ =	strace s2  }
0x95: {  	s2 =	sld [smem:$0x3FFD];
	_ =	sdelay $0x3  }
0x96: {  	_ =	strace s2  }
0x97: {  	_ =	strace $0x8FFFFFFF  }
0x98: {  	s19 =	sld [smem:$0x3FDB];
	_ =	sdelay $0x1  }
0x99: {  	s20 =	simm.s32 $_scs_section_size  }
0x9a: {  	s4 =	simm.s32 $_size__tile_overlayer_lowered;
	s5 =	simm.s32 $_tile_overlayer_lowered  }
0x9b: {  	s6 =	simm.s32 $0x1BFF;
	s21 =	sshll.u32 s5, $0x1;
	s3 =	sadd.s32 s20, s19  }
0x9c: {  	s22 =	simm.s32 $0x0;
	s4 =	sshll.u32 s4, $0x1;
	s5 =	sadd.s32 s21, s3  }
0x9d: {  	[timem:s22], [sflag:s6] =	dma.local [hbm:s5], s4  }
0x9e: {  	_ =	swait.ge [sflag:s6], s4  }
0x9f: {  	s4 =	ssub.s32 $0x0, s4;
	[sflag:s6] =	ssyncset.done $0x0  }
0xa0: {  	[sflag:s6] =	ssyncadd.s32 s4;
	_ =	sdelay $0x1  }
0xa1: {  	s23 =	simm.s32 $0x1B8B  }
0xa2: {  	_ =	swait.ge [sflag:s23], $0x1  }
0xa3: {  	[sflag:s23] =	ssyncset.done $0x0  }
0xa4: {  	[sflag:s23] =	ssyncadd.s32 $0xFFFFFFFF  }
0xa5: {  	s4 =	sld [smem:$0x0]  }
0xa6: {  	s5 =	sand.u32 $0xFFFFFFFE, s1  }
0xa7: {  	p0 =	sne.s32 s1, s5  }
0xa8: {  	s5 =	sshll.u32 @p0 s5, $0xE  }
0xa9: {  	s5 =	sadd.s32 @p0 $0x11B8D, s5;
	s6 =	sshll.u32 @p0 s4, $0x11  }
0xaa: {  	s5 =	sor.u32 @p0 s6, s5  }
0xab: {  	[sflag:s5] =	ssyncadd.remote.s32 @p0 $0x1;
	_ =	sdelay $0x1  }
0xac: {  	s5 =	simm.s32 @p0 $0x1B8D  }
0xad: {  	_ =	swait.eq @p0 [sflag:s5], $0x1  }
0xae: {  	[sflag:s5] =	ssyncadd.s32 @p0 $0xFFFFFFFF  }
0xaf: {  	s6 =	sshll.u32 @!p0 s1, $0xE  }
0xb0: {  	s6 =	sor.u32 @!p0 $0x4000, s6;
	s5 =	simm.s32 @!p0 $0x1B8D  }
0xb1: {  	s4 =	sshll.u32 @!p0 s4, $0x11;
	s6 =	sadd.s32 @!p0 $0x11B8D, s6;
	_ =	swait.eq @!p0 [sflag:s5], $0x1  }
0xb2: {  	s4 =	sor.u32 @!p0 s4, s6;
	[sflag:s5] =	ssyncadd.s32 @!p0 $0xFFFFFFFF  }
0xb3: {  	s25 =	simm.s32 $0x1B8E;
	s24 =	sld [smem:$0x3FFE];
	[sflag:s4] =	ssyncadd.remote.s32 @!p0 $0x1  }
0xb4: {  	s26 =	simm.s32 $execute0_lowered;
	[smem:$0x3FD2] =	sst s25  }
0xb5: {  	s5 =	sshll.u32 s26, $0x1;
	_ =	strace $0x8000004F;
	[dreg:$0x1] =	wrdreg $0xFFFFFFFF  }
0xb6: {  	s28 =	simm.s32 $_size_execute0_lowered;
	s3 =	sadd.s32 s3, s5;
	[dreg:$0x0] =	wrdreg $0x0  }
0xb7: {  	s5 =	sshll.u32 s28, $0x1;
	[dreg:$0x2] =	wrdreg s3  }
0xb8: {  	[dreg:$0x3] =	wrdreg s5  }
0xb9: {  	[dreg:$0x4] =	wrdreg $0xC0  }
0xba: {  	_ =	task [dreg:s22], $0x5FFFF  }
0xbb: {  	[dreg:$0x1] =	wrdreg $0xFFFFFFFF  }
0xbc: {  	[dreg:$0x0] =	wrdreg $0x60  }
0xbd: {  	[dreg:$0x2] =	wrdreg s24  }
0xbe: {  	[dreg:$0x3] =	wrdreg $0x52000  }
0xbf: {  	[dreg:$0x4] =	wrdreg $0xA  }
0xc0: {  	_ =	task.clear_ibuf [dreg:s22], $0x5FFFF;
	_ =	strace $0x9000004F  }
0xc1: {  	s29 =	simm.s32 $0xA;
	_ =	strace $0x80000051  }
0xc2: {  	_ =	swait.ge [sflag:s29], $0x1  }
0xc3: {  	[sflag:s29] =	ssyncadd.s32 $0xFFFFFFFF  }
0xc4: {  	_ =	strace $0x90000051  }
0xc5: {  	_ =	sfence  }
0xc6: {  	s30 =	sld [smem:$0x0];
	_ =	sdelay $0x2  }
0xc7: {  	s31 =	sshll.u32 s1, $0xD;
	s1 =	sshrl.u32 s1, $0x2  }
0xc8: {  	s4 =	sand.u32 $0x4000, s31;
	s1 =	sadd.s32 s1, s30  }
0xc9: {  	s0 =	sor.u32 s4, s0;
	s1 =	sshll.u32 s1, $0x11  }
0xca: {  	s0 =	sor.u32 s1, s0  }
0xcb: {  	s0 =	sadd.s32 $0x8F2B, s0  }
0xcc: {  	[sflag:s0] =	ssyncadd.remote.s32 $0x1  }
0xcd: {  	_ =	sfence.sel $0xFFFF  }
0xce: {  	[dreg:$0x0] =	wrdreg $0xFFFFFFFF;
	(pc) =	sbr.abs _section_cstart, $3  }
0xcf: {  	[dreg:$0x1] =	wrdreg $0xFFFFFFFF  }
0xd0: {  	_ =	task.clear_ibuf [dreg:s22], $0x2FFFF;
	_ =	strace $0x9FFFFFFF  }
0xd1: {  	(tm) =	ssettm $0x7FFFFFFF  }
tec
execute0_lowered:
.L_overlay_start_1:
0x0: {  	(tag) =	ssettag $0x1  }
0x1: {  	s0 =	rddreg [dreg:$0x0]  }
0x2: {  	s1 =	rddreg [dreg:$0x1];
	s2 =	simm.s32 $0x0;
	s4 =	srdreg.scid  }
0x3: {  	s17 =	stileid.u32;
	s18 =	simm.s32 $0x50;
	s19 =	simm.s32 $0x100  }
0x4: {  	s28 =	simm.s32 $0x2;
	s29 =	simm.s32 $0x0;
	[smem:$0x7FF] =	sst s2  }
0x5: {  	s3 =	sadd.s32 $0x10400, s0;
	s13 =	sadd.s32 $0x6600, s0;
	s7 =	smul.u32 $0x50000, s17  }
0x6: {  	s9 =	sadd.s32 $0x6B400, s0;
	s5 =	sand.u32 $0x1, s4;
	s10 =	smul.u32 $0x4E20, s17  }
0x7: {  	s4 =	sadd.s32 $0x1A800, s0;
	s0 =	sadd.s32 $0x107800, s0;
	s24 =	smul.u32 $0x2800, s17  }
0x8: {  	s22 =	sshll.u32 s17, $0x6;
	s25 =	smul.u32 $0x9C4, s17;
	s17 =	simm.s32 $0x80  }
0x9: {  	_ =	strace $0x80000050;
	s6 =	ssub.s32 $0x2, s5;
	s21 =	smul.u32 $0x4E200, s5  }
0xa: {  	s12 =	smul.u32 $0x50000, s5;
	s23 =	sshllo.u32 s5, $0x1;
	s5 =	sor.u32 $0x1C03, s22  }
0xb: {  	s22 =	simm.s32 $0x2980;
	s8 =	sshrl.u32 s6, $0x1;
	s16 =	smul.u32 $0x27100, s23  }
0xc: {  	s20 =	sshrl.u32 s7, $0x2;
	s14 =	sshrl.u32 s10, $0x3;
	s10 =	smul.u32 $0x28000, s23  }
0xd: {  	s11 =	ssub.s32 s6, s8;
	s15 =	sadd.s32 s20, s1;
	s6 =	sadd.s32 s3, s14  }
0xe: {  	s7 =	sadd.s32 s13, s14;
	s8 =	sadd.s32 s9, s21;
	s23 =	sadd.s32 s0, s12  }
0xf: {  	s30 =	sadd.s32 $0x9BA, s14;
	s14 =	sadd.s32 s25, s3;
	s20 =	simm.s32 $0x2900  }
0x10: {  	s21 =	simm.s32 $0x4;
	s9 =	sadd.s32 s9, s16;
	s0 =	sadd.s32 s0, s10  }
0x11: {  	s26 =	smax.u32 s11, $0x1;
	s11 =	sadd.s32 s3, s30;
	s12 =	sadd.s32 s13, s30  }
0x12: {  	s13 =	sadd.s32 s25, s13;
	s15 =	sshrl.u32 s15, $0x3;
	s16 =	simm.s32 $0x3  }
0x13: {  	s31 =	sadd.s32 s24, s23;
	s25 =	simm.s32 $0x2A00;
	[dreg:$0x3] =	wrdreg s26  }
0x14: {  	[dreg:$0x4] =	wrdreg s31;
	s24 =	sadd.s32 s24, s0;
	s26 =	simm.s32 $0x1  }
.LBB2_1:
0x15: {  	[spmem:s15], [sflag:s5] =	dma.local [hbm:s4], $0x2800  }
0x16: {  	_ =	swait.ge [sflag:s16], $0x2800  }
0x17: {  	[sflag:s16] =	ssyncset.done $0x0  }
0x18: {  	[sflag:s16] =	ssyncadd.s32 $0xFFFFD800  }
0x19: {  	[bflag:$0x0] =	sbarrier.arrive $0xFFFF  }
0x1a: {  	[tilespmem:s2], [sflag:$0x3] =	stream.linear.gather [hbm4b:s6+s2], $0x50, $0x38;
	[tilespmem:$0x19200] =	vst v63  }
0x1b: {  	_ =	swait.ge [sflag:s16], $0x50  }
0x1c: {  	[sflag:s16] =	ssyncset.done $0x0  }
0x1d: {  	[sflag:s16] =	ssyncadd.s32 $0xFFFFFFB0  }
0x1e: {  	[tilespmem:s17], [sflag:$0x3] =	stream.linear.gather [hbm4b:s7+s2], $0x50, $0x38;
	[tilespmem:$0x19200] =	vst v63  }
0x1f: {  	_ =	swait.ge [sflag:s16], $0x50  }
0x20: {  	[sflag:s16] =	ssyncset.done $0x0  }
0x21: {  	s0 =	sadd.s32 $0xFFFFF650, s14;
	[sflag:s16] =	ssyncadd.s32 $0xFFFFFFB0  }
0x22: {  	[tilespmem:s19], [sflag:$0x1] =	stream.indirect.gather [hbm4b:s8+s18], $0x80, s2, s18, $0xb8;
	[tilespmem:$0x19200] =	vst v63  }
0x23: {  	s3 =	sadd.s32 $0x9BA, s0  }
0x24: {  	[tilespmem:s20], [sflag:$0x4] =	stream.linear.gather [hbm4b:s3+s2], $0x50, $0x38;
	[tilespmem:$0x19200] =	vst v63  }
0x25: {  	_ =	swait.ge [sflag:s21], $0x50  }
0x26: {  	s10 =	sadd.s32 $0xFFFFF650, s13;
	[sflag:s21] =	ssyncset.done $0x0  }
0x27: {  	s30 =	sadd.s32 $0x9BA, s10;
	[sflag:s21] =	ssyncadd.s32 $0xFFFFFFB0  }
0x28: {  	[tilespmem:s22], [sflag:$0x4] =	stream.linear.gather [hbm4b:s30+s2], $0x50, $0x38;
	[tilespmem:$0x19200] =	vst v63  }
0x29: {  	_ =	swait.ge [sflag:s21], $0x50  }
0x2a: {  	[sflag:s21] =	ssyncset.done $0x0  }
0x2b: {  	[sflag:s21] =	ssyncadd.s32 $0xFFFFFFB0  }
0x2c: {  	[tilespmem:s25], [sflag:$0x2] =	stream.indirect.gather [hbm4b:s8+s18], $0x80, s20, s18, $0xb8;
	[tilespmem:$0x19200] =	vst v63  }
0x2d: {  	_ =	swait.ge [sflag:s26], $0x2800  }
0x2e: {  	[sflag:s26] =	ssyncset.done $0x0  }
0x2f: {  	[sflag:s26] =	ssyncadd.s32 $0xFFFFD800  }
0x30: {  	[spmem:s1] =	stream.indirect.scatter.add.f32 [tilespmem:s19], [sflag:$0x4], $0x80, s17, s18, $0xb8;
	[tilespmem:$0x19200] =	vst v63  }
0x31: {  	_ =	swait.ge [sflag:s21], $0x2800  }
0x32: {  	[sflag:s21] =	ssyncset.done $0x0  }
0x33: {  	s0 =	sadd.s32 $0x9C4, s0;
	[sflag:s21] =	ssyncadd.s32 $0xFFFFD800  }
0x34: {  	[tilespmem:s2], [sflag:$0x4] =	stream.linear.gather [hbm4b:s0+s2], $0x50, $0x38;
	[tilespmem:$0x19200] =	vst v63  }
0x35: {  	_ =	swait.ge [sflag:s21], $0x50  }
0x36: {  	[sflag:s21] =	ssyncset.done $0x0  }
0x37: {  	s23 =	sadd.s32 $0x9C4, s10;
	[sflag:s21] =	ssyncadd.s32 $0xFFFFFFB0  }
0x38: {  	[tilespmem:s17], [sflag:$0x4] =	stream.linear.gather [hbm4b:s23+s2], $0x50, $0x38;
	[tilespmem:$0x19200] =	vst v63  }
0x39: {  	_ =	swait.ge [sflag:s21], $0x50  }
0x3a: {  	[sflag:s21] =	ssyncset.done $0x0  }
0x3b: {  	[sflag:s21] =	ssyncadd.s32 $0xFFFFFFB0  }
0x3c: {  	[tilespmem:s19], [sflag:$0x1] =	stream.indirect.gather [hbm4b:s8+s18], $0x80, s2, s18, $0xb8;
	[tilespmem:$0x19200] =	vst v63  }
0x3d: {  	_ =	swait.ge [sflag:s28], $0x2800  }
0x3e: {  	[sflag:s28] =	ssyncset.done $0x0  }
0x3f: {  	[sflag:s28] =	ssyncadd.s32 $0xFFFFD800  }
0x40: {  	[spmem:s1] =	stream.indirect.scatter.add.f32 [tilespmem:s25], [sflag:$0x3], $0x80, s22, s18, $0xb8;
	[tilespmem:$0x19200] =	vst v63  }
0x41: {  	s31 =	simm.s32 $0xFFFFF678;
	_ =	swait.ge [sflag:s16], $0x2800  }
0x42: {  	s30 =	simm.s32 $0xFFFFF664;
	s0 =	sadd.s32 $0xFFFFF664, s14;
	[sflag:s16] =	ssyncset.done $0x0  }
.LBB2_2:
0x43: {  	s10 =	sadd.s32 $0x9BA, s0  }
0x44: {  	[sflag:s16] =	ssyncadd.s32 $0xFFFFD800;
	s23 =	smov.u32 s31;
	s3 =	sadd.s32 $0x14, s31  }
0x45: {  	[tilespmem:s20], [sflag:$0x4] =	stream.linear.gather [hbm4b:s10+s2], $0x50, $0x38;
	[tilespmem:$0x19200] =	vst v63  }
0x46: {  	p0 =	sne.s32 s31, $0xFFFFFFEC;
	_ =	swait.ge [sflag:s21], $0x50  }
0x47: {  	s10 =	sadd.s32 s30, s13;
	s30 =	smov.u32 s23;
	[sflag:s21] =	ssyncset.done $0x0  }
0x48: {  	s23 =	sadd.s32 $0x9BA, s10;
	[sflag:s21] =	ssyncadd.s32 $0xFFFFFFB0  }
0x49: {  	[tilespmem:s22], [sflag:$0x4] =	stream.linear.gather [hbm4b:s23+s2], $0x50, $0x38;
	[tilespmem:$0x19200] =	vst v63  }
0x4a: {  	_ =	swait.ge [sflag:s21], $0x50  }
0x4b: {  	[sflag:s21] =	ssyncset.done $0x0  }
0x4c: {  	[sflag:s21] =	ssyncadd.s32 $0xFFFFFFB0  }
0x4d: {  	[tilespmem:s25], [sflag:$0x2] =	stream.indirect.gather [hbm4b:s8+s18], $0x80, s20, s18, $0xb8;
	[tilespmem:$0x19200] =	vst v63  }
0x4e: {  	_ =	swait.ge [sflag:s26], $0x2800  }
0x4f: {  	[sflag:s26] =	ssyncset.done $0x0  }
0x50: {  	[sflag:s26] =	ssyncadd.s32 $0xFFFFD800  }
0x51: {  	[spmem:s1] =	stream.indirect.scatter.add.f32 [tilespmem:s19], [sflag:$0x4], $0x80, s17, s18, $0xb8;
	[tilespmem:$0x19200] =	vst v63  }
0x52: {  	_ =	swait.ge [sflag:s21], $0x2800  }
0x53: {  	[sflag:s21] =	ssyncset.done $0x0  }
0x54: {  	s0 =	sadd.s32 $0x9C4, s0;
	[sflag:s21] =	ssyncadd.s32 $0xFFFFD800  }
0x55: {  	[tilespmem:s2], [sflag:$0x4] =	stream.linear.gather [hbm4b:s0+s2], $0x50, $0x38;
	[tilespmem:$0x19200] =	vst v63  }
0x56: {  	_ =	swait.ge [sflag:s21], $0x50  }
0x57: {  	[sflag:s21] =	ssyncset.done $0x0  }
0x58: {  	s0 =	sadd.s32 $0x9C4, s10;
	[sflag:s21] =	ssyncadd.s32 $0xFFFFFFB0  }
0x59: {  	[tilespmem:s17], [sflag:$0x4] =	stream.linear.gather [hbm4b:s0+s2], $0x50, $0x38;
	[tilespmem:$0x19200] =	vst v63  }
0x5a: {  	_ =	swait.ge [sflag:s21], $0x50  }
0x5b: {  	[sflag:s21] =	ssyncset.done $0x0  }
0x5c: {  	[sflag:s21] =	ssyncadd.s32 $0xFFFFFFB0  }
0x5d: {  	[tilespmem:s19], [sflag:$0x1] =	stream.indirect.gather [hbm4b:s8+s18], $0x80, s2, s18, $0xb8;
	[tilespmem:$0x19200] =	vst v63  }
0x5e: {  	_ =	swait.ge [sflag:s28], $0x2800  }
.Ltmp0:
0x5f: {  	[sflag:s28] =	ssyncset.done $0x0;
	(pc) =	sbr.rel @p0 .LBB2_2-.Ltmp0, $4  }
0x60: {  	[sflag:s28] =	ssyncadd.s32 $0xFFFFD800  }
0x61: {  	[spmem:s1] =	stream.indirect.scatter.add.f32 [tilespmem:s25], [sflag:$0x3], $0x80, s22, s18, $0xb8;
	[tilespmem:$0x19200] =	vst v63  }
0x62: {  	_ =	swait.ge [sflag:s16], $0x2800  }
0x63: {  	s31 =	smov.u32 s3;
	s0 =	sadd.s32 s30, s14;
	[sflag:s16] =	ssyncset.done $0x0  }
0x64: {  	s3 =	sadd.s32 $0x9BA, s0;
	[sflag:s16] =	ssyncadd.s32 $0xFFFFD800  }
0x65: {  	[tilespmem:s20], [sflag:$0x4] =	stream.linear.gather [hbm4b:s3+s2], $0x50, $0x38;
	[tilespmem:$0x19200] =	vst v63  }
0x66: {  	_ =	swait.ge [sflag:s21], $0x50  }
0x67: {  	s23 =	sadd.s32 s30, s13;
	[sflag:s21] =	ssyncset.done $0x0  }
0x68: {  	s10 =	sadd.s32 $0x9BA, s23;
	[sflag:s21] =	ssyncadd.s32 $0xFFFFFFB0  }
0x69: {  	[tilespmem:s22], [sflag:$0x4] =	stream.linear.gather [hbm4b:s10+s2], $0x50, $0x38;
	[tilespmem:$0x19200] =	vst v63  }
0x6a: {  	_ =	swait.ge [sflag:s21], $0x50  }
0x6b: {  	[sflag:s21] =	ssyncset.done $0x0  }
0x6c: {  	[sflag:s21] =	ssyncadd.s32 $0xFFFFFFB0  }
0x6d: {  	[tilespmem:s25], [sflag:$0x2] =	stream.indirect.gather [hbm4b:s8+s18], $0x80, s20, s18, $0xb8;
	[tilespmem:$0x19200] =	vst v63  }
0x6e: {  	_ =	swait.ge [sflag:s26], $0x2800  }
0x6f: {  	[sflag:s26] =	ssyncset.done $0x0  }
0x70: {  	[sflag:s26] =	ssyncadd.s32 $0xFFFFD800  }
0x71: {  	[spmem:s1] =	stream.indirect.scatter.add.f32 [tilespmem:s19], [sflag:$0x4], $0x80, s17, s18, $0xb8;
	[tilespmem:$0x19200] =	vst v63  }
0x72: {  	_ =	swait.ge [sflag:s21], $0x2800  }
0x73: {  	[sflag:s21] =	ssyncset.done $0x0  }
0x74: {  	s31 =	sadd.s32 $0x9C4, s0;
	[sflag:s21] =	ssyncadd.s32 $0xFFFFD800  }
0x75: {  	[tilespmem:s2], [sflag:$0x4] =	stream.linear.gather [hbm4b:s31+s2], $0x50, $0x38;
	[tilespmem:$0x19200] =	vst v63  }
0x76: {  	_ =	swait.ge [sflag:s21], $0x50  }
0x77: {  	[sflag:s21] =	ssyncset.done $0x0  }
0x78: {  	s3 =	sadd.s32 $0x9C4, s23;
	[sflag:s21] =	ssyncadd.s32 $0xFFFFFFB0  }
0x79: {  	[tilespmem:s17], [sflag:$0x4] =	stream.linear.gather [hbm4b:s3+s2], $0x50, $0x38;
	[tilespmem:$0x19200] =	vst v63  }
0x7a: {  	_ =	swait.ge [sflag:s21], $0x50  }
0x7b: {  	[sflag:s21] =	ssyncset.done $0x0  }
0x7c: {  	[sflag:s21] =	ssyncadd.s32 $0xFFFFFFB0  }
0x7d: {  	[tilespmem:s19], [sflag:$0x1] =	stream.indirect.gather [hbm4b:s8+s18], $0x80, s2, s18, $0xb8;
	[tilespmem:$0x19200] =	vst v63  }
0x7e: {  	_ =	swait.ge [sflag:s28], $0x2800  }
0x7f: {  	[sflag:s28] =	ssyncset.done $0x0  }
0x80: {  	[sflag:s28] =	ssyncadd.s32 $0xFFFFD800  }
0x81: {  	[spmem:s1] =	stream.indirect.scatter.add.f32 [tilespmem:s25], [sflag:$0x3], $0x80, s22, s18, $0xb8;
	[tilespmem:$0x19200] =	vst v63  }
0x82: {  	_ =	swait.ge [sflag:s16], $0x2800  }
0x83: {  	[sflag:s16] =	ssyncset.done $0x0  }
0x84: {  	[sflag:s16] =	ssyncadd.s32 $0xFFFFD800  }
0x85: {  	[tilespmem:s20], [sflag:$0x4] =	stream.linear.gather [hbm4b:s11+s2], $0x50, $0x38;
	[tilespmem:$0x19200] =	vst v63  }
0x86: {  	_ =	swait.ge [sflag:s21], $0x50  }
0x87: {  	[sflag:s21] =	ssyncset.done $0x0  }
0x88: {  	[sflag:s21] =	ssyncadd.s32 $0xFFFFFFB0  }
0x89: {  	[tilespmem:s22], [sflag:$0x4] =	stream.linear.gather [hbm4b:s12+s2], $0x50, $0x38;
	[tilespmem:$0x19200] =	vst v63  }
0x8a: {  	_ =	swait.ge [sflag:s21], $0x50  }
0x8b: {  	[sflag:s21] =	ssyncset.done $0x0  }
0x8c: {  	[sflag:s21] =	ssyncadd.s32 $0xFFFFFFB0  }
0x8d: {  	[tilespmem:s25], [sflag:$0x2] =	stream.indirect.gather [hbm4b:s8+s18], $0x80, s20, s18, $0xb8;
	[tilespmem:$0x19200] =	vst v63  }
0x8e: {  	_ =	swait.ge [sflag:s26], $0x2800  }
0x8f: {  	[sflag:s26] =	ssyncset.done $0x0  }
0x90: {  	[sflag:s26] =	ssyncadd.s32 $0xFFFFD800  }
0x91: {  	[spmem:s1] =	stream.indirect.scatter.add.f32 [tilespmem:s19], [sflag:$0x4], $0x80, s17, s18, $0xb8;
	[tilespmem:$0x19200] =	vst v63  }
0x92: {  	_ =	swait.ge [sflag:s21], $0x2800  }
0x93: {  	[sflag:s21] =	ssyncset.done $0x0  }
0x94: {  	[sflag:s21] =	ssyncadd.s32 $0xFFFFD800  }
0x95: {  	_ =	swait.ge [sflag:s28], $0x2800  }
0x96: {  	[sflag:s28] =	ssyncset.done $0x0  }
0x97: {  	[sflag:s28] =	ssyncadd.s32 $0xFFFFD800  }
0x98: {  	[spmem:s1] =	stream.indirect.scatter.add.f32 [tilespmem:s25], [sflag:$0x3], $0x80, s22, s18, $0xb8;
	[tilespmem:$0x19200] =	vst v63  }
0x99: {  	_ =	swait.ge [sflag:s16], $0x2800  }
0x9a: {  	[sflag:s16] =	ssyncset.done $0x0  }
0x9b: {  	[sflag:s16] =	ssyncadd.s32 $0xFFFFD800  }
0x9c: {  	[bflag:$0x0] =	sbarrier.arrive $0xFFFF  }
0x9d: {  	s10 =	rddreg [dreg:$0x4]  }
0x9e: {  	[hbm:s10], [sflag:s5] =	dma.local [spmem:s15], $0x2800  }
0x9f: {  	_ =	swait.ge [sflag:s16], $0x2800  }
0xa0: {  	[sflag:s16] =	ssyncset.done $0x0  }
0xa1: {  	[sflag:s16] =	ssyncadd.s32 $0xFFFFD800  }
0xa2: {  	[spmem:s15], [sflag:s5] =	dma.local [hbm:s4], $0x2800  }
0xa3: {  	_ =	swait.ge [sflag:s16], $0x2800  }
0xa4: {  	[sflag:s16] =	ssyncset.done $0x0  }
0xa5: {  	[sflag:s16] =	ssyncadd.s32 $0xFFFFD800  }
0xa6: {  	[bflag:$0x0] =	sbarrier.arrive $0xFFFF  }
0xa7: {  	[tilespmem:s2], [sflag:$0x3] =	stream.linear.gather [hbm4b:s6+s2], $0x50, $0x38;
	[tilespmem:$0x19200] =	vst v63  }
0xa8: {  	_ =	swait.ge [sflag:s16], $0x50  }
0xa9: {  	[sflag:s16] =	ssyncset.done $0x0  }
0xaa: {  	[sflag:s16] =	ssyncadd.s32 $0xFFFFFFB0  }
0xab: {  	[tilespmem:s17], [sflag:$0x3] =	stream.linear.gather [hbm4b:s7+s2], $0x50, $0x38;
	[tilespmem:$0x19200] =	vst v63  }
0xac: {  	_ =	swait.ge [sflag:s16], $0x50  }
0xad: {  	[sflag:s16] =	ssyncset.done $0x0  }
0xae: {  	s0 =	sadd.s32 $0xFFFFF650, s14;
	[sflag:s16] =	ssyncadd.s32 $0xFFFFFFB0  }
0xaf: {  	[tilespmem:s19], [sflag:$0x1] =	stream.indirect.gather [hbm4b:s9+s18], $0x80, s2, s18, $0xb8;
	[tilespmem:$0x19200] =	vst v63  }
0xb0: {  	s23 =	sadd.s32 $0x9BA, s0  }
0xb1: {  	[tilespmem:s20], [sflag:$0x4] =	stream.linear.gather [hbm4b:s23+s2], $0x50, $0x38;
	[tilespmem:$0x19200] =	vst v63  }
0xb2: {  	_ =	swait.ge [sflag:s21], $0x50  }
0xb3: {  	s31 =	sadd.s32 $0xFFFFF650, s13;
	[sflag:s21] =	ssyncset.done $0x0  }
0xb4: {  	s23 =	sadd.s32 $0x9BA, s31;
	[sflag:s21] =	ssyncadd.s32 $0xFFFFFFB0  }
0xb5: {  	[tilespmem:s22], [sflag:$0x4] =	stream.linear.gather [hbm4b:s23+s2], $0x50, $0x38;
	[tilespmem:$0x19200] =	vst v63  }
0xb6: {  	_ =	swait.ge [sflag:s21], $0x50  }
0xb7: {  	[sflag:s21] =	ssyncset.done $0x0  }
0xb8: {  	[sflag:s21] =	ssyncadd.s32 $0xFFFFFFB0  }
0xb9: {  	[tilespmem:s25], [sflag:$0x2] =	stream.indirect.gather [hbm4b:s9+s18], $0x80, s20, s18, $0xb8;
	[tilespmem:$0x19200] =	vst v63  }
0xba: {  	_ =	swait.ge [sflag:s26], $0x2800  }
0xbb: {  	[sflag:s26] =	ssyncset.done $0x0  }
0xbc: {  	[sflag:s26] =	ssyncadd.s32 $0xFFFFD800  }
0xbd: {  	[spmem:s1] =	stream.indirect.scatter.add.f32 [tilespmem:s19], [sflag:$0x4], $0x80, s17, s18, $0xb8;
	[tilespmem:$0x19200] =	vst v63  }
0xbe: {  	_ =	swait.ge [sflag:s21], $0x2800  }
0xbf: {  	[sflag:s21] =	ssyncset.done $0x0  }
0xc0: {  	s0 =	sadd.s32 $0x9C4, s0;
	[sflag:s21] =	ssyncadd.s32 $0xFFFFD800  }
0xc1: {  	[tilespmem:s2], [sflag:$0x4] =	stream.linear.gather [hbm4b:s0+s2], $0x50, $0x38;
	[tilespmem:$0x19200] =	vst v63  }
0xc2: {  	_ =	swait.ge [sflag:s21], $0x50  }
0xc3: {  	[sflag:s21] =	ssyncset.done $0x0  }
0xc4: {  	s31 =	sadd.s32 $0x9C4, s31;
	[sflag:s21] =	ssyncadd.s32 $0xFFFFFFB0  }
0xc5: {  	[tilespmem:s17], [sflag:$0x4] =	stream.linear.gather [hbm4b:s31+s2], $0x50, $0x38;
	[tilespmem:$0x19200] =	vst v63  }
0xc6: {  	_ =	swait.ge [sflag:s21], $0x50  }
0xc7: {  	[sflag:s21] =	ssyncset.done $0x0  }
0xc8: {  	[sflag:s21] =	ssyncadd.s32 $0xFFFFFFB0  }
0xc9: {  	[tilespmem:s19], [sflag:$0x1] =	stream.indirect.gather [hbm4b:s9+s18], $0x80, s2, s18, $0xb8;
	[tilespmem:$0x19200] =	vst v63  }
0xca: {  	_ =	swait.ge [sflag:s28], $0x2800  }
0xcb: {  	[sflag:s28] =	ssyncset.done $0x0  }
0xcc: {  	[sflag:s28] =	ssyncadd.s32 $0xFFFFD800  }
0xcd: {  	[spmem:s1] =	stream.indirect.scatter.add.f32 [tilespmem:s25], [sflag:$0x3], $0x80, s22, s18, $0xb8;
	[tilespmem:$0x19200] =	vst v63  }
0xce: {  	s30 =	simm.s32 $0xFFFFF664;
	_ =	swait.ge [sflag:s16], $0x2800  }
0xcf: {  	s3 =	simm.s32 $0xFFFFF678;
	s0 =	sadd.s32 $0xFFFFF664, s14;
	[sflag:s16] =	ssyncset.done $0x0  }
.LBB2_4:
0xd0: {  	s10 =	sadd.s32 $0x9BA, s0  }
0xd1: {  	[sflag:s16] =	ssyncadd.s32 $0xFFFFD800;
	s23 =	smov.u32 s3;
	s31 =	sadd.s32 $0x14, s3  }
0xd2: {  	[tilespmem:s20], [sflag:$0x4] =	stream.linear.gather [hbm4b:s10+s2], $0x50, $0x38;
	[tilespmem:$0x19200] =	vst v63  }
0xd3: {  	p0 =	sne.s32 s3, $0xFFFFFFEC;
	_ =	swait.ge [sflag:s21], $0x50  }
0xd4: {  	s3 =	sadd.s32 s30, s13;
	s30 =	smov.u32 s23;
	[sflag:s21] =	ssyncset.done $0x0  }
0xd5: {  	s10 =	sadd.s32 $0x9BA, s3;
	[sflag:s21] =	ssyncadd.s32 $0xFFFFFFB0  }
0xd6: {  	[tilespmem:s22], [sflag:$0x4] =	stream.linear.gather [hbm4b:s10+s2], $0x50, $0x38;
	[tilespmem:$0x19200] =	vst v63  }
0xd7: {  	_ =	swait.ge [sflag:s21], $0x50  }
0xd8: {  	[sflag:s21] =	ssyncset.done $0x0  }
0xd9: {  	[sflag:s21] =	ssyncadd.s32 $0xFFFFFFB0  }
0xda: {  	[tilespmem:s25], [sflag:$0x2] =	stream.indirect.gather [hbm4b:s9+s18], $0x80, s20, s18, $0xb8;
	[tilespmem:$0x19200] =	vst v63  }
0xdb: {  	_ =	swait.ge [sflag:s26], $0x2800  }
0xdc: {  	[sflag:s26] =	ssyncset.done $0x0  }
0xdd: {  	[sflag:s26] =	ssyncadd.s32 $0xFFFFD800  }
0xde: {  	[spmem:s1] =	stream.indirect.scatter.add.f32 [tilespmem:s19], [sflag:$0x4], $0x80, s17, s18, $0xb8;
	[tilespmem:$0x19200] =	vst v63  }
0xdf: {  	_ =	swait.ge [sflag:s21], $0x2800  }
0xe0: {  	[sflag:s21] =	ssyncset.done $0x0  }
0xe1: {  	s0 =	sadd.s32 $0x9C4, s0;
	[sflag:s21] =	ssyncadd.s32 $0xFFFFD800  }
0xe2: {  	[tilespmem:s2], [sflag:$0x4] =	stream.linear.gather [hbm4b:s0+s2], $0x50, $0x38;
	[tilespmem:$0x19200] =	vst v63  }
0xe3: {  	_ =	swait.ge [sflag:s21], $0x50  }
0xe4: {  	[sflag:s21] =	ssyncset.done $0x0  }
0xe5: {  	s0 =	sadd.s32 $0x9C4, s3;
	[sflag:s21] =	ssyncadd.s32 $0xFFFFFFB0  }
0xe6: {  	[tilespmem:s17], [sflag:$0x4] =	stream.linear.gather [hbm4b:s0+s2], $0x50, $0x38;
	[tilespmem:$0x19200] =	vst v63  }
0xe7: {  	_ =	swait.ge [sflag:s21], $0x50  }
0xe8: {  	[sflag:s21] =	ssyncset.done $0x0  }
0xe9: {  	[sflag:s21] =	ssyncadd.s32 $0xFFFFFFB0  }
0xea: {  	[tilespmem:s19], [sflag:$0x1] =	stream.indirect.gather [hbm4b:s9+s18], $0x80, s2, s18, $0xb8;
	[tilespmem:$0x19200] =	vst v63  }
0xeb: {  	_ =	swait.ge [sflag:s28], $0x2800  }
.Ltmp1:
0xec: {  	[sflag:s28] =	ssyncset.done $0x0;
	(pc) =	sbr.rel @p0 .LBB2_4-.Ltmp1, $4  }
0xed: {  	[sflag:s28] =	ssyncadd.s32 $0xFFFFD800  }
0xee: {  	[spmem:s1] =	stream.indirect.scatter.add.f32 [tilespmem:s25], [sflag:$0x3], $0x80, s22, s18, $0xb8;
	[tilespmem:$0x19200] =	vst v63  }
0xef: {  	_ =	swait.ge [sflag:s16], $0x2800  }
0xf0: {  	s3 =	smov.u32 s31;
	s0 =	sadd.s32 s30, s14;
	[sflag:s16] =	ssyncset.done $0x0  }
0xf1: {  	s3 =	sadd.s32 $0x9BA, s0;
	[sflag:s16] =	ssyncadd.s32 $0xFFFFD800  }
0xf2: {  	[tilespmem:s20], [sflag:$0x4] =	stream.linear.gather [hbm4b:s3+s2], $0x50, $0x38;
	[tilespmem:$0x19200] =	vst v63  }
0xf3: {  	_ =	swait.ge [sflag:s21], $0x50  }
0xf4: {  	s31 =	sadd.s32 s30, s13;
	[sflag:s21] =	ssyncset.done $0x0  }
0xf5: {  	s10 =	sadd.s32 $0x9BA, s31;
	[sflag:s21] =	ssyncadd.s32 $0xFFFFFFB0  }
0xf6: {  	[tilespmem:s22], [sflag:$0x4] =	stream.linear.gather [hbm4b:s10+s2], $0x50, $0x38;
	[tilespmem:$0x19200] =	vst v63  }
0xf7: {  	_ =	swait.ge [sflag:s21], $0x50  }
0xf8: {  	[sflag:s21] =	ssyncset.done $0x0  }
0xf9: {  	[sflag:s21] =	ssyncadd.s32 $0xFFFFFFB0  }
0xfa: {  	[tilespmem:s25], [sflag:$0x2] =	stream.indirect.gather [hbm4b:s9+s18], $0x80, s20, s18, $0xb8;
	[tilespmem:$0x19200] =	vst v63  }
0xfb: {  	_ =	swait.ge [sflag:s26], $0x2800  }
0xfc: {  	[sflag:s26] =	ssyncset.done $0x0  }
0xfd: {  	[sflag:s26] =	ssyncadd.s32 $0xFFFFD800  }
0xfe: {  	[spmem:s1] =	stream.indirect.scatter.add.f32 [tilespmem:s19], [sflag:$0x4], $0x80, s17, s18, $0xb8;
	[tilespmem:$0x19200] =	vst v63  }
0xff: {  	_ =	swait.ge [sflag:s21], $0x2800  }
0x100: {  	[sflag:s21] =	ssyncset.done $0x0  }
0x101: {  	s23 =	sadd.s32 $0x9C4, s0;
	[sflag:s21] =	ssyncadd.s32 $0xFFFFD800  }
0x102: {  	[tilespmem:s2], [sflag:$0x4] =	stream.linear.gather [hbm4b:s23+s2], $0x50, $0x38;
	[tilespmem:$0x19200] =	vst v63  }
0x103: {  	_ =	swait.ge [sflag:s21], $0x50  }
0x104: {  	[sflag:s21] =	ssyncset.done $0x0  }
0x105: {  	s30 =	sadd.s32 $0x9C4, s31;
	[sflag:s21] =	ssyncadd.s32 $0xFFFFFFB0  }
0x106: {  	[tilespmem:s17], [sflag:$0x4] =	stream.linear.gather [hbm4b:s30+s2], $0x50, $0x38;
	[tilespmem:$0x19200] =	vst v63  }
0x107: {  	_ =	swait.ge [sflag:s21], $0x50  }
0x108: {  	[sflag:s21] =	ssyncset.done $0x0  }
0x109: {  	[sflag:s21] =	ssyncadd.s32 $0xFFFFFFB0  }
0x10a: {  	[tilespmem:s19], [sflag:$0x1] =	stream.indirect.gather [hbm4b:s9+s18], $0x80, s2, s18, $0xb8;
	[tilespmem:$0x19200] =	vst v63  }
0x10b: {  	_ =	swait.ge [sflag:s28], $0x2800  }
0x10c: {  	[sflag:s28] =	ssyncset.done $0x0  }
0x10d: {  	[sflag:s28] =	ssyncadd.s32 $0xFFFFD800  }
0x10e: {  	[spmem:s1] =	stream.indirect.scatter.add.f32 [tilespmem:s25], [sflag:$0x3], $0x80, s22, s18, $0xb8;
	[tilespmem:$0x19200] =	vst v63  }
0x10f: {  	_ =	swait.ge [sflag:s16], $0x2800  }
0x110: {  	[sflag:s16] =	ssyncset.done $0x0  }
0x111: {  	[sflag:s16] =	ssyncadd.s32 $0xFFFFD800  }
0x112: {  	[tilespmem:s20], [sflag:$0x4] =	stream.linear.gather [hbm4b:s11+s2], $0x50, $0x38;
	[tilespmem:$0x19200] =	vst v63  }
0x113: {  	_ =	swait.ge [sflag:s21], $0x50  }
0x114: {  	[sflag:s21] =	ssyncset.done $0x0  }
0x115: {  	[sflag:s21] =	ssyncadd.s32 $0xFFFFFFB0  }
0x116: {  	[tilespmem:s22], [sflag:$0x4] =	stream.linear.gather [hbm4b:s12+s2], $0x50, $0x38;
	[tilespmem:$0x19200] =	vst v63  }
0x117: {  	_ =	swait.ge [sflag:s21], $0x50  }
0x118: {  	[sflag:s21] =	ssyncset.done $0x0  }
0x119: {  	[sflag:s21] =	ssyncadd.s32 $0xFFFFFFB0  }
0x11a: {  	[tilespmem:s25], [sflag:$0x2] =	stream.indirect.gather [hbm4b:s9+s18], $0x80, s20, s18, $0xb8;
	[tilespmem:$0x19200] =	vst v63  }
0x11b: {  	_ =	swait.ge [sflag:s26], $0x2800  }
0x11c: {  	[sflag:s26] =	ssyncset.done $0x0  }
0x11d: {  	[sflag:s26] =	ssyncadd.s32 $0xFFFFD800  }
0x11e: {  	[spmem:s1] =	stream.indirect.scatter.add.f32 [tilespmem:s19], [sflag:$0x4], $0x80, s17, s18, $0xb8;
	[tilespmem:$0x19200] =	vst v63  }
0x11f: {  	_ =	swait.ge [sflag:s21], $0x2800  }
0x120: {  	[sflag:s21] =	ssyncset.done $0x0  }
0x121: {  	[sflag:s21] =	ssyncadd.s32 $0xFFFFD800  }
0x122: {  	_ =	swait.ge [sflag:s28], $0x2800  }
0x123: {  	[sflag:s28] =	ssyncset.done $0x0  }
0x124: {  	[sflag:s28] =	ssyncadd.s32 $0xFFFFD800  }
0x125: {  	[spmem:s1] =	stream.indirect.scatter.add.f32 [tilespmem:s25], [sflag:$0x3], $0x80, s22, s18, $0xb8;
	[tilespmem:$0x19200] =	vst v63  }
0x126: {  	_ =	swait.ge [sflag:s16], $0x2800  }
0x127: {  	[sflag:s16] =	ssyncset.done $0x0  }
0x128: {  	[sflag:s16] =	ssyncadd.s32 $0xFFFFD800  }
0x129: {  	[bflag:$0x0] =	sbarrier.arrive $0xFFFF  }
0x12a: {  	[hbm:s24], [sflag:s5] =	dma.local [spmem:s15], $0x2800  }
0x12b: {  	_ =	swait.ge [sflag:s16], $0x2800  }
0x12c: {  	s29 =	sadd.s32 $0x1, s29;
	s31 =	rddreg [dreg:$0x3]  }
0x12d: {  	p0 =	sne.s32 s29, s31  }
.Ltmp2:
0x12e: {  	_ = 	snop;
	(pc) =	sbr.rel @p0 .LBB2_1-.Ltmp2, $3  }
0x12f: {  	[sflag:s16] =	ssyncset.done $0x0  }
0x130: {  	[sflag:s16] =	ssyncadd.s32 $0xFFFFD800  }
0x131: {  	[bflag:$0x0] =	sbarrier.arrive $0xFFFF;
	_ =	sdelay $0x1  }
0x132: {  	_ =	sfence.sel $0x180000  }
0x133: {  	[bflag:$0x0] =	sbarrier.arrive $0xFFFF  }
0x134: {  	_ =	strace $0x90000050  }
0x135: {  	s0 =	stileid.u32;
	[bflag:$0x2] =	sbarrier.arrive $0xFFFF  }
0x136: {  	p0 =	sne.s32 s0, $0x0;
	s0 =	rddreg [dreg:$0x2]  }
0x137: {  	s0 =	sadd.s32 @!p0 $0x100000, s0  }
0x138: {  	[sflag:s0] =	ssyncadd.tile.s32 @!p0 $0x1;
	_ =	shalt  }
.Lfunc_end2:
_tile_overlayer_lowered:
.L_overlay_start_2:
0x139: {  	(tag) =	ssettag $0x2  }
0x13a: {  	s0 =	rddreg [dreg:$0x0];
	s2 =	stileid.u32  }
0x13b: {  	s1 =	rddreg [dreg:$0x1];
	p0 =	sne.s32 s2, $0x0  }
0x13c: {  	s3 =	rddreg [dreg:$0x2];
	[bflag:$0x3] =	sbarrier.arrive $0xFFFF;
	s2 =	simm.s32 @!p0 $0x1C03  }
0x13d: {  	[timem:s3], [sflag:s2] =	dma.local @!p0 [hbm:s0], s1  }
0x13e: {  	s0 =	simm.s32 @!p0 $0x3  }
0x13f: {  	_ =	swait.ge @!p0 [sflag:s0], s1  }
0x140: {  	s1 =	ssub.s32 @!p0 $0x0, s1;
	[sflag:s0] =	ssyncset.done @!p0 $0x0  }
0x141: {  	[sflag:s0] =	ssyncadd.s32 @!p0 s1  }
0x142: {  	[bflag:$0x3] =	sbarrier.arrive $0xFFFF  }
0x143: {  	_ =	shalt  }

// kernel: kernel.31.cloned.1.call-start
scs
__scs_entry_jumppad:
0x0: {  	(pc) =	sbr.rel $0x88, $3  }
0x1: {  	(tag) =	ssettag $0x0;
	lr =	simm.s32 $0x1  }
0x2: {  	[smem:$0x3F93] =	sst lr;
	_ =	strace $0xD0000000  }
0x3: {  	_ = 	snop  }
0x4: {  	_ = 	snop  }
0x5: {  	_ = 	snop  }
0x6: {  	_ = 	snop  }
0x7: {  	_ = 	snop  }
__scs_overlays_trampoline_lowered:
0x8: {  	[smem:$0x3FA2] =	sst s0  }
0x9: {  	[smem:$0x3FA3] =	sst s1  }
0xa: {  	[smem:$0x3FA4] =	sst s2  }
0xb: {  	[smem:$0x3FA5] =	sst s3  }
0xc: {  	[smem:$0x3FA6] =	sst s4  }
0xd: {  	[smem:$0x3FA7] =	sst s5  }
0xe: {  	[smem:$0x3FA8] =	sst s6  }
0xf: {  	[smem:$0x3FA9] =	sst s7  }
0x10: {  	[smem:$0x3FAA] =	sst s8  }
0x11: {  	[smem:$0x3FAB] =	sst s9;
	s0 =	simm.s32 @!p0 $0x0  }
0x12: {  	s1 =	sld [smem:$0x3F91];
	s0 =	simm.s32 @p0 $0x1  }
0x13: {  	[smem:$0x3FAC] =	sst s0;
	s0 =	simm.s32 @!p1 $0x0  }
0x14: {  	s2 =	sld [smem:$0x3F90];
	s0 =	simm.s32 @p1 $0x1  }
0x15: {  	[smem:$0x3FAD] =	sst s0;
	s0 =	simm.s32 @!p2 $0x0  }
0x16: {  	s3 =	sld [smem:$0x3FDB];
	s0 =	simm.s32 @p2 $0x1  }
0x17: {  	s4 =	simm.s32 $0x1BF5;
	[smem:$0x3FAF] =	sst s0  }
0x18: {  	s0 =	sld [smem:$0x3F92];
	_ =	swait.ge [sflag:s4], $0x0  }
0x19: {  	s7 =	sld [smem:$0x3F93]  }
0x1a: {  	s8 =	sadd.s32 $0xFFFFE003, lr  }
0x1b: {  	s9 =	sadd.s32 $0xFFFFFEF7, lr;
	s5 =	simm.s32 $0xFFFFFFFF;
	p2 =	slt.u32 s8, $0xFFFFF086  }
0x1c: {  	p1 =	slt.u32 s9, $0xF7A;
	s5 =	simm.s32 @!p2 $0x0  }
0x1d: {  	s5 =	simm.s32 @p1 $0x1;
	p0 =	seq.s32 s7, s2  }
0x1e: {  	s7 =	smul.u32 @!p0 $0xF7A, s2;
	p2 =	seq.s32 @!p0 s5, $0x0  }
0x1f: {  	s9 =	smul.u32 $0xF7A, s1;
	s8 =	simm.s32 @!p0 $0x1BF5;
	p2 =	por !p2, p0  }
0x20: {  	[sflag:s8] =	ssyncset.s32 @!p0 $0xFFFFF086;
	s6 =	sadd.s32 @!p0 s3, s7;
	s7 =	simm.s32 @!p0 $0x108  }
0x21: {  	s3 =	sadd.s32 s3, s9;
	s6 =	sadd.s32 @!p0 $0x88, s6;
	s7 =	simm.s32 @p2 $0x1082  }
0x22: {  	[simem:s7], [sflag:s8] =	dma.local @!p0 [hbm:s6], $0xF7A  }
0x23: {  	s9 =	sor.u32 $0xD0000000, s2;
	s6 =	simm.s32 $0x108;
	_ =	swait.ge @!p0 [sflag:s8], $0x0  }
0x24: {  	s3 =	sadd.s32 $0x88, s3;
	s6 =	simm.s32 @!p1 $0x1082;
	[sflag:s4] =	ssyncset.s32 $0xFFFFF086  }
0x25: {  	[simem:s6], [sflag:s4] =	dma.local [hbm:s3], $0xF7A  }
0x26: {  	[smem:$0x3F93] =	sst s1;
	(tag) =	ssettag s2;
	_ =	strace s9  }
0x27: {  	s1 =	sld [smem:$0x3FA3]  }
0x28: {  	s2 =	sld [smem:$0x3FA4]  }
0x29: {  	s4 =	sld [smem:$0x3FA6]  }
0x2a: {  	p0 =	seq.s32 s5, $0x0;
	s5 =	sld [smem:$0x3FA7]  }
0x2b: {  	s6 =	sld [smem:$0x3FA8]  }
0x2c: {  	s7 =	sld [smem:$0x3FA9]  }
0x2d: {  	s3 =	simm.s32 $0x108;
	s8 =	sld [smem:$0x3FAA]  }
0x2e: {  	s3 =	simm.s32 @!p0 $0x1082;
	s9 =	sld [smem:$0x3FAB]  }
0x2f: {  	lr =	sadd.s32 s0, s3;
	s0 =	sld [smem:$0x3FA2]  }
0x30: {  	s3 =	sld [smem:$0x3FA5]  }
0x31: {  	[smem:$0x3FAE] =	sst s10  }
0x32: {  	s10 =	sld [smem:$0x3FAC];
	_ =	sdelay $0x3  }
0x33: {  	p0 =	seq.s32 s10, $0x1;
	s10 =	sld [smem:$0x3FAE];
	_ =	sdelay $0x3  }
0x34: {  	[smem:$0x3FAE] =	sst s10  }
0x35: {  	s10 =	sld [smem:$0x3FAD];
	_ =	sdelay $0x3  }
0x36: {  	p1 =	seq.s32 s10, $0x1;
	s10 =	sld [smem:$0x3FAE];
	_ =	sdelay $0x3  }
0x37: {  	[smem:$0x3FAE] =	sst s10  }
0x38: {  	s10 =	sld [smem:$0x3FAF]  }
0x39: {  	_ = 	snop;
	(pc) =	sbr.ind lr, $3  }
0x3a: {  	_ = 	snop  }
0x3b: {  	_ = 	snop  }
0x3c: {  	p2 =	seq.s32 s10, $0x1;
	s10 =	sld [smem:$0x3FAE]  }
0x3d: {  	_ =	shalt  }
0x3e: {  	_ =	shalt  }
0x3f: {  	_ =	shalt  }
0x40: {  	_ =	shalt  }
0x41: {  	_ =	shalt  }
0x42: {  	_ =	shalt  }
0x43: {  	_ =	shalt  }
0x44: {  	_ =	shalt  }
0x45: {  	_ =	shalt  }
0x46: {  	_ =	shalt  }
0x47: {  	_ =	shalt  }
0x48: {  	_ =	shalt  }
0x49: {  	_ =	shalt  }
0x4a: {  	_ =	shalt  }
0x4b: {  	_ =	shalt  }
0x4c: {  	_ =	shalt  }
0x4d: {  	_ =	shalt  }
0x4e: {  	_ =	shalt  }
0x4f: {  	_ =	shalt  }
0x50: {  	_ =	shalt  }
0x51: {  	_ =	shalt  }
0x52: {  	_ =	shalt  }
0x53: {  	_ =	shalt  }
0x54: {  	_ =	shalt  }
0x55: {  	_ =	shalt  }
0x56: {  	_ =	shalt  }
0x57: {  	_ =	shalt  }
0x58: {  	_ =	shalt  }
0x59: {  	_ =	shalt  }
0x5a: {  	_ =	shalt  }
0x5b: {  	_ =	shalt  }
0x5c: {  	_ =	shalt  }
0x5d: {  	_ =	shalt  }
0x5e: {  	_ =	shalt  }
0x5f: {  	_ =	shalt  }
0x60: {  	_ =	shalt  }
0x61: {  	_ =	shalt  }
0x62: {  	_ =	shalt  }
0x63: {  	_ =	shalt  }
0x64: {  	_ =	shalt  }
0x65: {  	_ =	shalt  }
0x66: {  	_ =	shalt  }
0x67: {  	_ =	shalt  }
0x68: {  	_ =	shalt  }
0x69: {  	_ =	shalt  }
0x6a: {  	_ =	shalt  }
0x6b: {  	_ =	shalt  }
0x6c: {  	_ =	shalt  }
0x6d: {  	_ =	shalt  }
0x6e: {  	_ =	shalt  }
0x6f: {  	_ =	shalt  }
0x70: {  	_ =	shalt  }
0x71: {  	_ =	shalt  }
0x72: {  	_ =	shalt  }
0x73: {  	_ =	shalt  }
0x74: {  	_ =	shalt  }
0x75: {  	_ =	shalt  }
0x76: {  	_ =	shalt  }
0x77: {  	_ =	shalt  }
0x78: {  	_ =	shalt  }
0x79: {  	_ =	shalt  }
0x7a: {  	_ =	shalt  }
0x7b: {  	_ =	shalt  }
0x7c: {  	_ =	shalt  }
0x7d: {  	_ =	shalt  }
0x7e: {  	_ =	shalt  }
0x7f: {  	_ =	shalt  }
0x80: {  	_ =	shalt  }
0x81: {  	_ =	shalt  }
0x82: {  	_ =	shalt  }
0x83: {  	_ =	shalt  }
0x84: {  	_ =	shalt  }
0x85: {  	_ =	shalt  }
0x86: {  	_ =	shalt  }
0x87: {  	_ =	shalt  }
.Lfunc_end0:
.L_simem_size_0:
called_computation.5_lowered:
.L_overlay_start_0:
0x88: {  	s2 =	sld [smem:$0x3FD9]  }
0x89: {  	s3 =	sld [smem:$0x3FFE];
	_ =	sdelay $0x1  }
0x8a: {  	s1 =	srdreg.scid  }
0x8b: {  	s0 =	sand.u32 $0x1, s1  }
0x8c: {  	s16 =	sshll.u32 s0, $0xA;
	s2 =	sadd.s32 s3, s2  }
0x8d: {  	s2 =	sadd.s32 s2, s16  }
0x8e: {  	[smem:$0x3FBA] =	sst s2  }
0x8f: {  	_ = 	snop  }
0x90: {  	(tm) =	ssettm $0x1  }
0x91: {  	s17 =	sld [smem:$0x3FFB];
	_ =	sdelay $0x3  }
0x92: {  	_ =	strace s17  }
0x93: {  	s2 =	sld [smem:$0x3FFC];
	_ =	sdelay $0x3  }
0x94: {  	_ =	strace s2  }
0x95: {  	s2 =	sld [smem:$0x3FFD];
	_ =	sdelay $0x3  }
0x96: {  	_ =	strace s2  }
0x97: {  	_ =	strace $0x8FFFFFFF  }
0x98: {  	s18 =	sld [smem:$0x3FDB];
	_ =	sdelay $0x1  }
0x99: {  	s19 =	simm.s32 $_scs_section_size  }
0x9a: {  	s4 =	simm.s32 $_size__tile_overlayer_lowered;
	s5 =	simm.s32 $_tile_overlayer_lowered  }
0x9b: {  	s22 =	simm.s32 $0x1BFF;
	s21 =	sshll.u32 s5, $0x1;
	s2 =	sadd.s32 s19, s18  }
0x9c: {  	s6 =	simm.s32 $0x0;
	s20 =	sshll.u32 s4, $0x1;
	s4 =	sadd.s32 s21, s2  }
0x9d: {  	[timem:s6], [sflag:s22] =	dma.local [hbm:s4], s20  }
0x9e: {  	_ =	swait.ge [sflag:s22], s20  }
0x9f: {  	s3 =	ssub.s32 $0x0, s20;
	[sflag:s22] =	ssyncset.done $0x0  }
0xa0: {  	[sflag:s22] =	ssyncadd.s32 s3;
	_ =	sdelay $0x1  }
0xa1: {  	s23 =	simm.s32 $0x1B8B  }
0xa2: {  	_ =	swait.ge [sflag:s23], $0x1  }
0xa3: {  	[sflag:s23] =	ssyncset.done $0x0  }
0xa4: {  	s25 =	simm.s32 $0x1B8E;
	s24 =	sld [smem:$0x3FFE];
	[sflag:s23] =	ssyncadd.s32 $0xFFFFFFFF  }
0xa5: {  	s26 =	simm.s32 $execute0_lowered;
	[smem:$0x3FD2] =	sst s25  }
0xa6: {  	s4 =	sshll.u32 s26, $0x1;
	_ =	strace $0x80000052;
	[dreg:$0x1] =	wrdreg $0xFFFFFFFF  }
0xa7: {  	s28 =	simm.s32 $_size_execute0_lowered;
	s2 =	sadd.s32 s2, s4;
	[dreg:$0x0] =	wrdreg $0x0  }
0xa8: {  	s4 =	sshll.u32 s28, $0x1;
	[dreg:$0x2] =	wrdreg s2  }
0xa9: {  	[dreg:$0x3] =	wrdreg s4  }
0xaa: {  	[dreg:$0x4] =	wrdreg $0xC0  }
0xab: {  	_ =	task [dreg:s6], $0x5FFFF  }
0xac: {  	[dreg:$0x1] =	wrdreg $0xFFFFFFFF  }
0xad: {  	[dreg:$0x0] =	wrdreg $0x60  }
0xae: {  	[dreg:$0x2] =	wrdreg s24  }
0xaf: {  	[dreg:$0x3] =	wrdreg $0x52000  }
0xb0: {  	[dreg:$0x4] =	wrdreg $0xA  }
0xb1: {  	_ =	task.clear_ibuf [dreg:s6], $0x5FFFF;
	_ =	strace $0x90000052  }
0xb2: {  	s29 =	simm.s32 $0xA;
	_ =	strace $0x80000054  }
0xb3: {  	_ =	swait.ge [sflag:s29], $0x1  }
0xb4: {  	[sflag:s29] =	ssyncadd.s32 $0xFFFFFFFF  }
0xb5: {  	_ =	strace $0x90000054  }
0xb6: {  	_ =	sfence  }
0xb7: {  	s30 =	sld [smem:$0x0];
	_ =	sdelay $0x2  }
0xb8: {  	s31 =	sshll.u32 s1, $0xD;
	s1 =	sshrl.u32 s1, $0x2  }
0xb9: {  	s3 =	sand.u32 $0x4000, s31;
	s1 =	sadd.s32 s1, s30  }
0xba: {  	s0 =	sor.u32 s3, s0;
	s1 =	sshll.u32 s1, $0x11  }
0xbb: {  	s0 =	sor.u32 s1, s0  }
0xbc: {  	s0 =	sadd.s32 $0x8F2B, s0  }
0xbd: {  	[sflag:s0] =	ssyncadd.remote.s32 $0x1  }
0xbe: {  	_ =	sfence.sel $0xFFFF  }
0xbf: {  	[dreg:$0x0] =	wrdreg $0xFFFFFFFF;
	(pc) =	sbr.abs _section_cstart, $3  }
0xc0: {  	[dreg:$0x1] =	wrdreg $0xFFFFFFFF  }
0xc1: {  	_ =	task.clear_ibuf [dreg:s6], $0x2FFFF;
	_ =	strace $0x9FFFFFFF  }
0xc2: {  	(tm) =	ssettm $0x7FFFFFFF  }
0xc3: {  	_ =	shalt  }
tec
execute0_lowered:
.L_overlay_start_1:
0x0: {  	(tag) =	ssettag $0x1  }
0x1: {  	s5 =	rddreg [dreg:$0x0]  }
0x2: {  	s1 =	rddreg [dreg:$0x1]  }
0x3: {  	s2 =	simm.s32 $0x0;
	s3 =	srdreg.scid;
	s0 =	stileid.u32  }
0x4: {  	s17 =	simm.s32 $0x50;
	s18 =	simm.s32 $0x100;
	s19 =	simm.s32 $0x2900  }
0x5: {  	s20 =	simm.s32 $0x4;
	s21 =	simm.s32 $0x2980;
	s9 =	smul.u32 $0x4E20, s0  }
0x6: {  	s22 =	simm.s32 $0x2A00;
	s23 =	simm.s32 $0x1;
	s11 =	smul.u32 $0x50000, s0  }
0x7: {  	[smem:$0x7FF] =	sst s2;
	s4 =	sand.u32 $0x1, s3;
	s24 =	smul.u32 $0x2800, s0  }
0x8: {  	s13 =	sadd.s32 $0x10400, s5;
	s12 =	sadd.s32 $0x6600, s5;
	s31 =	smul.u32 $0x9C4, s0  }
0x9: {  	s29 =	sshll.u32 s0, $0x6;
	_ =	strace $0x80000053;
	s6 =	smul.u32 $0x27100, s4  }
0xa: {  	s7 =	smul.u32 $0x28000, s4;
	s8 =	ssub.s32 $0x2, s4;
	s4 =	sadd.s32 $0x1A800, s5  }
0xb: {  	s26 =	sshrl.u32 s8, $0x1;
	s28 =	sshrl.u32 s11, $0x2;
	s9 =	sshrl.u32 s9, $0x3  }
0xc: {  	s10 =	sadd.s32 s6, s5;
	s14 =	sadd.s32 s7, s5;
	s15 =	ssub.s32 s8, s26  }
0xd: {  	s16 =	sadd.s32 s28, s1;
	s5 =	sor.u32 $0x1C03, s29;
	s6 =	sadd.s32 s13, s9  }
0xe: {  	s7 =	sadd.s32 s12, s9;
	s30 =	sadd.s32 $0x9BA, s9;
	s26 =	simm.s32 $0x0  }
0xf: {  	s8 =	sadd.s32 $0x6B400, s10;
	s25 =	sadd.s32 $0xB9600, s14;
	s9 =	smax.u32 s15, $0x1  }
0x10: {  	s10 =	sadd.s32 s13, s30;
	s11 =	sadd.s32 s12, s30;
	s12 =	sadd.s32 s31, s12  }
0x11: {  	s13 =	sadd.s32 s31, s13;
	s14 =	sshrl.u32 s16, $0x3;
	s15 =	simm.s32 $0x3  }
0x12: {  	s16 =	simm.s32 $0x80;
	s24 =	sadd.s32 s24, s25;
	s25 =	simm.s32 $0x2  }
.LBB2_1:
0x13: {  	[spmem:s14], [sflag:s5] =	dma.local [hbm:s4], $0x2800  }
0x14: {  	_ =	swait.ge [sflag:s15], $0x2800  }
0x15: {  	[sflag:s15] =	ssyncset.done $0x0  }
0x16: {  	[sflag:s15] =	ssyncadd.s32 $0xFFFFD800  }
0x17: {  	[bflag:$0x0] =	sbarrier.arrive $0xFFFF  }
0x18: {  	[tilespmem:s2], [sflag:$0x3] =	stream.linear.gather [hbm4b:s6+s2], $0x50, $0x38;
	[tilespmem:$0x19200] =	vst v63  }
0x19: {  	_ =	swait.ge [sflag:s15], $0x50  }
0x1a: {  	[sflag:s15] =	ssyncset.done $0x0  }
0x1b: {  	[sflag:s15] =	ssyncadd.s32 $0xFFFFFFB0  }
0x1c: {  	[tilespmem:s16], [sflag:$0x3] =	stream.linear.gather [hbm4b:s7+s2], $0x50, $0x38;
	[tilespmem:$0x19200] =	vst v63  }
0x1d: {  	_ =	swait.ge [sflag:s15], $0x50  }
0x1e: {  	[sflag:s15] =	ssyncset.done $0x0  }
0x1f: {  	s28 =	sadd.s32 $0xFFFFF650, s13;
	[sflag:s15] =	ssyncadd.s32 $0xFFFFFFB0  }
0x20: {  	[tilespmem:s18], [sflag:$0x1] =	stream.indirect.gather [hbm4b:s8+s17], $0x80, s2, s17, $0xb8;
	[tilespmem:$0x19200] =	vst v63  }
0x21: {  	s29 =	sadd.s32 $0x9BA, s28  }
0x22: {  	[tilespmem:s19], [sflag:$0x4] =	stream.linear.gather [hbm4b:s29+s2], $0x50, $0x38;
	[tilespmem:$0x19200] =	vst v63  }
0x23: {  	_ =	swait.ge [sflag:s20], $0x50  }
0x24: {  	s3 =	sadd.s32 $0xFFFFF650, s12;
	[sflag:s20] =	ssyncset.done $0x0  }
0x25: {  	s30 =	sadd.s32 $0x9BA, s3;
	[sflag:s20] =	ssyncadd.s32 $0xFFFFFFB0  }
0x26: {  	[tilespmem:s21], [sflag:$0x4] =	stream.linear.gather [hbm4b:s30+s2], $0x50, $0x38;
	[tilespmem:$0x19200] =	vst v63  }
0x27: {  	_ =	swait.ge [sflag:s20], $0x50  }
0x28: {  	[sflag:s20] =	ssyncset.done $0x0  }
0x29: {  	[sflag:s20] =	ssyncadd.s32 $0xFFFFFFB0  }
0x2a: {  	[tilespmem:s22], [sflag:$0x2] =	stream.indirect.gather [hbm4b:s8+s17], $0x80, s19, s17, $0xb8;
	[tilespmem:$0x19200] =	vst v63  }
0x2b: {  	_ =	swait.ge [sflag:s23], $0x2800  }
0x2c: {  	[sflag:s23] =	ssyncset.done $0x0  }
0x2d: {  	[sflag:s23] =	ssyncadd.s32 $0xFFFFD800  }
0x2e: {  	[spmem:s1] =	stream.indirect.scatter.add.f32 [tilespmem:s18], [sflag:$0x4], $0x80, s16, s17, $0xb8;
	[tilespmem:$0x19200] =	vst v63  }
0x2f: {  	_ =	swait.ge [sflag:s20], $0x2800  }
0x30: {  	[sflag:s20] =	ssyncset.done $0x0  }
0x31: {  	s28 =	sadd.s32 $0x9C4, s28;
	[sflag:s20] =	ssyncadd.s32 $0xFFFFD800  }
0x32: {  	[tilespmem:s2], [sflag:$0x4] =	stream.linear.gather [hbm4b:s28+s2], $0x50, $0x38;
	[tilespmem:$0x19200] =	vst v63  }
0x33: {  	_ =	swait.ge [sflag:s20], $0x50  }
0x34: {  	[sflag:s20] =	ssyncset.done $0x0  }
0x35: {  	s28 =	sadd.s32 $0x9C4, s3;
	[sflag:s20] =	ssyncadd.s32 $0xFFFFFFB0  }
0x36: {  	[tilespmem:s16], [sflag:$0x4] =	stream.linear.gather [hbm4b:s28+s2], $0x50, $0x38;
	[tilespmem:$0x19200] =	vst v63  }
0x37: {  	_ =	swait.ge [sflag:s20], $0x50  }
0x38: {  	[sflag:s20] =	ssyncset.done $0x0  }
0x39: {  	[sflag:s20] =	ssyncadd.s32 $0xFFFFFFB0  }
0x3a: {  	[tilespmem:s18], [sflag:$0x1] =	stream.indirect.gather [hbm4b:s8+s17], $0x80, s2, s17, $0xb8;
	[tilespmem:$0x19200] =	vst v63  }
0x3b: {  	_ =	swait.ge [sflag:s25], $0x2800  }
0x3c: {  	[sflag:s25] =	ssyncset.done $0x0  }
0x3d: {  	[sflag:s25] =	ssyncadd.s32 $0xFFFFD800  }
0x3e: {  	[spmem:s1] =	stream.indirect.scatter.add.f32 [tilespmem:s22], [sflag:$0x3], $0x80, s21, s17, $0xb8;
	[tilespmem:$0x19200] =	vst v63  }
0x3f: {  	s31 =	simm.s32 $0xFFFFF678;
	_ =	swait.ge [sflag:s15], $0x2800  }
0x40: {  	s30 =	sadd.s32 $0xFFFFF664, s13;
	s28 =	simm.s32 $0xFFFFF664;
	[sflag:s15] =	ssyncset.done $0x0  }
.LBB2_2:
0x41: {  	s0 =	sadd.s32 $0x9BA, s30  }
0x42: {  	[sflag:s15] =	ssyncadd.s32 $0xFFFFD800;
	s3 =	smov.u32 s31;
	s29 =	sadd.s32 $0x14, s31  }
0x43: {  	[tilespmem:s19], [sflag:$0x4] =	stream.linear.gather [hbm4b:s0+s2], $0x50, $0x38;
	[tilespmem:$0x19200] =	vst v63  }
0x44: {  	p0 =	sne.s32 s31, $0xFFFFFFEC;
	_ =	swait.ge [sflag:s20], $0x50  }
0x45: {  	s0 =	sadd.s32 s28, s12;
	s28 =	smov.u32 s3;
	[sflag:s20] =	ssyncset.done $0x0  }
0x46: {  	s3 =	sadd.s32 $0x9BA, s0;
	[sflag:s20] =	ssyncadd.s32 $0xFFFFFFB0  }
0x47: {  	[tilespmem:s21], [sflag:$0x4] =	stream.linear.gather [hbm4b:s3+s2], $0x50, $0x38;
	[tilespmem:$0x19200] =	vst v63  }
0x48: {  	_ =	swait.ge [sflag:s20], $0x50  }
0x49: {  	[sflag:s20] =	ssyncset.done $0x0  }
0x4a: {  	[sflag:s20] =	ssyncadd.s32 $0xFFFFFFB0  }
0x4b: {  	[tilespmem:s22], [sflag:$0x2] =	stream.indirect.gather [hbm4b:s8+s17], $0x80, s19, s17, $0xb8;
	[tilespmem:$0x19200] =	vst v63  }
0x4c: {  	_ =	swait.ge [sflag:s23], $0x2800  }
0x4d: {  	[sflag:s23] =	ssyncset.done $0x0  }
0x4e: {  	[sflag:s23] =	ssyncadd.s32 $0xFFFFD800  }
0x4f: {  	[spmem:s1] =	stream.indirect.scatter.add.f32 [tilespmem:s18], [sflag:$0x4], $0x80, s16, s17, $0xb8;
	[tilespmem:$0x19200] =	vst v63  }
0x50: {  	_ =	swait.ge [sflag:s20], $0x2800  }
0x51: {  	[sflag:s20] =	ssyncset.done $0x0  }
0x52: {  	s3 =	sadd.s32 $0x9C4, s30;
	[sflag:s20] =	ssyncadd.s32 $0xFFFFD800  }
0x53: {  	[tilespmem:s2], [sflag:$0x4] =	stream.linear.gather [hbm4b:s3+s2], $0x50, $0x38;
	[tilespmem:$0x19200] =	vst v63  }
0x54: {  	_ =	swait.ge [sflag:s20], $0x50  }
0x55: {  	[sflag:s20] =	ssyncset.done $0x0  }
0x56: {  	s0 =	sadd.s32 $0x9C4, s0;
	[sflag:s20] =	ssyncadd.s32 $0xFFFFFFB0  }
0x57: {  	[tilespmem:s16], [sflag:$0x4] =	stream.linear.gather [hbm4b:s0+s2], $0x50, $0x38;
	[tilespmem:$0x19200] =	vst v63  }
0x58: {  	_ =	swait.ge [sflag:s20], $0x50  }
0x59: {  	[sflag:s20] =	ssyncset.done $0x0  }
0x5a: {  	[sflag:s20] =	ssyncadd.s32 $0xFFFFFFB0  }
0x5b: {  	[tilespmem:s18], [sflag:$0x1] =	stream.indirect.gather [hbm4b:s8+s17], $0x80, s2, s17, $0xb8;
	[tilespmem:$0x19200] =	vst v63  }
0x5c: {  	_ =	swait.ge [sflag:s25], $0x2800  }
.Ltmp0:
0x5d: {  	[sflag:s25] =	ssyncset.done $0x0;
	(pc) =	sbr.rel @p0 .LBB2_2-.Ltmp0, $4  }
0x5e: {  	[sflag:s25] =	ssyncadd.s32 $0xFFFFD800  }
0x5f: {  	[spmem:s1] =	stream.indirect.scatter.add.f32 [tilespmem:s22], [sflag:$0x3], $0x80, s21, s17, $0xb8;
	[tilespmem:$0x19200] =	vst v63  }
0x60: {  	_ =	swait.ge [sflag:s15], $0x2800  }
0x61: {  	s31 =	smov.u32 s29;
	s30 =	sadd.s32 s28, s13;
	[sflag:s15] =	ssyncset.done $0x0  }
0x62: {  	s0 =	sadd.s32 $0x9BA, s30;
	[sflag:s15] =	ssyncadd.s32 $0xFFFFD800  }
0x63: {  	[tilespmem:s19], [sflag:$0x4] =	stream.linear.gather [hbm4b:s0+s2], $0x50, $0x38;
	[tilespmem:$0x19200] =	vst v63  }
0x64: {  	_ =	swait.ge [sflag:s20], $0x50  }
0x65: {  	s29 =	sadd.s32 s28, s12;
	[sflag:s20] =	ssyncset.done $0x0  }
0x66: {  	s3 =	sadd.s32 $0x9BA, s29;
	[sflag:s20] =	ssyncadd.s32 $0xFFFFFFB0  }
0x67: {  	[tilespmem:s21], [sflag:$0x4] =	stream.linear.gather [hbm4b:s3+s2], $0x50, $0x38;
	[tilespmem:$0x19200] =	vst v63  }
0x68: {  	_ =	swait.ge [sflag:s20], $0x50  }
0x69: {  	[sflag:s20] =	ssyncset.done $0x0  }
0x6a: {  	[sflag:s20] =	ssyncadd.s32 $0xFFFFFFB0  }
0x6b: {  	[tilespmem:s22], [sflag:$0x2] =	stream.indirect.gather [hbm4b:s8+s17], $0x80, s19, s17, $0xb8;
	[tilespmem:$0x19200] =	vst v63  }
0x6c: {  	_ =	swait.ge [sflag:s23], $0x2800  }
0x6d: {  	[sflag:s23] =	ssyncset.done $0x0  }
0x6e: {  	[sflag:s23] =	ssyncadd.s32 $0xFFFFD800  }
0x6f: {  	[spmem:s1] =	stream.indirect.scatter.add.f32 [tilespmem:s18], [sflag:$0x4], $0x80, s16, s17, $0xb8;
	[tilespmem:$0x19200] =	vst v63  }
0x70: {  	_ =	swait.ge [sflag:s20], $0x2800  }
0x71: {  	[sflag:s20] =	ssyncset.done $0x0  }
0x72: {  	s31 =	sadd.s32 $0x9C4, s30;
	[sflag:s20] =	ssyncadd.s32 $0xFFFFD800  }
0x73: {  	[tilespmem:s2], [sflag:$0x4] =	stream.linear.gather [hbm4b:s31+s2], $0x50, $0x38;
	[tilespmem:$0x19200] =	vst v63  }
0x74: {  	_ =	swait.ge [sflag:s20], $0x50  }
0x75: {  	[sflag:s20] =	ssyncset.done $0x0  }
0x76: {  	s0 =	sadd.s32 $0x9C4, s29;
	[sflag:s20] =	ssyncadd.s32 $0xFFFFFFB0  }
0x77: {  	[tilespmem:s16], [sflag:$0x4] =	stream.linear.gather [hbm4b:s0+s2], $0x50, $0x38;
	[tilespmem:$0x19200] =	vst v63  }
0x78: {  	_ =	swait.ge [sflag:s20], $0x50  }
0x79: {  	[sflag:s20] =	ssyncset.done $0x0  }
0x7a: {  	[sflag:s20] =	ssyncadd.s32 $0xFFFFFFB0  }
0x7b: {  	[tilespmem:s18], [sflag:$0x1] =	stream.indirect.gather [hbm4b:s8+s17], $0x80, s2, s17, $0xb8;
	[tilespmem:$0x19200] =	vst v63  }
0x7c: {  	_ =	swait.ge [sflag:s25], $0x2800  }
0x7d: {  	[sflag:s25] =	ssyncset.done $0x0  }
0x7e: {  	[sflag:s25] =	ssyncadd.s32 $0xFFFFD800  }
0x7f: {  	[spmem:s1] =	stream.indirect.scatter.add.f32 [tilespmem:s22], [sflag:$0x3], $0x80, s21, s17, $0xb8;
	[tilespmem:$0x19200] =	vst v63  }
0x80: {  	_ =	swait.ge [sflag:s15], $0x2800  }
0x81: {  	[sflag:s15] =	ssyncset.done $0x0  }
0x82: {  	[sflag:s15] =	ssyncadd.s32 $0xFFFFD800  }
0x83: {  	[tilespmem:s19], [sflag:$0x4] =	stream.linear.gather [hbm4b:s10+s2], $0x50, $0x38;
	[tilespmem:$0x19200] =	vst v63  }
0x84: {  	_ =	swait.ge [sflag:s20], $0x50  }
0x85: {  	[sflag:s20] =	ssyncset.done $0x0  }
0x86: {  	[sflag:s20] =	ssyncadd.s32 $0xFFFFFFB0  }
0x87: {  	[tilespmem:s21], [sflag:$0x4] =	stream.linear.gather [hbm4b:s11+s2], $0x50, $0x38;
	[tilespmem:$0x19200] =	vst v63  }
0x88: {  	_ =	swait.ge [sflag:s20], $0x50  }
0x89: {  	[sflag:s20] =	ssyncset.done $0x0  }
0x8a: {  	[sflag:s20] =	ssyncadd.s32 $0xFFFFFFB0  }
0x8b: {  	[tilespmem:s22], [sflag:$0x2] =	stream.indirect.gather [hbm4b:s8+s17], $0x80, s19, s17, $0xb8;
	[tilespmem:$0x19200] =	vst v63  }
0x8c: {  	_ =	swait.ge [sflag:s23], $0x2800  }
0x8d: {  	[sflag:s23] =	ssyncset.done $0x0  }
0x8e: {  	[sflag:s23] =	ssyncadd.s32 $0xFFFFD800  }
0x8f: {  	[spmem:s1] =	stream.indirect.scatter.add.f32 [tilespmem:s18], [sflag:$0x4], $0x80, s16, s17, $0xb8;
	[tilespmem:$0x19200] =	vst v63  }
0x90: {  	_ =	swait.ge [sflag:s20], $0x2800  }
0x91: {  	[sflag:s20] =	ssyncset.done $0x0  }
0x92: {  	[sflag:s20] =	ssyncadd.s32 $0xFFFFD800  }
0x93: {  	_ =	swait.ge [sflag:s25], $0x2800  }
0x94: {  	[sflag:s25] =	ssyncset.done $0x0  }
0x95: {  	[sflag:s25] =	ssyncadd.s32 $0xFFFFD800  }
0x96: {  	[spmem:s1] =	stream.indirect.scatter.add.f32 [tilespmem:s22], [sflag:$0x3], $0x80, s21, s17, $0xb8;
	[tilespmem:$0x19200] =	vst v63  }
0x97: {  	_ =	swait.ge [sflag:s15], $0x2800  }
0x98: {  	[sflag:s15] =	ssyncset.done $0x0  }
0x99: {  	s26 =	sadd.s32 $0x1, s26;
	[sflag:s15] =	ssyncadd.s32 $0xFFFFD800  }
0x9a: {  	p0 =	sne.s32 s26, s9;
	[bflag:$0x0] =	sbarrier.arrive $0xFFFF  }
0x9b: {  	[hbm:s24], [sflag:s5] =	dma.local [spmem:s14], $0x2800  }
.Ltmp1:
0x9c: {  	_ =	swait.ge [sflag:s15], $0x2800;
	(pc) =	sbr.rel @p0 .LBB2_1-.Ltmp1, $3  }
0x9d: {  	[sflag:s15] =	ssyncset.done $0x0  }
0x9e: {  	[sflag:s15] =	ssyncadd.s32 $0xFFFFD800  }
0x9f: {  	[bflag:$0x0] =	sbarrier.arrive $0xFFFF;
	_ =	sdelay $0x1  }
0xa0: {  	_ =	sfence.sel $0x180000  }
0xa1: {  	[bflag:$0x0] =	sbarrier.arrive $0xFFFF  }
0xa2: {  	_ =	strace $0x90000053  }
0xa3: {  	s0 =	stileid.u32;
	[bflag:$0x2] =	sbarrier.arrive $0xFFFF  }
0xa4: {  	p0 =	sne.s32 s0, $0x0;
	s0 =	rddreg [dreg:$0x2]  }
0xa5: {  	s0 =	sadd.s32 @!p0 $0x100000, s0  }
0xa6: {  	[sflag:s0] =	ssyncadd.tile.s32 @!p0 $0x1;
	_ =	shalt  }
.Lfunc_end2:
_tile_overlayer_lowered:
.L_overlay_start_2:
0xa7: {  	(tag) =	ssettag $0x2  }
0xa8: {  	s0 =	rddreg [dreg:$0x0];
	s2 =	stileid.u32  }
0xa9: {  	s1 =	rddreg [dreg:$0x1];
	p0 =	sne.s32 s2, $0x0  }
0xaa: {  	s3 =	rddreg [dreg:$0x2];
	[bflag:$0x3] =	sbarrier.arrive $0xFFFF;
	s2 =	simm.s32 @!p0 $0x1C03  }
0xab: {  	[timem:s3], [sflag:s2] =	dma.local @!p0 [hbm:s0], s1  }
0xac: {  	s0 =	simm.s32 @!p0 $0x3  }
0xad: {  	_ =	swait.ge @!p0 [sflag:s0], s1  }
0xae: {  	s1 =	ssub.s32 @!p0 $0x0, s1;
	[sflag:s0] =	ssyncset.done @!p0 $0x0  }
0xaf: {  	[sflag:s0] =	ssyncadd.s32 @!p0 s1  }
0xb0: {  	[bflag:$0x3] =	sbarrier.arrive $0xFFFF  }
0xb1: {  	_ =	shalt  }

// kernel: kernel.34.cloned.1.call-start
scs
__scs_entry_jumppad:
0x0: {  	(pc) =	sbr.rel $0x88, $3  }
0x1: {  	(tag) =	ssettag $0x0;
	lr =	simm.s32 $0x1  }
0x2: {  	[smem:$0x3F93] =	sst lr;
	_ =	strace $0xD0000000  }
0x3: {  	_ = 	snop  }
0x4: {  	_ = 	snop  }
0x5: {  	_ = 	snop  }
0x6: {  	_ = 	snop  }
0x7: {  	_ = 	snop  }
__scs_overlays_trampoline_lowered:
0x8: {  	[smem:$0x3FA2] =	sst s0  }
0x9: {  	[smem:$0x3FA3] =	sst s1  }
0xa: {  	[smem:$0x3FA4] =	sst s2  }
0xb: {  	[smem:$0x3FA5] =	sst s3  }
0xc: {  	[smem:$0x3FA6] =	sst s4  }
0xd: {  	[smem:$0x3FA7] =	sst s5  }
0xe: {  	[smem:$0x3FA8] =	sst s6  }
0xf: {  	[smem:$0x3FA9] =	sst s7  }
0x10: {  	[smem:$0x3FAA] =	sst s8  }
0x11: {  	[smem:$0x3FAB] =	sst s9;
	s0 =	simm.s32 @!p0 $0x0  }
0x12: {  	s1 =	sld [smem:$0x3F91];
	s0 =	simm.s32 @p0 $0x1  }
0x13: {  	[smem:$0x3FAC] =	sst s0;
	s0 =	simm.s32 @!p1 $0x0  }
0x14: {  	s2 =	sld [smem:$0x3F90];
	s0 =	simm.s32 @p1 $0x1  }
0x15: {  	[smem:$0x3FAD] =	sst s0;
	s0 =	simm.s32 @!p2 $0x0  }
0x16: {  	s3 =	sld [smem:$0x3FDB];
	s0 =	simm.s32 @p2 $0x1  }
0x17: {  	s4 =	simm.s32 $0x1BF5;
	[smem:$0x3FAF] =	sst s0  }
0x18: {  	s0 =	sld [smem:$0x3F92];
	_ =	swait.ge [sflag:s4], $0x0  }
0x19: {  	s7 =	sld [smem:$0x3F93]  }
0x1a: {  	s8 =	sadd.s32 $0xFFFFE003, lr  }
0x1b: {  	s9 =	sadd.s32 $0xFFFFFEF7, lr;
	s5 =	simm.s32 $0xFFFFFFFF;
	p2 =	slt.u32 s8, $0xFFFFF086  }
0x1c: {  	p1 =	slt.u32 s9, $0xF7A;
	s5 =	simm.s32 @!p2 $0x0  }
0x1d: {  	s5 =	simm.s32 @p1 $0x1;
	p0 =	seq.s32 s7, s2  }
0x1e: {  	s7 =	smul.u32 @!p0 $0xF7A, s2;
	p2 =	seq.s32 @!p0 s5, $0x0  }
0x1f: {  	s9 =	smul.u32 $0xF7A, s1;
	s8 =	simm.s32 @!p0 $0x1BF5;
	p2 =	por !p2, p0  }
0x20: {  	[sflag:s8] =	ssyncset.s32 @!p0 $0xFFFFF086;
	s6 =	sadd.s32 @!p0 s3, s7;
	s7 =	simm.s32 @!p0 $0x108  }
0x21: {  	s3 =	sadd.s32 s3, s9;
	s6 =	sadd.s32 @!p0 $0x88, s6;
	s7 =	simm.s32 @p2 $0x1082  }
0x22: {  	[simem:s7], [sflag:s8] =	dma.local @!p0 [hbm:s6], $0xF7A  }
0x23: {  	s9 =	sor.u32 $0xD0000000, s2;
	s6 =	simm.s32 $0x108;
	_ =	swait.ge @!p0 [sflag:s8], $0x0  }
0x24: {  	s3 =	sadd.s32 $0x88, s3;
	s6 =	simm.s32 @!p1 $0x1082;
	[sflag:s4] =	ssyncset.s32 $0xFFFFF086  }
0x25: {  	[simem:s6], [sflag:s4] =	dma.local [hbm:s3], $0xF7A  }
0x26: {  	[smem:$0x3F93] =	sst s1;
	(tag) =	ssettag s2;
	_ =	strace s9  }
0x27: {  	s1 =	sld [smem:$0x3FA3]  }
0x28: {  	s2 =	sld [smem:$0x3FA4]  }
0x29: {  	s4 =	sld [smem:$0x3FA6]  }
0x2a: {  	p0 =	seq.s32 s5, $0x0;
	s5 =	sld [smem:$0x3FA7]  }
0x2b: {  	s6 =	sld [smem:$0x3FA8]  }
0x2c: {  	s7 =	sld [smem:$0x3FA9]  }
0x2d: {  	s3 =	simm.s32 $0x108;
	s8 =	sld [smem:$0x3FAA]  }
0x2e: {  	s3 =	simm.s32 @!p0 $0x1082;
	s9 =	sld [smem:$0x3FAB]  }
0x2f: {  	lr =	sadd.s32 s0, s3;
	s0 =	sld [smem:$0x3FA2]  }
0x30: {  	s3 =	sld [smem:$0x3FA5]  }
0x31: {  	[smem:$0x3FAE] =	sst s10  }
0x32: {  	s10 =	sld [smem:$0x3FAC];
	_ =	sdelay $0x3  }
0x33: {  	p0 =	seq.s32 s10, $0x1;
	s10 =	sld [smem:$0x3FAE];
	_ =	sdelay $0x3  }
0x34: {  	[smem:$0x3FAE] =	sst s10  }
0x35: {  	s10 =	sld [smem:$0x3FAD];
	_ =	sdelay $0x3  }
0x36: {  	p1 =	seq.s32 s10, $0x1;
	s10 =	sld [smem:$0x3FAE];
	_ =	sdelay $0x3  }
0x37: {  	[smem:$0x3FAE] =	sst s10  }
0x38: {  	s10 =	sld [smem:$0x3FAF]  }
0x39: {  	_ = 	snop;
	(pc) =	sbr.ind lr, $3  }
0x3a: {  	_ = 	snop  }
0x3b: {  	_ = 	snop  }
0x3c: {  	p2 =	seq.s32 s10, $0x1;
	s10 =	sld [smem:$0x3FAE]  }
0x3d: {  	_ =	shalt  }
0x3e: {  	_ =	shalt  }
0x3f: {  	_ =	shalt  }
0x40: {  	_ =	shalt  }
0x41: {  	_ =	shalt  }
0x42: {  	_ =	shalt  }
0x43: {  	_ =	shalt  }
0x44: {  	_ =	shalt  }
0x45: {  	_ =	shalt  }
0x46: {  	_ =	shalt  }
0x47: {  	_ =	shalt  }
0x48: {  	_ =	shalt  }
0x49: {  	_ =	shalt  }
0x4a: {  	_ =	shalt  }
0x4b: {  	_ =	shalt  }
0x4c: {  	_ =	shalt  }
0x4d: {  	_ =	shalt  }
0x4e: {  	_ =	shalt  }
0x4f: {  	_ =	shalt  }
0x50: {  	_ =	shalt  }
0x51: {  	_ =	shalt  }
0x52: {  	_ =	shalt  }
0x53: {  	_ =	shalt  }
0x54: {  	_ =	shalt  }
0x55: {  	_ =	shalt  }
0x56: {  	_ =	shalt  }
0x57: {  	_ =	shalt  }
0x58: {  	_ =	shalt  }
0x59: {  	_ =	shalt  }
0x5a: {  	_ =	shalt  }
0x5b: {  	_ =	shalt  }
0x5c: {  	_ =	shalt  }
0x5d: {  	_ =	shalt  }
0x5e: {  	_ =	shalt  }
0x5f: {  	_ =	shalt  }
0x60: {  	_ =	shalt  }
0x61: {  	_ =	shalt  }
0x62: {  	_ =	shalt  }
0x63: {  	_ =	shalt  }
0x64: {  	_ =	shalt  }
0x65: {  	_ =	shalt  }
0x66: {  	_ =	shalt  }
0x67: {  	_ =	shalt  }
0x68: {  	_ =	shalt  }
0x69: {  	_ =	shalt  }
0x6a: {  	_ =	shalt  }
0x6b: {  	_ =	shalt  }
0x6c: {  	_ =	shalt  }
0x6d: {  	_ =	shalt  }
0x6e: {  	_ =	shalt  }
0x6f: {  	_ =	shalt  }
0x70: {  	_ =	shalt  }
0x71: {  	_ =	shalt  }
0x72: {  	_ =	shalt  }
0x73: {  	_ =	shalt  }
0x74: {  	_ =	shalt  }
0x75: {  	_ =	shalt  }
0x76: {  	_ =	shalt  }
0x77: {  	_ =	shalt  }
0x78: {  	_ =	shalt  }
0x79: {  	_ =	shalt  }
0x7a: {  	_ =	shalt  }
0x7b: {  	_ =	shalt  }
0x7c: {  	_ =	shalt  }
0x7d: {  	_ =	shalt  }
0x7e: {  	_ =	shalt  }
0x7f: {  	_ =	shalt  }
0x80: {  	_ =	shalt  }
0x81: {  	_ =	shalt  }
0x82: {  	_ =	shalt  }
0x83: {  	_ =	shalt  }
0x84: {  	_ =	shalt  }
0x85: {  	_ =	shalt  }
0x86: {  	_ =	shalt  }
0x87: {  	_ =	shalt  }
.Lfunc_end0:
.L_simem_size_0:
called_computation.6_lowered:
.L_overlay_start_0:
0x88: {  	s2 =	sld [smem:$0x3FD9]  }
0x89: {  	s3 =	sld [smem:$0x3FFE];
	_ =	sdelay $0x1  }
0x8a: {  	s1 =	srdreg.scid  }
0x8b: {  	s0 =	sand.u32 $0x1, s1  }
0x8c: {  	s17 =	sshll.u32 s0, $0xA;
	s2 =	sadd.s32 s3, s2  }
0x8d: {  	s2 =	sadd.s32 s2, s17  }
0x8e: {  	[smem:$0x3FBA] =	sst s2  }
0x8f: {  	_ = 	snop  }
0x90: {  	(tm) =	ssettm $0x1  }
0x91: {  	s18 =	sld [smem:$0x3FFB];
	_ =	sdelay $0x3  }
0x92: {  	_ =	strace s18  }
0x93: {  	s2 =	sld [smem:$0x3FFC];
	_ =	sdelay $0x3  }
0x94: {  	_ =	strace s2  }
0x95: {  	s2 =	sld [smem:$0x3FFD];
	_ =	sdelay $0x3  }
0x96: {  	_ =	strace s2  }
0x97: {  	_ =	strace $0x8FFFFFFF  }
0x98: {  	s19 =	sld [smem:$0x3FDB];
	_ =	sdelay $0x1  }
0x99: {  	s20 =	simm.s32 $_scs_section_size  }
0x9a: {  	s4 =	simm.s32 $_size__tile_overlayer_lowered;
	s5 =	simm.s32 $_tile_overlayer_lowered  }
0x9b: {  	s6 =	simm.s32 $0x1BFF;
	s21 =	sshll.u32 s5, $0x1;
	s3 =	sadd.s32 s20, s19  }
0x9c: {  	s22 =	simm.s32 $0x0;
	s4 =	sshll.u32 s4, $0x1;
	s5 =	sadd.s32 s21, s3  }
0x9d: {  	[timem:s22], [sflag:s6] =	dma.local [hbm:s5], s4  }
0x9e: {  	_ =	swait.ge [sflag:s6], s4  }
0x9f: {  	s4 =	ssub.s32 $0x0, s4;
	[sflag:s6] =	ssyncset.done $0x0  }
0xa0: {  	[sflag:s6] =	ssyncadd.s32 s4;
	_ =	sdelay $0x1  }
0xa1: {  	s23 =	simm.s32 $0x1B8B  }
0xa2: {  	_ =	swait.ge [sflag:s23], $0x1  }
0xa3: {  	[sflag:s23] =	ssyncset.done $0x0  }
0xa4: {  	[sflag:s23] =	ssyncadd.s32 $0xFFFFFFFF  }
0xa5: {  	s4 =	sld [smem:$0x0]  }
0xa6: {  	s5 =	sand.u32 $0xFFFFFFFE, s1  }
0xa7: {  	p0 =	sne.s32 s1, s5  }
0xa8: {  	s5 =	sshll.u32 @p0 s5, $0xE  }
0xa9: {  	s5 =	sadd.s32 @p0 $0x11B8D, s5;
	s6 =	sshll.u32 @p0 s4, $0x11  }
0xaa: {  	s5 =	sor.u32 @p0 s6, s5  }
0xab: {  	[sflag:s5] =	ssyncadd.remote.s32 @p0 $0x1;
	_ =	sdelay $0x1  }
0xac: {  	s5 =	simm.s32 @p0 $0x1B8D  }
0xad: {  	_ =	swait.eq @p0 [sflag:s5], $0x1  }
0xae: {  	[sflag:s5] =	ssyncadd.s32 @p0 $0xFFFFFFFF  }
0xaf: {  	s6 =	sshll.u32 @!p0 s1, $0xE  }
0xb0: {  	s6 =	sor.u32 @!p0 $0x4000, s6;
	s5 =	simm.s32 @!p0 $0x1B8D  }
0xb1: {  	s4 =	sshll.u32 @!p0 s4, $0x11;
	s6 =	sadd.s32 @!p0 $0x11B8D, s6;
	_ =	swait.eq @!p0 [sflag:s5], $0x1  }
0xb2: {  	s4 =	sor.u32 @!p0 s4, s6;
	[sflag:s5] =	ssyncadd.s32 @!p0 $0xFFFFFFFF  }
0xb3: {  	s25 =	simm.s32 $0x1B8E;
	s24 =	sld [smem:$0x3FFE];
	[sflag:s4] =	ssyncadd.remote.s32 @!p0 $0x1  }
0xb4: {  	s26 =	simm.s32 $execute0_lowered;
	[smem:$0x3FD2] =	sst s25  }
0xb5: {  	s5 =	sshll.u32 s26, $0x1;
	_ =	strace $0x80000058;
	[dreg:$0x1] =	wrdreg $0xFFFFFFFF  }
0xb6: {  	s28 =	simm.s32 $_size_execute0_lowered;
	s3 =	sadd.s32 s3, s5;
	[dreg:$0x0] =	wrdreg $0x0  }
0xb7: {  	s5 =	sshll.u32 s28, $0x1;
	[dreg:$0x2] =	wrdreg s3  }
0xb8: {  	[dreg:$0x3] =	wrdreg s5  }
0xb9: {  	[dreg:$0x4] =	wrdreg $0xC0  }
0xba: {  	_ =	task [dreg:s22], $0x5FFFF  }
0xbb: {  	[dreg:$0x1] =	wrdreg $0xFFFFFFFF  }
0xbc: {  	[dreg:$0x0] =	wrdreg $0x60  }
0xbd: {  	[dreg:$0x2] =	wrdreg s24  }
0xbe: {  	[dreg:$0x3] =	wrdreg $0x52000  }
0xbf: {  	[dreg:$0x4] =	wrdreg $0xA  }
0xc0: {  	_ =	task.clear_ibuf [dreg:s22], $0x5FFFF;
	_ =	strace $0x90000058  }
0xc1: {  	s29 =	simm.s32 $0xA;
	_ =	strace $0x8000005A  }
0xc2: {  	_ =	swait.ge [sflag:s29], $0x1  }
0xc3: {  	[sflag:s29] =	ssyncadd.s32 $0xFFFFFFFF  }
0xc4: {  	_ =	strace $0x9000005A  }
0xc5: {  	_ =	sfence  }
0xc6: {  	s30 =	sld [smem:$0x0];
	_ =	sdelay $0x2  }
0xc7: {  	s31 =	sshll.u32 s1, $0xD;
	s1 =	sshrl.u32 s1, $0x2  }
0xc8: {  	s4 =	sand.u32 $0x4000, s31;
	s1 =	sadd.s32 s1, s30  }
0xc9: {  	s0 =	sor.u32 s4, s0;
	s1 =	sshll.u32 s1, $0x11  }
0xca: {  	s0 =	sor.u32 s1, s0  }
0xcb: {  	s0 =	sadd.s32 $0x8F2B, s0  }
0xcc: {  	[sflag:s0] =	ssyncadd.remote.s32 $0x1  }
0xcd: {  	_ =	sfence.sel $0xFFFF  }
0xce: {  	[dreg:$0x0] =	wrdreg $0xFFFFFFFF;
	(pc) =	sbr.abs _section_cstart, $3  }
0xcf: {  	[dreg:$0x1] =	wrdreg $0xFFFFFFFF  }
0xd0: {  	_ =	task.clear_ibuf [dreg:s22], $0x2FFFF;
	_ =	strace $0x9FFFFFFF  }
0xd1: {  	(tm) =	ssettm $0x7FFFFFFF  }
tec
execute0_lowered:
.L_overlay_start_1:
0x0: {  	(tag) =	ssettag $0x1  }
0x1: {  	s0 =	rddreg [dreg:$0x0]  }
0x2: {  	s1 =	rddreg [dreg:$0x1]  }
0x3: {  	s2 =	simm.s32 $0x0;
	s3 =	srdreg.scid;
	s24 =	stileid.u32  }
0x4: {  	s16 =	simm.s32 $0x3;
	s17 =	simm.s32 $0x80;
	s18 =	simm.s32 $0x50  }
0x5: {  	s19 =	simm.s32 $0x100;
	s20 =	simm.s32 $0x2900;
	s21 =	simm.s32 $0x4  }
0x6: {  	s22 =	simm.s32 $0x2980;
	s23 =	simm.s32 $0x2A00;
	s28 =	simm.s32 $0x0  }
0x7: {  	[smem:$0x7FF] =	sst s2;
	s4 =	sadd.s32 $0x10400, s0;
	s5 =	sadd.s32 $0x6600, s0  }
0x8: {  	s8 =	sand.u32 $0x1, s3;
	s6 =	sadd.s32 $0x1D000, s0;
	s12 =	smul.u32 $0x50000, s24  }
0x9: {  	s7 =	sshll.u32 s24, $0x1;
	s25 =	sadd.s32 $0x1A800, s0;
	s14 =	smul.u32 $0x4E20, s24  }
0xa: {  	s29 =	sshll.u32 s24, $0x6;
	s24 =	smul.u32 $0x2800, s24;
	_ =	strace $0x80000059  }
0xb: {  	s9 =	smul.u32 $0x28000, s8;
	s10 =	ssub.s32 $0x2, s8;
	s11 =	sor.u32 s8, s7  }
0xc: {  	[dreg:$0x3] =	wrdreg s25;
	s30 =	smul.u32 $0x2710, s8;
	s8 =	sor.u32 $0x1C03, s29  }
0xd: {  	s25 =	simm.s32 $0x1;
	s13 =	sshrl.u32 s10, $0x1;
	s11 =	smul.u32 $0x2710, s11  }
0xe: {  	s26 =	sshrl.u32 s12, $0x2;
	s0 =	sadd.s32 s9, s0;
	s13 =	ssub.s32 s10, s13  }
0xf: {  	s15 =	sadd.s32 s26, s1;
	s12 =	sadd.s32 s30, s14;
	s26 =	simm.s32 $0x2  }
0x10: {  	s31 =	sshrl.u32 s11, $0x3;
	s0 =	sadd.s32 $0x6B400, s0;
	s14 =	sadd.s32 $0x50, s12  }
0x11: {  	s11 =	smax.u32 s13, $0x1;
	s12 =	sadd.s32 $0xA0, s12;
	s15 =	sshrl.u32 s15, $0x3  }
0x12: {  	s9 =	sadd.s32 s4, s31;
	s10 =	sadd.s32 s5, s31;
	s14 =	sshrl.u32 s14, $0x3  }
0x13: {  	s24 =	sadd.s32 s24, s0;
	s13 =	sadd.s32 s14, s5;
	s14 =	sadd.s32 s14, s4  }
.LBB2_1:
0x14: {  	s0 =	rddreg [dreg:$0x3]  }
0x15: {  	[spmem:s15], [sflag:s8] =	dma.local [hbm:s0], $0x2800  }
0x16: {  	_ =	swait.ge [sflag:s16], $0x2800  }
0x17: {  	[sflag:s16] =	ssyncset.done $0x0  }
0x18: {  	[sflag:s16] =	ssyncadd.s32 $0xFFFFD800  }
0x19: {  	[bflag:$0x0] =	sbarrier.arrive $0xFFFF  }
0x1a: {  	[tilespmem:s2], [sflag:$0x3] =	stream.linear.gather [hbm4b:s9+s2], $0x50, $0x38;
	[tilespmem:$0x19200] =	vst v63  }
0x1b: {  	_ =	swait.ge [sflag:s16], $0x50  }
0x1c: {  	[sflag:s16] =	ssyncset.done $0x0  }
0x1d: {  	[sflag:s16] =	ssyncadd.s32 $0xFFFFFFB0  }
0x1e: {  	[tilespmem:s17], [sflag:$0x3] =	stream.linear.gather [hbm4b:s10+s2], $0x50, $0x38;
	[tilespmem:$0x19200] =	vst v63  }
0x1f: {  	_ =	swait.ge [sflag:s16], $0x50  }
0x20: {  	[sflag:s16] =	ssyncset.done $0x0  }
0x21: {  	[sflag:s16] =	ssyncadd.s32 $0xFFFFFFB0  }
0x22: {  	[tilespmem:s19], [sflag:$0x1] =	stream.indirect.gather [hbm4b:s6+s18], $0x80, s2, s18, $0xb8;
	[tilespmem:$0x19200] =	vst v63  }
0x23: {  	s7 =	sadd.s32 $0x0, s14  }
0x24: {  	[tilespmem:s20], [sflag:$0x4] =	stream.linear.gather [hbm4b:s7+s2], $0x50, $0x38;
	[tilespmem:$0x19200] =	vst v63  }
0x25: {  	_ =	swait.ge [sflag:s21], $0x50  }
0x26: {  	[sflag:s21] =	ssyncset.done $0x0  }
0x27: {  	s3 =	sadd.s32 $0x0, s13;
	[sflag:s21] =	ssyncadd.s32 $0xFFFFFFB0  }
0x28: {  	[tilespmem:s22], [sflag:$0x4] =	stream.linear.gather [hbm4b:s3+s2], $0x50, $0x38;
	[tilespmem:$0x19200] =	vst v63  }
0x29: {  	_ =	swait.ge [sflag:s21], $0x50  }
0x2a: {  	[sflag:s21] =	ssyncset.done $0x0  }
0x2b: {  	[sflag:s21] =	ssyncadd.s32 $0xFFFFFFB0  }
0x2c: {  	[tilespmem:s23], [sflag:$0x2] =	stream.indirect.gather [hbm4b:s6+s18], $0x80, s20, s18, $0xb8;
	[tilespmem:$0x19200] =	vst v63  }
0x2d: {  	_ =	swait.ge [sflag:s25], $0x2800  }
0x2e: {  	[sflag:s25] =	ssyncset.done $0x0  }
0x2f: {  	[sflag:s25] =	ssyncadd.s32 $0xFFFFD800  }
0x30: {  	[spmem:s1] =	stream.indirect.scatter.add.f32 [tilespmem:s19], [sflag:$0x4], $0x80, s17, s18, $0xb8;
	[tilespmem:$0x19200] =	vst v63  }
0x31: {  	_ =	swait.ge [sflag:s21], $0x2800  }
0x32: {  	s7 =	sshrl.u32 s12, $0x3;
	[sflag:s21] =	ssyncset.done $0x0  }
0x33: {  	s29 =	sadd.s32 s4, s7;
	[sflag:s21] =	ssyncadd.s32 $0xFFFFD800  }
0x34: {  	[tilespmem:s2], [sflag:$0x4] =	stream.linear.gather [hbm4b:s29+s2], $0x50, $0x38;
	[tilespmem:$0x19200] =	vst v63  }
0x35: {  	_ =	swait.ge [sflag:s21], $0x50  }
0x36: {  	[sflag:s21] =	ssyncset.done $0x0  }
0x37: {  	s0 =	sadd.s32 s5, s7;
	[sflag:s21] =	ssyncadd.s32 $0xFFFFFFB0  }
0x38: {  	[tilespmem:s17], [sflag:$0x4] =	stream.linear.gather [hbm4b:s0+s2], $0x50, $0x38;
	[tilespmem:$0x19200] =	vst v63  }
0x39: {  	_ =	swait.ge [sflag:s21], $0x50  }
0x3a: {  	[sflag:s21] =	ssyncset.done $0x0  }
0x3b: {  	[sflag:s21] =	ssyncadd.s32 $0xFFFFFFB0  }
0x3c: {  	[tilespmem:s19], [sflag:$0x1] =	stream.indirect.gather [hbm4b:s6+s18], $0x80, s2, s18, $0xb8;
	[tilespmem:$0x19200] =	vst v63  }
0x3d: {  	_ =	swait.ge [sflag:s26], $0x2800  }
0x3e: {  	[sflag:s26] =	ssyncset.done $0x0  }
0x3f: {  	[sflag:s26] =	ssyncadd.s32 $0xFFFFD800  }
0x40: {  	[spmem:s1] =	stream.indirect.scatter.add.f32 [tilespmem:s23], [sflag:$0x3], $0x80, s22, s18, $0xb8;
	[tilespmem:$0x19200] =	vst v63  }
0x41: {  	s30 =	simm.s32 $0x14;
	_ =	swait.ge [sflag:s16], $0x2800  }
0x42: {  	s31 =	simm.s32 $0x28;
	s29 =	sadd.s32 $0xA0, s12;
	[sflag:s16] =	ssyncset.done $0x0  }
.LBB2_2:
0x43: {  	s3 =	sadd.s32 s30, s14  }
0x44: {  	[sflag:s16] =	ssyncadd.s32 $0xFFFFD800;
	s7 =	smov.u32 s31;
	s0 =	sadd.s32 $0x14, s31  }
0x45: {  	[tilespmem:s20], [sflag:$0x4] =	stream.linear.gather [hbm4b:s3+s2], $0x50, $0x38;
	[tilespmem:$0x19200] =	vst v63  }
0x46: {  	p0 =	sne.s32 s31, $0x4C4;
	_ =	swait.ge [sflag:s21], $0x50  }
0x47: {  	[sflag:s21] =	ssyncset.done $0x0  }
0x48: {  	s3 =	sadd.s32 s30, s13;
	s30 =	smov.u32 s7;
	[sflag:s21] =	ssyncadd.s32 $0xFFFFFFB0  }
0x49: {  	[tilespmem:s22], [sflag:$0x4] =	stream.linear.gather [hbm4b:s3+s2], $0x50, $0x38;
	[tilespmem:$0x19200] =	vst v63  }
0x4a: {  	_ =	swait.ge [sflag:s21], $0x50  }
0x4b: {  	[sflag:s21] =	ssyncset.done $0x0  }
0x4c: {  	[sflag:s21] =	ssyncadd.s32 $0xFFFFFFB0  }
0x4d: {  	[tilespmem:s23], [sflag:$0x2] =	stream.indirect.gather [hbm4b:s6+s18], $0x80, s20, s18, $0xb8;
	[tilespmem:$0x19200] =	vst v63  }
0x4e: {  	_ =	swait.ge [sflag:s25], $0x2800  }
0x4f: {  	[sflag:s25] =	ssyncset.done $0x0  }
0x50: {  	[sflag:s25] =	ssyncadd.s32 $0xFFFFD800  }
0x51: {  	[spmem:s1] =	stream.indirect.scatter.add.f32 [tilespmem:s19], [sflag:$0x4], $0x80, s17, s18, $0xb8;
	[tilespmem:$0x19200] =	vst v63  }
0x52: {  	_ =	swait.ge [sflag:s21], $0x2800  }
0x53: {  	s3 =	sshrl.u32 s29, $0x3;
	[sflag:s21] =	ssyncset.done $0x0  }
0x54: {  	s7 =	sadd.s32 s4, s3;
	[sflag:s21] =	ssyncadd.s32 $0xFFFFD800  }
0x55: {  	[tilespmem:s2], [sflag:$0x4] =	stream.linear.gather [hbm4b:s7+s2], $0x50, $0x38;
	[tilespmem:$0x19200] =	vst v63  }
0x56: {  	_ =	swait.ge [sflag:s21], $0x50  }
0x57: {  	[sflag:s21] =	ssyncset.done $0x0  }
0x58: {  	s3 =	sadd.s32 s5, s3;
	[sflag:s21] =	ssyncadd.s32 $0xFFFFFFB0  }
0x59: {  	[tilespmem:s17], [sflag:$0x4] =	stream.linear.gather [hbm4b:s3+s2], $0x50, $0x38;
	[tilespmem:$0x19200] =	vst v63  }
0x5a: {  	_ =	swait.ge [sflag:s21], $0x50  }
0x5b: {  	[sflag:s21] =	ssyncset.done $0x0  }
0x5c: {  	[sflag:s21] =	ssyncadd.s32 $0xFFFFFFB0  }
0x5d: {  	[tilespmem:s19], [sflag:$0x1] =	stream.indirect.gather [hbm4b:s6+s18], $0x80, s2, s18, $0xb8;
	[tilespmem:$0x19200] =	vst v63  }
0x5e: {  	_ =	swait.ge [sflag:s26], $0x2800  }
.Ltmp0:
0x5f: {  	[sflag:s26] =	ssyncset.done $0x0;
	(pc) =	sbr.rel @p0 .LBB2_2-.Ltmp0, $4  }
0x60: {  	[sflag:s26] =	ssyncadd.s32 $0xFFFFD800  }
0x61: {  	[spmem:s1] =	stream.indirect.scatter.add.f32 [tilespmem:s23], [sflag:$0x3], $0x80, s22, s18, $0xb8;
	[tilespmem:$0x19200] =	vst v63  }
0x62: {  	_ =	swait.ge [sflag:s16], $0x2800  }
0x63: {  	s31 =	smov.u32 s0;
	s29 =	sadd.s32 $0xA0, s29;
	[sflag:s16] =	ssyncset.done $0x0  }
0x64: {  	s0 =	sadd.s32 s30, s14;
	[sflag:s16] =	ssyncadd.s32 $0xFFFFD800  }
0x65: {  	[tilespmem:s20], [sflag:$0x4] =	stream.linear.gather [hbm4b:s0+s2], $0x50, $0x38;
	[tilespmem:$0x19200] =	vst v63  }
0x66: {  	_ =	swait.ge [sflag:s21], $0x50  }
0x67: {  	[sflag:s21] =	ssyncset.done $0x0  }
0x68: {  	s30 =	sadd.s32 s30, s13;
	[sflag:s21] =	ssyncadd.s32 $0xFFFFFFB0  }
0x69: {  	[tilespmem:s22], [sflag:$0x4] =	stream.linear.gather [hbm4b:s30+s2], $0x50, $0x38;
	[tilespmem:$0x19200] =	vst v63  }
0x6a: {  	_ =	swait.ge [sflag:s21], $0x50  }
0x6b: {  	[sflag:s21] =	ssyncset.done $0x0  }
0x6c: {  	[sflag:s21] =	ssyncadd.s32 $0xFFFFFFB0  }
0x6d: {  	[tilespmem:s23], [sflag:$0x2] =	stream.indirect.gather [hbm4b:s6+s18], $0x80, s20, s18, $0xb8;
	[tilespmem:$0x19200] =	vst v63  }
0x6e: {  	_ =	swait.ge [sflag:s25], $0x2800  }
0x6f: {  	[sflag:s25] =	ssyncset.done $0x0  }
0x70: {  	[sflag:s25] =	ssyncadd.s32 $0xFFFFD800  }
0x71: {  	[spmem:s1] =	stream.indirect.scatter.add.f32 [tilespmem:s19], [sflag:$0x4], $0x80, s17, s18, $0xb8;
	[tilespmem:$0x19200] =	vst v63  }
0x72: {  	_ =	swait.ge [sflag:s21], $0x2800  }
0x73: {  	s31 =	sshrl.u32 s29, $0x3;
	[sflag:s21] =	ssyncset.done $0x0  }
0x74: {  	s3 =	sadd.s32 s4, s31;
	[sflag:s21] =	ssyncadd.s32 $0xFFFFD800  }
0x75: {  	[tilespmem:s2], [sflag:$0x4] =	stream.linear.gather [hbm4b:s3+s2], $0x50, $0x38;
	[tilespmem:$0x19200] =	vst v63  }
0x76: {  	_ =	swait.ge [sflag:s21], $0x50  }
0x77: {  	[sflag:s21] =	ssyncset.done $0x0  }
0x78: {  	s0 =	sadd.s32 s5, s31;
	[sflag:s21] =	ssyncadd.s32 $0xFFFFFFB0  }
0x79: {  	[tilespmem:s17], [sflag:$0x4] =	stream.linear.gather [hbm4b:s0+s2], $0x50, $0x38;
	[tilespmem:$0x19200] =	vst v63  }
0x7a: {  	_ =	swait.ge [sflag:s21], $0x50  }
0x7b: {  	[sflag:s21] =	ssyncset.done $0x0  }
0x7c: {  	[sflag:s21] =	ssyncadd.s32 $0xFFFFFFB0  }
0x7d: {  	[tilespmem:s19], [sflag:$0x1] =	stream.indirect.gather [hbm4b:s6+s18], $0x80, s2, s18, $0xb8;
	[tilespmem:$0x19200] =	vst v63  }
0x7e: {  	_ =	swait.ge [sflag:s26], $0x2800  }
0x7f: {  	[sflag:s26] =	ssyncset.done $0x0  }
0x80: {  	[sflag:s26] =	ssyncadd.s32 $0xFFFFD800  }
0x81: {  	[spmem:s1] =	stream.indirect.scatter.add.f32 [tilespmem:s23], [sflag:$0x3], $0x80, s22, s18, $0xb8;
	[tilespmem:$0x19200] =	vst v63  }
0x82: {  	_ =	swait.ge [sflag:s16], $0x2800  }
0x83: {  	[sflag:s16] =	ssyncset.done $0x0  }
0x84: {  	[sflag:s16] =	ssyncadd.s32 $0xFFFFD800  }
0x85: {  	_ =	swait.ge [sflag:s25], $0x2800  }
0x86: {  	[sflag:s25] =	ssyncset.done $0x0  }
0x87: {  	[sflag:s25] =	ssyncadd.s32 $0xFFFFD800  }
0x88: {  	[spmem:s1] =	stream.indirect.scatter.add.f32 [tilespmem:s19], [sflag:$0x4], $0x80, s17, s18, $0xb8;
	[tilespmem:$0x19200] =	vst v63  }
0x89: {  	_ =	swait.ge [sflag:s21], $0x2800  }
0x8a: {  	s28 =	sadd.s32 $0x1, s28;
	[sflag:s21] =	ssyncset.done $0x0  }
0x8b: {  	p0 =	sne.s32 s28, s11;
	[sflag:s21] =	ssyncadd.s32 $0xFFFFD800  }
.Ltmp1:
0x8c: {  	[bflag:$0x0] =	sbarrier.arrive $0xFFFF;
	(pc) =	sbr.rel @p0 .LBB2_1-.Ltmp1, $4  }
0x8d: {  	[hbm:s24], [sflag:s8] =	dma.local [spmem:s15], $0x2800  }
0x8e: {  	_ =	swait.ge [sflag:s16], $0x2800  }
0x8f: {  	[sflag:s16] =	ssyncset.done $0x0  }
0x90: {  	[sflag:s16] =	ssyncadd.s32 $0xFFFFD800  }
0x91: {  	_ =	sfence.sel $0x180000  }
0x92: {  	[bflag:$0x0] =	sbarrier.arrive $0xFFFF  }
0x93: {  	_ =	strace $0x90000059  }
0x94: {  	s0 =	stileid.u32;
	[bflag:$0x2] =	sbarrier.arrive $0xFFFF  }
0x95: {  	p0 =	sne.s32 s0, $0x0;
	s0 =	rddreg [dreg:$0x2]  }
0x96: {  	s0 =	sadd.s32 @!p0 $0x100000, s0  }
0x97: {  	[sflag:s0] =	ssyncadd.tile.s32 @!p0 $0x1;
	_ =	shalt  }
.Lfunc_end2:
_tile_overlayer_lowered:
.L_overlay_start_2:
0x98: {  	(tag) =	ssettag $0x2  }
0x99: {  	s0 =	rddreg [dreg:$0x0];
	s2 =	stileid.u32  }
0x9a: {  	s1 =	rddreg [dreg:$0x1];
	p0 =	sne.s32 s2, $0x0  }
0x9b: {  	s3 =	rddreg [dreg:$0x2];
	[bflag:$0x3] =	sbarrier.arrive $0xFFFF;
	s2 =	simm.s32 @!p0 $0x1C03  }
0x9c: {  	[timem:s3], [sflag:s2] =	dma.local @!p0 [hbm:s0], s1  }
0x9d: {  	s0 =	simm.s32 @!p0 $0x3  }
0x9e: {  	_ =	swait.ge @!p0 [sflag:s0], s1  }
0x9f: {  	s1 =	ssub.s32 @!p0 $0x0, s1;
	[sflag:s0] =	ssyncset.done @!p0 $0x0  }
0xa0: {  	[sflag:s0] =	ssyncadd.s32 @!p0 s1  }
0xa1: {  	[bflag:$0x3] =	sbarrier.arrive $0xFFFF  }
0xa2: {  	_ =	shalt  }

</sc_bundles>
